<compile_context>
chip_gen: v7x
topology: tpu7x:2x2x1
jax: 0.10.2.dev20260603
libtpu: 0.0.44.dev20260713+nightly
codegen_flags: <defaults>
</compile_context>

<pallas_src>
import functools

import jax
import jax.numpy as jnp
from jax import lax
from jax.experimental import pallas as pl
from jax.experimental.pallas import tpu as pltpu
from jax.experimental.pallas import tpu_sc as plsc

DIM = 64
LANES = 16
CHUNK = 64
MARGIN = 1.0
REL_ROWS = 1001
REL_WORDS = REL_ROWS * DIM


def _build(n_rows):
    info = plsc.get_sparse_core_info()
    nc, ns = info.num_cores, info.num_subcores
    n_workers = nc * ns
    rows_per_w = n_rows // n_workers
    n_chunks = rows_per_w // CHUNK
    n_groups = CHUNK // LANES
    mesh = plsc.VectorSubcoreMesh(core_axis_name="c", subcore_axis_name="s")

    @functools.partial(
        pl.kernel,
        mesh=mesh,
        compiler_params=pltpu.CompilerParams(needs_layout_passes=False),
        out_type=(
            jax.ShapeDtypeStruct((n_rows,), jnp.float32),
            jax.ShapeDtypeStruct((n_rows, DIM), jnp.float32),
        ),
        scratch_types=[
            pltpu.VMEM((2, CHUNK), jnp.int32),
            pltpu.VMEM((2, CHUNK), jnp.int32),
            pltpu.VMEM((2, CHUNK), jnp.int32),
            pltpu.VMEM((2, CHUNK), jnp.int32),
            pltpu.VMEM((2, CHUNK), jnp.float32),
            pltpu.VMEM((CHUNK, DIM), jnp.float32),
            pltpu.VMEM((CHUNK, DIM), jnp.float32),
            pltpu.VMEM((2, CHUNK, DIM), jnp.float32),
            pltpu.VMEM((2, CHUNK, DIM), jnp.float32),
            pltpu.VMEM((CHUNK, DIM), jnp.float32),
            pltpu.VMEM((REL_WORDS,), jnp.float32),
            pltpu.VMEM((rows_per_w,), jnp.float32),
            pltpu.VMEM((LANES * LANES,), jnp.float32),
            pltpu.SemaphoreType.DMA,
            pltpu.SemaphoreType.DMA,
            pltpu.SemaphoreType.DMA,
            pltpu.SemaphoreType.DMA,
            pltpu.SemaphoreType.DMA,
        ],
    )
    def k(ph_hbm, nh_hbm, pti_hbm, nti_hbm, pri_hbm, nri_hbm, mask_hbm,
          relf_hbm, tail_hbm, loss_hbm, relout_hbm,
          pti2, nti2, pri2, nri2, mask2, ph_v, nh_v, pt_v, nt_v, pr_v,
          rel_v, loss_v, stage_v, sem_in, sem_heads, sem_rows, sem_out,
          sem_tbl):
        wid = lax.axis_index("s") * nc + lax.axis_index("c")
        base0 = wid * rows_per_w
        iota = lax.iota(jnp.int32, LANES)

        def fire_idx(ci, b):
            sl = pl.ds(base0 + ci * CHUNK, CHUNK)
            pltpu.async_copy(pti_hbm.at[sl], pti2.at[b], sem_in)
            pltpu.async_copy(nti_hbm.at[sl], nti2.at[b], sem_in)
            pltpu.async_copy(pri_hbm.at[sl], pri2.at[b], sem_in)
            pltpu.async_copy(nri_hbm.at[sl], nri2.at[b], sem_in)
            pltpu.async_copy(mask_hbm.at[sl], mask2.at[b], sem_in)

        def drain_idx():
            for _ in range(4):
                pltpu.make_async_copy(pti_hbm.at[pl.ds(0, CHUNK)],
                                      pti2.at[0], sem_in).wait()
            pltpu.make_async_copy(mask_hbm.at[pl.ds(0, CHUNK)],
                                  mask2.at[0], sem_in).wait()

        def fire_heads(ci):
            sl = pl.ds(base0 + ci * CHUNK, CHUNK)
            pltpu.async_copy(ph_hbm.at[sl], ph_v, sem_heads)
            pltpu.async_copy(nh_hbm.at[sl], nh_v, sem_heads)

        def drain_heads():
            pltpu.make_async_copy(ph_hbm.at[pl.ds(0, CHUNK)],
                                  ph_v, sem_heads).wait()
            pltpu.make_async_copy(ph_hbm.at[pl.ds(0, CHUNK)],
                                  nh_v, sem_heads).wait()

        def fire_group(b, g):
            gsl = pl.ds(g * LANES, LANES)
            ptv = pti2[b, gsl]
            ntv = nti2[b, gsl]
            for rr in range(LANES):
                r = g * LANES + rr
                pltpu.async_copy(tail_hbm.at[pl.ds(ptv[rr], 1)],
                                 pt_v.at[b, pl.ds(r, 1)], sem_rows)
                pltpu.async_copy(tail_hbm.at[pl.ds(ntv[rr], 1)],
                                 nt_v.at[b, pl.ds(r, 1)], sem_rows)

        def drain_rows_all():
            def d(i, c):
                pltpu.make_async_copy(tail_hbm.at[pl.ds(0, 1)],
                                      pt_v.at[0, pl.ds(0, 1)],
                                      sem_rows).wait()
                return c

            lax.fori_loop(0, 2 * CHUNK, d, 0)

        def drain_outs():
            pltpu.make_async_copy(relout_hbm.at[pl.ds(0, CHUNK)],
                                  pr_v, sem_out).wait()

        def chunk_body(ci, carry):
            b = lax.rem(ci, 2)
            sl = pl.ds(base0 + ci * CHUNK, CHUNK)

            @pl.when(ci > 0)
            def _():
                drain_outs()

            drain_rows_all()

            @pl.when(ci + 1 < n_chunks)
            def _():
                drain_idx()

            @pl.when(ci + 1 < n_chunks)
            def _():
                def firenext(g, c):
                    fire_group(1 - b, g)
                    return c

                lax.fori_loop(0, n_groups, firenext, 0)

            drain_heads()

            def grand(gg, c):
                gsl = pl.ds(gg * LANES, LANES)
                prvec = pri2[b, gsl] * DIM
                nrvec = nri2[b, gsl] * DIM
                for rr in range(LANES):
                    r = gg * LANES + rr
                    pbase = prvec[rr]
                    nbase = nrvec[rr]
                    acc0 = jnp.zeros((LANES,), jnp.float32)
                    acc1 = jnp.zeros((LANES,), jnp.float32)
                    for j in range(DIM // LANES):
                        js = pl.ds(j * LANES, LANES)
                        prj = plsc.load_gather(
                            rel_v, [pbase + j * LANES + iota])
                        nrj = plsc.load_gather(
                            rel_v, [nbase + j * LANES + iota])
                        pr_v[r, js] = prj
                        pterm = jnp.abs(ph_v[r, js] + prj - pt_v[b, r, js])
                        nterm = jnp.abs(nh_v[r, js] + nrj - nt_v[b, r, js])
                        if j % 2 == 0:
                            acc0 = acc0 + (pterm - nterm)
                        else:
                            acc1 = acc1 + (pterm - nterm)
                    stage_v[pl.ds(rr * LANES, LANES)] = acc0 + acc1
                tot = jnp.zeros((LANES,), jnp.float32)
                for j in range(LANES):
                    tot = tot + plsc.load_gather(stage_v, [iota * LANES + j])
                loss_v[pl.ds(ci * CHUNK + gg * LANES, LANES)] = jnp.maximum(
                    mask2[b, gsl] * tot + MARGIN, 0.0)
                return c

            lax.fori_loop(0, n_groups, grand, 0)
            pltpu.async_copy(pr_v, relout_hbm.at[sl], sem_out)

            @pl.when(ci + 1 < n_chunks)
            def _():
                fire_heads(ci + 1)

            @pl.when(ci + 2 < n_chunks)
            def _():
                fire_idx(ci + 2, b)

            return carry

        pltpu.async_copy(relf_hbm, rel_v, sem_tbl)
        fire_idx(0, 0)
        pltpu.make_async_copy(relf_hbm, rel_v, sem_tbl).wait()
        drain_idx()

        def fire0(g, c):
            fire_group(0, g)
            return c

        lax.fori_loop(0, n_groups, fire0, 0)
        fire_idx(1, 1)
        fire_heads(0)
        lax.fori_loop(0, n_chunks, chunk_body, 0)
        drain_outs()
        pltpu.async_copy(loss_v, loss_hbm.at[pl.ds(base0, rows_per_w)],
                         sem_out)
        pltpu.make_async_copy(loss_v, loss_hbm.at[pl.ds(base0, rows_per_w)],
                              sem_out).wait()

    return k


def kernel(positive_head, positive_tail, positive_relation, negtive_head,
           negtive_tail, negtive_relation, attn_mask, rel_table, tail_table):
    b, l, d = positive_head.shape
    n = b * l
    ph = positive_head.reshape(n, d)
    nh = negtive_head.reshape(n, d)
    pti = positive_tail.reshape(n).astype(jnp.int32)
    nti = negtive_tail.reshape(n).astype(jnp.int32)
    pri = positive_relation.reshape(n).astype(jnp.int32)
    nri = negtive_relation.reshape(n).astype(jnp.int32)
    mask = attn_mask.reshape(n).astype(jnp.float32)
    rel_flat = rel_table.reshape(-1)
    loss, rel_rows = _build(n)(
        ph, nh, pti, nti, pri, nri, mask, rel_flat, tail_table)
    return loss.reshape(n, 1), rel_rows.reshape(b, l, d)

# --- scband reference (transcript-rebuilt; emitter-appended) ---
"""Pipeline reference for scband-trans-e-63221918597515 (READ-ONLY COPY).

The authoritative reference and input builder live on the scoring server;
editing this copy changes nothing except your own understanding.
"""

import jax, jax.numpy as jnp
import numpy as np

TAIL_COUNT = 1000000
REL_COUNT = 1000
DIM = 64
B = 4096
L = 20
MARGIN = 1.0


def setup_inputs(seed: int = 0) -> dict:
    key = jax.random.key(seed)
    ks = jax.random.split(key, 9)
    positive_head = jax.random.normal(ks[0], (B, L, DIM), dtype=jnp.float32)
    negtive_head = jax.random.normal(ks[1], (B, L, DIM), dtype=jnp.float32)
    positive_tail = jax.random.randint(ks[2], (B, L, 1), 0, TAIL_COUNT)
    negtive_tail = jax.random.randint(ks[3], (B, L, 1), 0, TAIL_COUNT)
    positive_relation = jax.random.randint(ks[4], (B, L, 1), 0, REL_COUNT)
    negtive_relation = jax.random.randint(ks[5], (B, L, 1), 0, REL_COUNT)
    attn_mask = jax.random.randint(ks[6], (B, L), 0, 2)
    rel_table = jax.random.normal(ks[7], (REL_COUNT + 1, DIM), dtype=jnp.float32)
    rel_table = rel_table.at[0].set(0.0)  # padding_idx=0
    tail_table = jax.random.normal(ks[8], (TAIL_COUNT + 1, DIM), dtype=jnp.float32)
    tail_table = tail_table.at[0].set(0.0)  # padding_idx=0
    return {
        "positive_head": positive_head,
        "positive_tail": positive_tail,
        "positive_relation": positive_relation,
        "negtive_head": negtive_head,
        "negtive_tail": negtive_tail,
        "negtive_relation": negtive_relation,
        "attn_mask": attn_mask,
        "rel_table": rel_table,
        "tail_table": tail_table,
    }


def reference(positive_head, positive_tail, positive_relation, negtive_head,
              negtive_tail, negtive_relation, attn_mask, rel_table, tail_table):
    def _emb_rel(idx):
        # nn.Embedding then squeeze(dim=2): [B,L,1] -> [B,L,1,D] -> [B,L,D]
        return jnp.squeeze(jnp.take(rel_table, idx, axis=0), axis=2)

    def _emb_tail(idx):
        return jnp.squeeze(jnp.take(tail_table, idx, axis=0), axis=2)

    def _distance(heads_emd, tails, relations):
        v = heads_emd + _emb_rel(relations) - _emb_tail(tails)
        return jnp.sum(jnp.abs(v), axis=-1)  # p=1 norm over last dim

    positive_distances = _distance(positive_head, positive_tail, positive_relation)
    negative_distances = _distance(negtive_head, negtive_tail, negtive_relation)

    # loss: MarginRankingLoss(margin=1.0, reduction='none') with target = -1 * attn_mask
    target = (jnp.full(attn_mask.shape, -1, dtype=attn_mask.dtype) * attn_mask)
    target = target.reshape(-1, 1).astype(jnp.float32)
    x1 = positive_distances.reshape(-1, 1)
    x2 = negative_distances.reshape(-1, 1)
    loss = jnp.maximum(-target * (x1 - x2) + MARGIN, 0.0)

    rel_out = _emb_rel(positive_relation)
    return (loss, rel_out)

if __name__ == "__main__":
    import jax
    _d = setup_inputs()
    print(jax.jit(kernel)(*tuple(_d.values())))

</pallas_src>

<mosaic_0001>
#map = affine_map<(d0, d1) -> (0, 0)>
#map1 = affine_map<(d0, d1) -> (0)>
module attributes {stable_mosaic.version = 14 : i64} {
  func.func @k(%arg0: i32, %arg1: i32, %arg2: memref<81920x64xf32, #tpu.memory_space<hbm>>, %arg3: memref<81920x64xf32, #tpu.memory_space<hbm>>, %arg4: memref<81920xi32, #tpu.memory_space<hbm>>, %arg5: memref<81920xi32, #tpu.memory_space<hbm>>, %arg6: memref<81920xi32, #tpu.memory_space<hbm>>, %arg7: memref<81920xi32, #tpu.memory_space<hbm>>, %arg8: memref<81920xf32, #tpu.memory_space<hbm>>, %arg9: memref<64064xf32, #tpu.memory_space<hbm>>, %arg10: memref<1000001x64xf32, #tpu.memory_space<hbm>>, %arg11: memref<81920xf32, #tpu.memory_space<hbm>>, %arg12: memref<81920x64xf32, #tpu.memory_space<hbm>>, %arg13: memref<2x64xi32, #tpu.memory_space<vmem>>, %arg14: memref<2x64xi32, #tpu.memory_space<vmem>>, %arg15: memref<2x64xi32, #tpu.memory_space<vmem>>, %arg16: memref<2x64xi32, #tpu.memory_space<vmem>>, %arg17: memref<2x64xf32, #tpu.memory_space<vmem>>, %arg18: memref<64x64xf32, #tpu.memory_space<vmem>>, %arg19: memref<64x64xf32, #tpu.memory_space<vmem>>, %arg20: memref<2x64x64xf32, #tpu.memory_space<vmem>>, %arg21: memref<2x64x64xf32, #tpu.memory_space<vmem>>, %arg22: memref<64x64xf32, #tpu.memory_space<vmem>>, %arg23: memref<64064xf32, #tpu.memory_space<vmem>>, %arg24: memref<2560xf32, #tpu.memory_space<vmem>>, %arg25: memref<256xf32, #tpu.memory_space<vmem>>, %arg26: memref<!tpu.dma_semaphore, #tpu.memory_space<semaphore_mem>>, %arg27: memref<!tpu.dma_semaphore, #tpu.memory_space<semaphore_mem>>, %arg28: memref<!tpu.dma_semaphore, #tpu.memory_space<semaphore_mem>>, %arg29: memref<!tpu.dma_semaphore, #tpu.memory_space<semaphore_mem>>, %arg30: memref<!tpu.dma_semaphore, #tpu.memory_space<semaphore_mem>>) attributes {dimension_semantics = [#tpu.dimension_semantics<core_parallel>, #tpu.dimension_semantics<subcore_parallel>], iteration_bounds = array<i64: 2, 16>, scalar_prefetch = 0 : i64, scratch_operands = 18 : i64, tpu.core_type = #tpu.core_type<sc_vector_subcore>, window_params = [{transform_indices = #map}, {transform_indices = #map}, {transform_indices = #map1}, {transform_indices = #map1}, {transform_indices = #map1}, {transform_indices = #map1}, {transform_indices = #map1}, {transform_indices = #map1}, {transform_indices = #map}, {transform_indices = #map1}, {transform_indices = #map}]} {
    %mul3A = arith.constant 2 : i32
    %mul3A_0 = arith.muli %arg1, %mul3A : i32
    %add3A = arith.addi %mul3A_0, %arg0 : i32
    %mul3A_1 = arith.constant 2560 : i32
    %mul3A_2 = arith.muli %add3A, %mul3A_1 : i32
    %iota3A = tpu.iota {dimensions = array<i32: 0>} : vector<16xi32>
    tpu.enqueue_dma source(%arg9 : memref<64064xf32, #tpu.memory_space<hbm>>) target(%arg23 : memref<64064xf32, #tpu.memory_space<vmem>>) target_semaphore(%arg30 : memref<!tpu.dma_semaphore, #tpu.memory_space<semaphore_mem>>)
    %add3A_3 = arith.constant 0 : i32
    %add3A_4 = arith.addi %mul3A_2, %add3A_3 : i32
    %dma_start3A = arith.constant 0 : i32
    %dma_start3A_5 = arith.constant 0 : i32
    %dma_start3A_6 = tpu.memref_slice %arg13[%dma_start3A, %dma_start3A_5] : memref<2x64xi32, #tpu.memory_space<vmem>> -> memref<1x64xi32, #tpu.memory_space<vmem>>
    %dma_start3A_7 = tpu.memref_squeeze %dma_start3A_6 : memref<1x64xi32, #tpu.memory_space<vmem>> -> memref<64xi32, #tpu.memory_space<vmem>>
    %dma_start3A_8 = tpu.memref_slice %arg4[%add3A_4] : memref<81920xi32, #tpu.memory_space<hbm>> -> memref<64xi32, #tpu.memory_space<hbm>>
    %dma_start3A_9 = arith.constant 0 : i32
    %dma_start3A_10 = tpu.memref_slice %arg13[%dma_start3A, %dma_start3A_9] : memref<2x64xi32, #tpu.memory_space<vmem>> -> memref<1x64xi32, #tpu.memory_space<vmem>>
    %dma_start3A_11 = tpu.memref_squeeze %dma_start3A_10 : memref<1x64xi32, #tpu.memory_space<vmem>> -> memref<64xi32, #tpu.memory_space<vmem>>
    %dma_start3A_12 = tpu.memref_slice %arg4[%add3A_4] : memref<81920xi32, #tpu.memory_space<hbm>> -> memref<64xi32, #tpu.memory_space<hbm>>
    tpu.enqueue_dma source(%dma_start3A_12 : memref<64xi32, #tpu.memory_space<hbm>>) target(%dma_start3A_11 : memref<64xi32, #tpu.memory_space<vmem>>) target_semaphore(%arg26 : memref<!tpu.dma_semaphore, #tpu.memory_space<semaphore_mem>>)
    %dma_start3A_13 = arith.constant 0 : i32
    %dma_start3A_14 = arith.constant 0 : i32
    %dma_start3A_15 = tpu.memref_slice %arg14[%dma_start3A_13, %dma_start3A_14] : memref<2x64xi32, #tpu.memory_space<vmem>> -> memref<1x64xi32, #tpu.memory_space<vmem>>
    %dma_start3A_16 = tpu.memref_squeeze %dma_start3A_15 : memref<1x64xi32, #tpu.memory_space<vmem>> -> memref<64xi32, #tpu.memory_space<vmem>>
    %dma_start3A_17 = tpu.memref_slice %arg5[%add3A_4] : memref<81920xi32, #tpu.memory_space<hbm>> -> memref<64xi32, #tpu.memory_space<hbm>>
    %dma_start3A_18 = arith.constant 0 : i32
    %dma_start3A_19 = tpu.memref_slice %arg14[%dma_start3A_13, %dma_start3A_18] : memref<2x64xi32, #tpu.memory_space<vmem>> -> memref<1x64xi32, #tpu.memory_space<vmem>>
    %dma_start3A_20 = tpu.memref_squeeze %dma_start3A_19 : memref<1x64xi32, #tpu.memory_space<vmem>> -> memref<64xi32, #tpu.memory_space<vmem>>
    %dma_start3A_21 = tpu.memref_slice %arg5[%add3A_4] : memref<81920xi32, #tpu.memory_space<hbm>> -> memref<64xi32, #tpu.memory_space<hbm>>
    tpu.enqueue_dma source(%dma_start3A_21 : memref<64xi32, #tpu.memory_space<hbm>>) target(%dma_start3A_20 : memref<64xi32, #tpu.memory_space<vmem>>) target_semaphore(%arg26 : memref<!tpu.dma_semaphore, #tpu.memory_space<semaphore_mem>>)
    %dma_start3A_22 = arith.constant 0 : i32
    %dma_start3A_23 = arith.constant 0 : i32
    %dma_start3A_24 = tpu.memref_slice %arg15[%dma_start3A_22, %dma_start3A_23] : memref<2x64xi32, #tpu.memory_space<vmem>> -> memref<1x64xi32, #tpu.memory_space<vmem>>
    %dma_start3A_25 = tpu.memref_squeeze %dma_start3A_24 : memref<1x64xi32, #tpu.memory_space<vmem>> -> memref<64xi32, #tpu.memory_space<vmem>>
    %dma_start3A_26 = tpu.memref_slice %arg6[%add3A_4] : memref<81920xi32, #tpu.memory_space<hbm>> -> memref<64xi32, #tpu.memory_space<hbm>>
    %dma_start3A_27 = arith.constant 0 : i32
    %dma_start3A_28 = tpu.memref_slice %arg15[%dma_start3A_22, %dma_start3A_27] : memref<2x64xi32, #tpu.memory_space<vmem>> -> memref<1x64xi32, #tpu.memory_space<vmem>>
    %dma_start3A_29 = tpu.memref_squeeze %dma_start3A_28 : memref<1x64xi32, #tpu.memory_space<vmem>> -> memref<64xi32, #tpu.memory_space<vmem>>
    %dma_start3A_30 = tpu.memref_slice %arg6[%add3A_4] : memref<81920xi32, #tpu.memory_space<hbm>> -> memref<64xi32, #tpu.memory_space<hbm>>
    tpu.enqueue_dma source(%dma_start3A_30 : memref<64xi32, #tpu.memory_space<hbm>>) target(%dma_start3A_29 : memref<64xi32, #tpu.memory_space<vmem>>) target_semaphore(%arg26 : memref<!tpu.dma_semaphore, #tpu.memory_space<semaphore_mem>>)
    %dma_start3A_31 = arith.constant 0 : i32
    %dma_start3A_32 = arith.constant 0 : i32
    %dma_start3A_33 = tpu.memref_slice %arg16[%dma_start3A_31, %dma_start3A_32] : memref<2x64xi32, #tpu.memory_space<vmem>> -> memref<1x64xi32, #tpu.memory_space<vmem>>
    %dma_start3A_34 = tpu.memref_squeeze %dma_start3A_33 : memref<1x64xi32, #tpu.memory_space<vmem>> -> memref<64xi32, #tpu.memory_space<vmem>>
    %dma_start3A_35 = tpu.memref_slice %arg7[%add3A_4] : memref<81920xi32, #tpu.memory_space<hbm>> -> memref<64xi32, #tpu.memory_space<hbm>>
    %dma_start3A_36 = arith.constant 0 : i32
    %dma_start3A_37 = tpu.memref_slice %arg16[%dma_start3A_31, %dma_start3A_36] : memref<2x64xi32, #tpu.memory_space<vmem>> -> memref<1x64xi32, #tpu.memory_space<vmem>>
    %dma_start3A_38 = tpu.memref_squeeze %dma_start3A_37 : memref<1x64xi32, #tpu.memory_space<vmem>> -> memref<64xi32, #tpu.memory_space<vmem>>
    %dma_start3A_39 = tpu.memref_slice %arg7[%add3A_4] : memref<81920xi32, #tpu.memory_space<hbm>> -> memref<64xi32, #tpu.memory_space<hbm>>
    tpu.enqueue_dma source(%dma_start3A_39 : memref<64xi32, #tpu.memory_space<hbm>>) target(%dma_start3A_38 : memref<64xi32, #tpu.memory_space<vmem>>) target_semaphore(%arg26 : memref<!tpu.dma_semaphore, #tpu.memory_space<semaphore_mem>>)
    %dma_start3A_40 = arith.constant 0 : i32
    %dma_start3A_41 = arith.constant 0 : i32
    %dma_start3A_42 = tpu.memref_slice %arg17[%dma_start3A_40, %dma_start3A_41] : memref<2x64xf32, #tpu.memory_space<vmem>> -> memref<1x64xf32, #tpu.memory_space<vmem>>
    %dma_start3A_43 = tpu.memref_squeeze %dma_start3A_42 : memref<1x64xf32, #tpu.memory_space<vmem>> -> memref<64xf32, #tpu.memory_space<vmem>>
    %dma_start3A_44 = tpu.memref_slice %arg8[%add3A_4] : memref<81920xf32, #tpu.memory_space<hbm>> -> memref<64xf32, #tpu.memory_space<hbm>>
    %dma_start3A_45 = arith.constant 0 : i32
    %dma_start3A_46 = tpu.memref_slice %arg17[%dma_start3A_40, %dma_start3A_45] : memref<2x64xf32, #tpu.memory_space<vmem>> -> memref<1x64xf32, #tpu.memory_space<vmem>>
    %dma_start3A_47 = tpu.memref_squeeze %dma_start3A_46 : memref<1x64xf32, #tpu.memory_space<vmem>> -> memref<64xf32, #tpu.memory_space<vmem>>
    %dma_start3A_48 = tpu.memref_slice %arg8[%add3A_4] : memref<81920xf32, #tpu.memory_space<hbm>> -> memref<64xf32, #tpu.memory_space<hbm>>
    tpu.enqueue_dma source(%dma_start3A_48 : memref<64xf32, #tpu.memory_space<hbm>>) target(%dma_start3A_47 : memref<64xf32, #tpu.memory_space<vmem>>) target_semaphore(%arg26 : memref<!tpu.dma_semaphore, #tpu.memory_space<semaphore_mem>>)
    tpu.wait_dma2 semaphore(%arg30 : memref<!tpu.dma_semaphore, #tpu.memory_space<semaphore_mem>>) src(%arg9 : memref<64064xf32, #tpu.memory_space<hbm>>) dst(%arg23 : memref<64064xf32, #tpu.memory_space<vmem>>)
    %dma_wait3A = arith.constant 0 : i32
    %dma_wait3A_49 = arith.constant 0 : i32
    %dma_wait3A_50 = tpu.memref_slice %arg13[%dma_wait3A, %dma_wait3A_49] : memref<2x64xi32, #tpu.memory_space<vmem>> -> memref<1x64xi32, #tpu.memory_space<vmem>>
    %dma_wait3A_51 = tpu.memref_squeeze %dma_wait3A_50 : memref<1x64xi32, #tpu.memory_space<vmem>> -> memref<64xi32, #tpu.memory_space<vmem>>
    %dma_wait3A_52 = arith.constant 0 : i32
    %dma_wait3A_53 = tpu.memref_slice %arg4[%dma_wait3A_52] : memref<81920xi32, #tpu.memory_space<hbm>> -> memref<64xi32, #tpu.memory_space<hbm>>
    %dma_wait3A_54 = arith.constant 0 : i32
    %dma_wait3A_55 = tpu.memref_slice %arg13[%dma_wait3A, %dma_wait3A_54] : memref<2x64xi32, #tpu.memory_space<vmem>> -> memref<1x64xi32, #tpu.memory_space<vmem>>
    %dma_wait3A_56 = tpu.memref_squeeze %dma_wait3A_55 : memref<1x64xi32, #tpu.memory_space<vmem>> -> memref<64xi32, #tpu.memory_space<vmem>>
    %dma_wait3A_57 = arith.constant 0 : i32
    %dma_wait3A_58 = tpu.memref_slice %arg4[%dma_wait3A_57] : memref<81920xi32, #tpu.memory_space<hbm>> -> memref<64xi32, #tpu.memory_space<hbm>>
    tpu.wait_dma2 semaphore(%arg26 : memref<!tpu.dma_semaphore, #tpu.memory_space<semaphore_mem>>) src(%dma_wait3A_58 : memref<64xi32, #tpu.memory_space<hbm>>) dst(%dma_wait3A_56 : memref<64xi32, #tpu.memory_space<vmem>>)
    %dma_wait3A_59 = arith.constant 0 : i32
    %dma_wait3A_60 = arith.constant 0 : i32
    %dma_wait3A_61 = tpu.memref_slice %arg13[%dma_wait3A_59, %dma_wait3A_60] : memref<2x64xi32, #tpu.memory_space<vmem>> -> memref<1x64xi32, #tpu.memory_space<vmem>>
    %dma_wait3A_62 = tpu.memref_squeeze %dma_wait3A_61 : memref<1x64xi32, #tpu.memory_space<vmem>> -> memref<64xi32, #tpu.memory_space<vmem>>
    %dma_wait3A_63 = arith.constant 0 : i32
    %dma_wait3A_64 = tpu.memref_slice %arg4[%dma_wait3A_63] : memref<81920xi32, #tpu.memory_space<hbm>> -> memref<64xi32, #tpu.memory_space<hbm>>
    %dma_wait3A_65 = arith.constant 0 : i32
    %dma_wait3A_66 = tpu.memref_slice %arg13[%dma_wait3A_59, %dma_wait3A_65] : memref<2x64xi32, #tpu.memory_space<vmem>> -> memref<1x64xi32, #tpu.memory_space<vmem>>
    %dma_wait3A_67 = tpu.memref_squeeze %dma_wait3A_66 : memref<1x64xi32, #tpu.memory_space<vmem>> -> memref<64xi32, #tpu.memory_space<vmem>>
    %dma_wait3A_68 = arith.constant 0 : i32
    %dma_wait3A_69 = tpu.memref_slice %arg4[%dma_wait3A_68] : memref<81920xi32, #tpu.memory_space<hbm>> -> memref<64xi32, #tpu.memory_space<hbm>>
    tpu.wait_dma2 semaphore(%arg26 : memref<!tpu.dma_semaphore, #tpu.memory_space<semaphore_mem>>) src(%dma_wait3A_69 : memref<64xi32, #tpu.memory_space<hbm>>) dst(%dma_wait3A_67 : memref<64xi32, #tpu.memory_space<vmem>>)
    %dma_wait3A_70 = arith.constant 0 : i32
    %dma_wait3A_71 = arith.constant 0 : i32
    %dma_wait3A_72 = tpu.memref_slice %arg13[%dma_wait3A_70, %dma_wait3A_71] : memref<2x64xi32, #tpu.memory_space<vmem>> -> memref<1x64xi32, #tpu.memory_space<vmem>>
    %dma_wait3A_73 = tpu.memref_squeeze %dma_wait3A_72 : memref<1x64xi32, #tpu.memory_space<vmem>> -> memref<64xi32, #tpu.memory_space<vmem>>
    %dma_wait3A_74 = arith.constant 0 : i32
    %dma_wait3A_75 = tpu.memref_slice %arg4[%dma_wait3A_74] : memref<81920xi32, #tpu.memory_space<hbm>> -> memref<64xi32, #tpu.memory_space<hbm>>
    %dma_wait3A_76 = arith.constant 0 : i32
    %dma_wait3A_77 = tpu.memref_slice %arg13[%dma_wait3A_70, %dma_wait3A_76] : memref<2x64xi32, #tpu.memory_space<vmem>> -> memref<1x64xi32, #tpu.memory_space<vmem>>
    %dma_wait3A_78 = tpu.memref_squeeze %dma_wait3A_77 : memref<1x64xi32, #tpu.memory_space<vmem>> -> memref<64xi32, #tpu.memory_space<vmem>>
    %dma_wait3A_79 = arith.constant 0 : i32
    %dma_wait3A_80 = tpu.memref_slice %arg4[%dma_wait3A_79] : memref<81920xi32, #tpu.memory_space<hbm>> -> memref<64xi32, #tpu.memory_space<hbm>>
    tpu.wait_dma2 semaphore(%arg26 : memref<!tpu.dma_semaphore, #tpu.memory_space<semaphore_mem>>) src(%dma_wait3A_80 : memref<64xi32, #tpu.memory_space<hbm>>) dst(%dma_wait3A_78 : memref<64xi32, #tpu.memory_space<vmem>>)
    %dma_wait3A_81 = arith.constant 0 : i32
    %dma_wait3A_82 = arith.constant 0 : i32
    %dma_wait3A_83 = tpu.memref_slice %arg13[%dma_wait3A_81, %dma_wait3A_82] : memref<2x64xi32, #tpu.memory_space<vmem>> -> memref<1x64xi32, #tpu.memory_space<vmem>>
    %dma_wait3A_84 = tpu.memref_squeeze %dma_wait3A_83 : memref<1x64xi32, #tpu.memory_space<vmem>> -> memref<64xi32, #tpu.memory_space<vmem>>
    %dma_wait3A_85 = arith.constant 0 : i32
    %dma_wait3A_86 = tpu.memref_slice %arg4[%dma_wait3A_85] : memref<81920xi32, #tpu.memory_space<hbm>> -> memref<64xi32, #tpu.memory_space<hbm>>
    %dma_wait3A_87 = arith.constant 0 : i32
    %dma_wait3A_88 = tpu.memref_slice %arg13[%dma_wait3A_81, %dma_wait3A_87] : memref<2x64xi32, #tpu.memory_space<vmem>> -> memref<1x64xi32, #tpu.memory_space<vmem>>
    %dma_wait3A_89 = tpu.memref_squeeze %dma_wait3A_88 : memref<1x64xi32, #tpu.memory_space<vmem>> -> memref<64xi32, #tpu.memory_space<vmem>>
    %dma_wait3A_90 = arith.constant 0 : i32
    %dma_wait3A_91 = tpu.memref_slice %arg4[%dma_wait3A_90] : memref<81920xi32, #tpu.memory_space<hbm>> -> memref<64xi32, #tpu.memory_space<hbm>>
    tpu.wait_dma2 semaphore(%arg26 : memref<!tpu.dma_semaphore, #tpu.memory_space<semaphore_mem>>) src(%dma_wait3A_91 : memref<64xi32, #tpu.memory_space<hbm>>) dst(%dma_wait3A_89 : memref<64xi32, #tpu.memory_space<vmem>>)
    %dma_wait3A_92 = arith.constant 0 : i32
    %dma_wait3A_93 = arith.constant 0 : i32
    %dma_wait3A_94 = tpu.memref_slice %arg17[%dma_wait3A_92, %dma_wait3A_93] : memref<2x64xf32, #tpu.memory_space<vmem>> -> memref<1x64xf32, #tpu.memory_space<vmem>>
    %dma_wait3A_95 = tpu.memref_squeeze %dma_wait3A_94 : memref<1x64xf32, #tpu.memory_space<vmem>> -> memref<64xf32, #tpu.memory_space<vmem>>
    %dma_wait3A_96 = arith.constant 0 : i32
    %dma_wait3A_97 = tpu.memref_slice %arg8[%dma_wait3A_96] : memref<81920xf32, #tpu.memory_space<hbm>> -> memref<64xf32, #tpu.memory_space<hbm>>
    %dma_wait3A_98 = arith.constant 0 : i32
    %dma_wait3A_99 = tpu.memref_slice %arg17[%dma_wait3A_92, %dma_wait3A_98] : memref<2x64xf32, #tpu.memory_space<vmem>> -> memref<1x64xf32, #tpu.memory_space<vmem>>
    %dma_wait3A_100 = tpu.memref_squeeze %dma_wait3A_99 : memref<1x64xf32, #tpu.memory_space<vmem>> -> memref<64xf32, #tpu.memory_space<vmem>>
    %dma_wait3A_101 = arith.constant 0 : i32
    %dma_wait3A_102 = tpu.memref_slice %arg8[%dma_wait3A_101] : memref<81920xf32, #tpu.memory_space<hbm>> -> memref<64xf32, #tpu.memory_space<hbm>>
    tpu.wait_dma2 semaphore(%arg26 : memref<!tpu.dma_semaphore, #tpu.memory_space<semaphore_mem>>) src(%dma_wait3A_102 : memref<64xf32, #tpu.memory_space<hbm>>) dst(%dma_wait3A_100 : memref<64xf32, #tpu.memory_space<vmem>>)
    %scan3A = arith.constant 0 : i32
    %scan3A_103 = arith.constant 0 : i32
    %scan3A_104 = arith.constant 4 : i32
    %scan3A_105 = arith.addi %scan3A_103, %scan3A_104 : i32
    %scan3A_106 = arith.constant 1 : i32
    scf.for %scan3A_181 = %scan3A_103 to %scan3A_105 step %scan3A_106  : i32 {
      %mul3A_182 = arith.constant 16 : i32
      %mul3A_183 = arith.muli %scan3A_181, %mul3A_182 : i32
      %get3A = arith.constant 0 : i32
      %get3A_184 = arith.index_cast %get3A : i32 to index
      %get3A_185 = arith.index_cast %mul3A_183 : i32 to index
      %get3A_186 = tpu.vector_load %arg13[%get3A_184, %get3A_185] {strides = array<i32>} : memref<2x64xi32, #tpu.memory_space<vmem>>, vector<16xi32>,
      %get3A_187 = arith.constant 0 : i32
      %get3A_188 = arith.index_cast %get3A_187 : i32 to index
      %get3A_189 = arith.index_cast %mul3A_183 : i32 to index
      %get3A_190 = tpu.vector_load %arg14[%get3A_188, %get3A_189] {strides = array<i32>} : memref<2x64xi32, #tpu.memory_space<vmem>>, vector<16xi32>,
      %mul3A_191 = arith.constant 16 : i32
      %mul3A_192 = arith.muli %scan3A_181, %mul3A_191 : i32
      %add3A_193 = arith.constant 0 : i32
      %add3A_194 = arith.addi %mul3A_192, %add3A_193 : i32
      %slice3A = vector.extract_strided_slice %get3A_186 {offsets = [0], sizes = [1], strides = [1]} : vector<16xi32> to vector<1xi32>
      %squeeze3A = vector.extract %slice3A[0] : i32 from vector<1xi32>
      %dma_start3A_195 = arith.constant 0 : i32
      %dma_start3A_196 = arith.constant 0 : i32
      %dma_start3A_197 = tpu.memref_slice %arg20[%dma_start3A_195, %add3A_194, %dma_start3A_196] : memref<2x64x64xf32, #tpu.memory_space<vmem>> -> memref<1x1x64xf32, #tpu.memory_space<vmem>>
      %dma_start3A_198 = tpu.memref_squeeze %dma_start3A_197 : memref<1x1x64xf32, #tpu.memory_space<vmem>> -> memref<1x64xf32, #tpu.memory_space<vmem>>
      %dma_start3A_199 = arith.constant 0 : i32
      %dma_start3A_200 = tpu.memref_slice %arg10[%squeeze3A, %dma_start3A_199] : memref<1000001x64xf32, #tpu.memory_space<hbm>> -> memref<1x64xf32, #tpu.memory_space<hbm>>
      %dma_start3A_201 = arith.constant 0 : i32
      %dma_start3A_202 = tpu.memref_slice %arg20[%dma_start3A_195, %add3A_194, %dma_start3A_201] : memref<2x64x64xf32, #tpu.memory_space<vmem>> -> memref<1x1x64xf32, #tpu.memory_space<vmem>>
      %dma_start3A_203 = tpu.memref_squeeze %dma_start3A_202 : memref<1x1x64xf32, #tpu.memory_space<vmem>> -> memref<1x64xf32, #tpu.memory_space<vmem>>
      %dma_start3A_204 = arith.constant 0 : i32
      %dma_start3A_205 = tpu.memref_slice %arg10[%squeeze3A, %dma_start3A_204] : memref<1000001x64xf32, #tpu.memory_space<hbm>> -> memref<1x64xf32, #tpu.memory_space<hbm>>
      tpu.enqueue_dma source(%dma_start3A_205 : memref<1x64xf32, #tpu.memory_space<hbm>>) target(%dma_start3A_203 : memref<1x64xf32, #tpu.memory_space<vmem>>) target_semaphore(%arg28 : memref<!tpu.dma_semaphore, #tpu.memory_space<semaphore_mem>>)
      %slice3A_206 = vector.extract_strided_slice %get3A_190 {offsets = [0], sizes = [1], strides = [1]} : vector<16xi32> to vector<1xi32>
      %squeeze3A_207 = vector.extract %slice3A_206[0] : i32 from vector<1xi32>
      %dma_start3A_208 = arith.constant 0 : i32
      %dma_start3A_209 = arith.constant 0 : i32
      %dma_start3A_210 = tpu.memref_slice %arg21[%dma_start3A_208, %add3A_194, %dma_start3A_209] : memref<2x64x64xf32, #tpu.memory_space<vmem>> -> memref<1x1x64xf32, #tpu.memory_space<vmem>>
      %dma_start3A_211 = tpu.memref_squeeze %dma_start3A_210 : memref<1x1x64xf32, #tpu.memory_space<vmem>> -> memref<1x64xf32, #tpu.memory_space<vmem>>
      %dma_start3A_212 = arith.constant 0 : i32
      %dma_start3A_213 = tpu.memref_slice %arg10[%squeeze3A_207, %dma_start3A_212] : memref<1000001x64xf32, #tpu.memory_space<hbm>> -> memref<1x64xf32, #tpu.memory_space<hbm>>
      %dma_start3A_214 = arith.constant 0 : i32
      %dma_start3A_215 = tpu.memref_slice %arg21[%dma_start3A_208, %add3A_194, %dma_start3A_214] : memref<2x64x64xf32, #tpu.memory_space<vmem>> -> memref<1x1x64xf32, #tpu.memory_space<vmem>>
      %dma_start3A_216 = tpu.memref_squeeze %dma_start3A_215 : memref<1x1x64xf32, #tpu.memory_space<vmem>> -> memref<1x64xf32, #tpu.memory_space<vmem>>
      %dma_start3A_217 = arith.constant 0 : i32
      %dma_start3A_218 = tpu.memref_slice %arg10[%squeeze3A_207, %dma_start3A_217] : memref<1000001x64xf32, #tpu.memory_space<hbm>> -> memref<1x64xf32, #tpu.memory_space<hbm>>
      tpu.enqueue_dma source(%dma_start3A_218 : memref<1x64xf32, #tpu.memory_space<hbm>>) target(%dma_start3A_216 : memref<1x64xf32, #tpu.memory_space<vmem>>) target_semaphore(%arg28 : memref<!tpu.dma_semaphore, #tpu.memory_space<semaphore_mem>>)
      %mul3A_219 = arith.constant 16 : i32
      %mul3A_220 = arith.muli %scan3A_181, %mul3A_219 : i32
      %add3A_221 = arith.constant 1 : i32
      %add3A_222 = arith.addi %mul3A_220, %add3A_221 : i32
      %slice3A_223 = vector.extract_strided_slice %get3A_186 {offsets = [1], sizes = [1], strides = [1]} : vector<16xi32> to vector<1xi32>
      %squeeze3A_224 = vector.extract %slice3A_223[0] : i32 from vector<1xi32>
      %dma_start3A_225 = arith.constant 0 : i32
      %dma_start3A_226 = arith.constant 0 : i32
      %dma_start3A_227 = tpu.memref_slice %arg20[%dma_start3A_225, %add3A_222, %dma_start3A_226] : memref<2x64x64xf32, #tpu.memory_space<vmem>> -> memref<1x1x64xf32, #tpu.memory_space<vmem>>
      %dma_start3A_228 = tpu.memref_squeeze %dma_start3A_227 : memref<1x1x64xf32, #tpu.memory_space<vmem>> -> memref<1x64xf32, #tpu.memory_space<vmem>>
      %dma_start3A_229 = arith.constant 0 : i32
      %dma_start3A_230 = tpu.memref_slice %arg10[%squeeze3A_224, %dma_start3A_229] : memref<1000001x64xf32, #tpu.memory_space<hbm>> -> memref<1x64xf32, #tpu.memory_space<hbm>>
      %dma_start3A_231 = arith.constant 0 : i32
      %dma_start3A_232 = tpu.memref_slice %arg20[%dma_start3A_225, %add3A_222, %dma_start3A_231] : memref<2x64x64xf32, #tpu.memory_space<vmem>> -> memref<1x1x64xf32, #tpu.memory_space<vmem>>
      %dma_start3A_233 = tpu.memref_squeeze %dma_start3A_232 : memref<1x1x64xf32, #tpu.memory_space<vmem>> -> memref<1x64xf32, #tpu.memory_space<vmem>>
      %dma_start3A_234 = arith.constant 0 : i32
      %dma_start3A_235 = tpu.memref_slice %arg10[%squeeze3A_224, %dma_start3A_234] : memref<1000001x64xf32, #tpu.memory_space<hbm>> -> memref<1x64xf32, #tpu.memory_space<hbm>>
      tpu.enqueue_dma source(%dma_start3A_235 : memref<1x64xf32, #tpu.memory_space<hbm>>) target(%dma_start3A_233 : memref<1x64xf32, #tpu.memory_space<vmem>>) target_semaphore(%arg28 : memref<!tpu.dma_semaphore, #tpu.memory_space<semaphore_mem>>)
      %slice3A_236 = vector.extract_strided_slice %get3A_190 {offsets = [1], sizes = [1], strides = [1]} : vector<16xi32> to vector<1xi32>
      %squeeze3A_237 = vector.extract %slice3A_236[0] : i32 from vector<1xi32>
      %dma_start3A_238 = arith.constant 0 : i32
      %dma_start3A_239 = arith.constant 0 : i32
      %dma_start3A_240 = tpu.memref_slice %arg21[%dma_start3A_238, %add3A_222, %dma_start3A_239] : memref<2x64x64xf32, #tpu.memory_space<vmem>> -> memref<1x1x64xf32, #tpu.memory_space<vmem>>
      %dma_start3A_241 = tpu.memref_squeeze %dma_start3A_240 : memref<1x1x64xf32, #tpu.memory_space<vmem>> -> memref<1x64xf32, #tpu.memory_space<vmem>>
      %dma_start3A_242 = arith.constant 0 : i32
      %dma_start3A_243 = tpu.memref_slice %arg10[%squeeze3A_237, %dma_start3A_242] : memref<1000001x64xf32, #tpu.memory_space<hbm>> -> memref<1x64xf32, #tpu.memory_space<hbm>>
      %dma_start3A_244 = arith.constant 0 : i32
      %dma_start3A_245 = tpu.memref_slice %arg21[%dma_start3A_238, %add3A_222, %dma_start3A_244] : memref<2x64x64xf32, #tpu.memory_space<vmem>> -> memref<1x1x64xf32, #tpu.memory_space<vmem>>
      %dma_start3A_246 = tpu.memref_squeeze %dma_start3A_245 : memref<1x1x64xf32, #tpu.memory_space<vmem>> -> memref<1x64xf32, #tpu.memory_space<vmem>>
      %dma_start3A_247 = arith.constant 0 : i32
      %dma_start3A_248 = tpu.memref_slice %arg10[%squeeze3A_237, %dma_start3A_247] : memref<1000001x64xf32, #tpu.memory_space<hbm>> -> memref<1x64xf32, #tpu.memory_space<hbm>>
      tpu.enqueue_dma source(%dma_start3A_248 : memref<1x64xf32, #tpu.memory_space<hbm>>) target(%dma_start3A_246 : memref<1x64xf32, #tpu.memory_space<vmem>>) target_semaphore(%arg28 : memref<!tpu.dma_semaphore, #tpu.memory_space<semaphore_mem>>)
      %mul3A_249 = arith.constant 16 : i32
      %mul3A_250 = arith.muli %scan3A_181, %mul3A_249 : i32
      %add3A_251 = arith.constant 2 : i32
      %add3A_252 = arith.addi %mul3A_250, %add3A_251 : i32
      %slice3A_253 = vector.extract_strided_slice %get3A_186 {offsets = [2], sizes = [1], strides = [1]} : vector<16xi32> to vector<1xi32>
      %squeeze3A_254 = vector.extract %slice3A_253[0] : i32 from vector<1xi32>
      %dma_start3A_255 = arith.constant 0 : i32
      %dma_start3A_256 = arith.constant 0 : i32
      %dma_start3A_257 = tpu.memref_slice %arg20[%dma_start3A_255, %add3A_252, %dma_start3A_256] : memref<2x64x64xf32, #tpu.memory_space<vmem>> -> memref<1x1x64xf32, #tpu.memory_space<vmem>>
      %dma_start3A_258 = tpu.memref_squeeze %dma_start3A_257 : memref<1x1x64xf32, #tpu.memory_space<vmem>> -> memref<1x64xf32, #tpu.memory_space<vmem>>
      %dma_start3A_259 = arith.constant 0 : i32
      %dma_start3A_260 = tpu.memref_slice %arg10[%squeeze3A_254, %dma_start3A_259] : memref<1000001x64xf32, #tpu.memory_space<hbm>> -> memref<1x64xf32, #tpu.memory_space<hbm>>
      %dma_start3A_261 = arith.constant 0 : i32
      %dma_start3A_262 = tpu.memref_slice %arg20[%dma_start3A_255, %add3A_252, %dma_start3A_261] : memref<2x64x64xf32, #tpu.memory_space<vmem>> -> memref<1x1x64xf32, #tpu.memory_space<vmem>>
      %dma_start3A_263 = tpu.memref_squeeze %dma_start3A_262 : memref<1x1x64xf32, #tpu.memory_space<vmem>> -> memref<1x64xf32, #tpu.memory_space<vmem>>
      %dma_start3A_264 = arith.constant 0 : i32
      %dma_start3A_265 = tpu.memref_slice %arg10[%squeeze3A_254, %dma_start3A_264] : memref<1000001x64xf32, #tpu.memory_space<hbm>> -> memref<1x64xf32, #tpu.memory_space<hbm>>
      tpu.enqueue_dma source(%dma_start3A_265 : memref<1x64xf32, #tpu.memory_space<hbm>>) target(%dma_start3A_263 : memref<1x64xf32, #tpu.memory_space<vmem>>) target_semaphore(%arg28 : memref<!tpu.dma_semaphore, #tpu.memory_space<semaphore_mem>>)
      %slice3A_266 = vector.extract_strided_slice %get3A_190 {offsets = [2], sizes = [1], strides = [1]} : vector<16xi32> to vector<1xi32>
      %squeeze3A_267 = vector.extract %slice3A_266[0] : i32 from vector<1xi32>
      %dma_start3A_268 = arith.constant 0 : i32
      %dma_start3A_269 = arith.constant 0 : i32
      %dma_start3A_270 = tpu.memref_slice %arg21[%dma_start3A_268, %add3A_252, %dma_start3A_269] : memref<2x64x64xf32, #tpu.memory_space<vmem>> -> memref<1x1x64xf32, #tpu.memory_space<vmem>>
      %dma_start3A_271 = tpu.memref_squeeze %dma_start3A_270 : memref<1x1x64xf32, #tpu.memory_space<vmem>> -> memref<1x64xf32, #tpu.memory_space<vmem>>
      %dma_start3A_272 = arith.constant 0 : i32
      %dma_start3A_273 = tpu.memref_slice %arg10[%squeeze3A_267, %dma_start3A_272] : memref<1000001x64xf32, #tpu.memory_space<hbm>> -> memref<1x64xf32, #tpu.memory_space<hbm>>
      %dma_start3A_274 = arith.constant 0 : i32
      %dma_start3A_275 = tpu.memref_slice %arg21[%dma_start3A_268, %add3A_252, %dma_start3A_274] : memref<2x64x64xf32, #tpu.memory_space<vmem>> -> memref<1x1x64xf32, #tpu.memory_space<vmem>>
      %dma_start3A_276 = tpu.memref_squeeze %dma_start3A_275 : memref<1x1x64xf32, #tpu.memory_space<vmem>> -> memref<1x64xf32, #tpu.memory_space<vmem>>
      %dma_start3A_277 = arith.constant 0 : i32
      %dma_start3A_278 = tpu.memref_slice %arg10[%squeeze3A_267, %dma_start3A_277] : memref<1000001x64xf32, #tpu.memory_space<hbm>> -> memref<1x64xf32, #tpu.memory_space<hbm>>
      tpu.enqueue_dma source(%dma_start3A_278 : memref<1x64xf32, #tpu.memory_space<hbm>>) target(%dma_start3A_276 : memref<1x64xf32, #tpu.memory_space<vmem>>) target_semaphore(%arg28 : memref<!tpu.dma_semaphore, #tpu.memory_space<semaphore_mem>>)
      %mul3A_279 = arith.constant 16 : i32
      %mul3A_280 = arith.muli %scan3A_181, %mul3A_279 : i32
      %add3A_281 = arith.constant 3 : i32
      %add3A_282 = arith.addi %mul3A_280, %add3A_281 : i32
      %slice3A_283 = vector.extract_strided_slice %get3A_186 {offsets = [3], sizes = [1], strides = [1]} : vector<16xi32> to vector<1xi32>
      %squeeze3A_284 = vector.extract %slice3A_283[0] : i32 from vector<1xi32>
      %dma_start3A_285 = arith.constant 0 : i32
      %dma_start3A_286 = arith.constant 0 : i32
      %dma_start3A_287 = tpu.memref_slice %arg20[%dma_start3A_285, %add3A_282, %dma_start3A_286] : memref<2x64x64xf32, #tpu.memory_space<vmem>> -> memref<1x1x64xf32, #tpu.memory_space<vmem>>
      %dma_start3A_288 = tpu.memref_squeeze %dma_start3A_287 : memref<1x1x64xf32, #tpu.memory_space<vmem>> -> memref<1x64xf32, #tpu.memory_space<vmem>>
      %dma_start3A_289 = arith.constant 0 : i32
      %dma_start3A_290 = tpu.memref_slice %arg10[%squeeze3A_284, %dma_start3A_289] : memref<1000001x64xf32, #tpu.memory_space<hbm>> -> memref<1x64xf32, #tpu.memory_space<hbm>>
      %dma_start3A_291 = arith.constant 0 : i32
      %dma_start3A_292 = tpu.memref_slice %arg20[%dma_start3A_285, %add3A_282, %dma_start3A_291] : memref<2x64x64xf32, #tpu.memory_space<vmem>> -> memref<1x1x64xf32, #tpu.memory_space<vmem>>
      %dma_start3A_293 = tpu.memref_squeeze %dma_start3A_292 : memref<1x1x64xf32, #tpu.memory_space<vmem>> -> memref<1x64xf32, #tpu.memory_space<vmem>>
      %dma_start3A_294 = arith.constant 0 : i32
      %dma_start3A_295 = tpu.memref_slice %arg10[%squeeze3A_284, %dma_start3A_294] : memref<1000001x64xf32, #tpu.memory_space<hbm>> -> memref<1x64xf32, #tpu.memory_space<hbm>>
      tpu.enqueue_dma source(%dma_start3A_295 : memref<1x64xf32, #tpu.memory_space<hbm>>) target(%dma_start3A_293 : memref<1x64xf32, #tpu.memory_space<vmem>>) target_semaphore(%arg28 : memref<!tpu.dma_semaphore, #tpu.memory_space<semaphore_mem>>)
      %slice3A_296 = vector.extract_strided_slice %get3A_190 {offsets = [3], sizes = [1], strides = [1]} : vector<16xi32> to vector<1xi32>
      %squeeze3A_297 = vector.extract %slice3A_296[0] : i32 from vector<1xi32>
      %dma_start3A_298 = arith.constant 0 : i32
      %dma_start3A_299 = arith.constant 0 : i32
      %dma_start3A_300 = tpu.memref_slice %arg21[%dma_start3A_298, %add3A_282, %dma_start3A_299] : memref<2x64x64xf32, #tpu.memory_space<vmem>> -> memref<1x1x64xf32, #tpu.memory_space<vmem>>
      %dma_start3A_301 = tpu.memref_squeeze %dma_start3A_300 : memref<1x1x64xf32, #tpu.memory_space<vmem>> -> memref<1x64xf32, #tpu.memory_space<vmem>>
      %dma_start3A_302 = arith.constant 0 : i32
      %dma_start3A_303 = tpu.memref_slice %arg10[%squeeze3A_297, %dma_start3A_302] : memref<1000001x64xf32, #tpu.memory_space<hbm>> -> memref<1x64xf32, #tpu.memory_space<hbm>>
      %dma_start3A_304 = arith.constant 0 : i32
      %dma_start3A_305 = tpu.memref_slice %arg21[%dma_start3A_298, %add3A_282, %dma_start3A_304] : memref<2x64x64xf32, #tpu.memory_space<vmem>> -> memref<1x1x64xf32, #tpu.memory_space<vmem>>
      %dma_start3A_306 = tpu.memref_squeeze %dma_start3A_305 : memref<1x1x64xf32, #tpu.memory_space<vmem>> -> memref<1x64xf32, #tpu.memory_space<vmem>>
      %dma_start3A_307 = arith.constant 0 : i32
      %dma_start3A_308 = tpu.memref_slice %arg10[%squeeze3A_297, %dma_start3A_307] : memref<1000001x64xf32, #tpu.memory_space<hbm>> -> memref<1x64xf32, #tpu.memory_space<hbm>>
      tpu.enqueue_dma source(%dma_start3A_308 : memref<1x64xf32, #tpu.memory_space<hbm>>) target(%dma_start3A_306 : memref<1x64xf32, #tpu.memory_space<vmem>>) target_semaphore(%arg28 : memref<!tpu.dma_semaphore, #tpu.memory_space<semaphore_mem>>)
      %mul3A_309 = arith.constant 16 : i32
      %mul3A_310 = arith.muli %scan3A_181, %mul3A_309 : i32
      %add3A_311 = arith.constant 4 : i32
      %add3A_312 = arith.addi %mul3A_310, %add3A_311 : i32
      %slice3A_313 = vector.extract_strided_slice %get3A_186 {offsets = [4], sizes = [1], strides = [1]} : vector<16xi32> to vector<1xi32>
      %squeeze3A_314 = vector.extract %slice3A_313[0] : i32 from vector<1xi32>
      %dma_start3A_315 = arith.constant 0 : i32
      %dma_start3A_316 = arith.constant 0 : i32
      %dma_start3A_317 = tpu.memref_slice %arg20[%dma_start3A_315, %add3A_312, %dma_start3A_316] : memref<2x64x64xf32, #tpu.memory_space<vmem>> -> memref<1x1x64xf32, #tpu.memory_space<vmem>>
      %dma_start3A_318 = tpu.memref_squeeze %dma_start3A_317 : memref<1x1x64xf32, #tpu.memory_space<vmem>> -> memref<1x64xf32, #tpu.memory_space<vmem>>
      %dma_start3A_319 = arith.constant 0 : i32
      %dma_start3A_320 = tpu.memref_slice %arg10[%squeeze3A_314, %dma_start3A_319] : memref<1000001x64xf32, #tpu.memory_space<hbm>> -> memref<1x64xf32, #tpu.memory_space<hbm>>
      %dma_start3A_321 = arith.constant 0 : i32
      %dma_start3A_322 = tpu.memref_slice %arg20[%dma_start3A_315, %add3A_312, %dma_start3A_321] : memref<2x64x64xf32, #tpu.memory_space<vmem>> -> memref<1x1x64xf32, #tpu.memory_space<vmem>>
      %dma_start3A_323 = tpu.memref_squeeze %dma_start3A_322 : memref<1x1x64xf32, #tpu.memory_space<vmem>> -> memref<1x64xf32, #tpu.memory_space<vmem>>
      %dma_start3A_324 = arith.constant 0 : i32
      %dma_start3A_325 = tpu.memref_slice %arg10[%squeeze3A_314, %dma_start3A_324] : memref<1000001x64xf32, #tpu.memory_space<hbm>> -> memref<1x64xf32, #tpu.memory_space<hbm>>
      tpu.enqueue_dma source(%dma_start3A_325 : memref<1x64xf32, #tpu.memory_space<hbm>>) target(%dma_start3A_323 : memref<1x64xf32, #tpu.memory_space<vmem>>) target_semaphore(%arg28 : memref<!tpu.dma_semaphore, #tpu.memory_space<semaphore_mem>>)
      %slice3A_326 = vector.extract_strided_slice %get3A_190 {offsets = [4], sizes = [1], strides = [1]} : vector<16xi32> to vector<1xi32>
      %squeeze3A_327 = vector.extract %slice3A_326[0] : i32 from vector<1xi32>
      %dma_start3A_328 = arith.constant 0 : i32
      %dma_start3A_329 = arith.constant 0 : i32
      %dma_start3A_330 = tpu.memref_slice %arg21[%dma_start3A_328, %add3A_312, %dma_start3A_329] : memref<2x64x64xf32, #tpu.memory_space<vmem>> -> memref<1x1x64xf32, #tpu.memory_space<vmem>>
      %dma_start3A_331 = tpu.memref_squeeze %dma_start3A_330 : memref<1x1x64xf32, #tpu.memory_space<vmem>> -> memref<1x64xf32, #tpu.memory_space<vmem>>
      %dma_start3A_332 = arith.constant 0 : i32
      %dma_start3A_333 = tpu.memref_slice %arg10[%squeeze3A_327, %dma_start3A_332] : memref<1000001x64xf32, #tpu.memory_space<hbm>> -> memref<1x64xf32, #tpu.memory_space<hbm>>
      %dma_start3A_334 = arith.constant 0 : i32
      %dma_start3A_335 = tpu.memref_slice %arg21[%dma_start3A_328, %add3A_312, %dma_start3A_334] : memref<2x64x64xf32, #tpu.memory_space<vmem>> -> memref<1x1x64xf32, #tpu.memory_space<vmem>>
      %dma_start3A_336 = tpu.memref_squeeze %dma_start3A_335 : memref<1x1x64xf32, #tpu.memory_space<vmem>> -> memref<1x64xf32, #tpu.memory_space<vmem>>
      %dma_start3A_337 = arith.constant 0 : i32
      %dma_start3A_338 = tpu.memref_slice %arg10[%squeeze3A_327, %dma_start3A_337] : memref<1000001x64xf32, #tpu.memory_space<hbm>> -> memref<1x64xf32, #tpu.memory_space<hbm>>
      tpu.enqueue_dma source(%dma_start3A_338 : memref<1x64xf32, #tpu.memory_space<hbm>>) target(%dma_start3A_336 : memref<1x64xf32, #tpu.memory_space<vmem>>) target_semaphore(%arg28 : memref<!tpu.dma_semaphore, #tpu.memory_space<semaphore_mem>>)
      %mul3A_339 = arith.constant 16 : i32
      %mul3A_340 = arith.muli %scan3A_181, %mul3A_339 : i32
      %add3A_341 = arith.constant 5 : i32
      %add3A_342 = arith.addi %mul3A_340, %add3A_341 : i32
      %slice3A_343 = vector.extract_strided_slice %get3A_186 {offsets = [5], sizes = [1], strides = [1]} : vector<16xi32> to vector<1xi32>
      %squeeze3A_344 = vector.extract %slice3A_343[0] : i32 from vector<1xi32>
      %dma_start3A_345 = arith.constant 0 : i32
      %dma_start3A_346 = arith.constant 0 : i32
      %dma_start3A_347 = tpu.memref_slice %arg20[%dma_start3A_345, %add3A_342, %dma_start3A_346] : memref<2x64x64xf32, #tpu.memory_space<vmem>> -> memref<1x1x64xf32, #tpu.memory_space<vmem>>
      %dma_start3A_348 = tpu.memref_squeeze %dma_start3A_347 : memref<1x1x64xf32, #tpu.memory_space<vmem>> -> memref<1x64xf32, #tpu.memory_space<vmem>>
      %dma_start3A_349 = arith.constant 0 : i32
      %dma_start3A_350 = tpu.memref_slice %arg10[%squeeze3A_344, %dma_start3A_349] : memref<1000001x64xf32, #tpu.memory_space<hbm>> -> memref<1x64xf32, #tpu.memory_space<hbm>>
      %dma_start3A_351 = arith.constant 0 : i32
      %dma_start3A_352 = tpu.memref_slice %arg20[%dma_start3A_345, %add3A_342, %dma_start3A_351] : memref<2x64x64xf32, #tpu.memory_space<vmem>> -> memref<1x1x64xf32, #tpu.memory_space<vmem>>
      %dma_start3A_353 = tpu.memref_squeeze %dma_start3A_352 : memref<1x1x64xf32, #tpu.memory_space<vmem>> -> memref<1x64xf32, #tpu.memory_space<vmem>>
      %dma_start3A_354 = arith.constant 0 : i32
      %dma_start3A_355 = tpu.memref_slice %arg10[%squeeze3A_344, %dma_start3A_354] : memref<1000001x64xf32, #tpu.memory_space<hbm>> -> memref<1x64xf32, #tpu.memory_space<hbm>>
      tpu.enqueue_dma source(%dma_start3A_355 : memref<1x64xf32, #tpu.memory_space<hbm>>) target(%dma_start3A_353 : memref<1x64xf32, #tpu.memory_space<vmem>>) target_semaphore(%arg28 : memref<!tpu.dma_semaphore, #tpu.memory_space<semaphore_mem>>)
      %slice3A_356 = vector.extract_strided_slice %get3A_190 {offsets = [5], sizes = [1], strides = [1]} : vector<16xi32> to vector<1xi32>
      %squeeze3A_357 = vector.extract %slice3A_356[0] : i32 from vector<1xi32>
      %dma_start3A_358 = arith.constant 0 : i32
      %dma_start3A_359 = arith.constant 0 : i32
      %dma_start3A_360 = tpu.memref_slice %arg21[%dma_start3A_358, %add3A_342, %dma_start3A_359] : memref<2x64x64xf32, #tpu.memory_space<vmem>> -> memref<1x1x64xf32, #tpu.memory_space<vmem>>
      %dma_start3A_361 = tpu.memref_squeeze %dma_start3A_360 : memref<1x1x64xf32, #tpu.memory_space<vmem>> -> memref<1x64xf32, #tpu.memory_space<vmem>>
      %dma_start3A_362 = arith.constant 0 : i32
      %dma_start3A_363 = tpu.memref_slice %arg10[%squeeze3A_357, %dma_start3A_362] : memref<1000001x64xf32, #tpu.memory_space<hbm>> -> memref<1x64xf32, #tpu.memory_space<hbm>>
      %dma_start3A_364 = arith.constant 0 : i32
      %dma_start3A_365 = tpu.memref_slice %arg21[%dma_start3A_358, %add3A_342, %dma_start3A_364] : memref<2x64x64xf32, #tpu.memory_space<vmem>> -> memref<1x1x64xf32, #tpu.memory_space<vmem>>
      %dma_start3A_366 = tpu.memref_squeeze %dma_start3A_365 : memref<1x1x64xf32, #tpu.memory_space<vmem>> -> memref<1x64xf32, #tpu.memory_space<vmem>>
      %dma_start3A_367 = arith.constant 0 : i32
      %dma_start3A_368 = tpu.memref_slice %arg10[%squeeze3A_357, %dma_start3A_367] : memref<1000001x64xf32, #tpu.memory_space<hbm>> -> memref<1x64xf32, #tpu.memory_space<hbm>>
      tpu.enqueue_dma source(%dma_start3A_368 : memref<1x64xf32, #tpu.memory_space<hbm>>) target(%dma_start3A_366 : memref<1x64xf32, #tpu.memory_space<vmem>>) target_semaphore(%arg28 : memref<!tpu.dma_semaphore, #tpu.memory_space<semaphore_mem>>)
      %mul3A_369 = arith.constant 16 : i32
      %mul3A_370 = arith.muli %scan3A_181, %mul3A_369 : i32
      %add3A_371 = arith.constant 6 : i32
      %add3A_372 = arith.addi %mul3A_370, %add3A_371 : i32
      %slice3A_373 = vector.extract_strided_slice %get3A_186 {offsets = [6], sizes = [1], strides = [1]} : vector<16xi32> to vector<1xi32>
      %squeeze3A_374 = vector.extract %slice3A_373[0] : i32 from vector<1xi32>
      %dma_start3A_375 = arith.constant 0 : i32
      %dma_start3A_376 = arith.constant 0 : i32
      %dma_start3A_377 = tpu.memref_slice %arg20[%dma_start3A_375, %add3A_372, %dma_start3A_376] : memref<2x64x64xf32, #tpu.memory_space<vmem>> -> memref<1x1x64xf32, #tpu.memory_space<vmem>>
      %dma_start3A_378 = tpu.memref_squeeze %dma_start3A_377 : memref<1x1x64xf32, #tpu.memory_space<vmem>> -> memref<1x64xf32, #tpu.memory_space<vmem>>
      %dma_start3A_379 = arith.constant 0 : i32
      %dma_start3A_380 = tpu.memref_slice %arg10[%squeeze3A_374, %dma_start3A_379] : memref<1000001x64xf32, #tpu.memory_space<hbm>> -> memref<1x64xf32, #tpu.memory_space<hbm>>
      %dma_start3A_381 = arith.constant 0 : i32
      %dma_start3A_382 = tpu.memref_slice %arg20[%dma_start3A_375, %add3A_372, %dma_start3A_381] : memref<2x64x64xf32, #tpu.memory_space<vmem>> -> memref<1x1x64xf32, #tpu.memory_space<vmem>>
      %dma_start3A_383 = tpu.memref_squeeze %dma_start3A_382 : memref<1x1x64xf32, #tpu.memory_space<vmem>> -> memref<1x64xf32, #tpu.memory_space<vmem>>
      %dma_start3A_384 = arith.constant 0 : i32
      %dma_start3A_385 = tpu.memref_slice %arg10[%squeeze3A_374, %dma_start3A_384] : memref<1000001x64xf32, #tpu.memory_space<hbm>> -> memref<1x64xf32, #tpu.memory_space<hbm>>
      tpu.enqueue_dma source(%dma_start3A_385 : memref<1x64xf32, #tpu.memory_space<hbm>>) target(%dma_start3A_383 : memref<1x64xf32, #tpu.memory_space<vmem>>) target_semaphore(%arg28 : memref<!tpu.dma_semaphore, #tpu.memory_space<semaphore_mem>>)
      %slice3A_386 = vector.extract_strided_slice %get3A_190 {offsets = [6], sizes = [1], strides = [1]} : vector<16xi32> to vector<1xi32>
      %squeeze3A_387 = vector.extract %slice3A_386[0] : i32 from vector<1xi32>
      %dma_start3A_388 = arith.constant 0 : i32
      %dma_start3A_389 = arith.constant 0 : i32
      %dma_start3A_390 = tpu.memref_slice %arg21[%dma_start3A_388, %add3A_372, %dma_start3A_389] : memref<2x64x64xf32, #tpu.memory_space<vmem>> -> memref<1x1x64xf32, #tpu.memory_space<vmem>>
      %dma_start3A_391 = tpu.memref_squeeze %dma_start3A_390 : memref<1x1x64xf32, #tpu.memory_space<vmem>> -> memref<1x64xf32, #tpu.memory_space<vmem>>
      %dma_start3A_392 = arith.constant 0 : i32
      %dma_start3A_393 = tpu.memref_slice %arg10[%squeeze3A_387, %dma_start3A_392] : memref<1000001x64xf32, #tpu.memory_space<hbm>> -> memref<1x64xf32, #tpu.memory_space<hbm>>
      %dma_start3A_394 = arith.constant 0 : i32
      %dma_start3A_395 = tpu.memref_slice %arg21[%dma_start3A_388, %add3A_372, %dma_start3A_394] : memref<2x64x64xf32, #tpu.memory_space<vmem>> -> memref<1x1x64xf32, #tpu.memory_space<vmem>>
      %dma_start3A_396 = tpu.memref_squeeze %dma_start3A_395 : memref<1x1x64xf32, #tpu.memory_space<vmem>> -> memref<1x64xf32, #tpu.memory_space<vmem>>
      %dma_start3A_397 = arith.constant 0 : i32
      %dma_start3A_398 = tpu.memref_slice %arg10[%squeeze3A_387, %dma_start3A_397] : memref<1000001x64xf32, #tpu.memory_space<hbm>> -> memref<1x64xf32, #tpu.memory_space<hbm>>
      tpu.enqueue_dma source(%dma_start3A_398 : memref<1x64xf32, #tpu.memory_space<hbm>>) target(%dma_start3A_396 : memref<1x64xf32, #tpu.memory_space<vmem>>) target_semaphore(%arg28 : memref<!tpu.dma_semaphore, #tpu.memory_space<semaphore_mem>>)
      %mul3A_399 = arith.constant 16 : i32
      %mul3A_400 = arith.muli %scan3A_181, %mul3A_399 : i32
      %add3A_401 = arith.constant 7 : i32
      %add3A_402 = arith.addi %mul3A_400, %add3A_401 : i32
      %slice3A_403 = vector.extract_strided_slice %get3A_186 {offsets = [7], sizes = [1], strides = [1]} : vector<16xi32> to vector<1xi32>
      %squeeze3A_404 = vector.extract %slice3A_403[0] : i32 from vector<1xi32>
      %dma_start3A_405 = arith.constant 0 : i32
      %dma_start3A_406 = arith.constant 0 : i32
      %dma_start3A_407 = tpu.memref_slice %arg20[%dma_start3A_405, %add3A_402, %dma_start3A_406] : memref<2x64x64xf32, #tpu.memory_space<vmem>> -> memref<1x1x64xf32, #tpu.memory_space<vmem>>
      %dma_start3A_408 = tpu.memref_squeeze %dma_start3A_407 : memref<1x1x64xf32, #tpu.memory_space<vmem>> -> memref<1x64xf32, #tpu.memory_space<vmem>>
      %dma_start3A_409 = arith.constant 0 : i32
      %dma_start3A_410 = tpu.memref_slice %arg10[%squeeze3A_404, %dma_start3A_409] : memref<1000001x64xf32, #tpu.memory_space<hbm>> -> memref<1x64xf32, #tpu.memory_space<hbm>>
      %dma_start3A_411 = arith.constant 0 : i32
      %dma_start3A_412 = tpu.memref_slice %arg20[%dma_start3A_405, %add3A_402, %dma_start3A_411] : memref<2x64x64xf32, #tpu.memory_space<vmem>> -> memref<1x1x64xf32, #tpu.memory_space<vmem>>
      %dma_start3A_413 = tpu.memref_squeeze %dma_start3A_412 : memref<1x1x64xf32, #tpu.memory_space<vmem>> -> memref<1x64xf32, #tpu.memory_space<vmem>>
      %dma_start3A_414 = arith.constant 0 : i32
      %dma_start3A_415 = tpu.memref_slice %arg10[%squeeze3A_404, %dma_start3A_414] : memref<1000001x64xf32, #tpu.memory_space<hbm>> -> memref<1x64xf32, #tpu.memory_space<hbm>>
      tpu.enqueue_dma source(%dma_start3A_415 : memref<1x64xf32, #tpu.memory_space<hbm>>) target(%dma_start3A_413 : memref<1x64xf32, #tpu.memory_space<vmem>>) target_semaphore(%arg28 : memref<!tpu.dma_semaphore, #tpu.memory_space<semaphore_mem>>)
      %slice3A_416 = vector.extract_strided_slice %get3A_190 {offsets = [7], sizes = [1], strides = [1]} : vector<16xi32> to vector<1xi32>
      %squeeze3A_417 = vector.extract %slice3A_416[0] : i32 from vector<1xi32>
      %dma_start3A_418 = arith.constant 0 : i32
      %dma_start3A_419 = arith.constant 0 : i32
      %dma_start3A_420 = tpu.memref_slice %arg21[%dma_start3A_418, %add3A_402, %dma_start3A_419] : memref<2x64x64xf32, #tpu.memory_space<vmem>> -> memref<1x1x64xf32, #tpu.memory_space<vmem>>
      %dma_start3A_421 = tpu.memref_squeeze %dma_start3A_420 : memref<1x1x64xf32, #tpu.memory_space<vmem>> -> memref<1x64xf32, #tpu.memory_space<vmem>>
      %dma_start3A_422 = arith.constant 0 : i32
      %dma_start3A_423 = tpu.memref_slice %arg10[%squeeze3A_417, %dma_start3A_422] : memref<1000001x64xf32, #tpu.memory_space<hbm>> -> memref<1x64xf32, #tpu.memory_space<hbm>>
      %dma_start3A_424 = arith.constant 0 : i32
      %dma_start3A_425 = tpu.memref_slice %arg21[%dma_start3A_418, %add3A_402, %dma_start3A_424] : memref<2x64x64xf32, #tpu.memory_space<vmem>> -> memref<1x1x64xf32, #tpu.memory_space<vmem>>
      %dma_start3A_426 = tpu.memref_squeeze %dma_start3A_425 : memref<1x1x64xf32, #tpu.memory_space<vmem>> -> memref<1x64xf32, #tpu.memory_space<vmem>>
      %dma_start3A_427 = arith.constant 0 : i32
      %dma_start3A_428 = tpu.memref_slice %arg10[%squeeze3A_417, %dma_start3A_427] : memref<1000001x64xf32, #tpu.memory_space<hbm>> -> memref<1x64xf32, #tpu.memory_space<hbm>>
      tpu.enqueue_dma source(%dma_start3A_428 : memref<1x64xf32, #tpu.memory_space<hbm>>) target(%dma_start3A_426 : memref<1x64xf32, #tpu.memory_space<vmem>>) target_semaphore(%arg28 : memref<!tpu.dma_semaphore, #tpu.memory_space<semaphore_mem>>)
      %mul3A_429 = arith.constant 16 : i32
      %mul3A_430 = arith.muli %scan3A_181, %mul3A_429 : i32
      %add3A_431 = arith.constant 8 : i32
      %add3A_432 = arith.addi %mul3A_430, %add3A_431 : i32
      %slice3A_433 = vector.extract_strided_slice %get3A_186 {offsets = [8], sizes = [1], strides = [1]} : vector<16xi32> to vector<1xi32>
      %squeeze3A_434 = vector.extract %slice3A_433[0] : i32 from vector<1xi32>
      %dma_start3A_435 = arith.constant 0 : i32
      %dma_start3A_436 = arith.constant 0 : i32
      %dma_start3A_437 = tpu.memref_slice %arg20[%dma_start3A_435, %add3A_432, %dma_start3A_436] : memref<2x64x64xf32, #tpu.memory_space<vmem>> -> memref<1x1x64xf32, #tpu.memory_space<vmem>>
      %dma_start3A_438 = tpu.memref_squeeze %dma_start3A_437 : memref<1x1x64xf32, #tpu.memory_space<vmem>> -> memref<1x64xf32, #tpu.memory_space<vmem>>
      %dma_start3A_439 = arith.constant 0 : i32
      %dma_start3A_440 = tpu.memref_slice %arg10[%squeeze3A_434, %dma_start3A_439] : memref<1000001x64xf32, #tpu.memory_space<hbm>> -> memref<1x64xf32, #tpu.memory_space<hbm>>
      %dma_start3A_441 = arith.constant 0 : i32
      %dma_start3A_442 = tpu.memref_slice %arg20[%dma_start3A_435, %add3A_432, %dma_start3A_441] : memref<2x64x64xf32, #tpu.memory_space<vmem>> -> memref<1x1x64xf32, #tpu.memory_space<vmem>>
      %dma_start3A_443 = tpu.memref_squeeze %dma_start3A_442 : memref<1x1x64xf32, #tpu.memory_space<vmem>> -> memref<1x64xf32, #tpu.memory_space<vmem>>
      %dma_start3A_444 = arith.constant 0 : i32
      %dma_start3A_445 = tpu.memref_slice %arg10[%squeeze3A_434, %dma_start3A_444] : memref<1000001x64xf32, #tpu.memory_space<hbm>> -> memref<1x64xf32, #tpu.memory_space<hbm>>
      tpu.enqueue_dma source(%dma_start3A_445 : memref<1x64xf32, #tpu.memory_space<hbm>>) target(%dma_start3A_443 : memref<1x64xf32, #tpu.memory_space<vmem>>) target_semaphore(%arg28 : memref<!tpu.dma_semaphore, #tpu.memory_space<semaphore_mem>>)
      %slice3A_446 = vector.extract_strided_slice %get3A_190 {offsets = [8], sizes = [1], strides = [1]} : vector<16xi32> to vector<1xi32>
      %squeeze3A_447 = vector.extract %slice3A_446[0] : i32 from vector<1xi32>
      %dma_start3A_448 = arith.constant 0 : i32
      %dma_start3A_449 = arith.constant 0 : i32
      %dma_start3A_450 = tpu.memref_slice %arg21[%dma_start3A_448, %add3A_432, %dma_start3A_449] : memref<2x64x64xf32, #tpu.memory_space<vmem>> -> memref<1x1x64xf32, #tpu.memory_space<vmem>>
      %dma_start3A_451 = tpu.memref_squeeze %dma_start3A_450 : memref<1x1x64xf32, #tpu.memory_space<vmem>> -> memref<1x64xf32, #tpu.memory_space<vmem>>
      %dma_start3A_452 = arith.constant 0 : i32
      %dma_start3A_453 = tpu.memref_slice %arg10[%squeeze3A_447, %dma_start3A_452] : memref<1000001x64xf32, #tpu.memory_space<hbm>> -> memref<1x64xf32, #tpu.memory_space<hbm>>
      %dma_start3A_454 = arith.constant 0 : i32
      %dma_start3A_455 = tpu.memref_slice %arg21[%dma_start3A_448, %add3A_432, %dma_start3A_454] : memref<2x64x64xf32, #tpu.memory_space<vmem>> -> memref<1x1x64xf32, #tpu.memory_space<vmem>>
      %dma_start3A_456 = tpu.memref_squeeze %dma_start3A_455 : memref<1x1x64xf32, #tpu.memory_space<vmem>> -> memref<1x64xf32, #tpu.memory_space<vmem>>
      %dma_start3A_457 = arith.constant 0 : i32
      %dma_start3A_458 = tpu.memref_slice %arg10[%squeeze3A_447, %dma_start3A_457] : memref<1000001x64xf32, #tpu.memory_space<hbm>> -> memref<1x64xf32, #tpu.memory_space<hbm>>
      tpu.enqueue_dma source(%dma_start3A_458 : memref<1x64xf32, #tpu.memory_space<hbm>>) target(%dma_start3A_456 : memref<1x64xf32, #tpu.memory_space<vmem>>) target_semaphore(%arg28 : memref<!tpu.dma_semaphore, #tpu.memory_space<semaphore_mem>>)
      %mul3A_459 = arith.constant 16 : i32
      %mul3A_460 = arith.muli %scan3A_181, %mul3A_459 : i32
      %add3A_461 = arith.constant 9 : i32
      %add3A_462 = arith.addi %mul3A_460, %add3A_461 : i32
      %slice3A_463 = vector.extract_strided_slice %get3A_186 {offsets = [9], sizes = [1], strides = [1]} : vector<16xi32> to vector<1xi32>
      %squeeze3A_464 = vector.extract %slice3A_463[0] : i32 from vector<1xi32>
      %dma_start3A_465 = arith.constant 0 : i32
      %dma_start3A_466 = arith.constant 0 : i32
      %dma_start3A_467 = tpu.memref_slice %arg20[%dma_start3A_465, %add3A_462, %dma_start3A_466] : memref<2x64x64xf32, #tpu.memory_space<vmem>> -> memref<1x1x64xf32, #tpu.memory_space<vmem>>
      %dma_start3A_468 = tpu.memref_squeeze %dma_start3A_467 : memref<1x1x64xf32, #tpu.memory_space<vmem>> -> memref<1x64xf32, #tpu.memory_space<vmem>>
      %dma_start3A_469 = arith.constant 0 : i32
      %dma_start3A_470 = tpu.memref_slice %arg10[%squeeze3A_464, %dma_start3A_469] : memref<1000001x64xf32, #tpu.memory_space<hbm>> -> memref<1x64xf32, #tpu.memory_space<hbm>>
      %dma_start3A_471 = arith.constant 0 : i32
      %dma_start3A_472 = tpu.memref_slice %arg20[%dma_start3A_465, %add3A_462, %dma_start3A_471] : memref<2x64x64xf32, #tpu.memory_space<vmem>> -> memref<1x1x64xf32, #tpu.memory_space<vmem>>
      %dma_start3A_473 = tpu.memref_squeeze %dma_start3A_472 : memref<1x1x64xf32, #tpu.memory_space<vmem>> -> memref<1x64xf32, #tpu.memory_space<vmem>>
      %dma_start3A_474 = arith.constant 0 : i32
      %dma_start3A_475 = tpu.memref_slice %arg10[%squeeze3A_464, %dma_start3A_474] : memref<1000001x64xf32, #tpu.memory_space<hbm>> -> memref<1x64xf32, #tpu.memory_space<hbm>>
      tpu.enqueue_dma source(%dma_start3A_475 : memref<1x64xf32, #tpu.memory_space<hbm>>) target(%dma_start3A_473 : memref<1x64xf32, #tpu.memory_space<vmem>>) target_semaphore(%arg28 : memref<!tpu.dma_semaphore, #tpu.memory_space<semaphore_mem>>)
      %slice3A_476 = vector.extract_strided_slice %get3A_190 {offsets = [9], sizes = [1], strides = [1]} : vector<16xi32> to vector<1xi32>
      %squeeze3A_477 = vector.extract %slice3A_476[0] : i32 from vector<1xi32>
      %dma_start3A_478 = arith.constant 0 : i32
      %dma_start3A_479 = arith.constant 0 : i32
      %dma_start3A_480 = tpu.memref_slice %arg21[%dma_start3A_478, %add3A_462, %dma_start3A_479] : memref<2x64x64xf32, #tpu.memory_space<vmem>> -> memref<1x1x64xf32, #tpu.memory_space<vmem>>
      %dma_start3A_481 = tpu.memref_squeeze %dma_start3A_480 : memref<1x1x64xf32, #tpu.memory_space<vmem>> -> memref<1x64xf32, #tpu.memory_space<vmem>>
      %dma_start3A_482 = arith.constant 0 : i32
      %dma_start3A_483 = tpu.memref_slice %arg10[%squeeze3A_477, %dma_start3A_482] : memref<1000001x64xf32, #tpu.memory_space<hbm>> -> memref<1x64xf32, #tpu.memory_space<hbm>>
      %dma_start3A_484 = arith.constant 0 : i32
      %dma_start3A_485 = tpu.memref_slice %arg21[%dma_start3A_478, %add3A_462, %dma_start3A_484] : memref<2x64x64xf32, #tpu.memory_space<vmem>> -> memref<1x1x64xf32, #tpu.memory_space<vmem>>
      %dma_start3A_486 = tpu.memref_squeeze %dma_start3A_485 : memref<1x1x64xf32, #tpu.memory_space<vmem>> -> memref<1x64xf32, #tpu.memory_space<vmem>>
      %dma_start3A_487 = arith.constant 0 : i32
      %dma_start3A_488 = tpu.memref_slice %arg10[%squeeze3A_477, %dma_start3A_487] : memref<1000001x64xf32, #tpu.memory_space<hbm>> -> memref<1x64xf32, #tpu.memory_space<hbm>>
      tpu.enqueue_dma source(%dma_start3A_488 : memref<1x64xf32, #tpu.memory_space<hbm>>) target(%dma_start3A_486 : memref<1x64xf32, #tpu.memory_space<vmem>>) target_semaphore(%arg28 : memref<!tpu.dma_semaphore, #tpu.memory_space<semaphore_mem>>)
      %mul3A_489 = arith.constant 16 : i32
      %mul3A_490 = arith.muli %scan3A_181, %mul3A_489 : i32
      %add3A_491 = arith.constant 10 : i32
      %add3A_492 = arith.addi %mul3A_490, %add3A_491 : i32
      %slice3A_493 = vector.extract_strided_slice %get3A_186 {offsets = [10], sizes = [1], strides = [1]} : vector<16xi32> to vector<1xi32>
      %squeeze3A_494 = vector.extract %slice3A_493[0] : i32 from vector<1xi32>
      %dma_start3A_495 = arith.constant 0 : i32
      %dma_start3A_496 = arith.constant 0 : i32
      %dma_start3A_497 = tpu.memref_slice %arg20[%dma_start3A_495, %add3A_492, %dma_start3A_496] : memref<2x64x64xf32, #tpu.memory_space<vmem>> -> memref<1x1x64xf32, #tpu.memory_space<vmem>>
      %dma_start3A_498 = tpu.memref_squeeze %dma_start3A_497 : memref<1x1x64xf32, #tpu.memory_space<vmem>> -> memref<1x64xf32, #tpu.memory_space<vmem>>
      %dma_start3A_499 = arith.constant 0 : i32
      %dma_start3A_500 = tpu.memref_slice %arg10[%squeeze3A_494, %dma_start3A_499] : memref<1000001x64xf32, #tpu.memory_space<hbm>> -> memref<1x64xf32, #tpu.memory_space<hbm>>
      %dma_start3A_501 = arith.constant 0 : i32
      %dma_start3A_502 = tpu.memref_slice %arg20[%dma_start3A_495, %add3A_492, %dma_start3A_501] : memref<2x64x64xf32, #tpu.memory_space<vmem>> -> memref<1x1x64xf32, #tpu.memory_space<vmem>>
      %dma_start3A_503 = tpu.memref_squeeze %dma_start3A_502 : memref<1x1x64xf32, #tpu.memory_space<vmem>> -> memref<1x64xf32, #tpu.memory_space<vmem>>
      %dma_start3A_504 = arith.constant 0 : i32
      %dma_start3A_505 = tpu.memref_slice %arg10[%squeeze3A_494, %dma_start3A_504] : memref<1000001x64xf32, #tpu.memory_space<hbm>> -> memref<1x64xf32, #tpu.memory_space<hbm>>
      tpu.enqueue_dma source(%dma_start3A_505 : memref<1x64xf32, #tpu.memory_space<hbm>>) target(%dma_start3A_503 : memref<1x64xf32, #tpu.memory_space<vmem>>) target_semaphore(%arg28 : memref<!tpu.dma_semaphore, #tpu.memory_space<semaphore_mem>>)
      %slice3A_506 = vector.extract_strided_slice %get3A_190 {offsets = [10], sizes = [1], strides = [1]} : vector<16xi32> to vector<1xi32>
      %squeeze3A_507 = vector.extract %slice3A_506[0] : i32 from vector<1xi32>
      %dma_start3A_508 = arith.constant 0 : i32
      %dma_start3A_509 = arith.constant 0 : i32
      %dma_start3A_510 = tpu.memref_slice %arg21[%dma_start3A_508, %add3A_492, %dma_start3A_509] : memref<2x64x64xf32, #tpu.memory_space<vmem>> -> memref<1x1x64xf32, #tpu.memory_space<vmem>>
      %dma_start3A_511 = tpu.memref_squeeze %dma_start3A_510 : memref<1x1x64xf32, #tpu.memory_space<vmem>> -> memref<1x64xf32, #tpu.memory_space<vmem>>
      %dma_start3A_512 = arith.constant 0 : i32
      %dma_start3A_513 = tpu.memref_slice %arg10[%squeeze3A_507, %dma_start3A_512] : memref<1000001x64xf32, #tpu.memory_space<hbm>> -> memref<1x64xf32, #tpu.memory_space<hbm>>
      %dma_start3A_514 = arith.constant 0 : i32
      %dma_start3A_515 = tpu.memref_slice %arg21[%dma_start3A_508, %add3A_492, %dma_start3A_514] : memref<2x64x64xf32, #tpu.memory_space<vmem>> -> memref<1x1x64xf32, #tpu.memory_space<vmem>>
      %dma_start3A_516 = tpu.memref_squeeze %dma_start3A_515 : memref<1x1x64xf32, #tpu.memory_space<vmem>> -> memref<1x64xf32, #tpu.memory_space<vmem>>
      %dma_start3A_517 = arith.constant 0 : i32
      %dma_start3A_518 = tpu.memref_slice %arg10[%squeeze3A_507, %dma_start3A_517] : memref<1000001x64xf32, #tpu.memory_space<hbm>> -> memref<1x64xf32, #tpu.memory_space<hbm>>
      tpu.enqueue_dma source(%dma_start3A_518 : memref<1x64xf32, #tpu.memory_space<hbm>>) target(%dma_start3A_516 : memref<1x64xf32, #tpu.memory_space<vmem>>) target_semaphore(%arg28 : memref<!tpu.dma_semaphore, #tpu.memory_space<semaphore_mem>>)
      %mul3A_519 = arith.constant 16 : i32
      %mul3A_520 = arith.muli %scan3A_181, %mul3A_519 : i32
      %add3A_521 = arith.constant 11 : i32
      %add3A_522 = arith.addi %mul3A_520, %add3A_521 : i32
      %slice3A_523 = vector.extract_strided_slice %get3A_186 {offsets = [11], sizes = [1], strides = [1]} : vector<16xi32> to vector<1xi32>
      %squeeze3A_524 = vector.extract %slice3A_523[0] : i32 from vector<1xi32>
      %dma_start3A_525 = arith.constant 0 : i32
      %dma_start3A_526 = arith.constant 0 : i32
      %dma_start3A_527 = tpu.memref_slice %arg20[%dma_start3A_525, %add3A_522, %dma_start3A_526] : memref<2x64x64xf32, #tpu.memory_space<vmem>> -> memref<1x1x64xf32, #tpu.memory_space<vmem>>
      %dma_start3A_528 = tpu.memref_squeeze %dma_start3A_527 : memref<1x1x64xf32, #tpu.memory_space<vmem>> -> memref<1x64xf32, #tpu.memory_space<vmem>>
      %dma_start3A_529 = arith.constant 0 : i32
      %dma_start3A_530 = tpu.memref_slice %arg10[%squeeze3A_524, %dma_start3A_529] : memref<1000001x64xf32, #tpu.memory_space<hbm>> -> memref<1x64xf32, #tpu.memory_space<hbm>>
      %dma_start3A_531 = arith.constant 0 : i32
      %dma_start3A_532 = tpu.memref_slice %arg20[%dma_start3A_525, %add3A_522, %dma_start3A_531] : memref<2x64x64xf32, #tpu.memory_space<vmem>> -> memref<1x1x64xf32, #tpu.memory_space<vmem>>
      %dma_start3A_533 = tpu.memref_squeeze %dma_start3A_532 : memref<1x1x64xf32, #tpu.memory_space<vmem>> -> memref<1x64xf32, #tpu.memory_space<vmem>>
      %dma_start3A_534 = arith.constant 0 : i32
      %dma_start3A_535 = tpu.memref_slice %arg10[%squeeze3A_524, %dma_start3A_534] : memref<1000001x64xf32, #tpu.memory_space<hbm>> -> memref<1x64xf32, #tpu.memory_space<hbm>>
      tpu.enqueue_dma source(%dma_start3A_535 : memref<1x64xf32, #tpu.memory_space<hbm>>) target(%dma_start3A_533 : memref<1x64xf32, #tpu.memory_space<vmem>>) target_semaphore(%arg28 : memref<!tpu.dma_semaphore, #tpu.memory_space<semaphore_mem>>)
      %slice3A_536 = vector.extract_strided_slice %get3A_190 {offsets = [11], sizes = [1], strides = [1]} : vector<16xi32> to vector<1xi32>
      %squeeze3A_537 = vector.extract %slice3A_536[0] : i32 from vector<1xi32>
      %dma_start3A_538 = arith.constant 0 : i32
      %dma_start3A_539 = arith.constant 0 : i32
      %dma_start3A_540 = tpu.memref_slice %arg21[%dma_start3A_538, %add3A_522, %dma_start3A_539] : memref<2x64x64xf32, #tpu.memory_space<vmem>> -> memref<1x1x64xf32, #tpu.memory_space<vmem>>
      %dma_start3A_541 = tpu.memref_squeeze %dma_start3A_540 : memref<1x1x64xf32, #tpu.memory_space<vmem>> -> memref<1x64xf32, #tpu.memory_space<vmem>>
      %dma_start3A_542 = arith.constant 0 : i32
      %dma_start3A_543 = tpu.memref_slice %arg10[%squeeze3A_537, %dma_start3A_542] : memref<1000001x64xf32, #tpu.memory_space<hbm>> -> memref<1x64xf32, #tpu.memory_space<hbm>>
      %dma_start3A_544 = arith.constant 0 : i32
      %dma_start3A_545 = tpu.memref_slice %arg21[%dma_start3A_538, %add3A_522, %dma_start3A_544] : memref<2x64x64xf32, #tpu.memory_space<vmem>> -> memref<1x1x64xf32, #tpu.memory_space<vmem>>
      %dma_start3A_546 = tpu.memref_squeeze %dma_start3A_545 : memref<1x1x64xf32, #tpu.memory_space<vmem>> -> memref<1x64xf32, #tpu.memory_space<vmem>>
      %dma_start3A_547 = arith.constant 0 : i32
      %dma_start3A_548 = tpu.memref_slice %arg10[%squeeze3A_537, %dma_start3A_547] : memref<1000001x64xf32, #tpu.memory_space<hbm>> -> memref<1x64xf32, #tpu.memory_space<hbm>>
      tpu.enqueue_dma source(%dma_start3A_548 : memref<1x64xf32, #tpu.memory_space<hbm>>) target(%dma_start3A_546 : memref<1x64xf32, #tpu.memory_space<vmem>>) target_semaphore(%arg28 : memref<!tpu.dma_semaphore, #tpu.memory_space<semaphore_mem>>)
      %mul3A_549 = arith.constant 16 : i32
      %mul3A_550 = arith.muli %scan3A_181, %mul3A_549 : i32
      %add3A_551 = arith.constant 12 : i32
      %add3A_552 = arith.addi %mul3A_550, %add3A_551 : i32
      %slice3A_553 = vector.extract_strided_slice %get3A_186 {offsets = [12], sizes = [1], strides = [1]} : vector<16xi32> to vector<1xi32>
      %squeeze3A_554 = vector.extract %slice3A_553[0] : i32 from vector<1xi32>
      %dma_start3A_555 = arith.constant 0 : i32
      %dma_start3A_556 = arith.constant 0 : i32
      %dma_start3A_557 = tpu.memref_slice %arg20[%dma_start3A_555, %add3A_552, %dma_start3A_556] : memref<2x64x64xf32, #tpu.memory_space<vmem>> -> memref<1x1x64xf32, #tpu.memory_space<vmem>>
      %dma_start3A_558 = tpu.memref_squeeze %dma_start3A_557 : memref<1x1x64xf32, #tpu.memory_space<vmem>> -> memref<1x64xf32, #tpu.memory_space<vmem>>
      %dma_start3A_559 = arith.constant 0 : i32
      %dma_start3A_560 = tpu.memref_slice %arg10[%squeeze3A_554, %dma_start3A_559] : memref<1000001x64xf32, #tpu.memory_space<hbm>> -> memref<1x64xf32, #tpu.memory_space<hbm>>
      %dma_start3A_561 = arith.constant 0 : i32
      %dma_start3A_562 = tpu.memref_slice %arg20[%dma_start3A_555, %add3A_552, %dma_start3A_561] : memref<2x64x64xf32, #tpu.memory_space<vmem>> -> memref<1x1x64xf32, #tpu.memory_space<vmem>>
      %dma_start3A_563 = tpu.memref_squeeze %dma_start3A_562 : memref<1x1x64xf32, #tpu.memory_space<vmem>> -> memref<1x64xf32, #tpu.memory_space<vmem>>
      %dma_start3A_564 = arith.constant 0 : i32
      %dma_start3A_565 = tpu.memref_slice %arg10[%squeeze3A_554, %dma_start3A_564] : memref<1000001x64xf32, #tpu.memory_space<hbm>> -> memref<1x64xf32, #tpu.memory_space<hbm>>
      tpu.enqueue_dma source(%dma_start3A_565 : memref<1x64xf32, #tpu.memory_space<hbm>>) target(%dma_start3A_563 : memref<1x64xf32, #tpu.memory_space<vmem>>) target_semaphore(%arg28 : memref<!tpu.dma_semaphore, #tpu.memory_space<semaphore_mem>>)
      %slice3A_566 = vector.extract_strided_slice %get3A_190 {offsets = [12], sizes = [1], strides = [1]} : vector<16xi32> to vector<1xi32>
      %squeeze3A_567 = vector.extract %slice3A_566[0] : i32 from vector<1xi32>
      %dma_start3A_568 = arith.constant 0 : i32
      %dma_start3A_569 = arith.constant 0 : i32
      %dma_start3A_570 = tpu.memref_slice %arg21[%dma_start3A_568, %add3A_552, %dma_start3A_569] : memref<2x64x64xf32, #tpu.memory_space<vmem>> -> memref<1x1x64xf32, #tpu.memory_space<vmem>>
      %dma_start3A_571 = tpu.memref_squeeze %dma_start3A_570 : memref<1x1x64xf32, #tpu.memory_space<vmem>> -> memref<1x64xf32, #tpu.memory_space<vmem>>
      %dma_start3A_572 = arith.constant 0 : i32
      %dma_start3A_573 = tpu.memref_slice %arg10[%squeeze3A_567, %dma_start3A_572] : memref<1000001x64xf32, #tpu.memory_space<hbm>> -> memref<1x64xf32, #tpu.memory_space<hbm>>
      %dma_start3A_574 = arith.constant 0 : i32
      %dma_start3A_575 = tpu.memref_slice %arg21[%dma_start3A_568, %add3A_552, %dma_start3A_574] : memref<2x64x64xf32, #tpu.memory_space<vmem>> -> memref<1x1x64xf32, #tpu.memory_space<vmem>>
      %dma_start3A_576 = tpu.memref_squeeze %dma_start3A_575 : memref<1x1x64xf32, #tpu.memory_space<vmem>> -> memref<1x64xf32, #tpu.memory_space<vmem>>
      %dma_start3A_577 = arith.constant 0 : i32
      %dma_start3A_578 = tpu.memref_slice %arg10[%squeeze3A_567, %dma_start3A_577] : memref<1000001x64xf32, #tpu.memory_space<hbm>> -> memref<1x64xf32, #tpu.memory_space<hbm>>
      tpu.enqueue_dma source(%dma_start3A_578 : memref<1x64xf32, #tpu.memory_space<hbm>>) target(%dma_start3A_576 : memref<1x64xf32, #tpu.memory_space<vmem>>) target_semaphore(%arg28 : memref<!tpu.dma_semaphore, #tpu.memory_space<semaphore_mem>>)
      %mul3A_579 = arith.constant 16 : i32
      %mul3A_580 = arith.muli %scan3A_181, %mul3A_579 : i32
      %add3A_581 = arith.constant 13 : i32
      %add3A_582 = arith.addi %mul3A_580, %add3A_581 : i32
      %slice3A_583 = vector.extract_strided_slice %get3A_186 {offsets = [13], sizes = [1], strides = [1]} : vector<16xi32> to vector<1xi32>
      %squeeze3A_584 = vector.extract %slice3A_583[0] : i32 from vector<1xi32>
      %dma_start3A_585 = arith.constant 0 : i32
      %dma_start3A_586 = arith.constant 0 : i32
      %dma_start3A_587 = tpu.memref_slice %arg20[%dma_start3A_585, %add3A_582, %dma_start3A_586] : memref<2x64x64xf32, #tpu.memory_space<vmem>> -> memref<1x1x64xf32, #tpu.memory_space<vmem>>
      %dma_start3A_588 = tpu.memref_squeeze %dma_start3A_587 : memref<1x1x64xf32, #tpu.memory_space<vmem>> -> memref<1x64xf32, #tpu.memory_space<vmem>>
      %dma_start3A_589 = arith.constant 0 : i32
      %dma_start3A_590 = tpu.memref_slice %arg10[%squeeze3A_584, %dma_start3A_589] : memref<1000001x64xf32, #tpu.memory_space<hbm>> -> memref<1x64xf32, #tpu.memory_space<hbm>>
      %dma_start3A_591 = arith.constant 0 : i32
      %dma_start3A_592 = tpu.memref_slice %arg20[%dma_start3A_585, %add3A_582, %dma_start3A_591] : memref<2x64x64xf32, #tpu.memory_space<vmem>> -> memref<1x1x64xf32, #tpu.memory_space<vmem>>
      %dma_start3A_593 = tpu.memref_squeeze %dma_start3A_592 : memref<1x1x64xf32, #tpu.memory_space<vmem>> -> memref<1x64xf32, #tpu.memory_space<vmem>>
      %dma_start3A_594 = arith.constant 0 : i32
      %dma_start3A_595 = tpu.memref_slice %arg10[%squeeze3A_584, %dma_start3A_594] : memref<1000001x64xf32, #tpu.memory_space<hbm>> -> memref<1x64xf32, #tpu.memory_space<hbm>>
      tpu.enqueue_dma source(%dma_start3A_595 : memref<1x64xf32, #tpu.memory_space<hbm>>) target(%dma_start3A_593 : memref<1x64xf32, #tpu.memory_space<vmem>>) target_semaphore(%arg28 : memref<!tpu.dma_semaphore, #tpu.memory_space<semaphore_mem>>)
      %slice3A_596 = vector.extract_strided_slice %get3A_190 {offsets = [13], sizes = [1], strides = [1]} : vector<16xi32> to vector<1xi32>
      %squeeze3A_597 = vector.extract %slice3A_596[0] : i32 from vector<1xi32>
      %dma_start3A_598 = arith.constant 0 : i32
      %dma_start3A_599 = arith.constant 0 : i32
      %dma_start3A_600 = tpu.memref_slice %arg21[%dma_start3A_598, %add3A_582, %dma_start3A_599] : memref<2x64x64xf32, #tpu.memory_space<vmem>> -> memref<1x1x64xf32, #tpu.memory_space<vmem>>
      %dma_start3A_601 = tpu.memref_squeeze %dma_start3A_600 : memref<1x1x64xf32, #tpu.memory_space<vmem>> -> memref<1x64xf32, #tpu.memory_space<vmem>>
      %dma_start3A_602 = arith.constant 0 : i32
      %dma_start3A_603 = tpu.memref_slice %arg10[%squeeze3A_597, %dma_start3A_602] : memref<1000001x64xf32, #tpu.memory_space<hbm>> -> memref<1x64xf32, #tpu.memory_space<hbm>>
      %dma_start3A_604 = arith.constant 0 : i32
      %dma_start3A_605 = tpu.memref_slice %arg21[%dma_start3A_598, %add3A_582, %dma_start3A_604] : memref<2x64x64xf32, #tpu.memory_space<vmem>> -> memref<1x1x64xf32, #tpu.memory_space<vmem>>
      %dma_start3A_606 = tpu.memref_squeeze %dma_start3A_605 : memref<1x1x64xf32, #tpu.memory_space<vmem>> -> memref<1x64xf32, #tpu.memory_space<vmem>>
      %dma_start3A_607 = arith.constant 0 : i32
      %dma_start3A_608 = tpu.memref_slice %arg10[%squeeze3A_597, %dma_start3A_607] : memref<1000001x64xf32, #tpu.memory_space<hbm>> -> memref<1x64xf32, #tpu.memory_space<hbm>>
      tpu.enqueue_dma source(%dma_start3A_608 : memref<1x64xf32, #tpu.memory_space<hbm>>) target(%dma_start3A_606 : memref<1x64xf32, #tpu.memory_space<vmem>>) target_semaphore(%arg28 : memref<!tpu.dma_semaphore, #tpu.memory_space<semaphore_mem>>)
      %mul3A_609 = arith.constant 16 : i32
      %mul3A_610 = arith.muli %scan3A_181, %mul3A_609 : i32
      %add3A_611 = arith.constant 14 : i32
      %add3A_612 = arith.addi %mul3A_610, %add3A_611 : i32
      %slice3A_613 = vector.extract_strided_slice %get3A_186 {offsets = [14], sizes = [1], strides = [1]} : vector<16xi32> to vector<1xi32>
      %squeeze3A_614 = vector.extract %slice3A_613[0] : i32 from vector<1xi32>
      %dma_start3A_615 = arith.constant 0 : i32
      %dma_start3A_616 = arith.constant 0 : i32
      %dma_start3A_617 = tpu.memref_slice %arg20[%dma_start3A_615, %add3A_612, %dma_start3A_616] : memref<2x64x64xf32, #tpu.memory_space<vmem>> -> memref<1x1x64xf32, #tpu.memory_space<vmem>>
      %dma_start3A_618 = tpu.memref_squeeze %dma_start3A_617 : memref<1x1x64xf32, #tpu.memory_space<vmem>> -> memref<1x64xf32, #tpu.memory_space<vmem>>
      %dma_start3A_619 = arith.constant 0 : i32
      %dma_start3A_620 = tpu.memref_slice %arg10[%squeeze3A_614, %dma_start3A_619] : memref<1000001x64xf32, #tpu.memory_space<hbm>> -> memref<1x64xf32, #tpu.memory_space<hbm>>
      %dma_start3A_621 = arith.constant 0 : i32
      %dma_start3A_622 = tpu.memref_slice %arg20[%dma_start3A_615, %add3A_612, %dma_start3A_621] : memref<2x64x64xf32, #tpu.memory_space<vmem>> -> memref<1x1x64xf32, #tpu.memory_space<vmem>>
      %dma_start3A_623 = tpu.memref_squeeze %dma_start3A_622 : memref<1x1x64xf32, #tpu.memory_space<vmem>> -> memref<1x64xf32, #tpu.memory_space<vmem>>
      %dma_start3A_624 = arith.constant 0 : i32
      %dma_start3A_625 = tpu.memref_slice %arg10[%squeeze3A_614, %dma_start3A_624] : memref<1000001x64xf32, #tpu.memory_space<hbm>> -> memref<1x64xf32, #tpu.memory_space<hbm>>
      tpu.enqueue_dma source(%dma_start3A_625 : memref<1x64xf32, #tpu.memory_space<hbm>>) target(%dma_start3A_623 : memref<1x64xf32, #tpu.memory_space<vmem>>) target_semaphore(%arg28 : memref<!tpu.dma_semaphore, #tpu.memory_space<semaphore_mem>>)
      %slice3A_626 = vector.extract_strided_slice %get3A_190 {offsets = [14], sizes = [1], strides = [1]} : vector<16xi32> to vector<1xi32>
      %squeeze3A_627 = vector.extract %slice3A_626[0] : i32 from vector<1xi32>
      %dma_start3A_628 = arith.constant 0 : i32
      %dma_start3A_629 = arith.constant 0 : i32
      %dma_start3A_630 = tpu.memref_slice %arg21[%dma_start3A_628, %add3A_612, %dma_start3A_629] : memref<2x64x64xf32, #tpu.memory_space<vmem>> -> memref<1x1x64xf32, #tpu.memory_space<vmem>>
      %dma_start3A_631 = tpu.memref_squeeze %dma_start3A_630 : memref<1x1x64xf32, #tpu.memory_space<vmem>> -> memref<1x64xf32, #tpu.memory_space<vmem>>
      %dma_start3A_632 = arith.constant 0 : i32
      %dma_start3A_633 = tpu.memref_slice %arg10[%squeeze3A_627, %dma_start3A_632] : memref<1000001x64xf32, #tpu.memory_space<hbm>> -> memref<1x64xf32, #tpu.memory_space<hbm>>
      %dma_start3A_634 = arith.constant 0 : i32
      %dma_start3A_635 = tpu.memref_slice %arg21[%dma_start3A_628, %add3A_612, %dma_start3A_634] : memref<2x64x64xf32, #tpu.memory_space<vmem>> -> memref<1x1x64xf32, #tpu.memory_space<vmem>>
      %dma_start3A_636 = tpu.memref_squeeze %dma_start3A_635 : memref<1x1x64xf32, #tpu.memory_space<vmem>> -> memref<1x64xf32, #tpu.memory_space<vmem>>
      %dma_start3A_637 = arith.constant 0 : i32
      %dma_start3A_638 = tpu.memref_slice %arg10[%squeeze3A_627, %dma_start3A_637] : memref<1000001x64xf32, #tpu.memory_space<hbm>> -> memref<1x64xf32, #tpu.memory_space<hbm>>
      tpu.enqueue_dma source(%dma_start3A_638 : memref<1x64xf32, #tpu.memory_space<hbm>>) target(%dma_start3A_636 : memref<1x64xf32, #tpu.memory_space<vmem>>) target_semaphore(%arg28 : memref<!tpu.dma_semaphore, #tpu.memory_space<semaphore_mem>>)
      %mul3A_639 = arith.constant 16 : i32
      %mul3A_640 = arith.muli %scan3A_181, %mul3A_639 : i32
      %add3A_641 = arith.constant 15 : i32
      %add3A_642 = arith.addi %mul3A_640, %add3A_641 : i32
      %slice3A_643 = vector.extract_strided_slice %get3A_186 {offsets = [15], sizes = [1], strides = [1]} : vector<16xi32> to vector<1xi32>
      %squeeze3A_644 = vector.extract %slice3A_643[0] : i32 from vector<1xi32>
      %dma_start3A_645 = arith.constant 0 : i32
      %dma_start3A_646 = arith.constant 0 : i32
      %dma_start3A_647 = tpu.memref_slice %arg20[%dma_start3A_645, %add3A_642, %dma_start3A_646] : memref<2x64x64xf32, #tpu.memory_space<vmem>> -> memref<1x1x64xf32, #tpu.memory_space<vmem>>
      %dma_start3A_648 = tpu.memref_squeeze %dma_start3A_647 : memref<1x1x64xf32, #tpu.memory_space<vmem>> -> memref<1x64xf32, #tpu.memory_space<vmem>>
      %dma_start3A_649 = arith.constant 0 : i32
      %dma_start3A_650 = tpu.memref_slice %arg10[%squeeze3A_644, %dma_start3A_649] : memref<1000001x64xf32, #tpu.memory_space<hbm>> -> memref<1x64xf32, #tpu.memory_space<hbm>>
      %dma_start3A_651 = arith.constant 0 : i32
      %dma_start3A_652 = tpu.memref_slice %arg20[%dma_start3A_645, %add3A_642, %dma_start3A_651] : memref<2x64x64xf32, #tpu.memory_space<vmem>> -> memref<1x1x64xf32, #tpu.memory_space<vmem>>
      %dma_start3A_653 = tpu.memref_squeeze %dma_start3A_652 : memref<1x1x64xf32, #tpu.memory_space<vmem>> -> memref<1x64xf32, #tpu.memory_space<vmem>>
      %dma_start3A_654 = arith.constant 0 : i32
      %dma_start3A_655 = tpu.memref_slice %arg10[%squeeze3A_644, %dma_start3A_654] : memref<1000001x64xf32, #tpu.memory_space<hbm>> -> memref<1x64xf32, #tpu.memory_space<hbm>>
      tpu.enqueue_dma source(%dma_start3A_655 : memref<1x64xf32, #tpu.memory_space<hbm>>) target(%dma_start3A_653 : memref<1x64xf32, #tpu.memory_space<vmem>>) target_semaphore(%arg28 : memref<!tpu.dma_semaphore, #tpu.memory_space<semaphore_mem>>)
      %slice3A_656 = vector.extract_strided_slice %get3A_190 {offsets = [15], sizes = [1], strides = [1]} : vector<16xi32> to vector<1xi32>
      %squeeze3A_657 = vector.extract %slice3A_656[0] : i32 from vector<1xi32>
      %dma_start3A_658 = arith.constant 0 : i32
      %dma_start3A_659 = arith.constant 0 : i32
      %dma_start3A_660 = tpu.memref_slice %arg21[%dma_start3A_658, %add3A_642, %dma_start3A_659] : memref<2x64x64xf32, #tpu.memory_space<vmem>> -> memref<1x1x64xf32, #tpu.memory_space<vmem>>
      %dma_start3A_661 = tpu.memref_squeeze %dma_start3A_660 : memref<1x1x64xf32, #tpu.memory_space<vmem>> -> memref<1x64xf32, #tpu.memory_space<vmem>>
      %dma_start3A_662 = arith.constant 0 : i32
      %dma_start3A_663 = tpu.memref_slice %arg10[%squeeze3A_657, %dma_start3A_662] : memref<1000001x64xf32, #tpu.memory_space<hbm>> -> memref<1x64xf32, #tpu.memory_space<hbm>>
      %dma_start3A_664 = arith.constant 0 : i32
      %dma_start3A_665 = tpu.memref_slice %arg21[%dma_start3A_658, %add3A_642, %dma_start3A_664] : memref<2x64x64xf32, #tpu.memory_space<vmem>> -> memref<1x1x64xf32, #tpu.memory_space<vmem>>
      %dma_start3A_666 = tpu.memref_squeeze %dma_start3A_665 : memref<1x1x64xf32, #tpu.memory_space<vmem>> -> memref<1x64xf32, #tpu.memory_space<vmem>>
      %dma_start3A_667 = arith.constant 0 : i32
      %dma_start3A_668 = tpu.memref_slice %arg10[%squeeze3A_657, %dma_start3A_667] : memref<1000001x64xf32, #tpu.memory_space<hbm>> -> memref<1x64xf32, #tpu.memory_space<hbm>>
      tpu.enqueue_dma source(%dma_start3A_668 : memref<1x64xf32, #tpu.memory_space<hbm>>) target(%dma_start3A_666 : memref<1x64xf32, #tpu.memory_space<vmem>>) target_semaphore(%arg28 : memref<!tpu.dma_semaphore, #tpu.memory_space<semaphore_mem>>)
    }
    %scan3A_107 = arith.constant 4 : i32
    %add3A_108 = arith.constant 64 : i32
    %add3A_109 = arith.addi %mul3A_2, %add3A_108 : i32
    %dma_start3A_110 = arith.constant 1 : i32
    %dma_start3A_111 = arith.constant 0 : i32
    %dma_start3A_112 = tpu.memref_slice %arg13[%dma_start3A_110, %dma_start3A_111] : memref<2x64xi32, #tpu.memory_space<vmem>> -> memref<1x64xi32, #tpu.memory_space<vmem>>
    %dma_start3A_113 = tpu.memref_squeeze %dma_start3A_112 : memref<1x64xi32, #tpu.memory_space<vmem>> -> memref<64xi32, #tpu.memory_space<vmem>>
    %dma_start3A_114 = tpu.memref_slice %arg4[%add3A_109] : memref<81920xi32, #tpu.memory_space<hbm>> -> memref<64xi32, #tpu.memory_space<hbm>>
    %dma_start3A_115 = arith.constant 0 : i32
    %dma_start3A_116 = tpu.memref_slice %arg13[%dma_start3A_110, %dma_start3A_115] : memref<2x64xi32, #tpu.memory_space<vmem>> -> memref<1x64xi32, #tpu.memory_space<vmem>>
    %dma_start3A_117 = tpu.memref_squeeze %dma_start3A_116 : memref<1x64xi32, #tpu.memory_space<vmem>> -> memref<64xi32, #tpu.memory_space<vmem>>
    %dma_start3A_118 = tpu.memref_slice %arg4[%add3A_109] : memref<81920xi32, #tpu.memory_space<hbm>> -> memref<64xi32, #tpu.memory_space<hbm>>
    tpu.enqueue_dma source(%dma_start3A_118 : memref<64xi32, #tpu.memory_space<hbm>>) target(%dma_start3A_117 : memref<64xi32, #tpu.memory_space<vmem>>) target_semaphore(%arg26 : memref<!tpu.dma_semaphore, #tpu.memory_space<semaphore_mem>>)
    %dma_start3A_119 = arith.constant 1 : i32
    %dma_start3A_120 = arith.constant 0 : i32
    %dma_start3A_121 = tpu.memref_slice %arg14[%dma_start3A_119, %dma_start3A_120] : memref<2x64xi32, #tpu.memory_space<vmem>> -> memref<1x64xi32, #tpu.memory_space<vmem>>
    %dma_start3A_122 = tpu.memref_squeeze %dma_start3A_121 : memref<1x64xi32, #tpu.memory_space<vmem>> -> memref<64xi32, #tpu.memory_space<vmem>>
    %dma_start3A_123 = tpu.memref_slice %arg5[%add3A_109] : memref<81920xi32, #tpu.memory_space<hbm>> -> memref<64xi32, #tpu.memory_space<hbm>>
    %dma_start3A_124 = arith.constant 0 : i32
    %dma_start3A_125 = tpu.memref_slice %arg14[%dma_start3A_119, %dma_start3A_124] : memref<2x64xi32, #tpu.memory_space<vmem>> -> memref<1x64xi32, #tpu.memory_space<vmem>>
    %dma_start3A_126 = tpu.memref_squeeze %dma_start3A_125 : memref<1x64xi32, #tpu.memory_space<vmem>> -> memref<64xi32, #tpu.memory_space<vmem>>
    %dma_start3A_127 = tpu.memref_slice %arg5[%add3A_109] : memref<81920xi32, #tpu.memory_space<hbm>> -> memref<64xi32, #tpu.memory_space<hbm>>
    tpu.enqueue_dma source(%dma_start3A_127 : memref<64xi32, #tpu.memory_space<hbm>>) target(%dma_start3A_126 : memref<64xi32, #tpu.memory_space<vmem>>) target_semaphore(%arg26 : memref<!tpu.dma_semaphore, #tpu.memory_space<semaphore_mem>>)
    %dma_start3A_128 = arith.constant 1 : i32
    %dma_start3A_129 = arith.constant 0 : i32
    %dma_start3A_130 = tpu.memref_slice %arg15[%dma_start3A_128, %dma_start3A_129] : memref<2x64xi32, #tpu.memory_space<vmem>> -> memref<1x64xi32, #tpu.memory_space<vmem>>
    %dma_start3A_131 = tpu.memref_squeeze %dma_start3A_130 : memref<1x64xi32, #tpu.memory_space<vmem>> -> memref<64xi32, #tpu.memory_space<vmem>>
    %dma_start3A_132 = tpu.memref_slice %arg6[%add3A_109] : memref<81920xi32, #tpu.memory_space<hbm>> -> memref<64xi32, #tpu.memory_space<hbm>>
    %dma_start3A_133 = arith.constant 0 : i32
    %dma_start3A_134 = tpu.memref_slice %arg15[%dma_start3A_128, %dma_start3A_133] : memref<2x64xi32, #tpu.memory_space<vmem>> -> memref<1x64xi32, #tpu.memory_space<vmem>>
    %dma_start3A_135 = tpu.memref_squeeze %dma_start3A_134 : memref<1x64xi32, #tpu.memory_space<vmem>> -> memref<64xi32, #tpu.memory_space<vmem>>
    %dma_start3A_136 = tpu.memref_slice %arg6[%add3A_109] : memref<81920xi32, #tpu.memory_space<hbm>> -> memref<64xi32, #tpu.memory_space<hbm>>
    tpu.enqueue_dma source(%dma_start3A_136 : memref<64xi32, #tpu.memory_space<hbm>>) target(%dma_start3A_135 : memref<64xi32, #tpu.memory_space<vmem>>) target_semaphore(%arg26 : memref<!tpu.dma_semaphore, #tpu.memory_space<semaphore_mem>>)
    %dma_start3A_137 = arith.constant 1 : i32
    %dma_start3A_138 = arith.constant 0 : i32
    %dma_start3A_139 = tpu.memref_slice %arg16[%dma_start3A_137, %dma_start3A_138] : memref<2x64xi32, #tpu.memory_space<vmem>> -> memref<1x64xi32, #tpu.memory_space<vmem>>
    %dma_start3A_140 = tpu.memref_squeeze %dma_start3A_139 : memref<1x64xi32, #tpu.memory_space<vmem>> -> memref<64xi32, #tpu.memory_space<vmem>>
    %dma_start3A_141 = tpu.memref_slice %arg7[%add3A_109] : memref<81920xi32, #tpu.memory_space<hbm>> -> memref<64xi32, #tpu.memory_space<hbm>>
    %dma_start3A_142 = arith.constant 0 : i32
    %dma_start3A_143 = tpu.memref_slice %arg16[%dma_start3A_137, %dma_start3A_142] : memref<2x64xi32, #tpu.memory_space<vmem>> -> memref<1x64xi32, #tpu.memory_space<vmem>>
    %dma_start3A_144 = tpu.memref_squeeze %dma_start3A_143 : memref<1x64xi32, #tpu.memory_space<vmem>> -> memref<64xi32, #tpu.memory_space<vmem>>
    %dma_start3A_145 = tpu.memref_slice %arg7[%add3A_109] : memref<81920xi32, #tpu.memory_space<hbm>> -> memref<64xi32, #tpu.memory_space<hbm>>
    tpu.enqueue_dma source(%dma_start3A_145 : memref<64xi32, #tpu.memory_space<hbm>>) target(%dma_start3A_144 : memref<64xi32, #tpu.memory_space<vmem>>) target_semaphore(%arg26 : memref<!tpu.dma_semaphore, #tpu.memory_space<semaphore_mem>>)
    %dma_start3A_146 = arith.constant 1 : i32
    %dma_start3A_147 = arith.constant 0 : i32
    %dma_start3A_148 = tpu.memref_slice %arg17[%dma_start3A_146, %dma_start3A_147] : memref<2x64xf32, #tpu.memory_space<vmem>> -> memref<1x64xf32, #tpu.memory_space<vmem>>
    %dma_start3A_149 = tpu.memref_squeeze %dma_start3A_148 : memref<1x64xf32, #tpu.memory_space<vmem>> -> memref<64xf32, #tpu.memory_space<vmem>>
    %dma_start3A_150 = tpu.memref_slice %arg8[%add3A_109] : memref<81920xf32, #tpu.memory_space<hbm>> -> memref<64xf32, #tpu.memory_space<hbm>>
    %dma_start3A_151 = arith.constant 0 : i32
    %dma_start3A_152 = tpu.memref_slice %arg17[%dma_start3A_146, %dma_start3A_151] : memref<2x64xf32, #tpu.memory_space<vmem>> -> memref<1x64xf32, #tpu.memory_space<vmem>>
    %dma_start3A_153 = tpu.memref_squeeze %dma_start3A_152 : memref<1x64xf32, #tpu.memory_space<vmem>> -> memref<64xf32, #tpu.memory_space<vmem>>
    %dma_start3A_154 = tpu.memref_slice %arg8[%add3A_109] : memref<81920xf32, #tpu.memory_space<hbm>> -> memref<64xf32, #tpu.memory_space<hbm>>
    tpu.enqueue_dma source(%dma_start3A_154 : memref<64xf32, #tpu.memory_space<hbm>>) target(%dma_start3A_153 : memref<64xf32, #tpu.memory_space<vmem>>) target_semaphore(%arg26 : memref<!tpu.dma_semaphore, #tpu.memory_space<semaphore_mem>>)
    %add3A_155 = arith.constant 0 : i32
    %add3A_156 = arith.addi %mul3A_2, %add3A_155 : i32
    %dma_start3A_157 = arith.constant 0 : i32
    %dma_start3A_158 = tpu.memref_slice %arg2[%add3A_156, %dma_start3A_157] : memref<81920x64xf32, #tpu.memory_space<hbm>> -> memref<64x64xf32, #tpu.memory_space<hbm>>
    %dma_start3A_159 = arith.constant 0 : i32
    %dma_start3A_160 = tpu.memref_slice %arg2[%add3A_156, %dma_start3A_159] : memref<81920x64xf32, #tpu.memory_space<hbm>> -> memref<64x64xf32, #tpu.memory_space<hbm>>
    tpu.enqueue_dma source(%dma_start3A_160 : memref<64x64xf32, #tpu.memory_space<hbm>>) target(%arg18 : memref<64x64xf32, #tpu.memory_space<vmem>>) target_semaphore(%arg27 : memref<!tpu.dma_semaphore, #tpu.memory_space<semaphore_mem>>)
    %dma_start3A_161 = arith.constant 0 : i32
    %dma_start3A_162 = tpu.memref_slice %arg3[%add3A_156, %dma_start3A_161] : memref<81920x64xf32, #tpu.memory_space<hbm>> -> memref<64x64xf32, #tpu.memory_space<hbm>>
    %dma_start3A_163 = arith.constant 0 : i32
    %dma_start3A_164 = tpu.memref_slice %arg3[%add3A_156, %dma_start3A_163] : memref<81920x64xf32, #tpu.memory_space<hbm>> -> memref<64x64xf32, #tpu.memory_space<hbm>>
    tpu.enqueue_dma source(%dma_start3A_164 : memref<64x64xf32, #tpu.memory_space<hbm>>) target(%arg19 : memref<64x64xf32, #tpu.memory_space<vmem>>) target_semaphore(%arg27 : memref<!tpu.dma_semaphore, #tpu.memory_space<semaphore_mem>>)
    %scan3A_165 = arith.constant 0 : i32
    %scan3A_166 = arith.constant 0 : i32
    %scan3A_167 = arith.constant 40 : i32
    %scan3A_168 = arith.addi %scan3A_166, %scan3A_167 : i32
    %scan3A_169 = arith.constant 1 : i32
    scf.for %scan3A_181 = %scan3A_166 to %scan3A_168 step %scan3A_169  : i32 {
      %rem3A = arith.constant 2 : i32
      %rem3A_182 = arith.remsi %scan3A_181, %rem3A : i32
      %mul3A_183 = arith.constant 64 : i32
      %mul3A_184 = arith.muli %scan3A_181, %mul3A_183 : i32
      %add3A_185 = arith.addi %mul3A_2, %mul3A_184 : i32
      %gt3A = arith.constant 0 : i32
      %gt3A_186 = arith.cmpi sgt, %scan3A_181, %gt3A : i32
      %convert_element_type3A = arith.extui %gt3A_186 : i1 to i32
      %cond3A = arith.constant 0 : i32
      %cond3A_187 = arith.cmpi ne, %convert_element_type3A, %cond3A : i32
      scf.if %cond3A_187 {
        %dma_wait3A_243 = arith.constant 0 : i32
        %dma_wait3A_244 = arith.constant 0 : i32
        %dma_wait3A_245 = tpu.memref_slice %arg12[%dma_wait3A_243, %dma_wait3A_244] : memref<81920x64xf32, #tpu.memory_space<hbm>> -> memref<64x64xf32, #tpu.memory_space<hbm>>
        %dma_wait3A_246 = arith.constant 0 : i32
        %dma_wait3A_247 = arith.constant 0 : i32
        %dma_wait3A_248 = tpu.memref_slice %arg12[%dma_wait3A_246, %dma_wait3A_247] : memref<81920x64xf32, #tpu.memory_space<hbm>> -> memref<64x64xf32, #tpu.memory_space<hbm>>
        tpu.wait_dma2 semaphore(%arg29 : memref<!tpu.dma_semaphore, #tpu.memory_space<semaphore_mem>>) src(%dma_wait3A_248 : memref<64x64xf32, #tpu.memory_space<hbm>>) dst(%arg22 : memref<64x64xf32, #tpu.memory_space<vmem>>)
      } else {
      }
      %scan3A_188 = arith.constant 0 : i32
      %scan3A_189 = arith.constant 0 : i32
      %scan3A_190 = arith.constant 128 : i32
      %scan3A_191 = arith.addi %scan3A_189, %scan3A_190 : i32
      %scan3A_192 = arith.constant 1 : i32
      scf.for %scan3A_243 = %scan3A_189 to %scan3A_191 step %scan3A_192  : i32 {
        %dma_wait3A_244 = arith.constant 0 : i32
        %dma_wait3A_245 = arith.constant 0 : i32
        %dma_wait3A_246 = arith.constant 0 : i32
        %dma_wait3A_247 = tpu.memref_slice %arg20[%dma_wait3A_244, %dma_wait3A_245, %dma_wait3A_246] : memref<2x64x64xf32, #tpu.memory_space<vmem>> -> memref<1x1x64xf32, #tpu.memory_space<vmem>>
        %dma_wait3A_248 = tpu.memref_squeeze %dma_wait3A_247 : memref<1x1x64xf32, #tpu.memory_space<vmem>> -> memref<1x64xf32, #tpu.memory_space<vmem>>
        %dma_wait3A_249 = arith.constant 0 : i32
        %dma_wait3A_250 = arith.constant 0 : i32
        %dma_wait3A_251 = tpu.memref_slice %arg10[%dma_wait3A_249, %dma_wait3A_250] : memref<1000001x64xf32, #tpu.memory_space<hbm>> -> memref<1x64xf32, #tpu.memory_space<hbm>>
        %dma_wait3A_252 = arith.constant 0 : i32
        %dma_wait3A_253 = arith.constant 0 : i32
        %dma_wait3A_254 = tpu.memref_slice %arg20[%dma_wait3A_244, %dma_wait3A_252, %dma_wait3A_253] : memref<2x64x64xf32, #tpu.memory_space<vmem>> -> memref<1x1x64xf32, #tpu.memory_space<vmem>>
        %dma_wait3A_255 = tpu.memref_squeeze %dma_wait3A_254 : memref<1x1x64xf32, #tpu.memory_space<vmem>> -> memref<1x64xf32, #tpu.memory_space<vmem>>
        %dma_wait3A_256 = arith.constant 0 : i32
        %dma_wait3A_257 = arith.constant 0 : i32
        %dma_wait3A_258 = tpu.memref_slice %arg10[%dma_wait3A_256, %dma_wait3A_257] : memref<1000001x64xf32, #tpu.memory_space<hbm>> -> memref<1x64xf32, #tpu.memory_space<hbm>>
        tpu.wait_dma2 semaphore(%arg28 : memref<!tpu.dma_semaphore, #tpu.memory_space<semaphore_mem>>) src(%dma_wait3A_258 : memref<1x64xf32, #tpu.memory_space<hbm>>) dst(%dma_wait3A_255 : memref<1x64xf32, #tpu.memory_space<vmem>>)
      }
      %scan3A_193 = arith.constant 128 : i32
      %add3A_194 = arith.constant 1 : i32
      %add3A_195 = arith.addi %scan3A_181, %add3A_194 : i32
      %lt3A = arith.constant 40 : i32
      %lt3A_196 = arith.cmpi slt, %add3A_195, %lt3A : i32
      %convert_element_type3A_197 = arith.extui %lt3A_196 : i1 to i32
      %cond3A_198 = arith.constant 0 : i32
      %cond3A_199 = arith.cmpi ne, %convert_element_type3A_197, %cond3A_198 : i32
      scf.if %cond3A_199 {
        %dma_wait3A_243 = arith.constant 0 : i32
        %dma_wait3A_244 = arith.constant 0 : i32
        %dma_wait3A_245 = tpu.memref_slice %arg13[%dma_wait3A_243, %dma_wait3A_244] : memref<2x64xi32, #tpu.memory_space<vmem>> -> memref<1x64xi32, #tpu.memory_space<vmem>>
        %dma_wait3A_246 = tpu.memref_squeeze %dma_wait3A_245 : memref<1x64xi32, #tpu.memory_space<vmem>> -> memref<64xi32, #tpu.memory_space<vmem>>
        %dma_wait3A_247 = arith.constant 0 : i32
        %dma_wait3A_248 = tpu.memref_slice %arg4[%dma_wait3A_247] : memref<81920xi32, #tpu.memory_space<hbm>> -> memref<64xi32, #tpu.memory_space<hbm>>
        %dma_wait3A_249 = arith.constant 0 : i32
        %dma_wait3A_250 = tpu.memref_slice %arg13[%dma_wait3A_243, %dma_wait3A_249] : memref<2x64xi32, #tpu.memory_space<vmem>> -> memref<1x64xi32, #tpu.memory_space<vmem>>
        %dma_wait3A_251 = tpu.memref_squeeze %dma_wait3A_250 : memref<1x64xi32, #tpu.memory_space<vmem>> -> memref<64xi32, #tpu.memory_space<vmem>>
        %dma_wait3A_252 = arith.constant 0 : i32
        %dma_wait3A_253 = tpu.memref_slice %arg4[%dma_wait3A_252] : memref<81920xi32, #tpu.memory_space<hbm>> -> memref<64xi32, #tpu.memory_space<hbm>>
        tpu.wait_dma2 semaphore(%arg26 : memref<!tpu.dma_semaphore, #tpu.memory_space<semaphore_mem>>) src(%dma_wait3A_253 : memref<64xi32, #tpu.memory_space<hbm>>) dst(%dma_wait3A_251 : memref<64xi32, #tpu.memory_space<vmem>>)
        %dma_wait3A_254 = arith.constant 0 : i32
        %dma_wait3A_255 = arith.constant 0 : i32
        %dma_wait3A_256 = tpu.memref_slice %arg13[%dma_wait3A_254, %dma_wait3A_255] : memref<2x64xi32, #tpu.memory_space<vmem>> -> memref<1x64xi32, #tpu.memory_space<vmem>>
        %dma_wait3A_257 = tpu.memref_squeeze %dma_wait3A_256 : memref<1x64xi32, #tpu.memory_space<vmem>> -> memref<64xi32, #tpu.memory_space<vmem>>
        %dma_wait3A_258 = arith.constant 0 : i32
        %dma_wait3A_259 = tpu.memref_slice %arg4[%dma_wait3A_258] : memref<81920xi32, #tpu.memory_space<hbm>> -> memref<64xi32, #tpu.memory_space<hbm>>
        %dma_wait3A_260 = arith.constant 0 : i32
        %dma_wait3A_261 = tpu.memref_slice %arg13[%dma_wait3A_254, %dma_wait3A_260] : memref<2x64xi32, #tpu.memory_space<vmem>> -> memref<1x64xi32, #tpu.memory_space<vmem>>
        %dma_wait3A_262 = tpu.memref_squeeze %dma_wait3A_261 : memref<1x64xi32, #tpu.memory_space<vmem>> -> memref<64xi32, #tpu.memory_space<vmem>>
        %dma_wait3A_263 = arith.constant 0 : i32
        %dma_wait3A_264 = tpu.memref_slice %arg4[%dma_wait3A_263] : memref<81920xi32, #tpu.memory_space<hbm>> -> memref<64xi32, #tpu.memory_space<hbm>>
        tpu.wait_dma2 semaphore(%arg26 : memref<!tpu.dma_semaphore, #tpu.memory_space<semaphore_mem>>) src(%dma_wait3A_264 : memref<64xi32, #tpu.memory_space<hbm>>) dst(%dma_wait3A_262 : memref<64xi32, #tpu.memory_space<vmem>>)
        %dma_wait3A_265 = arith.constant 0 : i32
        %dma_wait3A_266 = arith.constant 0 : i32
        %dma_wait3A_267 = tpu.memref_slice %arg13[%dma_wait3A_265, %dma_wait3A_266] : memref<2x64xi32, #tpu.memory_space<vmem>> -> memref<1x64xi32, #tpu.memory_space<vmem>>
        %dma_wait3A_268 = tpu.memref_squeeze %dma_wait3A_267 : memref<1x64xi32, #tpu.memory_space<vmem>> -> memref<64xi32, #tpu.memory_space<vmem>>
        %dma_wait3A_269 = arith.constant 0 : i32
        %dma_wait3A_270 = tpu.memref_slice %arg4[%dma_wait3A_269] : memref<81920xi32, #tpu.memory_space<hbm>> -> memref<64xi32, #tpu.memory_space<hbm>>
        %dma_wait3A_271 = arith.constant 0 : i32
        %dma_wait3A_272 = tpu.memref_slice %arg13[%dma_wait3A_265, %dma_wait3A_271] : memref<2x64xi32, #tpu.memory_space<vmem>> -> memref<1x64xi32, #tpu.memory_space<vmem>>
        %dma_wait3A_273 = tpu.memref_squeeze %dma_wait3A_272 : memref<1x64xi32, #tpu.memory_space<vmem>> -> memref<64xi32, #tpu.memory_space<vmem>>
        %dma_wait3A_274 = arith.constant 0 : i32
        %dma_wait3A_275 = tpu.memref_slice %arg4[%dma_wait3A_274] : memref<81920xi32, #tpu.memory_space<hbm>> -> memref<64xi32, #tpu.memory_space<hbm>>
        tpu.wait_dma2 semaphore(%arg26 : memref<!tpu.dma_semaphore, #tpu.memory_space<semaphore_mem>>) src(%dma_wait3A_275 : memref<64xi32, #tpu.memory_space<hbm>>) dst(%dma_wait3A_273 : memref<64xi32, #tpu.memory_space<vmem>>)
        %dma_wait3A_276 = arith.constant 0 : i32
        %dma_wait3A_277 = arith.constant 0 : i32
        %dma_wait3A_278 = tpu.memref_slice %arg13[%dma_wait3A_276, %dma_wait3A_277] : memref<2x64xi32, #tpu.memory_space<vmem>> -> memref<1x64xi32, #tpu.memory_space<vmem>>
        %dma_wait3A_279 = tpu.memref_squeeze %dma_wait3A_278 : memref<1x64xi32, #tpu.memory_space<vmem>> -> memref<64xi32, #tpu.memory_space<vmem>>
        %dma_wait3A_280 = arith.constant 0 : i32
        %dma_wait3A_281 = tpu.memref_slice %arg4[%dma_wait3A_280] : memref<81920xi32, #tpu.memory_space<hbm>> -> memref<64xi32, #tpu.memory_space<hbm>>
        %dma_wait3A_282 = arith.constant 0 : i32
        %dma_wait3A_283 = tpu.memref_slice %arg13[%dma_wait3A_276, %dma_wait3A_282] : memref<2x64xi32, #tpu.memory_space<vmem>> -> memref<1x64xi32, #tpu.memory_space<vmem>>
        %dma_wait3A_284 = tpu.memref_squeeze %dma_wait3A_283 : memref<1x64xi32, #tpu.memory_space<vmem>> -> memref<64xi32, #tpu.memory_space<vmem>>
        %dma_wait3A_285 = arith.constant 0 : i32
        %dma_wait3A_286 = tpu.memref_slice %arg4[%dma_wait3A_285] : memref<81920xi32, #tpu.memory_space<hbm>> -> memref<64xi32, #tpu.memory_space<hbm>>
        tpu.wait_dma2 semaphore(%arg26 : memref<!tpu.dma_semaphore, #tpu.memory_space<semaphore_mem>>) src(%dma_wait3A_286 : memref<64xi32, #tpu.memory_space<hbm>>) dst(%dma_wait3A_284 : memref<64xi32, #tpu.memory_space<vmem>>)
        %dma_wait3A_287 = arith.constant 0 : i32
        %dma_wait3A_288 = arith.constant 0 : i32
        %dma_wait3A_289 = tpu.memref_slice %arg17[%dma_wait3A_287, %dma_wait3A_288] : memref<2x64xf32, #tpu.memory_space<vmem>> -> memref<1x64xf32, #tpu.memory_space<vmem>>
        %dma_wait3A_290 = tpu.memref_squeeze %dma_wait3A_289 : memref<1x64xf32, #tpu.memory_space<vmem>> -> memref<64xf32, #tpu.memory_space<vmem>>
        %dma_wait3A_291 = arith.constant 0 : i32
        %dma_wait3A_292 = tpu.memref_slice %arg8[%dma_wait3A_291] : memref<81920xf32, #tpu.memory_space<hbm>> -> memref<64xf32, #tpu.memory_space<hbm>>
        %dma_wait3A_293 = arith.constant 0 : i32
        %dma_wait3A_294 = tpu.memref_slice %arg17[%dma_wait3A_287, %dma_wait3A_293] : memref<2x64xf32, #tpu.memory_space<vmem>> -> memref<1x64xf32, #tpu.memory_space<vmem>>
        %dma_wait3A_295 = tpu.memref_squeeze %dma_wait3A_294 : memref<1x64xf32, #tpu.memory_space<vmem>> -> memref<64xf32, #tpu.memory_space<vmem>>
        %dma_wait3A_296 = arith.constant 0 : i32
        %dma_wait3A_297 = tpu.memref_slice %arg8[%dma_wait3A_296] : memref<81920xf32, #tpu.memory_space<hbm>> -> memref<64xf32, #tpu.memory_space<hbm>>
        tpu.wait_dma2 semaphore(%arg26 : memref<!tpu.dma_semaphore, #tpu.memory_space<semaphore_mem>>) src(%dma_wait3A_297 : memref<64xf32, #tpu.memory_space<hbm>>) dst(%dma_wait3A_295 : memref<64xf32, #tpu.memory_space<vmem>>)
      } else {
      }
      %add3A_200 = arith.constant 1 : i32
      %add3A_201 = arith.addi %scan3A_181, %add3A_200 : i32
      %lt3A_202 = arith.constant 40 : i32
      %lt3A_203 = arith.cmpi slt, %add3A_201, %lt3A_202 : i32
      %convert_element_type3A_204 = arith.extui %lt3A_203 : i1 to i32
      %cond3A_205 = arith.constant 0 : i32
      %cond3A_206 = arith.cmpi ne, %convert_element_type3A_204, %cond3A_205 : i32
      scf.if %cond3A_206 {
        %scan3A_243 = arith.constant 0 : i32
        %scan3A_244 = arith.constant 0 : i32
        %scan3A_245 = arith.constant 4 : i32
        %scan3A_246 = arith.addi %scan3A_244, %scan3A_245 : i32
        %scan3A_247 = arith.constant 1 : i32
        scf.for %scan3A_249 = %scan3A_244 to %scan3A_246 step %scan3A_247  : i32 {
          %sub3A = arith.constant 1 : i32
          %sub3A_250 = arith.subi %sub3A, %rem3A_182 : i32
          %mul3A_251 = arith.constant 16 : i32
          %mul3A_252 = arith.muli %scan3A_249, %mul3A_251 : i32
          %get3A = arith.index_cast %sub3A_250 : i32 to index
          %get3A_253 = arith.index_cast %mul3A_252 : i32 to index
          %get3A_254 = tpu.vector_load %arg13[%get3A, %get3A_253] {strides = array<i32>} : memref<2x64xi32, #tpu.memory_space<vmem>>, vector<16xi32>,
          %get3A_255 = arith.index_cast %sub3A_250 : i32 to index
          %get3A_256 = arith.index_cast %mul3A_252 : i32 to index
          %get3A_257 = tpu.vector_load %arg14[%get3A_255, %get3A_256] {strides = array<i32>} : memref<2x64xi32, #tpu.memory_space<vmem>>, vector<16xi32>,
          %mul3A_258 = arith.constant 16 : i32
          %mul3A_259 = arith.muli %scan3A_249, %mul3A_258 : i32
          %add3A_260 = arith.constant 0 : i32
          %add3A_261 = arith.addi %mul3A_259, %add3A_260 : i32
          %slice3A = vector.extract_strided_slice %get3A_254 {offsets = [0], sizes = [1], strides = [1]} : vector<16xi32> to vector<1xi32>
          %squeeze3A = vector.extract %slice3A[0] : i32 from vector<1xi32>
          %dma_start3A_262 = arith.constant 0 : i32
          %dma_start3A_263 = tpu.memref_slice %arg20[%sub3A_250, %add3A_261, %dma_start3A_262] : memref<2x64x64xf32, #tpu.memory_space<vmem>> -> memref<1x1x64xf32, #tpu.memory_space<vmem>>
          %dma_start3A_264 = tpu.memref_squeeze %dma_start3A_263 : memref<1x1x64xf32, #tpu.memory_space<vmem>> -> memref<1x64xf32, #tpu.memory_space<vmem>>
          %dma_start3A_265 = arith.constant 0 : i32
          %dma_start3A_266 = tpu.memref_slice %arg10[%squeeze3A, %dma_start3A_265] : memref<1000001x64xf32, #tpu.memory_space<hbm>> -> memref<1x64xf32, #tpu.memory_space<hbm>>
          %dma_start3A_267 = arith.constant 0 : i32
          %dma_start3A_268 = tpu.memref_slice %arg20[%sub3A_250, %add3A_261, %dma_start3A_267] : memref<2x64x64xf32, #tpu.memory_space<vmem>> -> memref<1x1x64xf32, #tpu.memory_space<vmem>>
          %dma_start3A_269 = tpu.memref_squeeze %dma_start3A_268 : memref<1x1x64xf32, #tpu.memory_space<vmem>> -> memref<1x64xf32, #tpu.memory_space<vmem>>
          %dma_start3A_270 = arith.constant 0 : i32
          %dma_start3A_271 = tpu.memref_slice %arg10[%squeeze3A, %dma_start3A_270] : memref<1000001x64xf32, #tpu.memory_space<hbm>> -> memref<1x64xf32, #tpu.memory_space<hbm>>
          tpu.enqueue_dma source(%dma_start3A_271 : memref<1x64xf32, #tpu.memory_space<hbm>>) target(%dma_start3A_269 : memref<1x64xf32, #tpu.memory_space<vmem>>) target_semaphore(%arg28 : memref<!tpu.dma_semaphore, #tpu.memory_space<semaphore_mem>>)
          %slice3A_272 = vector.extract_strided_slice %get3A_257 {offsets = [0], sizes = [1], strides = [1]} : vector<16xi32> to vector<1xi32>
          %squeeze3A_273 = vector.extract %slice3A_272[0] : i32 from vector<1xi32>
          %dma_start3A_274 = arith.constant 0 : i32
          %dma_start3A_275 = tpu.memref_slice %arg21[%sub3A_250, %add3A_261, %dma_start3A_274] : memref<2x64x64xf32, #tpu.memory_space<vmem>> -> memref<1x1x64xf32, #tpu.memory_space<vmem>>
          %dma_start3A_276 = tpu.memref_squeeze %dma_start3A_275 : memref<1x1x64xf32, #tpu.memory_space<vmem>> -> memref<1x64xf32, #tpu.memory_space<vmem>>
          %dma_start3A_277 = arith.constant 0 : i32
          %dma_start3A_278 = tpu.memref_slice %arg10[%squeeze3A_273, %dma_start3A_277] : memref<1000001x64xf32, #tpu.memory_space<hbm>> -> memref<1x64xf32, #tpu.memory_space<hbm>>
          %dma_start3A_279 = arith.constant 0 : i32
          %dma_start3A_280 = tpu.memref_slice %arg21[%sub3A_250, %add3A_261, %dma_start3A_279] : memref<2x64x64xf32, #tpu.memory_space<vmem>> -> memref<1x1x64xf32, #tpu.memory_space<vmem>>
          %dma_start3A_281 = tpu.memref_squeeze %dma_start3A_280 : memref<1x1x64xf32, #tpu.memory_space<vmem>> -> memref<1x64xf32, #tpu.memory_space<vmem>>
          %dma_start3A_282 = arith.constant 0 : i32
          %dma_start3A_283 = tpu.memref_slice %arg10[%squeeze3A_273, %dma_start3A_282] : memref<1000001x64xf32, #tpu.memory_space<hbm>> -> memref<1x64xf32, #tpu.memory_space<hbm>>
          tpu.enqueue_dma source(%dma_start3A_283 : memref<1x64xf32, #tpu.memory_space<hbm>>) target(%dma_start3A_281 : memref<1x64xf32, #tpu.memory_space<vmem>>) target_semaphore(%arg28 : memref<!tpu.dma_semaphore, #tpu.memory_space<semaphore_mem>>)
          %mul3A_284 = arith.constant 16 : i32
          %mul3A_285 = arith.muli %scan3A_249, %mul3A_284 : i32
          %add3A_286 = arith.constant 1 : i32
          %add3A_287 = arith.addi %mul3A_285, %add3A_286 : i32
          %slice3A_288 = vector.extract_strided_slice %get3A_254 {offsets = [1], sizes = [1], strides = [1]} : vector<16xi32> to vector<1xi32>
          %squeeze3A_289 = vector.extract %slice3A_288[0] : i32 from vector<1xi32>
          %dma_start3A_290 = arith.constant 0 : i32
          %dma_start3A_291 = tpu.memref_slice %arg20[%sub3A_250, %add3A_287, %dma_start3A_290] : memref<2x64x64xf32, #tpu.memory_space<vmem>> -> memref<1x1x64xf32, #tpu.memory_space<vmem>>
          %dma_start3A_292 = tpu.memref_squeeze %dma_start3A_291 : memref<1x1x64xf32, #tpu.memory_space<vmem>> -> memref<1x64xf32, #tpu.memory_space<vmem>>
          %dma_start3A_293 = arith.constant 0 : i32
          %dma_start3A_294 = tpu.memref_slice %arg10[%squeeze3A_289, %dma_start3A_293] : memref<1000001x64xf32, #tpu.memory_space<hbm>> -> memref<1x64xf32, #tpu.memory_space<hbm>>
          %dma_start3A_295 = arith.constant 0 : i32
          %dma_start3A_296 = tpu.memref_slice %arg20[%sub3A_250, %add3A_287, %dma_start3A_295] : memref<2x64x64xf32, #tpu.memory_space<vmem>> -> memref<1x1x64xf32, #tpu.memory_space<vmem>>
          %dma_start3A_297 = tpu.memref_squeeze %dma_start3A_296 : memref<1x1x64xf32, #tpu.memory_space<vmem>> -> memref<1x64xf32, #tpu.memory_space<vmem>>
          %dma_start3A_298 = arith.constant 0 : i32
          %dma_start3A_299 = tpu.memref_slice %arg10[%squeeze3A_289, %dma_start3A_298] : memref<1000001x64xf32, #tpu.memory_space<hbm>> -> memref<1x64xf32, #tpu.memory_space<hbm>>
          tpu.enqueue_dma source(%dma_start3A_299 : memref<1x64xf32, #tpu.memory_space<hbm>>) target(%dma_start3A_297 : memref<1x64xf32, #tpu.memory_space<vmem>>) target_semaphore(%arg28 : memref<!tpu.dma_semaphore, #tpu.memory_space<semaphore_mem>>)
          %slice3A_300 = vector.extract_strided_slice %get3A_257 {offsets = [1], sizes = [1], strides = [1]} : vector<16xi32> to vector<1xi32>
          %squeeze3A_301 = vector.extract %slice3A_300[0] : i32 from vector<1xi32>
          %dma_start3A_302 = arith.constant 0 : i32
          %dma_start3A_303 = tpu.memref_slice %arg21[%sub3A_250, %add3A_287, %dma_start3A_302] : memref<2x64x64xf32, #tpu.memory_space<vmem>> -> memref<1x1x64xf32, #tpu.memory_space<vmem>>
          %dma_start3A_304 = tpu.memref_squeeze %dma_start3A_303 : memref<1x1x64xf32, #tpu.memory_space<vmem>> -> memref<1x64xf32, #tpu.memory_space<vmem>>
          %dma_start3A_305 = arith.constant 0 : i32
          %dma_start3A_306 = tpu.memref_slice %arg10[%squeeze3A_301, %dma_start3A_305] : memref<1000001x64xf32, #tpu.memory_space<hbm>> -> memref<1x64xf32, #tpu.memory_space<hbm>>
          %dma_start3A_307 = arith.constant 0 : i32
          %dma_start3A_308 = tpu.memref_slice %arg21[%sub3A_250, %add3A_287, %dma_start3A_307] : memref<2x64x64xf32, #tpu.memory_space<vmem>> -> memref<1x1x64xf32, #tpu.memory_space<vmem>>
          %dma_start3A_309 = tpu.memref_squeeze %dma_start3A_308 : memref<1x1x64xf32, #tpu.memory_space<vmem>> -> memref<1x64xf32, #tpu.memory_space<vmem>>
          %dma_start3A_310 = arith.constant 0 : i32
          %dma_start3A_311 = tpu.memref_slice %arg10[%squeeze3A_301, %dma_start3A_310] : memref<1000001x64xf32, #tpu.memory_space<hbm>> -> memref<1x64xf32, #tpu.memory_space<hbm>>
          tpu.enqueue_dma source(%dma_start3A_311 : memref<1x64xf32, #tpu.memory_space<hbm>>) target(%dma_start3A_309 : memref<1x64xf32, #tpu.memory_space<vmem>>) target_semaphore(%arg28 : memref<!tpu.dma_semaphore, #tpu.memory_space<semaphore_mem>>)
          %mul3A_312 = arith.constant 16 : i32
          %mul3A_313 = arith.muli %scan3A_249, %mul3A_312 : i32
          %add3A_314 = arith.constant 2 : i32
          %add3A_315 = arith.addi %mul3A_313, %add3A_314 : i32
          %slice3A_316 = vector.extract_strided_slice %get3A_254 {offsets = [2], sizes = [1], strides = [1]} : vector<16xi32> to vector<1xi32>
          %squeeze3A_317 = vector.extract %slice3A_316[0] : i32 from vector<1xi32>
          %dma_start3A_318 = arith.constant 0 : i32
          %dma_start3A_319 = tpu.memref_slice %arg20[%sub3A_250, %add3A_315, %dma_start3A_318] : memref<2x64x64xf32, #tpu.memory_space<vmem>> -> memref<1x1x64xf32, #tpu.memory_space<vmem>>
          %dma_start3A_320 = tpu.memref_squeeze %dma_start3A_319 : memref<1x1x64xf32, #tpu.memory_space<vmem>> -> memref<1x64xf32, #tpu.memory_space<vmem>>
          %dma_start3A_321 = arith.constant 0 : i32
          %dma_start3A_322 = tpu.memref_slice %arg10[%squeeze3A_317, %dma_start3A_321] : memref<1000001x64xf32, #tpu.memory_space<hbm>> -> memref<1x64xf32, #tpu.memory_space<hbm>>
          %dma_start3A_323 = arith.constant 0 : i32
          %dma_start3A_324 = tpu.memref_slice %arg20[%sub3A_250, %add3A_315, %dma_start3A_323] : memref<2x64x64xf32, #tpu.memory_space<vmem>> -> memref<1x1x64xf32, #tpu.memory_space<vmem>>
          %dma_start3A_325 = tpu.memref_squeeze %dma_start3A_324 : memref<1x1x64xf32, #tpu.memory_space<vmem>> -> memref<1x64xf32, #tpu.memory_space<vmem>>
          %dma_start3A_326 = arith.constant 0 : i32
          %dma_start3A_327 = tpu.memref_slice %arg10[%squeeze3A_317, %dma_start3A_326] : memref<1000001x64xf32, #tpu.memory_space<hbm>> -> memref<1x64xf32, #tpu.memory_space<hbm>>
          tpu.enqueue_dma source(%dma_start3A_327 : memref<1x64xf32, #tpu.memory_space<hbm>>) target(%dma_start3A_325 : memref<1x64xf32, #tpu.memory_space<vmem>>) target_semaphore(%arg28 : memref<!tpu.dma_semaphore, #tpu.memory_space<semaphore_mem>>)
          %slice3A_328 = vector.extract_strided_slice %get3A_257 {offsets = [2], sizes = [1], strides = [1]} : vector<16xi32> to vector<1xi32>
          %squeeze3A_329 = vector.extract %slice3A_328[0] : i32 from vector<1xi32>
          %dma_start3A_330 = arith.constant 0 : i32
          %dma_start3A_331 = tpu.memref_slice %arg21[%sub3A_250, %add3A_315, %dma_start3A_330] : memref<2x64x64xf32, #tpu.memory_space<vmem>> -> memref<1x1x64xf32, #tpu.memory_space<vmem>>
          %dma_start3A_332 = tpu.memref_squeeze %dma_start3A_331 : memref<1x1x64xf32, #tpu.memory_space<vmem>> -> memref<1x64xf32, #tpu.memory_space<vmem>>
          %dma_start3A_333 = arith.constant 0 : i32
          %dma_start3A_334 = tpu.memref_slice %arg10[%squeeze3A_329, %dma_start3A_333] : memref<1000001x64xf32, #tpu.memory_space<hbm>> -> memref<1x64xf32, #tpu.memory_space<hbm>>
          %dma_start3A_335 = arith.constant 0 : i32
          %dma_start3A_336 = tpu.memref_slice %arg21[%sub3A_250, %add3A_315, %dma_start3A_335] : memref<2x64x64xf32, #tpu.memory_space<vmem>> -> memref<1x1x64xf32, #tpu.memory_space<vmem>>
          %dma_start3A_337 = tpu.memref_squeeze %dma_start3A_336 : memref<1x1x64xf32, #tpu.memory_space<vmem>> -> memref<1x64xf32, #tpu.memory_space<vmem>>
          %dma_start3A_338 = arith.constant 0 : i32
          %dma_start3A_339 = tpu.memref_slice %arg10[%squeeze3A_329, %dma_start3A_338] : memref<1000001x64xf32, #tpu.memory_space<hbm>> -> memref<1x64xf32, #tpu.memory_space<hbm>>
          tpu.enqueue_dma source(%dma_start3A_339 : memref<1x64xf32, #tpu.memory_space<hbm>>) target(%dma_start3A_337 : memref<1x64xf32, #tpu.memory_space<vmem>>) target_semaphore(%arg28 : memref<!tpu.dma_semaphore, #tpu.memory_space<semaphore_mem>>)
          %mul3A_340 = arith.constant 16 : i32
          %mul3A_341 = arith.muli %scan3A_249, %mul3A_340 : i32
          %add3A_342 = arith.constant 3 : i32
          %add3A_343 = arith.addi %mul3A_341, %add3A_342 : i32
          %slice3A_344 = vector.extract_strided_slice %get3A_254 {offsets = [3], sizes = [1], strides = [1]} : vector<16xi32> to vector<1xi32>
          %squeeze3A_345 = vector.extract %slice3A_344[0] : i32 from vector<1xi32>
          %dma_start3A_346 = arith.constant 0 : i32
          %dma_start3A_347 = tpu.memref_slice %arg20[%sub3A_250, %add3A_343, %dma_start3A_346] : memref<2x64x64xf32, #tpu.memory_space<vmem>> -> memref<1x1x64xf32, #tpu.memory_space<vmem>>
          %dma_start3A_348 = tpu.memref_squeeze %dma_start3A_347 : memref<1x1x64xf32, #tpu.memory_space<vmem>> -> memref<1x64xf32, #tpu.memory_space<vmem>>
          %dma_start3A_349 = arith.constant 0 : i32
          %dma_start3A_350 = tpu.memref_slice %arg10[%squeeze3A_345, %dma_start3A_349] : memref<1000001x64xf32, #tpu.memory_space<hbm>> -> memref<1x64xf32, #tpu.memory_space<hbm>>
          %dma_start3A_351 = arith.constant 0 : i32
          %dma_start3A_352 = tpu.memref_slice %arg20[%sub3A_250, %add3A_343, %dma_start3A_351] : memref<2x64x64xf32, #tpu.memory_space<vmem>> -> memref<1x1x64xf32, #tpu.memory_space<vmem>>
          %dma_start3A_353 = tpu.memref_squeeze %dma_start3A_352 : memref<1x1x64xf32, #tpu.memory_space<vmem>> -> memref<1x64xf32, #tpu.memory_space<vmem>>
          %dma_start3A_354 = arith.constant 0 : i32
          %dma_start3A_355 = tpu.memref_slice %arg10[%squeeze3A_345, %dma_start3A_354] : memref<1000001x64xf32, #tpu.memory_space<hbm>> -> memref<1x64xf32, #tpu.memory_space<hbm>>
          tpu.enqueue_dma source(%dma_start3A_355 : memref<1x64xf32, #tpu.memory_space<hbm>>) target(%dma_start3A_353 : memref<1x64xf32, #tpu.memory_space<vmem>>) target_semaphore(%arg28 : memref<!tpu.dma_semaphore, #tpu.memory_space<semaphore_mem>>)
          %slice3A_356 = vector.extract_strided_slice %get3A_257 {offsets = [3], sizes = [1], strides = [1]} : vector<16xi32> to vector<1xi32>
          %squeeze3A_357 = vector.extract %slice3A_356[0] : i32 from vector<1xi32>
          %dma_start3A_358 = arith.constant 0 : i32
          %dma_start3A_359 = tpu.memref_slice %arg21[%sub3A_250, %add3A_343, %dma_start3A_358] : memref<2x64x64xf32, #tpu.memory_space<vmem>> -> memref<1x1x64xf32, #tpu.memory_space<vmem>>
          %dma_start3A_360 = tpu.memref_squeeze %dma_start3A_359 : memref<1x1x64xf32, #tpu.memory_space<vmem>> -> memref<1x64xf32, #tpu.memory_space<vmem>>
          %dma_start3A_361 = arith.constant 0 : i32
          %dma_start3A_362 = tpu.memref_slice %arg10[%squeeze3A_357, %dma_start3A_361] : memref<1000001x64xf32, #tpu.memory_space<hbm>> -> memref<1x64xf32, #tpu.memory_space<hbm>>
          %dma_start3A_363 = arith.constant 0 : i32
          %dma_start3A_364 = tpu.memref_slice %arg21[%sub3A_250, %add3A_343, %dma_start3A_363] : memref<2x64x64xf32, #tpu.memory_space<vmem>> -> memref<1x1x64xf32, #tpu.memory_space<vmem>>
          %dma_start3A_365 = tpu.memref_squeeze %dma_start3A_364 : memref<1x1x64xf32, #tpu.memory_space<vmem>> -> memref<1x64xf32, #tpu.memory_space<vmem>>
          %dma_start3A_366 = arith.constant 0 : i32
          %dma_start3A_367 = tpu.memref_slice %arg10[%squeeze3A_357, %dma_start3A_366] : memref<1000001x64xf32, #tpu.memory_space<hbm>> -> memref<1x64xf32, #tpu.memory_space<hbm>>
          tpu.enqueue_dma source(%dma_start3A_367 : memref<1x64xf32, #tpu.memory_space<hbm>>) target(%dma_start3A_365 : memref<1x64xf32, #tpu.memory_space<vmem>>) target_semaphore(%arg28 : memref<!tpu.dma_semaphore, #tpu.memory_space<semaphore_mem>>)
          %mul3A_368 = arith.constant 16 : i32
          %mul3A_369 = arith.muli %scan3A_249, %mul3A_368 : i32
          %add3A_370 = arith.constant 4 : i32
          %add3A_371 = arith.addi %mul3A_369, %add3A_370 : i32
          %slice3A_372 = vector.extract_strided_slice %get3A_254 {offsets = [4], sizes = [1], strides = [1]} : vector<16xi32> to vector<1xi32>
          %squeeze3A_373 = vector.extract %slice3A_372[0] : i32 from vector<1xi32>
          %dma_start3A_374 = arith.constant 0 : i32
          %dma_start3A_375 = tpu.memref_slice %arg20[%sub3A_250, %add3A_371, %dma_start3A_374] : memref<2x64x64xf32, #tpu.memory_space<vmem>> -> memref<1x1x64xf32, #tpu.memory_space<vmem>>
          %dma_start3A_376 = tpu.memref_squeeze %dma_start3A_375 : memref<1x1x64xf32, #tpu.memory_space<vmem>> -> memref<1x64xf32, #tpu.memory_space<vmem>>
          %dma_start3A_377 = arith.constant 0 : i32
          %dma_start3A_378 = tpu.memref_slice %arg10[%squeeze3A_373, %dma_start3A_377] : memref<1000001x64xf32, #tpu.memory_space<hbm>> -> memref<1x64xf32, #tpu.memory_space<hbm>>
          %dma_start3A_379 = arith.constant 0 : i32
          %dma_start3A_380 = tpu.memref_slice %arg20[%sub3A_250, %add3A_371, %dma_start3A_379] : memref<2x64x64xf32, #tpu.memory_space<vmem>> -> memref<1x1x64xf32, #tpu.memory_space<vmem>>
          %dma_start3A_381 = tpu.memref_squeeze %dma_start3A_380 : memref<1x1x64xf32, #tpu.memory_space<vmem>> -> memref<1x64xf32, #tpu.memory_space<vmem>>
          %dma_start3A_382 = arith.constant 0 : i32
          %dma_start3A_383 = tpu.memref_slice %arg10[%squeeze3A_373, %dma_start3A_382] : memref<1000001x64xf32, #tpu.memory_space<hbm>> -> memref<1x64xf32, #tpu.memory_space<hbm>>
          tpu.enqueue_dma source(%dma_start3A_383 : memref<1x64xf32, #tpu.memory_space<hbm>>) target(%dma_start3A_381 : memref<1x64xf32, #tpu.memory_space<vmem>>) target_semaphore(%arg28 : memref<!tpu.dma_semaphore, #tpu.memory_space<semaphore_mem>>)
          %slice3A_384 = vector.extract_strided_slice %get3A_257 {offsets = [4], sizes = [1], strides = [1]} : vector<16xi32> to vector<1xi32>
          %squeeze3A_385 = vector.extract %slice3A_384[0] : i32 from vector<1xi32>
          %dma_start3A_386 = arith.constant 0 : i32
          %dma_start3A_387 = tpu.memref_slice %arg21[%sub3A_250, %add3A_371, %dma_start3A_386] : memref<2x64x64xf32, #tpu.memory_space<vmem>> -> memref<1x1x64xf32, #tpu.memory_space<vmem>>
          %dma_start3A_388 = tpu.memref_squeeze %dma_start3A_387 : memref<1x1x64xf32, #tpu.memory_space<vmem>> -> memref<1x64xf32, #tpu.memory_space<vmem>>
          %dma_start3A_389 = arith.constant 0 : i32
          %dma_start3A_390 = tpu.memref_slice %arg10[%squeeze3A_385, %dma_start3A_389] : memref<1000001x64xf32, #tpu.memory_space<hbm>> -> memref<1x64xf32, #tpu.memory_space<hbm>>
          %dma_start3A_391 = arith.constant 0 : i32
          %dma_start3A_392 = tpu.memref_slice %arg21[%sub3A_250, %add3A_371, %dma_start3A_391] : memref<2x64x64xf32, #tpu.memory_space<vmem>> -> memref<1x1x64xf32, #tpu.memory_space<vmem>>
          %dma_start3A_393 = tpu.memref_squeeze %dma_start3A_392 : memref<1x1x64xf32, #tpu.memory_space<vmem>> -> memref<1x64xf32, #tpu.memory_space<vmem>>
          %dma_start3A_394 = arith.constant 0 : i32
          %dma_start3A_395 = tpu.memref_slice %arg10[%squeeze3A_385, %dma_start3A_394] : memref<1000001x64xf32, #tpu.memory_space<hbm>> -> memref<1x64xf32, #tpu.memory_space<hbm>>
          tpu.enqueue_dma source(%dma_start3A_395 : memref<1x64xf32, #tpu.memory_space<hbm>>) target(%dma_start3A_393 : memref<1x64xf32, #tpu.memory_space<vmem>>) target_semaphore(%arg28 : memref<!tpu.dma_semaphore, #tpu.memory_space<semaphore_mem>>)
          %mul3A_396 = arith.constant 16 : i32
          %mul3A_397 = arith.muli %scan3A_249, %mul3A_396 : i32
          %add3A_398 = arith.constant 5 : i32
          %add3A_399 = arith.addi %mul3A_397, %add3A_398 : i32
          %slice3A_400 = vector.extract_strided_slice %get3A_254 {offsets = [5], sizes = [1], strides = [1]} : vector<16xi32> to vector<1xi32>
          %squeeze3A_401 = vector.extract %slice3A_400[0] : i32 from vector<1xi32>
          %dma_start3A_402 = arith.constant 0 : i32
          %dma_start3A_403 = tpu.memref_slice %arg20[%sub3A_250, %add3A_399, %dma_start3A_402] : memref<2x64x64xf32, #tpu.memory_space<vmem>> -> memref<1x1x64xf32, #tpu.memory_space<vmem>>
          %dma_start3A_404 = tpu.memref_squeeze %dma_start3A_403 : memref<1x1x64xf32, #tpu.memory_space<vmem>> -> memref<1x64xf32, #tpu.memory_space<vmem>>
          %dma_start3A_405 = arith.constant 0 : i32
          %dma_start3A_406 = tpu.memref_slice %arg10[%squeeze3A_401, %dma_start3A_405] : memref<1000001x64xf32, #tpu.memory_space<hbm>> -> memref<1x64xf32, #tpu.memory_space<hbm>>
          %dma_start3A_407 = arith.constant 0 : i32
          %dma_start3A_408 = tpu.memref_slice %arg20[%sub3A_250, %add3A_399, %dma_start3A_407] : memref<2x64x64xf32, #tpu.memory_space<vmem>> -> memref<1x1x64xf32, #tpu.memory_space<vmem>>
          %dma_start3A_409 = tpu.memref_squeeze %dma_start3A_408 : memref<1x1x64xf32, #tpu.memory_space<vmem>> -> memref<1x64xf32, #tpu.memory_space<vmem>>
          %dma_start3A_410 = arith.constant 0 : i32
          %dma_start3A_411 = tpu.memref_slice %arg10[%squeeze3A_401, %dma_start3A_410] : memref<1000001x64xf32, #tpu.memory_space<hbm>> -> memref<1x64xf32, #tpu.memory_space<hbm>>
          tpu.enqueue_dma source(%dma_start3A_411 : memref<1x64xf32, #tpu.memory_space<hbm>>) target(%dma_start3A_409 : memref<1x64xf32, #tpu.memory_space<vmem>>) target_semaphore(%arg28 : memref<!tpu.dma_semaphore, #tpu.memory_space<semaphore_mem>>)
          %slice3A_412 = vector.extract_strided_slice %get3A_257 {offsets = [5], sizes = [1], strides = [1]} : vector<16xi32> to vector<1xi32>
          %squeeze3A_413 = vector.extract %slice3A_412[0] : i32 from vector<1xi32>
          %dma_start3A_414 = arith.constant 0 : i32
          %dma_start3A_415 = tpu.memref_slice %arg21[%sub3A_250, %add3A_399, %dma_start3A_414] : memref<2x64x64xf32, #tpu.memory_space<vmem>> -> memref<1x1x64xf32, #tpu.memory_space<vmem>>
          %dma_start3A_416 = tpu.memref_squeeze %dma_start3A_415 : memref<1x1x64xf32, #tpu.memory_space<vmem>> -> memref<1x64xf32, #tpu.memory_space<vmem>>
          %dma_start3A_417 = arith.constant 0 : i32
          %dma_start3A_418 = tpu.memref_slice %arg10[%squeeze3A_413, %dma_start3A_417] : memref<1000001x64xf32, #tpu.memory_space<hbm>> -> memref<1x64xf32, #tpu.memory_space<hbm>>
          %dma_start3A_419 = arith.constant 0 : i32
          %dma_start3A_420 = tpu.memref_slice %arg21[%sub3A_250, %add3A_399, %dma_start3A_419] : memref<2x64x64xf32, #tpu.memory_space<vmem>> -> memref<1x1x64xf32, #tpu.memory_space<vmem>>
          %dma_start3A_421 = tpu.memref_squeeze %dma_start3A_420 : memref<1x1x64xf32, #tpu.memory_space<vmem>> -> memref<1x64xf32, #tpu.memory_space<vmem>>
          %dma_start3A_422 = arith.constant 0 : i32
          %dma_start3A_423 = tpu.memref_slice %arg10[%squeeze3A_413, %dma_start3A_422] : memref<1000001x64xf32, #tpu.memory_space<hbm>> -> memref<1x64xf32, #tpu.memory_space<hbm>>
          tpu.enqueue_dma source(%dma_start3A_423 : memref<1x64xf32, #tpu.memory_space<hbm>>) target(%dma_start3A_421 : memref<1x64xf32, #tpu.memory_space<vmem>>) target_semaphore(%arg28 : memref<!tpu.dma_semaphore, #tpu.memory_space<semaphore_mem>>)
          %mul3A_424 = arith.constant 16 : i32
          %mul3A_425 = arith.muli %scan3A_249, %mul3A_424 : i32
          %add3A_426 = arith.constant 6 : i32
          %add3A_427 = arith.addi %mul3A_425, %add3A_426 : i32
          %slice3A_428 = vector.extract_strided_slice %get3A_254 {offsets = [6], sizes = [1], strides = [1]} : vector<16xi32> to vector<1xi32>
          %squeeze3A_429 = vector.extract %slice3A_428[0] : i32 from vector<1xi32>
          %dma_start3A_430 = arith.constant 0 : i32
          %dma_start3A_431 = tpu.memref_slice %arg20[%sub3A_250, %add3A_427, %dma_start3A_430] : memref<2x64x64xf32, #tpu.memory_space<vmem>> -> memref<1x1x64xf32, #tpu.memory_space<vmem>>
          %dma_start3A_432 = tpu.memref_squeeze %dma_start3A_431 : memref<1x1x64xf32, #tpu.memory_space<vmem>> -> memref<1x64xf32, #tpu.memory_space<vmem>>
          %dma_start3A_433 = arith.constant 0 : i32
          %dma_start3A_434 = tpu.memref_slice %arg10[%squeeze3A_429, %dma_start3A_433] : memref<1000001x64xf32, #tpu.memory_space<hbm>> -> memref<1x64xf32, #tpu.memory_space<hbm>>
          %dma_start3A_435 = arith.constant 0 : i32
          %dma_start3A_436 = tpu.memref_slice %arg20[%sub3A_250, %add3A_427, %dma_start3A_435] : memref<2x64x64xf32, #tpu.memory_space<vmem>> -> memref<1x1x64xf32, #tpu.memory_space<vmem>>
          %dma_start3A_437 = tpu.memref_squeeze %dma_start3A_436 : memref<1x1x64xf32, #tpu.memory_space<vmem>> -> memref<1x64xf32, #tpu.memory_space<vmem>>
          %dma_start3A_438 = arith.constant 0 : i32
          %dma_start3A_439 = tpu.memref_slice %arg10[%squeeze3A_429, %dma_start3A_438] : memref<1000001x64xf32, #tpu.memory_space<hbm>> -> memref<1x64xf32, #tpu.memory_space<hbm>>
          tpu.enqueue_dma source(%dma_start3A_439 : memref<1x64xf32, #tpu.memory_space<hbm>>) target(%dma_start3A_437 : memref<1x64xf32, #tpu.memory_space<vmem>>) target_semaphore(%arg28 : memref<!tpu.dma_semaphore, #tpu.memory_space<semaphore_mem>>)
          %slice3A_440 = vector.extract_strided_slice %get3A_257 {offsets = [6], sizes = [1], strides = [1]} : vector<16xi32> to vector<1xi32>
          %squeeze3A_441 = vector.extract %slice3A_440[0] : i32 from vector<1xi32>
          %dma_start3A_442 = arith.constant 0 : i32
          %dma_start3A_443 = tpu.memref_slice %arg21[%sub3A_250, %add3A_427, %dma_start3A_442] : memref<2x64x64xf32, #tpu.memory_space<vmem>> -> memref<1x1x64xf32, #tpu.memory_space<vmem>>
          %dma_start3A_444 = tpu.memref_squeeze %dma_start3A_443 : memref<1x1x64xf32, #tpu.memory_space<vmem>> -> memref<1x64xf32, #tpu.memory_space<vmem>>
          %dma_start3A_445 = arith.constant 0 : i32
          %dma_start3A_446 = tpu.memref_slice %arg10[%squeeze3A_441, %dma_start3A_445] : memref<1000001x64xf32, #tpu.memory_space<hbm>> -> memref<1x64xf32, #tpu.memory_space<hbm>>
          %dma_start3A_447 = arith.constant 0 : i32
          %dma_start3A_448 = tpu.memref_slice %arg21[%sub3A_250, %add3A_427, %dma_start3A_447] : memref<2x64x64xf32, #tpu.memory_space<vmem>> -> memref<1x1x64xf32, #tpu.memory_space<vmem>>
          %dma_start3A_449 = tpu.memref_squeeze %dma_start3A_448 : memref<1x1x64xf32, #tpu.memory_space<vmem>> -> memref<1x64xf32, #tpu.memory_space<vmem>>
          %dma_start3A_450 = arith.constant 0 : i32
          %dma_start3A_451 = tpu.memref_slice %arg10[%squeeze3A_441, %dma_start3A_450] : memref<1000001x64xf32, #tpu.memory_space<hbm>> -> memref<1x64xf32, #tpu.memory_space<hbm>>
          tpu.enqueue_dma source(%dma_start3A_451 : memref<1x64xf32, #tpu.memory_space<hbm>>) target(%dma_start3A_449 : memref<1x64xf32, #tpu.memory_space<vmem>>) target_semaphore(%arg28 : memref<!tpu.dma_semaphore, #tpu.memory_space<semaphore_mem>>)
          %mul3A_452 = arith.constant 16 : i32
          %mul3A_453 = arith.muli %scan3A_249, %mul3A_452 : i32
          %add3A_454 = arith.constant 7 : i32
          %add3A_455 = arith.addi %mul3A_453, %add3A_454 : i32
          %slice3A_456 = vector.extract_strided_slice %get3A_254 {offsets = [7], sizes = [1], strides = [1]} : vector<16xi32> to vector<1xi32>
          %squeeze3A_457 = vector.extract %slice3A_456[0] : i32 from vector<1xi32>
          %dma_start3A_458 = arith.constant 0 : i32
          %dma_start3A_459 = tpu.memref_slice %arg20[%sub3A_250, %add3A_455, %dma_start3A_458] : memref<2x64x64xf32, #tpu.memory_space<vmem>> -> memref<1x1x64xf32, #tpu.memory_space<vmem>>
          %dma_start3A_460 = tpu.memref_squeeze %dma_start3A_459 : memref<1x1x64xf32, #tpu.memory_space<vmem>> -> memref<1x64xf32, #tpu.memory_space<vmem>>
          %dma_start3A_461 = arith.constant 0 : i32
          %dma_start3A_462 = tpu.memref_slice %arg10[%squeeze3A_457, %dma_start3A_461] : memref<1000001x64xf32, #tpu.memory_space<hbm>> -> memref<1x64xf32, #tpu.memory_space<hbm>>
          %dma_start3A_463 = arith.constant 0 : i32
          %dma_start3A_464 = tpu.memref_slice %arg20[%sub3A_250, %add3A_455, %dma_start3A_463] : memref<2x64x64xf32, #tpu.memory_space<vmem>> -> memref<1x1x64xf32, #tpu.memory_space<vmem>>
          %dma_start3A_465 = tpu.memref_squeeze %dma_start3A_464 : memref<1x1x64xf32, #tpu.memory_space<vmem>> -> memref<1x64xf32, #tpu.memory_space<vmem>>
          %dma_start3A_466 = arith.constant 0 : i32
          %dma_start3A_467 = tpu.memref_slice %arg10[%squeeze3A_457, %dma_start3A_466] : memref<1000001x64xf32, #tpu.memory_space<hbm>> -> memref<1x64xf32, #tpu.memory_space<hbm>>
          tpu.enqueue_dma source(%dma_start3A_467 : memref<1x64xf32, #tpu.memory_space<hbm>>) target(%dma_start3A_465 : memref<1x64xf32, #tpu.memory_space<vmem>>) target_semaphore(%arg28 : memref<!tpu.dma_semaphore, #tpu.memory_space<semaphore_mem>>)
          %slice3A_468 = vector.extract_strided_slice %get3A_257 {offsets = [7], sizes = [1], strides = [1]} : vector<16xi32> to vector<1xi32>
          %squeeze3A_469 = vector.extract %slice3A_468[0] : i32 from vector<1xi32>
          %dma_start3A_470 = arith.constant 0 : i32
          %dma_start3A_471 = tpu.memref_slice %arg21[%sub3A_250, %add3A_455, %dma_start3A_470] : memref<2x64x64xf32, #tpu.memory_space<vmem>> -> memref<1x1x64xf32, #tpu.memory_space<vmem>>
          %dma_start3A_472 = tpu.memref_squeeze %dma_start3A_471 : memref<1x1x64xf32, #tpu.memory_space<vmem>> -> memref<1x64xf32, #tpu.memory_space<vmem>>
          %dma_start3A_473 = arith.constant 0 : i32
          %dma_start3A_474 = tpu.memref_slice %arg10[%squeeze3A_469, %dma_start3A_473] : memref<1000001x64xf32, #tpu.memory_space<hbm>> -> memref<1x64xf32, #tpu.memory_space<hbm>>
          %dma_start3A_475 = arith.constant 0 : i32
          %dma_start3A_476 = tpu.memref_slice %arg21[%sub3A_250, %add3A_455, %dma_start3A_475] : memref<2x64x64xf32, #tpu.memory_space<vmem>> -> memref<1x1x64xf32, #tpu.memory_space<vmem>>
          %dma_start3A_477 = tpu.memref_squeeze %dma_start3A_476 : memref<1x1x64xf32, #tpu.memory_space<vmem>> -> memref<1x64xf32, #tpu.memory_space<vmem>>
          %dma_start3A_478 = arith.constant 0 : i32
          %dma_start3A_479 = tpu.memref_slice %arg10[%squeeze3A_469, %dma_start3A_478] : memref<1000001x64xf32, #tpu.memory_space<hbm>> -> memref<1x64xf32, #tpu.memory_space<hbm>>
          tpu.enqueue_dma source(%dma_start3A_479 : memref<1x64xf32, #tpu.memory_space<hbm>>) target(%dma_start3A_477 : memref<1x64xf32, #tpu.memory_space<vmem>>) target_semaphore(%arg28 : memref<!tpu.dma_semaphore, #tpu.memory_space<semaphore_mem>>)
          %mul3A_480 = arith.constant 16 : i32
          %mul3A_481 = arith.muli %scan3A_249, %mul3A_480 : i32
          %add3A_482 = arith.constant 8 : i32
          %add3A_483 = arith.addi %mul3A_481, %add3A_482 : i32
          %slice3A_484 = vector.extract_strided_slice %get3A_254 {offsets = [8], sizes = [1], strides = [1]} : vector<16xi32> to vector<1xi32>
          %squeeze3A_485 = vector.extract %slice3A_484[0] : i32 from vector<1xi32>
          %dma_start3A_486 = arith.constant 0 : i32
          %dma_start3A_487 = tpu.memref_slice %arg20[%sub3A_250, %add3A_483, %dma_start3A_486] : memref<2x64x64xf32, #tpu.memory_space<vmem>> -> memref<1x1x64xf32, #tpu.memory_space<vmem>>
          %dma_start3A_488 = tpu.memref_squeeze %dma_start3A_487 : memref<1x1x64xf32, #tpu.memory_space<vmem>> -> memref<1x64xf32, #tpu.memory_space<vmem>>
          %dma_start3A_489 = arith.constant 0 : i32
          %dma_start3A_490 = tpu.memref_slice %arg10[%squeeze3A_485, %dma_start3A_489] : memref<1000001x64xf32, #tpu.memory_space<hbm>> -> memref<1x64xf32, #tpu.memory_space<hbm>>
          %dma_start3A_491 = arith.constant 0 : i32
          %dma_start3A_492 = tpu.memref_slice %arg20[%sub3A_250, %add3A_483, %dma_start3A_491] : memref<2x64x64xf32, #tpu.memory_space<vmem>> -> memref<1x1x64xf32, #tpu.memory_space<vmem>>
          %dma_start3A_493 = tpu.memref_squeeze %dma_start3A_492 : memref<1x1x64xf32, #tpu.memory_space<vmem>> -> memref<1x64xf32, #tpu.memory_space<vmem>>
          %dma_start3A_494 = arith.constant 0 : i32
          %dma_start3A_495 = tpu.memref_slice %arg10[%squeeze3A_485, %dma_start3A_494] : memref<1000001x64xf32, #tpu.memory_space<hbm>> -> memref<1x64xf32, #tpu.memory_space<hbm>>
          tpu.enqueue_dma source(%dma_start3A_495 : memref<1x64xf32, #tpu.memory_space<hbm>>) target(%dma_start3A_493 : memref<1x64xf32, #tpu.memory_space<vmem>>) target_semaphore(%arg28 : memref<!tpu.dma_semaphore, #tpu.memory_space<semaphore_mem>>)
          %slice3A_496 = vector.extract_strided_slice %get3A_257 {offsets = [8], sizes = [1], strides = [1]} : vector<16xi32> to vector<1xi32>
          %squeeze3A_497 = vector.extract %slice3A_496[0] : i32 from vector<1xi32>
          %dma_start3A_498 = arith.constant 0 : i32
          %dma_start3A_499 = tpu.memref_slice %arg21[%sub3A_250, %add3A_483, %dma_start3A_498] : memref<2x64x64xf32, #tpu.memory_space<vmem>> -> memref<1x1x64xf32, #tpu.memory_space<vmem>>
          %dma_start3A_500 = tpu.memref_squeeze %dma_start3A_499 : memref<1x1x64xf32, #tpu.memory_space<vmem>> -> memref<1x64xf32, #tpu.memory_space<vmem>>
          %dma_start3A_501 = arith.constant 0 : i32
          %dma_start3A_502 = tpu.memref_slice %arg10[%squeeze3A_497, %dma_start3A_501] : memref<1000001x64xf32, #tpu.memory_space<hbm>> -> memref<1x64xf32, #tpu.memory_space<hbm>>
          %dma_start3A_503 = arith.constant 0 : i32
          %dma_start3A_504 = tpu.memref_slice %arg21[%sub3A_250, %add3A_483, %dma_start3A_503] : memref<2x64x64xf32, #tpu.memory_space<vmem>> -> memref<1x1x64xf32, #tpu.memory_space<vmem>>
          %dma_start3A_505 = tpu.memref_squeeze %dma_start3A_504 : memref<1x1x64xf32, #tpu.memory_space<vmem>> -> memref<1x64xf32, #tpu.memory_space<vmem>>
          %dma_start3A_506 = arith.constant 0 : i32
          %dma_start3A_507 = tpu.memref_slice %arg10[%squeeze3A_497, %dma_start3A_506] : memref<1000001x64xf32, #tpu.memory_space<hbm>> -> memref<1x64xf32, #tpu.memory_space<hbm>>
          tpu.enqueue_dma source(%dma_start3A_507 : memref<1x64xf32, #tpu.memory_space<hbm>>) target(%dma_start3A_505 : memref<1x64xf32, #tpu.memory_space<vmem>>) target_semaphore(%arg28 : memref<!tpu.dma_semaphore, #tpu.memory_space<semaphore_mem>>)
          %mul3A_508 = arith.constant 16 : i32
          %mul3A_509 = arith.muli %scan3A_249, %mul3A_508 : i32
          %add3A_510 = arith.constant 9 : i32
          %add3A_511 = arith.addi %mul3A_509, %add3A_510 : i32
          %slice3A_512 = vector.extract_strided_slice %get3A_254 {offsets = [9], sizes = [1], strides = [1]} : vector<16xi32> to vector<1xi32>
          %squeeze3A_513 = vector.extract %slice3A_512[0] : i32 from vector<1xi32>
          %dma_start3A_514 = arith.constant 0 : i32
          %dma_start3A_515 = tpu.memref_slice %arg20[%sub3A_250, %add3A_511, %dma_start3A_514] : memref<2x64x64xf32, #tpu.memory_space<vmem>> -> memref<1x1x64xf32, #tpu.memory_space<vmem>>
          %dma_start3A_516 = tpu.memref_squeeze %dma_start3A_515 : memref<1x1x64xf32, #tpu.memory_space<vmem>> -> memref<1x64xf32, #tpu.memory_space<vmem>>
          %dma_start3A_517 = arith.constant 0 : i32
          %dma_start3A_518 = tpu.memref_slice %arg10[%squeeze3A_513, %dma_start3A_517] : memref<1000001x64xf32, #tpu.memory_space<hbm>> -> memref<1x64xf32, #tpu.memory_space<hbm>>
          %dma_start3A_519 = arith.constant 0 : i32
          %dma_start3A_520 = tpu.memref_slice %arg20[%sub3A_250, %add3A_511, %dma_start3A_519] : memref<2x64x64xf32, #tpu.memory_space<vmem>> -> memref<1x1x64xf32, #tpu.memory_space<vmem>>
          %dma_start3A_521 = tpu.memref_squeeze %dma_start3A_520 : memref<1x1x64xf32, #tpu.memory_space<vmem>> -> memref<1x64xf32, #tpu.memory_space<vmem>>
          %dma_start3A_522 = arith.constant 0 : i32
          %dma_start3A_523 = tpu.memref_slice %arg10[%squeeze3A_513, %dma_start3A_522] : memref<1000001x64xf32, #tpu.memory_space<hbm>> -> memref<1x64xf32, #tpu.memory_space<hbm>>
          tpu.enqueue_dma source(%dma_start3A_523 : memref<1x64xf32, #tpu.memory_space<hbm>>) target(%dma_start3A_521 : memref<1x64xf32, #tpu.memory_space<vmem>>) target_semaphore(%arg28 : memref<!tpu.dma_semaphore, #tpu.memory_space<semaphore_mem>>)
          %slice3A_524 = vector.extract_strided_slice %get3A_257 {offsets = [9], sizes = [1], strides = [1]} : vector<16xi32> to vector<1xi32>
          %squeeze3A_525 = vector.extract %slice3A_524[0] : i32 from vector<1xi32>
          %dma_start3A_526 = arith.constant 0 : i32
          %dma_start3A_527 = tpu.memref_slice %arg21[%sub3A_250, %add3A_511, %dma_start3A_526] : memref<2x64x64xf32, #tpu.memory_space<vmem>> -> memref<1x1x64xf32, #tpu.memory_space<vmem>>
          %dma_start3A_528 = tpu.memref_squeeze %dma_start3A_527 : memref<1x1x64xf32, #tpu.memory_space<vmem>> -> memref<1x64xf32, #tpu.memory_space<vmem>>
          %dma_start3A_529 = arith.constant 0 : i32
          %dma_start3A_530 = tpu.memref_slice %arg10[%squeeze3A_525, %dma_start3A_529] : memref<1000001x64xf32, #tpu.memory_space<hbm>> -> memref<1x64xf32, #tpu.memory_space<hbm>>
          %dma_start3A_531 = arith.constant 0 : i32
          %dma_start3A_532 = tpu.memref_slice %arg21[%sub3A_250, %add3A_511, %dma_start3A_531] : memref<2x64x64xf32, #tpu.memory_space<vmem>> -> memref<1x1x64xf32, #tpu.memory_space<vmem>>
          %dma_start3A_533 = tpu.memref_squeeze %dma_start3A_532 : memref<1x1x64xf32, #tpu.memory_space<vmem>> -> memref<1x64xf32, #tpu.memory_space<vmem>>
          %dma_start3A_534 = arith.constant 0 : i32
          %dma_start3A_535 = tpu.memref_slice %arg10[%squeeze3A_525, %dma_start3A_534] : memref<1000001x64xf32, #tpu.memory_space<hbm>> -> memref<1x64xf32, #tpu.memory_space<hbm>>
          tpu.enqueue_dma source(%dma_start3A_535 : memref<1x64xf32, #tpu.memory_space<hbm>>) target(%dma_start3A_533 : memref<1x64xf32, #tpu.memory_space<vmem>>) target_semaphore(%arg28 : memref<!tpu.dma_semaphore, #tpu.memory_space<semaphore_mem>>)
          %mul3A_536 = arith.constant 16 : i32
          %mul3A_537 = arith.muli %scan3A_249, %mul3A_536 : i32
          %add3A_538 = arith.constant 10 : i32
          %add3A_539 = arith.addi %mul3A_537, %add3A_538 : i32
          %slice3A_540 = vector.extract_strided_slice %get3A_254 {offsets = [10], sizes = [1], strides = [1]} : vector<16xi32> to vector<1xi32>
          %squeeze3A_541 = vector.extract %slice3A_540[0] : i32 from vector<1xi32>
          %dma_start3A_542 = arith.constant 0 : i32
          %dma_start3A_543 = tpu.memref_slice %arg20[%sub3A_250, %add3A_539, %dma_start3A_542] : memref<2x64x64xf32, #tpu.memory_space<vmem>> -> memref<1x1x64xf32, #tpu.memory_space<vmem>>
          %dma_start3A_544 = tpu.memref_squeeze %dma_start3A_543 : memref<1x1x64xf32, #tpu.memory_space<vmem>> -> memref<1x64xf32, #tpu.memory_space<vmem>>
          %dma_start3A_545 = arith.constant 0 : i32
          %dma_start3A_546 = tpu.memref_slice %arg10[%squeeze3A_541, %dma_start3A_545] : memref<1000001x64xf32, #tpu.memory_space<hbm>> -> memref<1x64xf32, #tpu.memory_space<hbm>>
          %dma_start3A_547 = arith.constant 0 : i32
          %dma_start3A_548 = tpu.memref_slice %arg20[%sub3A_250, %add3A_539, %dma_start3A_547] : memref<2x64x64xf32, #tpu.memory_space<vmem>> -> memref<1x1x64xf32, #tpu.memory_space<vmem>>
          %dma_start3A_549 = tpu.memref_squeeze %dma_start3A_548 : memref<1x1x64xf32, #tpu.memory_space<vmem>> -> memref<1x64xf32, #tpu.memory_space<vmem>>
          %dma_start3A_550 = arith.constant 0 : i32
          %dma_start3A_551 = tpu.memref_slice %arg10[%squeeze3A_541, %dma_start3A_550] : memref<1000001x64xf32, #tpu.memory_space<hbm>> -> memref<1x64xf32, #tpu.memory_space<hbm>>
          tpu.enqueue_dma source(%dma_start3A_551 : memref<1x64xf32, #tpu.memory_space<hbm>>) target(%dma_start3A_549 : memref<1x64xf32, #tpu.memory_space<vmem>>) target_semaphore(%arg28 : memref<!tpu.dma_semaphore, #tpu.memory_space<semaphore_mem>>)
          %slice3A_552 = vector.extract_strided_slice %get3A_257 {offsets = [10], sizes = [1], strides = [1]} : vector<16xi32> to vector<1xi32>
          %squeeze3A_553 = vector.extract %slice3A_552[0] : i32 from vector<1xi32>
          %dma_start3A_554 = arith.constant 0 : i32
          %dma_start3A_555 = tpu.memref_slice %arg21[%sub3A_250, %add3A_539, %dma_start3A_554] : memref<2x64x64xf32, #tpu.memory_space<vmem>> -> memref<1x1x64xf32, #tpu.memory_space<vmem>>
          %dma_start3A_556 = tpu.memref_squeeze %dma_start3A_555 : memref<1x1x64xf32, #tpu.memory_space<vmem>> -> memref<1x64xf32, #tpu.memory_space<vmem>>
          %dma_start3A_557 = arith.constant 0 : i32
          %dma_start3A_558 = tpu.memref_slice %arg10[%squeeze3A_553, %dma_start3A_557] : memref<1000001x64xf32, #tpu.memory_space<hbm>> -> memref<1x64xf32, #tpu.memory_space<hbm>>
          %dma_start3A_559 = arith.constant 0 : i32
          %dma_start3A_560 = tpu.memref_slice %arg21[%sub3A_250, %add3A_539, %dma_start3A_559] : memref<2x64x64xf32, #tpu.memory_space<vmem>> -> memref<1x1x64xf32, #tpu.memory_space<vmem>>
          %dma_start3A_561 = tpu.memref_squeeze %dma_start3A_560 : memref<1x1x64xf32, #tpu.memory_space<vmem>> -> memref<1x64xf32, #tpu.memory_space<vmem>>
          %dma_start3A_562 = arith.constant 0 : i32
          %dma_start3A_563 = tpu.memref_slice %arg10[%squeeze3A_553, %dma_start3A_562] : memref<1000001x64xf32, #tpu.memory_space<hbm>> -> memref<1x64xf32, #tpu.memory_space<hbm>>
          tpu.enqueue_dma source(%dma_start3A_563 : memref<1x64xf32, #tpu.memory_space<hbm>>) target(%dma_start3A_561 : memref<1x64xf32, #tpu.memory_space<vmem>>) target_semaphore(%arg28 : memref<!tpu.dma_semaphore, #tpu.memory_space<semaphore_mem>>)
          %mul3A_564 = arith.constant 16 : i32
          %mul3A_565 = arith.muli %scan3A_249, %mul3A_564 : i32
          %add3A_566 = arith.constant 11 : i32
          %add3A_567 = arith.addi %mul3A_565, %add3A_566 : i32
          %slice3A_568 = vector.extract_strided_slice %get3A_254 {offsets = [11], sizes = [1], strides = [1]} : vector<16xi32> to vector<1xi32>
          %squeeze3A_569 = vector.extract %slice3A_568[0] : i32 from vector<1xi32>
          %dma_start3A_570 = arith.constant 0 : i32
          %dma_start3A_571 = tpu.memref_slice %arg20[%sub3A_250, %add3A_567, %dma_start3A_570] : memref<2x64x64xf32, #tpu.memory_space<vmem>> -> memref<1x1x64xf32, #tpu.memory_space<vmem>>
          %dma_start3A_572 = tpu.memref_squeeze %dma_start3A_571 : memref<1x1x64xf32, #tpu.memory_space<vmem>> -> memref<1x64xf32, #tpu.memory_space<vmem>>
          %dma_start3A_573 = arith.constant 0 : i32
          %dma_start3A_574 = tpu.memref_slice %arg10[%squeeze3A_569, %dma_start3A_573] : memref<1000001x64xf32, #tpu.memory_space<hbm>> -> memref<1x64xf32, #tpu.memory_space<hbm>>
          %dma_start3A_575 = arith.constant 0 : i32
          %dma_start3A_576 = tpu.memref_slice %arg20[%sub3A_250, %add3A_567, %dma_start3A_575] : memref<2x64x64xf32, #tpu.memory_space<vmem>> -> memref<1x1x64xf32, #tpu.memory_space<vmem>>
          %dma_start3A_577 = tpu.memref_squeeze %dma_start3A_576 : memref<1x1x64xf32, #tpu.memory_space<vmem>> -> memref<1x64xf32, #tpu.memory_space<vmem>>
          %dma_start3A_578 = arith.constant 0 : i32
          %dma_start3A_579 = tpu.memref_slice %arg10[%squeeze3A_569, %dma_start3A_578] : memref<1000001x64xf32, #tpu.memory_space<hbm>> -> memref<1x64xf32, #tpu.memory_space<hbm>>
          tpu.enqueue_dma source(%dma_start3A_579 : memref<1x64xf32, #tpu.memory_space<hbm>>) target(%dma_start3A_577 : memref<1x64xf32, #tpu.memory_space<vmem>>) target_semaphore(%arg28 : memref<!tpu.dma_semaphore, #tpu.memory_space<semaphore_mem>>)
          %slice3A_580 = vector.extract_strided_slice %get3A_257 {offsets = [11], sizes = [1], strides = [1]} : vector<16xi32> to vector<1xi32>
          %squeeze3A_581 = vector.extract %slice3A_580[0] : i32 from vector<1xi32>
          %dma_start3A_582 = arith.constant 0 : i32
          %dma_start3A_583 = tpu.memref_slice %arg21[%sub3A_250, %add3A_567, %dma_start3A_582] : memref<2x64x64xf32, #tpu.memory_space<vmem>> -> memref<1x1x64xf32, #tpu.memory_space<vmem>>
          %dma_start3A_584 = tpu.memref_squeeze %dma_start3A_583 : memref<1x1x64xf32, #tpu.memory_space<vmem>> -> memref<1x64xf32, #tpu.memory_space<vmem>>
          %dma_start3A_585 = arith.constant 0 : i32
          %dma_start3A_586 = tpu.memref_slice %arg10[%squeeze3A_581, %dma_start3A_585] : memref<1000001x64xf32, #tpu.memory_space<hbm>> -> memref<1x64xf32, #tpu.memory_space<hbm>>
          %dma_start3A_587 = arith.constant 0 : i32
          %dma_start3A_588 = tpu.memref_slice %arg21[%sub3A_250, %add3A_567, %dma_start3A_587] : memref<2x64x64xf32, #tpu.memory_space<vmem>> -> memref<1x1x64xf32, #tpu.memory_space<vmem>>
          %dma_start3A_589 = tpu.memref_squeeze %dma_start3A_588 : memref<1x1x64xf32, #tpu.memory_space<vmem>> -> memref<1x64xf32, #tpu.memory_space<vmem>>
          %dma_start3A_590 = arith.constant 0 : i32
          %dma_start3A_591 = tpu.memref_slice %arg10[%squeeze3A_581, %dma_start3A_590] : memref<1000001x64xf32, #tpu.memory_space<hbm>> -> memref<1x64xf32, #tpu.memory_space<hbm>>
          tpu.enqueue_dma source(%dma_start3A_591 : memref<1x64xf32, #tpu.memory_space<hbm>>) target(%dma_start3A_589 : memref<1x64xf32, #tpu.memory_space<vmem>>) target_semaphore(%arg28 : memref<!tpu.dma_semaphore, #tpu.memory_space<semaphore_mem>>)
          %mul3A_592 = arith.constant 16 : i32
          %mul3A_593 = arith.muli %scan3A_249, %mul3A_592 : i32
          %add3A_594 = arith.constant 12 : i32
          %add3A_595 = arith.addi %mul3A_593, %add3A_594 : i32
          %slice3A_596 = vector.extract_strided_slice %get3A_254 {offsets = [12], sizes = [1], strides = [1]} : vector<16xi32> to vector<1xi32>
          %squeeze3A_597 = vector.extract %slice3A_596[0] : i32 from vector<1xi32>
          %dma_start3A_598 = arith.constant 0 : i32
          %dma_start3A_599 = tpu.memref_slice %arg20[%sub3A_250, %add3A_595, %dma_start3A_598] : memref<2x64x64xf32, #tpu.memory_space<vmem>> -> memref<1x1x64xf32, #tpu.memory_space<vmem>>
          %dma_start3A_600 = tpu.memref_squeeze %dma_start3A_599 : memref<1x1x64xf32, #tpu.memory_space<vmem>> -> memref<1x64xf32, #tpu.memory_space<vmem>>
          %dma_start3A_601 = arith.constant 0 : i32
          %dma_start3A_602 = tpu.memref_slice %arg10[%squeeze3A_597, %dma_start3A_601] : memref<1000001x64xf32, #tpu.memory_space<hbm>> -> memref<1x64xf32, #tpu.memory_space<hbm>>
          %dma_start3A_603 = arith.constant 0 : i32
          %dma_start3A_604 = tpu.memref_slice %arg20[%sub3A_250, %add3A_595, %dma_start3A_603] : memref<2x64x64xf32, #tpu.memory_space<vmem>> -> memref<1x1x64xf32, #tpu.memory_space<vmem>>
          %dma_start3A_605 = tpu.memref_squeeze %dma_start3A_604 : memref<1x1x64xf32, #tpu.memory_space<vmem>> -> memref<1x64xf32, #tpu.memory_space<vmem>>
          %dma_start3A_606 = arith.constant 0 : i32
          %dma_start3A_607 = tpu.memref_slice %arg10[%squeeze3A_597, %dma_start3A_606] : memref<1000001x64xf32, #tpu.memory_space<hbm>> -> memref<1x64xf32, #tpu.memory_space<hbm>>
          tpu.enqueue_dma source(%dma_start3A_607 : memref<1x64xf32, #tpu.memory_space<hbm>>) target(%dma_start3A_605 : memref<1x64xf32, #tpu.memory_space<vmem>>) target_semaphore(%arg28 : memref<!tpu.dma_semaphore, #tpu.memory_space<semaphore_mem>>)
          %slice3A_608 = vector.extract_strided_slice %get3A_257 {offsets = [12], sizes = [1], strides = [1]} : vector<16xi32> to vector<1xi32>
          %squeeze3A_609 = vector.extract %slice3A_608[0] : i32 from vector<1xi32>
          %dma_start3A_610 = arith.constant 0 : i32
          %dma_start3A_611 = tpu.memref_slice %arg21[%sub3A_250, %add3A_595, %dma_start3A_610] : memref<2x64x64xf32, #tpu.memory_space<vmem>> -> memref<1x1x64xf32, #tpu.memory_space<vmem>>
          %dma_start3A_612 = tpu.memref_squeeze %dma_start3A_611 : memref<1x1x64xf32, #tpu.memory_space<vmem>> -> memref<1x64xf32, #tpu.memory_space<vmem>>
          %dma_start3A_613 = arith.constant 0 : i32
          %dma_start3A_614 = tpu.memref_slice %arg10[%squeeze3A_609, %dma_start3A_613] : memref<1000001x64xf32, #tpu.memory_space<hbm>> -> memref<1x64xf32, #tpu.memory_space<hbm>>
          %dma_start3A_615 = arith.constant 0 : i32
          %dma_start3A_616 = tpu.memref_slice %arg21[%sub3A_250, %add3A_595, %dma_start3A_615] : memref<2x64x64xf32, #tpu.memory_space<vmem>> -> memref<1x1x64xf32, #tpu.memory_space<vmem>>
          %dma_start3A_617 = tpu.memref_squeeze %dma_start3A_616 : memref<1x1x64xf32, #tpu.memory_space<vmem>> -> memref<1x64xf32, #tpu.memory_space<vmem>>
          %dma_start3A_618 = arith.constant 0 : i32
          %dma_start3A_619 = tpu.memref_slice %arg10[%squeeze3A_609, %dma_start3A_618] : memref<1000001x64xf32, #tpu.memory_space<hbm>> -> memref<1x64xf32, #tpu.memory_space<hbm>>
          tpu.enqueue_dma source(%dma_start3A_619 : memref<1x64xf32, #tpu.memory_space<hbm>>) target(%dma_start3A_617 : memref<1x64xf32, #tpu.memory_space<vmem>>) target_semaphore(%arg28 : memref<!tpu.dma_semaphore, #tpu.memory_space<semaphore_mem>>)
          %mul3A_620 = arith.constant 16 : i32
          %mul3A_621 = arith.muli %scan3A_249, %mul3A_620 : i32
          %add3A_622 = arith.constant 13 : i32
          %add3A_623 = arith.addi %mul3A_621, %add3A_622 : i32
          %slice3A_624 = vector.extract_strided_slice %get3A_254 {offsets = [13], sizes = [1], strides = [1]} : vector<16xi32> to vector<1xi32>
          %squeeze3A_625 = vector.extract %slice3A_624[0] : i32 from vector<1xi32>
          %dma_start3A_626 = arith.constant 0 : i32
          %dma_start3A_627 = tpu.memref_slice %arg20[%sub3A_250, %add3A_623, %dma_start3A_626] : memref<2x64x64xf32, #tpu.memory_space<vmem>> -> memref<1x1x64xf32, #tpu.memory_space<vmem>>
          %dma_start3A_628 = tpu.memref_squeeze %dma_start3A_627 : memref<1x1x64xf32, #tpu.memory_space<vmem>> -> memref<1x64xf32, #tpu.memory_space<vmem>>
          %dma_start3A_629 = arith.constant 0 : i32
          %dma_start3A_630 = tpu.memref_slice %arg10[%squeeze3A_625, %dma_start3A_629] : memref<1000001x64xf32, #tpu.memory_space<hbm>> -> memref<1x64xf32, #tpu.memory_space<hbm>>
          %dma_start3A_631 = arith.constant 0 : i32
          %dma_start3A_632 = tpu.memref_slice %arg20[%sub3A_250, %add3A_623, %dma_start3A_631] : memref<2x64x64xf32, #tpu.memory_space<vmem>> -> memref<1x1x64xf32, #tpu.memory_space<vmem>>
          %dma_start3A_633 = tpu.memref_squeeze %dma_start3A_632 : memref<1x1x64xf32, #tpu.memory_space<vmem>> -> memref<1x64xf32, #tpu.memory_space<vmem>>
          %dma_start3A_634 = arith.constant 0 : i32
          %dma_start3A_635 = tpu.memref_slice %arg10[%squeeze3A_625, %dma_start3A_634] : memref<1000001x64xf32, #tpu.memory_space<hbm>> -> memref<1x64xf32, #tpu.memory_space<hbm>>
          tpu.enqueue_dma source(%dma_start3A_635 : memref<1x64xf32, #tpu.memory_space<hbm>>) target(%dma_start3A_633 : memref<1x64xf32, #tpu.memory_space<vmem>>) target_semaphore(%arg28 : memref<!tpu.dma_semaphore, #tpu.memory_space<semaphore_mem>>)
          %slice3A_636 = vector.extract_strided_slice %get3A_257 {offsets = [13], sizes = [1], strides = [1]} : vector<16xi32> to vector<1xi32>
          %squeeze3A_637 = vector.extract %slice3A_636[0] : i32 from vector<1xi32>
          %dma_start3A_638 = arith.constant 0 : i32
          %dma_start3A_639 = tpu.memref_slice %arg21[%sub3A_250, %add3A_623, %dma_start3A_638] : memref<2x64x64xf32, #tpu.memory_space<vmem>> -> memref<1x1x64xf32, #tpu.memory_space<vmem>>
          %dma_start3A_640 = tpu.memref_squeeze %dma_start3A_639 : memref<1x1x64xf32, #tpu.memory_space<vmem>> -> memref<1x64xf32, #tpu.memory_space<vmem>>
          %dma_start3A_641 = arith.constant 0 : i32
          %dma_start3A_642 = tpu.memref_slice %arg10[%squeeze3A_637, %dma_start3A_641] : memref<1000001x64xf32, #tpu.memory_space<hbm>> -> memref<1x64xf32, #tpu.memory_space<hbm>>
          %dma_start3A_643 = arith.constant 0 : i32
          %dma_start3A_644 = tpu.memref_slice %arg21[%sub3A_250, %add3A_623, %dma_start3A_643] : memref<2x64x64xf32, #tpu.memory_space<vmem>> -> memref<1x1x64xf32, #tpu.memory_space<vmem>>
          %dma_start3A_645 = tpu.memref_squeeze %dma_start3A_644 : memref<1x1x64xf32, #tpu.memory_space<vmem>> -> memref<1x64xf32, #tpu.memory_space<vmem>>
          %dma_start3A_646 = arith.constant 0 : i32
          %dma_start3A_647 = tpu.memref_slice %arg10[%squeeze3A_637, %dma_start3A_646] : memref<1000001x64xf32, #tpu.memory_space<hbm>> -> memref<1x64xf32, #tpu.memory_space<hbm>>
          tpu.enqueue_dma source(%dma_start3A_647 : memref<1x64xf32, #tpu.memory_space<hbm>>) target(%dma_start3A_645 : memref<1x64xf32, #tpu.memory_space<vmem>>) target_semaphore(%arg28 : memref<!tpu.dma_semaphore, #tpu.memory_space<semaphore_mem>>)
          %mul3A_648 = arith.constant 16 : i32
          %mul3A_649 = arith.muli %scan3A_249, %mul3A_648 : i32
          %add3A_650 = arith.constant 14 : i32
          %add3A_651 = arith.addi %mul3A_649, %add3A_650 : i32
          %slice3A_652 = vector.extract_strided_slice %get3A_254 {offsets = [14], sizes = [1], strides = [1]} : vector<16xi32> to vector<1xi32>
          %squeeze3A_653 = vector.extract %slice3A_652[0] : i32 from vector<1xi32>
          %dma_start3A_654 = arith.constant 0 : i32
          %dma_start3A_655 = tpu.memref_slice %arg20[%sub3A_250, %add3A_651, %dma_start3A_654] : memref<2x64x64xf32, #tpu.memory_space<vmem>> -> memref<1x1x64xf32, #tpu.memory_space<vmem>>
          %dma_start3A_656 = tpu.memref_squeeze %dma_start3A_655 : memref<1x1x64xf32, #tpu.memory_space<vmem>> -> memref<1x64xf32, #tpu.memory_space<vmem>>
          %dma_start3A_657 = arith.constant 0 : i32
          %dma_start3A_658 = tpu.memref_slice %arg10[%squeeze3A_653, %dma_start3A_657] : memref<1000001x64xf32, #tpu.memory_space<hbm>> -> memref<1x64xf32, #tpu.memory_space<hbm>>
          %dma_start3A_659 = arith.constant 0 : i32
          %dma_start3A_660 = tpu.memref_slice %arg20[%sub3A_250, %add3A_651, %dma_start3A_659] : memref<2x64x64xf32, #tpu.memory_space<vmem>> -> memref<1x1x64xf32, #tpu.memory_space<vmem>>
          %dma_start3A_661 = tpu.memref_squeeze %dma_start3A_660 : memref<1x1x64xf32, #tpu.memory_space<vmem>> -> memref<1x64xf32, #tpu.memory_space<vmem>>
          %dma_start3A_662 = arith.constant 0 : i32
          %dma_start3A_663 = tpu.memref_slice %arg10[%squeeze3A_653, %dma_start3A_662] : memref<1000001x64xf32, #tpu.memory_space<hbm>> -> memref<1x64xf32, #tpu.memory_space<hbm>>
          tpu.enqueue_dma source(%dma_start3A_663 : memref<1x64xf32, #tpu.memory_space<hbm>>) target(%dma_start3A_661 : memref<1x64xf32, #tpu.memory_space<vmem>>) target_semaphore(%arg28 : memref<!tpu.dma_semaphore, #tpu.memory_space<semaphore_mem>>)
          %slice3A_664 = vector.extract_strided_slice %get3A_257 {offsets = [14], sizes = [1], strides = [1]} : vector<16xi32> to vector<1xi32>
          %squeeze3A_665 = vector.extract %slice3A_664[0] : i32 from vector<1xi32>
          %dma_start3A_666 = arith.constant 0 : i32
          %dma_start3A_667 = tpu.memref_slice %arg21[%sub3A_250, %add3A_651, %dma_start3A_666] : memref<2x64x64xf32, #tpu.memory_space<vmem>> -> memref<1x1x64xf32, #tpu.memory_space<vmem>>
          %dma_start3A_668 = tpu.memref_squeeze %dma_start3A_667 : memref<1x1x64xf32, #tpu.memory_space<vmem>> -> memref<1x64xf32, #tpu.memory_space<vmem>>
          %dma_start3A_669 = arith.constant 0 : i32
          %dma_start3A_670 = tpu.memref_slice %arg10[%squeeze3A_665, %dma_start3A_669] : memref<1000001x64xf32, #tpu.memory_space<hbm>> -> memref<1x64xf32, #tpu.memory_space<hbm>>
          %dma_start3A_671 = arith.constant 0 : i32
          %dma_start3A_672 = tpu.memref_slice %arg21[%sub3A_250, %add3A_651, %dma_start3A_671] : memref<2x64x64xf32, #tpu.memory_space<vmem>> -> memref<1x1x64xf32, #tpu.memory_space<vmem>>
          %dma_start3A_673 = tpu.memref_squeeze %dma_start3A_672 : memref<1x1x64xf32, #tpu.memory_space<vmem>> -> memref<1x64xf32, #tpu.memory_space<vmem>>
          %dma_start3A_674 = arith.constant 0 : i32
          %dma_start3A_675 = tpu.memref_slice %arg10[%squeeze3A_665, %dma_start3A_674] : memref<1000001x64xf32, #tpu.memory_space<hbm>> -> memref<1x64xf32, #tpu.memory_space<hbm>>
          tpu.enqueue_dma source(%dma_start3A_675 : memref<1x64xf32, #tpu.memory_space<hbm>>) target(%dma_start3A_673 : memref<1x64xf32, #tpu.memory_space<vmem>>) target_semaphore(%arg28 : memref<!tpu.dma_semaphore, #tpu.memory_space<semaphore_mem>>)
          %mul3A_676 = arith.constant 16 : i32
          %mul3A_677 = arith.muli %scan3A_249, %mul3A_676 : i32
          %add3A_678 = arith.constant 15 : i32
          %add3A_679 = arith.addi %mul3A_677, %add3A_678 : i32
          %slice3A_680 = vector.extract_strided_slice %get3A_254 {offsets = [15], sizes = [1], strides = [1]} : vector<16xi32> to vector<1xi32>
          %squeeze3A_681 = vector.extract %slice3A_680[0] : i32 from vector<1xi32>
          %dma_start3A_682 = arith.constant 0 : i32
          %dma_start3A_683 = tpu.memref_slice %arg20[%sub3A_250, %add3A_679, %dma_start3A_682] : memref<2x64x64xf32, #tpu.memory_space<vmem>> -> memref<1x1x64xf32, #tpu.memory_space<vmem>>
          %dma_start3A_684 = tpu.memref_squeeze %dma_start3A_683 : memref<1x1x64xf32, #tpu.memory_space<vmem>> -> memref<1x64xf32, #tpu.memory_space<vmem>>
          %dma_start3A_685 = arith.constant 0 : i32
          %dma_start3A_686 = tpu.memref_slice %arg10[%squeeze3A_681, %dma_start3A_685] : memref<1000001x64xf32, #tpu.memory_space<hbm>> -> memref<1x64xf32, #tpu.memory_space<hbm>>
          %dma_start3A_687 = arith.constant 0 : i32
          %dma_start3A_688 = tpu.memref_slice %arg20[%sub3A_250, %add3A_679, %dma_start3A_687] : memref<2x64x64xf32, #tpu.memory_space<vmem>> -> memref<1x1x64xf32, #tpu.memory_space<vmem>>
          %dma_start3A_689 = tpu.memref_squeeze %dma_start3A_688 : memref<1x1x64xf32, #tpu.memory_space<vmem>> -> memref<1x64xf32, #tpu.memory_space<vmem>>
          %dma_start3A_690 = arith.constant 0 : i32
          %dma_start3A_691 = tpu.memref_slice %arg10[%squeeze3A_681, %dma_start3A_690] : memref<1000001x64xf32, #tpu.memory_space<hbm>> -> memref<1x64xf32, #tpu.memory_space<hbm>>
          tpu.enqueue_dma source(%dma_start3A_691 : memref<1x64xf32, #tpu.memory_space<hbm>>) target(%dma_start3A_689 : memref<1x64xf32, #tpu.memory_space<vmem>>) target_semaphore(%arg28 : memref<!tpu.dma_semaphore, #tpu.memory_space<semaphore_mem>>)
          %slice3A_692 = vector.extract_strided_slice %get3A_257 {offsets = [15], sizes = [1], strides = [1]} : vector<16xi32> to vector<1xi32>
          %squeeze3A_693 = vector.extract %slice3A_692[0] : i32 from vector<1xi32>
          %dma_start3A_694 = arith.constant 0 : i32
          %dma_start3A_695 = tpu.memref_slice %arg21[%sub3A_250, %add3A_679, %dma_start3A_694] : memref<2x64x64xf32, #tpu.memory_space<vmem>> -> memref<1x1x64xf32, #tpu.memory_space<vmem>>
          %dma_start3A_696 = tpu.memref_squeeze %dma_start3A_695 : memref<1x1x64xf32, #tpu.memory_space<vmem>> -> memref<1x64xf32, #tpu.memory_space<vmem>>
          %dma_start3A_697 = arith.constant 0 : i32
          %dma_start3A_698 = tpu.memref_slice %arg10[%squeeze3A_693, %dma_start3A_697] : memref<1000001x64xf32, #tpu.memory_space<hbm>> -> memref<1x64xf32, #tpu.memory_space<hbm>>
          %dma_start3A_699 = arith.constant 0 : i32
          %dma_start3A_700 = tpu.memref_slice %arg21[%sub3A_250, %add3A_679, %dma_start3A_699] : memref<2x64x64xf32, #tpu.memory_space<vmem>> -> memref<1x1x64xf32, #tpu.memory_space<vmem>>
          %dma_start3A_701 = tpu.memref_squeeze %dma_start3A_700 : memref<1x1x64xf32, #tpu.memory_space<vmem>> -> memref<1x64xf32, #tpu.memory_space<vmem>>
          %dma_start3A_702 = arith.constant 0 : i32
          %dma_start3A_703 = tpu.memref_slice %arg10[%squeeze3A_693, %dma_start3A_702] : memref<1000001x64xf32, #tpu.memory_space<hbm>> -> memref<1x64xf32, #tpu.memory_space<hbm>>
          tpu.enqueue_dma source(%dma_start3A_703 : memref<1x64xf32, #tpu.memory_space<hbm>>) target(%dma_start3A_701 : memref<1x64xf32, #tpu.memory_space<vmem>>) target_semaphore(%arg28 : memref<!tpu.dma_semaphore, #tpu.memory_space<semaphore_mem>>)
        }
        %scan3A_248 = arith.constant 4 : i32
      } else {
      }
      %dma_wait3A_207 = arith.constant 0 : i32
      %dma_wait3A_208 = arith.constant 0 : i32
      %dma_wait3A_209 = tpu.memref_slice %arg2[%dma_wait3A_207, %dma_wait3A_208] : memref<81920x64xf32, #tpu.memory_space<hbm>> -> memref<64x64xf32, #tpu.memory_space<hbm>>
      %dma_wait3A_210 = arith.constant 0 : i32
      %dma_wait3A_211 = arith.constant 0 : i32
      %dma_wait3A_212 = tpu.memref_slice %arg2[%dma_wait3A_210, %dma_wait3A_211] : memref<81920x64xf32, #tpu.memory_space<hbm>> -> memref<64x64xf32, #tpu.memory_space<hbm>>
      tpu.wait_dma2 semaphore(%arg27 : memref<!tpu.dma_semaphore, #tpu.memory_space<semaphore_mem>>) src(%dma_wait3A_212 : memref<64x64xf32, #tpu.memory_space<hbm>>) dst(%arg18 : memref<64x64xf32, #tpu.memory_space<vmem>>)
      %dma_wait3A_213 = arith.constant 0 : i32
      %dma_wait3A_214 = arith.constant 0 : i32
      %dma_wait3A_215 = tpu.memref_slice %arg2[%dma_wait3A_213, %dma_wait3A_214] : memref<81920x64xf32, #tpu.memory_space<hbm>> -> memref<64x64xf32, #tpu.memory_space<hbm>>
      %dma_wait3A_216 = arith.constant 0 : i32
      %dma_wait3A_217 = arith.constant 0 : i32
      %dma_wait3A_218 = tpu.memref_slice %arg2[%dma_wait3A_216, %dma_wait3A_217] : memref<81920x64xf32, #tpu.memory_space<hbm>> -> memref<64x64xf32, #tpu.memory_space<hbm>>
      tpu.wait_dma2 semaphore(%arg27 : memref<!tpu.dma_semaphore, #tpu.memory_space<semaphore_mem>>) src(%dma_wait3A_218 : memref<64x64xf32, #tpu.memory_space<hbm>>) dst(%arg19 : memref<64x64xf32, #tpu.memory_space<vmem>>)
      %scan3A_219 = arith.constant 0 : i32
      %scan3A_220 = arith.constant 0 : i32
      %scan3A_221 = arith.constant 4 : i32
      %scan3A_222 = arith.addi %scan3A_220, %scan3A_221 : i32
      %scan3A_223 = arith.constant 1 : i32
      scf.for %scan3A_243 = %scan3A_220 to %scan3A_222 step %scan3A_223  : i32 {
        %mul3A_244 = arith.constant 16 : i32
        %mul3A_245 = arith.muli %scan3A_243, %mul3A_244 : i32
        %get3A = arith.index_cast %rem3A_182 : i32 to index
        %get3A_246 = arith.index_cast %mul3A_245 : i32 to index
        %get3A_247 = tpu.vector_load %arg15[%get3A, %get3A_246] {strides = array<i32>} : memref<2x64xi32, #tpu.memory_space<vmem>>, vector<16xi32>,
        %mul3A_248 = arith.constant 64 : i32
        %mul3A_249 = vector.broadcast %mul3A_248 : i32 to vector<16xi32>
        %mul3A_250 = arith.muli %get3A_247, %mul3A_249 : vector<16xi32>
        %get3A_251 = arith.index_cast %rem3A_182 : i32 to index
        %get3A_252 = arith.index_cast %mul3A_245 : i32 to index
        %get3A_253 = tpu.vector_load %arg16[%get3A_251, %get3A_252] {strides = array<i32>} : memref<2x64xi32, #tpu.memory_space<vmem>>, vector<16xi32>,
        %mul3A_254 = arith.constant 64 : i32
        %mul3A_255 = vector.broadcast %mul3A_254 : i32 to vector<16xi32>
        %mul3A_256 = arith.muli %get3A_253, %mul3A_255 : vector<16xi32>
        %mul3A_257 = arith.constant 16 : i32
        %mul3A_258 = arith.muli %scan3A_243, %mul3A_257 : i32
        %add3A_259 = arith.constant 0 : i32
        %add3A_260 = arith.addi %mul3A_258, %add3A_259 : i32
        %slice3A = vector.extract_strided_slice %mul3A_250 {offsets = [0], sizes = [1], strides = [1]} : vector<16xi32> to vector<1xi32>
        %squeeze3A = vector.extract %slice3A[0] : i32 from vector<1xi32>
        %slice3A_261 = vector.extract_strided_slice %mul3A_256 {offsets = [0], sizes = [1], strides = [1]} : vector<16xi32> to vector<1xi32>
        %squeeze3A_262 = vector.extract %slice3A_261[0] : i32 from vector<1xi32>
        %broadcast_in_dim3A = arith.constant 0.000000e+00 : f32
        %broadcast_in_dim3A_263 = vector.broadcast %broadcast_in_dim3A : f32 to vector<16xf32>
        %broadcast_in_dim3A_264 = arith.constant 0.000000e+00 : f32
        %broadcast_in_dim3A_265 = vector.broadcast %broadcast_in_dim3A_264 : f32 to vector<16xf32>
        %add3A_266 = arith.constant 0 : i32
        %add3A_267 = arith.addi %squeeze3A, %add3A_266 : i32
        %add3A_268 = vector.broadcast %add3A_267 : i32 to vector<16xi32>
        %add3A_269 = arith.addi %add3A_268, %iota3A : vector<16xi32>
        %gather3A = tpu.vector_load_idx %arg23[%add3A_269] : memref<64064xf32, #tpu.memory_space<vmem>>[vector<16xi32>], vector<16xf32>,
        %add3A_270 = arith.constant 0 : i32
        %add3A_271 = arith.addi %squeeze3A_262, %add3A_270 : i32
        %add3A_272 = vector.broadcast %add3A_271 : i32 to vector<16xi32>
        %add3A_273 = arith.addi %add3A_272, %iota3A : vector<16xi32>
        %gather3A_274 = tpu.vector_load_idx %arg23[%add3A_273] : memref<64064xf32, #tpu.memory_space<vmem>>[vector<16xi32>], vector<16xf32>,
        %swap3A = arith.index_cast %add3A_260 : i32 to index
        %swap3A_275 = arith.constant 0 : index
        %swap3A_276 = tpu.vector_load %arg22[%swap3A, %swap3A_275] {strides = array<i32>} : memref<64x64xf32, #tpu.memory_space<vmem>>, vector<16xf32>,
        tpu.vector_store %arg22[%swap3A, %swap3A_275], %gather3A {strides = array<i32>} : memref<64x64xf32, #tpu.memory_space<vmem>>, vector<16xf32>,
        %get3A_277 = arith.index_cast %add3A_260 : i32 to index
        %get3A_278 = arith.constant 0 : index
        %get3A_279 = tpu.vector_load %arg18[%get3A_277, %get3A_278] {strides = array<i32>} : memref<64x64xf32, #tpu.memory_space<vmem>>, vector<16xf32>,
        %add3A_280 = arith.addf %get3A_279, %gather3A : vector<16xf32>
        %get3A_281 = arith.index_cast %rem3A_182 : i32 to index
        %get3A_282 = arith.index_cast %add3A_260 : i32 to index
        %get3A_283 = arith.constant 0 : index
        %get3A_284 = tpu.vector_load %arg20[%get3A_281, %get3A_282, %get3A_283] {strides = array<i32>} : memref<2x64x64xf32, #tpu.memory_space<vmem>>, vector<16xf32>,
        %sub3A = arith.subf %add3A_280, %get3A_284 : vector<16xf32>
        %abs3A = math.absf %sub3A : vector<16xf32>
        %get3A_285 = arith.index_cast %add3A_260 : i32 to index
        %get3A_286 = arith.constant 0 : index
        %get3A_287 = tpu.vector_load %arg19[%get3A_285, %get3A_286] {strides = array<i32>} : memref<64x64xf32, #tpu.memory_space<vmem>>, vector<16xf32>,
        %add3A_288 = arith.addf %get3A_287, %gather3A_274 : vector<16xf32>
        %get3A_289 = arith.index_cast %rem3A_182 : i32 to index
        %get3A_290 = arith.index_cast %add3A_260 : i32 to index
        %get3A_291 = arith.constant 0 : index
        %get3A_292 = tpu.vector_load %arg21[%get3A_289, %get3A_290, %get3A_291] {strides = array<i32>} : memref<2x64x64xf32, #tpu.memory_space<vmem>>, vector<16xf32>,
        %sub3A_293 = arith.subf %add3A_288, %get3A_292 : vector<16xf32>
        %abs3A_294 = math.absf %sub3A_293 : vector<16xf32>
        %sub3A_295 = arith.subf %abs3A, %abs3A_294 : vector<16xf32>
        %add3A_296 = arith.addf %broadcast_in_dim3A_263, %sub3A_295 : vector<16xf32>
        %add3A_297 = arith.constant 16 : i32
        %add3A_298 = arith.addi %squeeze3A, %add3A_297 : i32
        %add3A_299 = vector.broadcast %add3A_298 : i32 to vector<16xi32>
        %add3A_300 = arith.addi %add3A_299, %iota3A : vector<16xi32>
        %gather3A_301 = tpu.vector_load_idx %arg23[%add3A_300] : memref<64064xf32, #tpu.memory_space<vmem>>[vector<16xi32>], vector<16xf32>,
        %add3A_302 = arith.constant 16 : i32
        %add3A_303 = arith.addi %squeeze3A_262, %add3A_302 : i32
        %add3A_304 = vector.broadcast %add3A_303 : i32 to vector<16xi32>
        %add3A_305 = arith.addi %add3A_304, %iota3A : vector<16xi32>
        %gather3A_306 = tpu.vector_load_idx %arg23[%add3A_305] : memref<64064xf32, #tpu.memory_space<vmem>>[vector<16xi32>], vector<16xf32>,
        %swap3A_307 = arith.index_cast %add3A_260 : i32 to index
        %swap3A_308 = arith.constant 16 : index
        %swap3A_309 = tpu.vector_load %arg22[%swap3A_307, %swap3A_308] {strides = array<i32>} : memref<64x64xf32, #tpu.memory_space<vmem>>, vector<16xf32>,
        tpu.vector_store %arg22[%swap3A_307, %swap3A_308], %gather3A_301 {strides = array<i32>} : memref<64x64xf32, #tpu.memory_space<vmem>>, vector<16xf32>,
        %get3A_310 = arith.index_cast %add3A_260 : i32 to index
        %get3A_311 = arith.constant 16 : index
        %get3A_312 = tpu.vector_load %arg18[%get3A_310, %get3A_311] {strides = array<i32>} : memref<64x64xf32, #tpu.memory_space<vmem>>, vector<16xf32>,
        %add3A_313 = arith.addf %get3A_312, %gather3A_301 : vector<16xf32>
        %get3A_314 = arith.index_cast %rem3A_182 : i32 to index
        %get3A_315 = arith.index_cast %add3A_260 : i32 to index
        %get3A_316 = arith.constant 16 : index
        %get3A_317 = tpu.vector_load %arg20[%get3A_314, %get3A_315, %get3A_316] {strides = array<i32>} : memref<2x64x64xf32, #tpu.memory_space<vmem>>, vector<16xf32>,
        %sub3A_318 = arith.subf %add3A_313, %get3A_317 : vector<16xf32>
        %abs3A_319 = math.absf %sub3A_318 : vector<16xf32>
        %get3A_320 = arith.index_cast %add3A_260 : i32 to index
        %get3A_321 = arith.constant 16 : index
        %get3A_322 = tpu.vector_load %arg19[%get3A_320, %get3A_321] {strides = array<i32>} : memref<64x64xf32, #tpu.memory_space<vmem>>, vector<16xf32>,
        %add3A_323 = arith.addf %get3A_322, %gather3A_306 : vector<16xf32>
        %get3A_324 = arith.index_cast %rem3A_182 : i32 to index
        %get3A_325 = arith.index_cast %add3A_260 : i32 to index
        %get3A_326 = arith.constant 16 : index
        %get3A_327 = tpu.vector_load %arg21[%get3A_324, %get3A_325, %get3A_326] {strides = array<i32>} : memref<2x64x64xf32, #tpu.memory_space<vmem>>, vector<16xf32>,
        %sub3A_328 = arith.subf %add3A_323, %get3A_327 : vector<16xf32>
        %abs3A_329 = math.absf %sub3A_328 : vector<16xf32>
        %sub3A_330 = arith.subf %abs3A_319, %abs3A_329 : vector<16xf32>
        %add3A_331 = arith.addf %broadcast_in_dim3A_265, %sub3A_330 : vector<16xf32>
        %add3A_332 = arith.constant 32 : i32
        %add3A_333 = arith.addi %squeeze3A, %add3A_332 : i32
        %add3A_334 = vector.broadcast %add3A_333 : i32 to vector<16xi32>
        %add3A_335 = arith.addi %add3A_334, %iota3A : vector<16xi32>
        %gather3A_336 = tpu.vector_load_idx %arg23[%add3A_335] : memref<64064xf32, #tpu.memory_space<vmem>>[vector<16xi32>], vector<16xf32>,
        %add3A_337 = arith.constant 32 : i32
        %add3A_338 = arith.addi %squeeze3A_262, %add3A_337 : i32
        %add3A_339 = vector.broadcast %add3A_338 : i32 to vector<16xi32>
        %add3A_340 = arith.addi %add3A_339, %iota3A : vector<16xi32>
        %gather3A_341 = tpu.vector_load_idx %arg23[%add3A_340] : memref<64064xf32, #tpu.memory_space<vmem>>[vector<16xi32>], vector<16xf32>,
        %swap3A_342 = arith.index_cast %add3A_260 : i32 to index
        %swap3A_343 = arith.constant 32 : index
        %swap3A_344 = tpu.vector_load %arg22[%swap3A_342, %swap3A_343] {strides = array<i32>} : memref<64x64xf32, #tpu.memory_space<vmem>>, vector<16xf32>,
        tpu.vector_store %arg22[%swap3A_342, %swap3A_343], %gather3A_336 {strides = array<i32>} : memref<64x64xf32, #tpu.memory_space<vmem>>, vector<16xf32>,
        %get3A_345 = arith.index_cast %add3A_260 : i32 to index
        %get3A_346 = arith.constant 32 : index
        %get3A_347 = tpu.vector_load %arg18[%get3A_345, %get3A_346] {strides = array<i32>} : memref<64x64xf32, #tpu.memory_space<vmem>>, vector<16xf32>,
        %add3A_348 = arith.addf %get3A_347, %gather3A_336 : vector<16xf32>
        %get3A_349 = arith.index_cast %rem3A_182 : i32 to index
        %get3A_350 = arith.index_cast %add3A_260 : i32 to index
        %get3A_351 = arith.constant 32 : index
        %get3A_352 = tpu.vector_load %arg20[%get3A_349, %get3A_350, %get3A_351] {strides = array<i32>} : memref<2x64x64xf32, #tpu.memory_space<vmem>>, vector<16xf32>,
        %sub3A_353 = arith.subf %add3A_348, %get3A_352 : vector<16xf32>
        %abs3A_354 = math.absf %sub3A_353 : vector<16xf32>
        %get3A_355 = arith.index_cast %add3A_260 : i32 to index
        %get3A_356 = arith.constant 32 : index
        %get3A_357 = tpu.vector_load %arg19[%get3A_355, %get3A_356] {strides = array<i32>} : memref<64x64xf32, #tpu.memory_space<vmem>>, vector<16xf32>,
        %add3A_358 = arith.addf %get3A_357, %gather3A_341 : vector<16xf32>
        %get3A_359 = arith.index_cast %rem3A_182 : i32 to index
        %get3A_360 = arith.index_cast %add3A_260 : i32 to index
        %get3A_361 = arith.constant 32 : index
        %get3A_362 = tpu.vector_load %arg21[%get3A_359, %get3A_360, %get3A_361] {strides = array<i32>} : memref<2x64x64xf32, #tpu.memory_space<vmem>>, vector<16xf32>,
        %sub3A_363 = arith.subf %add3A_358, %get3A_362 : vector<16xf32>
        %abs3A_364 = math.absf %sub3A_363 : vector<16xf32>
        %sub3A_365 = arith.subf %abs3A_354, %abs3A_364 : vector<16xf32>
        %add3A_366 = arith.addf %add3A_296, %sub3A_365 : vector<16xf32>
        %add3A_367 = arith.constant 48 : i32
        %add3A_368 = arith.addi %squeeze3A, %add3A_367 : i32
        %add3A_369 = vector.broadcast %add3A_368 : i32 to vector<16xi32>
        %add3A_370 = arith.addi %add3A_369, %iota3A : vector<16xi32>
        %gather3A_371 = tpu.vector_load_idx %arg23[%add3A_370] : memref<64064xf32, #tpu.memory_space<vmem>>[vector<16xi32>], vector<16xf32>,
        %add3A_372 = arith.constant 48 : i32
        %add3A_373 = arith.addi %squeeze3A_262, %add3A_372 : i32
        %add3A_374 = vector.broadcast %add3A_373 : i32 to vector<16xi32>
        %add3A_375 = arith.addi %add3A_374, %iota3A : vector<16xi32>
        %gather3A_376 = tpu.vector_load_idx %arg23[%add3A_375] : memref<64064xf32, #tpu.memory_space<vmem>>[vector<16xi32>], vector<16xf32>,
        %swap3A_377 = arith.index_cast %add3A_260 : i32 to index
        %swap3A_378 = arith.constant 48 : index
        %swap3A_379 = tpu.vector_load %arg22[%swap3A_377, %swap3A_378] {strides = array<i32>} : memref<64x64xf32, #tpu.memory_space<vmem>>, vector<16xf32>,
        tpu.vector_store %arg22[%swap3A_377, %swap3A_378], %gather3A_371 {strides = array<i32>} : memref<64x64xf32, #tpu.memory_space<vmem>>, vector<16xf32>,
        %get3A_380 = arith.index_cast %add3A_260 : i32 to index
        %get3A_381 = arith.constant 48 : index
        %get3A_382 = tpu.vector_load %arg18[%get3A_380, %get3A_381] {strides = array<i32>} : memref<64x64xf32, #tpu.memory_space<vmem>>, vector<16xf32>,
        %add3A_383 = arith.addf %get3A_382, %gather3A_371 : vector<16xf32>
        %get3A_384 = arith.index_cast %rem3A_182 : i32 to index
        %get3A_385 = arith.index_cast %add3A_260 : i32 to index
        %get3A_386 = arith.constant 48 : index
        %get3A_387 = tpu.vector_load %arg20[%get3A_384, %get3A_385, %get3A_386] {strides = array<i32>} : memref<2x64x64xf32, #tpu.memory_space<vmem>>, vector<16xf32>,
        %sub3A_388 = arith.subf %add3A_383, %get3A_387 : vector<16xf32>
        %abs3A_389 = math.absf %sub3A_388 : vector<16xf32>
        %get3A_390 = arith.index_cast %add3A_260 : i32 to index
        %get3A_391 = arith.constant 48 : index
        %get3A_392 = tpu.vector_load %arg19[%get3A_390, %get3A_391] {strides = array<i32>} : memref<64x64xf32, #tpu.memory_space<vmem>>, vector<16xf32>,
        %add3A_393 = arith.addf %get3A_392, %gather3A_376 : vector<16xf32>
        %get3A_394 = arith.index_cast %rem3A_182 : i32 to index
        %get3A_395 = arith.index_cast %add3A_260 : i32 to index
        %get3A_396 = arith.constant 48 : index
        %get3A_397 = tpu.vector_load %arg21[%get3A_394, %get3A_395, %get3A_396] {strides = array<i32>} : memref<2x64x64xf32, #tpu.memory_space<vmem>>, vector<16xf32>,
        %sub3A_398 = arith.subf %add3A_393, %get3A_397 : vector<16xf32>
        %abs3A_399 = math.absf %sub3A_398 : vector<16xf32>
        %sub3A_400 = arith.subf %abs3A_389, %abs3A_399 : vector<16xf32>
        %add3A_401 = arith.addf %add3A_331, %sub3A_400 : vector<16xf32>
        %add3A_402 = arith.addf %add3A_366, %add3A_401 : vector<16xf32>
        %swap3A_403 = arith.constant 0 : index
        %swap3A_404 = tpu.vector_load %arg25[%swap3A_403] {strides = array<i32>} : memref<256xf32, #tpu.memory_space<vmem>>, vector<16xf32>,
        tpu.vector_store %arg25[%swap3A_403], %add3A_402 {strides = array<i32>} : memref<256xf32, #tpu.memory_space<vmem>>, vector<16xf32>,
        %mul3A_405 = arith.constant 16 : i32
        %mul3A_406 = arith.muli %scan3A_243, %mul3A_405 : i32
        %add3A_407 = arith.constant 1 : i32
        %add3A_408 = arith.addi %mul3A_406, %add3A_407 : i32
        %slice3A_409 = vector.extract_strided_slice %mul3A_250 {offsets = [1], sizes = [1], strides = [1]} : vector<16xi32> to vector<1xi32>
        %squeeze3A_410 = vector.extract %slice3A_409[0] : i32 from vector<1xi32>
        %slice3A_411 = vector.extract_strided_slice %mul3A_256 {offsets = [1], sizes = [1], strides = [1]} : vector<16xi32> to vector<1xi32>
        %squeeze3A_412 = vector.extract %slice3A_411[0] : i32 from vector<1xi32>
        %broadcast_in_dim3A_413 = arith.constant 0.000000e+00 : f32
        %broadcast_in_dim3A_414 = vector.broadcast %broadcast_in_dim3A_413 : f32 to vector<16xf32>
        %broadcast_in_dim3A_415 = arith.constant 0.000000e+00 : f32
        %broadcast_in_dim3A_416 = vector.broadcast %broadcast_in_dim3A_415 : f32 to vector<16xf32>
        %add3A_417 = arith.constant 0 : i32
        %add3A_418 = arith.addi %squeeze3A_410, %add3A_417 : i32
        %add3A_419 = vector.broadcast %add3A_418 : i32 to vector<16xi32>
        %add3A_420 = arith.addi %add3A_419, %iota3A : vector<16xi32>
        %gather3A_421 = tpu.vector_load_idx %arg23[%add3A_420] : memref<64064xf32, #tpu.memory_space<vmem>>[vector<16xi32>], vector<16xf32>,
        %add3A_422 = arith.constant 0 : i32
        %add3A_423 = arith.addi %squeeze3A_412, %add3A_422 : i32
        %add3A_424 = vector.broadcast %add3A_423 : i32 to vector<16xi32>
        %add3A_425 = arith.addi %add3A_424, %iota3A : vector<16xi32>
        %gather3A_426 = tpu.vector_load_idx %arg23[%add3A_425] : memref<64064xf32, #tpu.memory_space<vmem>>[vector<16xi32>], vector<16xf32>,
        %swap3A_427 = arith.index_cast %add3A_408 : i32 to index
        %swap3A_428 = arith.constant 0 : index
        %swap3A_429 = tpu.vector_load %arg22[%swap3A_427, %swap3A_428] {strides = array<i32>} : memref<64x64xf32, #tpu.memory_space<vmem>>, vector<16xf32>,
        tpu.vector_store %arg22[%swap3A_427, %swap3A_428], %gather3A_421 {strides = array<i32>} : memref<64x64xf32, #tpu.memory_space<vmem>>, vector<16xf32>,
        %get3A_430 = arith.index_cast %add3A_408 : i32 to index
        %get3A_431 = arith.constant 0 : index
        %get3A_432 = tpu.vector_load %arg18[%get3A_430, %get3A_431] {strides = array<i32>} : memref<64x64xf32, #tpu.memory_space<vmem>>, vector<16xf32>,
        %add3A_433 = arith.addf %get3A_432, %gather3A_421 : vector<16xf32>
        %get3A_434 = arith.index_cast %rem3A_182 : i32 to index
        %get3A_435 = arith.index_cast %add3A_408 : i32 to index
        %get3A_436 = arith.constant 0 : index
        %get3A_437 = tpu.vector_load %arg20[%get3A_434, %get3A_435, %get3A_436] {strides = array<i32>} : memref<2x64x64xf32, #tpu.memory_space<vmem>>, vector<16xf32>,
        %sub3A_438 = arith.subf %add3A_433, %get3A_437 : vector<16xf32>
        %abs3A_439 = math.absf %sub3A_438 : vector<16xf32>
        %get3A_440 = arith.index_cast %add3A_408 : i32 to index
        %get3A_441 = arith.constant 0 : index
        %get3A_442 = tpu.vector_load %arg19[%get3A_440, %get3A_441] {strides = array<i32>} : memref<64x64xf32, #tpu.memory_space<vmem>>, vector<16xf32>,
        %add3A_443 = arith.addf %get3A_442, %gather3A_426 : vector<16xf32>
        %get3A_444 = arith.index_cast %rem3A_182 : i32 to index
        %get3A_445 = arith.index_cast %add3A_408 : i32 to index
        %get3A_446 = arith.constant 0 : index
        %get3A_447 = tpu.vector_load %arg21[%get3A_444, %get3A_445, %get3A_446] {strides = array<i32>} : memref<2x64x64xf32, #tpu.memory_space<vmem>>, vector<16xf32>,
        %sub3A_448 = arith.subf %add3A_443, %get3A_447 : vector<16xf32>
        %abs3A_449 = math.absf %sub3A_448 : vector<16xf32>
        %sub3A_450 = arith.subf %abs3A_439, %abs3A_449 : vector<16xf32>
        %add3A_451 = arith.addf %broadcast_in_dim3A_414, %sub3A_450 : vector<16xf32>
        %add3A_452 = arith.constant 16 : i32
        %add3A_453 = arith.addi %squeeze3A_410, %add3A_452 : i32
        %add3A_454 = vector.broadcast %add3A_453 : i32 to vector<16xi32>
        %add3A_455 = arith.addi %add3A_454, %iota3A : vector<16xi32>
        %gather3A_456 = tpu.vector_load_idx %arg23[%add3A_455] : memref<64064xf32, #tpu.memory_space<vmem>>[vector<16xi32>], vector<16xf32>,
        %add3A_457 = arith.constant 16 : i32
        %add3A_458 = arith.addi %squeeze3A_412, %add3A_457 : i32
        %add3A_459 = vector.broadcast %add3A_458 : i32 to vector<16xi32>
        %add3A_460 = arith.addi %add3A_459, %iota3A : vector<16xi32>
        %gather3A_461 = tpu.vector_load_idx %arg23[%add3A_460] : memref<64064xf32, #tpu.memory_space<vmem>>[vector<16xi32>], vector<16xf32>,
        %swap3A_462 = arith.index_cast %add3A_408 : i32 to index
        %swap3A_463 = arith.constant 16 : index
        %swap3A_464 = tpu.vector_load %arg22[%swap3A_462, %swap3A_463] {strides = array<i32>} : memref<64x64xf32, #tpu.memory_space<vmem>>, vector<16xf32>,
        tpu.vector_store %arg22[%swap3A_462, %swap3A_463], %gather3A_456 {strides = array<i32>} : memref<64x64xf32, #tpu.memory_space<vmem>>, vector<16xf32>,
        %get3A_465 = arith.index_cast %add3A_408 : i32 to index
        %get3A_466 = arith.constant 16 : index
        %get3A_467 = tpu.vector_load %arg18[%get3A_465, %get3A_466] {strides = array<i32>} : memref<64x64xf32, #tpu.memory_space<vmem>>, vector<16xf32>,
        %add3A_468 = arith.addf %get3A_467, %gather3A_456 : vector<16xf32>
        %get3A_469 = arith.index_cast %rem3A_182 : i32 to index
        %get3A_470 = arith.index_cast %add3A_408 : i32 to index
        %get3A_471 = arith.constant 16 : index
        %get3A_472 = tpu.vector_load %arg20[%get3A_469, %get3A_470, %get3A_471] {strides = array<i32>} : memref<2x64x64xf32, #tpu.memory_space<vmem>>, vector<16xf32>,
        %sub3A_473 = arith.subf %add3A_468, %get3A_472 : vector<16xf32>
        %abs3A_474 = math.absf %sub3A_473 : vector<16xf32>
        %get3A_475 = arith.index_cast %add3A_408 : i32 to index
        %get3A_476 = arith.constant 16 : index
        %get3A_477 = tpu.vector_load %arg19[%get3A_475, %get3A_476] {strides = array<i32>} : memref<64x64xf32, #tpu.memory_space<vmem>>, vector<16xf32>,
        %add3A_478 = arith.addf %get3A_477, %gather3A_461 : vector<16xf32>
        %get3A_479 = arith.index_cast %rem3A_182 : i32 to index
        %get3A_480 = arith.index_cast %add3A_408 : i32 to index
        %get3A_481 = arith.constant 16 : index
        %get3A_482 = tpu.vector_load %arg21[%get3A_479, %get3A_480, %get3A_481] {strides = array<i32>} : memref<2x64x64xf32, #tpu.memory_space<vmem>>, vector<16xf32>,
        %sub3A_483 = arith.subf %add3A_478, %get3A_482 : vector<16xf32>
        %abs3A_484 = math.absf %sub3A_483 : vector<16xf32>
        %sub3A_485 = arith.subf %abs3A_474, %abs3A_484 : vector<16xf32>
        %add3A_486 = arith.addf %broadcast_in_dim3A_416, %sub3A_485 : vector<16xf32>
        %add3A_487 = arith.constant 32 : i32
        %add3A_488 = arith.addi %squeeze3A_410, %add3A_487 : i32
        %add3A_489 = vector.broadcast %add3A_488 : i32 to vector<16xi32>
        %add3A_490 = arith.addi %add3A_489, %iota3A : vector<16xi32>
        %gather3A_491 = tpu.vector_load_idx %arg23[%add3A_490] : memref<64064xf32, #tpu.memory_space<vmem>>[vector<16xi32>], vector<16xf32>,
        %add3A_492 = arith.constant 32 : i32
        %add3A_493 = arith.addi %squeeze3A_412, %add3A_492 : i32
        %add3A_494 = vector.broadcast %add3A_493 : i32 to vector<16xi32>
        %add3A_495 = arith.addi %add3A_494, %iota3A : vector<16xi32>
        %gather3A_496 = tpu.vector_load_idx %arg23[%add3A_495] : memref<64064xf32, #tpu.memory_space<vmem>>[vector<16xi32>], vector<16xf32>,
        %swap3A_497 = arith.index_cast %add3A_408 : i32 to index
        %swap3A_498 = arith.constant 32 : index
        %swap3A_499 = tpu.vector_load %arg22[%swap3A_497, %swap3A_498] {strides = array<i32>} : memref<64x64xf32, #tpu.memory_space<vmem>>, vector<16xf32>,
        tpu.vector_store %arg22[%swap3A_497, %swap3A_498], %gather3A_491 {strides = array<i32>} : memref<64x64xf32, #tpu.memory_space<vmem>>, vector<16xf32>,
        %get3A_500 = arith.index_cast %add3A_408 : i32 to index
        %get3A_501 = arith.constant 32 : index
        %get3A_502 = tpu.vector_load %arg18[%get3A_500, %get3A_501] {strides = array<i32>} : memref<64x64xf32, #tpu.memory_space<vmem>>, vector<16xf32>,
        %add3A_503 = arith.addf %get3A_502, %gather3A_491 : vector<16xf32>
        %get3A_504 = arith.index_cast %rem3A_182 : i32 to index
        %get3A_505 = arith.index_cast %add3A_408 : i32 to index
        %get3A_506 = arith.constant 32 : index
        %get3A_507 = tpu.vector_load %arg20[%get3A_504, %get3A_505, %get3A_506] {strides = array<i32>} : memref<2x64x64xf32, #tpu.memory_space<vmem>>, vector<16xf32>,
        %sub3A_508 = arith.subf %add3A_503, %get3A_507 : vector<16xf32>
        %abs3A_509 = math.absf %sub3A_508 : vector<16xf32>
        %get3A_510 = arith.index_cast %add3A_408 : i32 to index
        %get3A_511 = arith.constant 32 : index
        %get3A_512 = tpu.vector_load %arg19[%get3A_510, %get3A_511] {strides = array<i32>} : memref<64x64xf32, #tpu.memory_space<vmem>>, vector<16xf32>,
        %add3A_513 = arith.addf %get3A_512, %gather3A_496 : vector<16xf32>
        %get3A_514 = arith.index_cast %rem3A_182 : i32 to index
        %get3A_515 = arith.index_cast %add3A_408 : i32 to index
        %get3A_516 = arith.constant 32 : index
        %get3A_517 = tpu.vector_load %arg21[%get3A_514, %get3A_515, %get3A_516] {strides = array<i32>} : memref<2x64x64xf32, #tpu.memory_space<vmem>>, vector<16xf32>,
        %sub3A_518 = arith.subf %add3A_513, %get3A_517 : vector<16xf32>
        %abs3A_519 = math.absf %sub3A_518 : vector<16xf32>
        %sub3A_520 = arith.subf %abs3A_509, %abs3A_519 : vector<16xf32>
        %add3A_521 = arith.addf %add3A_451, %sub3A_520 : vector<16xf32>
        %add3A_522 = arith.constant 48 : i32
        %add3A_523 = arith.addi %squeeze3A_410, %add3A_522 : i32
        %add3A_524 = vector.broadcast %add3A_523 : i32 to vector<16xi32>
        %add3A_525 = arith.addi %add3A_524, %iota3A : vector<16xi32>
        %gather3A_526 = tpu.vector_load_idx %arg23[%add3A_525] : memref<64064xf32, #tpu.memory_space<vmem>>[vector<16xi32>], vector<16xf32>,
        %add3A_527 = arith.constant 48 : i32
        %add3A_528 = arith.addi %squeeze3A_412, %add3A_527 : i32
        %add3A_529 = vector.broadcast %add3A_528 : i32 to vector<16xi32>
        %add3A_530 = arith.addi %add3A_529, %iota3A : vector<16xi32>
        %gather3A_531 = tpu.vector_load_idx %arg23[%add3A_530] : memref<64064xf32, #tpu.memory_space<vmem>>[vector<16xi32>], vector<16xf32>,
        %swap3A_532 = arith.index_cast %add3A_408 : i32 to index
        %swap3A_533 = arith.constant 48 : index
        %swap3A_534 = tpu.vector_load %arg22[%swap3A_532, %swap3A_533] {strides = array<i32>} : memref<64x64xf32, #tpu.memory_space<vmem>>, vector<16xf32>,
        tpu.vector_store %arg22[%swap3A_532, %swap3A_533], %gather3A_526 {strides = array<i32>} : memref<64x64xf32, #tpu.memory_space<vmem>>, vector<16xf32>,
        %get3A_535 = arith.index_cast %add3A_408 : i32 to index
        %get3A_536 = arith.constant 48 : index
        %get3A_537 = tpu.vector_load %arg18[%get3A_535, %get3A_536] {strides = array<i32>} : memref<64x64xf32, #tpu.memory_space<vmem>>, vector<16xf32>,
        %add3A_538 = arith.addf %get3A_537, %gather3A_526 : vector<16xf32>
        %get3A_539 = arith.index_cast %rem3A_182 : i32 to index
        %get3A_540 = arith.index_cast %add3A_408 : i32 to index
        %get3A_541 = arith.constant 48 : index
        %get3A_542 = tpu.vector_load %arg20[%get3A_539, %get3A_540, %get3A_541] {strides = array<i32>} : memref<2x64x64xf32, #tpu.memory_space<vmem>>, vector<16xf32>,
        %sub3A_543 = arith.subf %add3A_538, %get3A_542 : vector<16xf32>
        %abs3A_544 = math.absf %sub3A_543 : vector<16xf32>
        %get3A_545 = arith.index_cast %add3A_408 : i32 to index
        %get3A_546 = arith.constant 48 : index
        %get3A_547 = tpu.vector_load %arg19[%get3A_545, %get3A_546] {strides = array<i32>} : memref<64x64xf32, #tpu.memory_space<vmem>>, vector<16xf32>,
        %add3A_548 = arith.addf %get3A_547, %gather3A_531 : vector<16xf32>
        %get3A_549 = arith.index_cast %rem3A_182 : i32 to index
        %get3A_550 = arith.index_cast %add3A_408 : i32 to index
        %get3A_551 = arith.constant 48 : index
        %get3A_552 = tpu.vector_load %arg21[%get3A_549, %get3A_550, %get3A_551] {strides = array<i32>} : memref<2x64x64xf32, #tpu.memory_space<vmem>>, vector<16xf32>,
        %sub3A_553 = arith.subf %add3A_548, %get3A_552 : vector<16xf32>
        %abs3A_554 = math.absf %sub3A_553 : vector<16xf32>
        %sub3A_555 = arith.subf %abs3A_544, %abs3A_554 : vector<16xf32>
        %add3A_556 = arith.addf %add3A_486, %sub3A_555 : vector<16xf32>
        %add3A_557 = arith.addf %add3A_521, %add3A_556 : vector<16xf32>
        %swap3A_558 = arith.constant 16 : index
        %swap3A_559 = tpu.vector_load %arg25[%swap3A_558] {strides = array<i32>} : memref<256xf32, #tpu.memory_space<vmem>>, vector<16xf32>,
        tpu.vector_store %arg25[%swap3A_558], %add3A_557 {strides = array<i32>} : memref<256xf32, #tpu.memory_space<vmem>>, vector<16xf32>,
        %mul3A_560 = arith.constant 16 : i32
        %mul3A_561 = arith.muli %scan3A_243, %mul3A_560 : i32
        %add3A_562 = arith.constant 2 : i32
        %add3A_563 = arith.addi %mul3A_561, %add3A_562 : i32
        %slice3A_564 = vector.extract_strided_slice %mul3A_250 {offsets = [2], sizes = [1], strides = [1]} : vector<16xi32> to vector<1xi32>
        %squeeze3A_565 = vector.extract %slice3A_564[0] : i32 from vector<1xi32>
        %slice3A_566 = vector.extract_strided_slice %mul3A_256 {offsets = [2], sizes = [1], strides = [1]} : vector<16xi32> to vector<1xi32>
        %squeeze3A_567 = vector.extract %slice3A_566[0] : i32 from vector<1xi32>
        %broadcast_in_dim3A_568 = arith.constant 0.000000e+00 : f32
        %broadcast_in_dim3A_569 = vector.broadcast %broadcast_in_dim3A_568 : f32 to vector<16xf32>
        %broadcast_in_dim3A_570 = arith.constant 0.000000e+00 : f32
        %broadcast_in_dim3A_571 = vector.broadcast %broadcast_in_dim3A_570 : f32 to vector<16xf32>
        %add3A_572 = arith.constant 0 : i32
        %add3A_573 = arith.addi %squeeze3A_565, %add3A_572 : i32
        %add3A_574 = vector.broadcast %add3A_573 : i32 to vector<16xi32>
        %add3A_575 = arith.addi %add3A_574, %iota3A : vector<16xi32>
        %gather3A_576 = tpu.vector_load_idx %arg23[%add3A_575] : memref<64064xf32, #tpu.memory_space<vmem>>[vector<16xi32>], vector<16xf32>,
        %add3A_577 = arith.constant 0 : i32
        %add3A_578 = arith.addi %squeeze3A_567, %add3A_577 : i32
        %add3A_579 = vector.broadcast %add3A_578 : i32 to vector<16xi32>
        %add3A_580 = arith.addi %add3A_579, %iota3A : vector<16xi32>
        %gather3A_581 = tpu.vector_load_idx %arg23[%add3A_580] : memref<64064xf32, #tpu.memory_space<vmem>>[vector<16xi32>], vector<16xf32>,
        %swap3A_582 = arith.index_cast %add3A_563 : i32 to index
        %swap3A_583 = arith.constant 0 : index
        %swap3A_584 = tpu.vector_load %arg22[%swap3A_582, %swap3A_583] {strides = array<i32>} : memref<64x64xf32, #tpu.memory_space<vmem>>, vector<16xf32>,
        tpu.vector_store %arg22[%swap3A_582, %swap3A_583], %gather3A_576 {strides = array<i32>} : memref<64x64xf32, #tpu.memory_space<vmem>>, vector<16xf32>,
        %get3A_585 = arith.index_cast %add3A_563 : i32 to index
        %get3A_586 = arith.constant 0 : index
        %get3A_587 = tpu.vector_load %arg18[%get3A_585, %get3A_586] {strides = array<i32>} : memref<64x64xf32, #tpu.memory_space<vmem>>, vector<16xf32>,
        %add3A_588 = arith.addf %get3A_587, %gather3A_576 : vector<16xf32>
        %get3A_589 = arith.index_cast %rem3A_182 : i32 to index
        %get3A_590 = arith.index_cast %add3A_563 : i32 to index
        %get3A_591 = arith.constant 0 : index
        %get3A_592 = tpu.vector_load %arg20[%get3A_589, %get3A_590, %get3A_591] {strides = array<i32>} : memref<2x64x64xf32, #tpu.memory_space<vmem>>, vector<16xf32>,
        %sub3A_593 = arith.subf %add3A_588, %get3A_592 : vector<16xf32>
        %abs3A_594 = math.absf %sub3A_593 : vector<16xf32>
        %get3A_595 = arith.index_cast %add3A_563 : i32 to index
        %get3A_596 = arith.constant 0 : index
        %get3A_597 = tpu.vector_load %arg19[%get3A_595, %get3A_596] {strides = array<i32>} : memref<64x64xf32, #tpu.memory_space<vmem>>, vector<16xf32>,
        %add3A_598 = arith.addf %get3A_597, %gather3A_581 : vector<16xf32>
        %get3A_599 = arith.index_cast %rem3A_182 : i32 to index
        %get3A_600 = arith.index_cast %add3A_563 : i32 to index
        %get3A_601 = arith.constant 0 : index
        %get3A_602 = tpu.vector_load %arg21[%get3A_599, %get3A_600, %get3A_601] {strides = array<i32>} : memref<2x64x64xf32, #tpu.memory_space<vmem>>, vector<16xf32>,
        %sub3A_603 = arith.subf %add3A_598, %get3A_602 : vector<16xf32>
        %abs3A_604 = math.absf %sub3A_603 : vector<16xf32>
        %sub3A_605 = arith.subf %abs3A_594, %abs3A_604 : vector<16xf32>
        %add3A_606 = arith.addf %broadcast_in_dim3A_569, %sub3A_605 : vector<16xf32>
        %add3A_607 = arith.constant 16 : i32
        %add3A_608 = arith.addi %squeeze3A_565, %add3A_607 : i32
        %add3A_609 = vector.broadcast %add3A_608 : i32 to vector<16xi32>
        %add3A_610 = arith.addi %add3A_609, %iota3A : vector<16xi32>
        %gather3A_611 = tpu.vector_load_idx %arg23[%add3A_610] : memref<64064xf32, #tpu.memory_space<vmem>>[vector<16xi32>], vector<16xf32>,
        %add3A_612 = arith.constant 16 : i32
        %add3A_613 = arith.addi %squeeze3A_567, %add3A_612 : i32
        %add3A_614 = vector.broadcast %add3A_613 : i32 to vector<16xi32>
        %add3A_615 = arith.addi %add3A_614, %iota3A : vector<16xi32>
        %gather3A_616 = tpu.vector_load_idx %arg23[%add3A_615] : memref<64064xf32, #tpu.memory_space<vmem>>[vector<16xi32>], vector<16xf32>,
        %swap3A_617 = arith.index_cast %add3A_563 : i32 to index
        %swap3A_618 = arith.constant 16 : index
        %swap3A_619 = tpu.vector_load %arg22[%swap3A_617, %swap3A_618] {strides = array<i32>} : memref<64x64xf32, #tpu.memory_space<vmem>>, vector<16xf32>,
        tpu.vector_store %arg22[%swap3A_617, %swap3A_618], %gather3A_611 {strides = array<i32>} : memref<64x64xf32, #tpu.memory_space<vmem>>, vector<16xf32>,
        %get3A_620 = arith.index_cast %add3A_563 : i32 to index
        %get3A_621 = arith.constant 16 : index
        %get3A_622 = tpu.vector_load %arg18[%get3A_620, %get3A_621] {strides = array<i32>} : memref<64x64xf32, #tpu.memory_space<vmem>>, vector<16xf32>,
        %add3A_623 = arith.addf %get3A_622, %gather3A_611 : vector<16xf32>
        %get3A_624 = arith.index_cast %rem3A_182 : i32 to index
        %get3A_625 = arith.index_cast %add3A_563 : i32 to index
        %get3A_626 = arith.constant 16 : index
        %get3A_627 = tpu.vector_load %arg20[%get3A_624, %get3A_625, %get3A_626] {strides = array<i32>} : memref<2x64x64xf32, #tpu.memory_space<vmem>>, vector<16xf32>,
        %sub3A_628 = arith.subf %add3A_623, %get3A_627 : vector<16xf32>
        %abs3A_629 = math.absf %sub3A_628 : vector<16xf32>
        %get3A_630 = arith.index_cast %add3A_563 : i32 to index
        %get3A_631 = arith.constant 16 : index
        %get3A_632 = tpu.vector_load %arg19[%get3A_630, %get3A_631] {strides = array<i32>} : memref<64x64xf32, #tpu.memory_space<vmem>>, vector<16xf32>,
        %add3A_633 = arith.addf %get3A_632, %gather3A_616 : vector<16xf32>
        %get3A_634 = arith.index_cast %rem3A_182 : i32 to index
        %get3A_635 = arith.index_cast %add3A_563 : i32 to index
        %get3A_636 = arith.constant 16 : index
        %get3A_637 = tpu.vector_load %arg21[%get3A_634, %get3A_635, %get3A_636] {strides = array<i32>} : memref<2x64x64xf32, #tpu.memory_space<vmem>>, vector<16xf32>,
        %sub3A_638 = arith.subf %add3A_633, %get3A_637 : vector<16xf32>
        %abs3A_639 = math.absf %sub3A_638 : vector<16xf32>
        %sub3A_640 = arith.subf %abs3A_629, %abs3A_639 : vector<16xf32>
        %add3A_641 = arith.addf %broadcast_in_dim3A_571, %sub3A_640 : vector<16xf32>
        %add3A_642 = arith.constant 32 : i32
        %add3A_643 = arith.addi %squeeze3A_565, %add3A_642 : i32
        %add3A_644 = vector.broadcast %add3A_643 : i32 to vector<16xi32>
        %add3A_645 = arith.addi %add3A_644, %iota3A : vector<16xi32>
        %gather3A_646 = tpu.vector_load_idx %arg23[%add3A_645] : memref<64064xf32, #tpu.memory_space<vmem>>[vector<16xi32>], vector<16xf32>,
        %add3A_647 = arith.constant 32 : i32
        %add3A_648 = arith.addi %squeeze3A_567, %add3A_647 : i32
        %add3A_649 = vector.broadcast %add3A_648 : i32 to vector<16xi32>
        %add3A_650 = arith.addi %add3A_649, %iota3A : vector<16xi32>
        %gather3A_651 = tpu.vector_load_idx %arg23[%add3A_650] : memref<64064xf32, #tpu.memory_space<vmem>>[vector<16xi32>], vector<16xf32>,
        %swap3A_652 = arith.index_cast %add3A_563 : i32 to index
        %swap3A_653 = arith.constant 32 : index
        %swap3A_654 = tpu.vector_load %arg22[%swap3A_652, %swap3A_653] {strides = array<i32>} : memref<64x64xf32, #tpu.memory_space<vmem>>, vector<16xf32>,
        tpu.vector_store %arg22[%swap3A_652, %swap3A_653], %gather3A_646 {strides = array<i32>} : memref<64x64xf32, #tpu.memory_space<vmem>>, vector<16xf32>,
        %get3A_655 = arith.index_cast %add3A_563 : i32 to index
        %get3A_656 = arith.constant 32 : index
        %get3A_657 = tpu.vector_load %arg18[%get3A_655, %get3A_656] {strides = array<i32>} : memref<64x64xf32, #tpu.memory_space<vmem>>, vector<16xf32>,
        %add3A_658 = arith.addf %get3A_657, %gather3A_646 : vector<16xf32>
        %get3A_659 = arith.index_cast %rem3A_182 : i32 to index
        %get3A_660 = arith.index_cast %add3A_563 : i32 to index
        %get3A_661 = arith.constant 32 : index
        %get3A_662 = tpu.vector_load %arg20[%get3A_659, %get3A_660, %get3A_661] {strides = array<i32>} : memref<2x64x64xf32, #tpu.memory_space<vmem>>, vector<16xf32>,
        %sub3A_663 = arith.subf %add3A_658, %get3A_662 : vector<16xf32>
        %abs3A_664 = math.absf %sub3A_663 : vector<16xf32>
        %get3A_665 = arith.index_cast %add3A_563 : i32 to index
        %get3A_666 = arith.constant 32 : index
        %get3A_667 = tpu.vector_load %arg19[%get3A_665, %get3A_666] {strides = array<i32>} : memref<64x64xf32, #tpu.memory_space<vmem>>, vector<16xf32>,
        %add3A_668 = arith.addf %get3A_667, %gather3A_651 : vector<16xf32>
        %get3A_669 = arith.index_cast %rem3A_182 : i32 to index
        %get3A_670 = arith.index_cast %add3A_563 : i32 to index
        %get3A_671 = arith.constant 32 : index
        %get3A_672 = tpu.vector_load %arg21[%get3A_669, %get3A_670, %get3A_671] {strides = array<i32>} : memref<2x64x64xf32, #tpu.memory_space<vmem>>, vector<16xf32>,
        %sub3A_673 = arith.subf %add3A_668, %get3A_672 : vector<16xf32>
        %abs3A_674 = math.absf %sub3A_673 : vector<16xf32>
        %sub3A_675 = arith.subf %abs3A_664, %abs3A_674 : vector<16xf32>
        %add3A_676 = arith.addf %add3A_606, %sub3A_675 : vector<16xf32>
        %add3A_677 = arith.constant 48 : i32
        %add3A_678 = arith.addi %squeeze3A_565, %add3A_677 : i32
        %add3A_679 = vector.broadcast %add3A_678 : i32 to vector<16xi32>
        %add3A_680 = arith.addi %add3A_679, %iota3A : vector<16xi32>
        %gather3A_681 = tpu.vector_load_idx %arg23[%add3A_680] : memref<64064xf32, #tpu.memory_space<vmem>>[vector<16xi32>], vector<16xf32>,
        %add3A_682 = arith.constant 48 : i32
        %add3A_683 = arith.addi %squeeze3A_567, %add3A_682 : i32
        %add3A_684 = vector.broadcast %add3A_683 : i32 to vector<16xi32>
        %add3A_685 = arith.addi %add3A_684, %iota3A : vector<16xi32>
        %gather3A_686 = tpu.vector_load_idx %arg23[%add3A_685] : memref<64064xf32, #tpu.memory_space<vmem>>[vector<16xi32>], vector<16xf32>,
        %swap3A_687 = arith.index_cast %add3A_563 : i32 to index
        %swap3A_688 = arith.constant 48 : index
        %swap3A_689 = tpu.vector_load %arg22[%swap3A_687, %swap3A_688] {strides = array<i32>} : memref<64x64xf32, #tpu.memory_space<vmem>>, vector<16xf32>,
        tpu.vector_store %arg22[%swap3A_687, %swap3A_688], %gather3A_681 {strides = array<i32>} : memref<64x64xf32, #tpu.memory_space<vmem>>, vector<16xf32>,
        %get3A_690 = arith.index_cast %add3A_563 : i32 to index
        %get3A_691 = arith.constant 48 : index
        %get3A_692 = tpu.vector_load %arg18[%get3A_690, %get3A_691] {strides = array<i32>} : memref<64x64xf32, #tpu.memory_space<vmem>>, vector<16xf32>,
        %add3A_693 = arith.addf %get3A_692, %gather3A_681 : vector<16xf32>
        %get3A_694 = arith.index_cast %rem3A_182 : i32 to index
        %get3A_695 = arith.index_cast %add3A_563 : i32 to index
        %get3A_696 = arith.constant 48 : index
        %get3A_697 = tpu.vector_load %arg20[%get3A_694, %get3A_695, %get3A_696] {strides = array<i32>} : memref<2x64x64xf32, #tpu.memory_space<vmem>>, vector<16xf32>,
        %sub3A_698 = arith.subf %add3A_693, %get3A_697 : vector<16xf32>
        %abs3A_699 = math.absf %sub3A_698 : vector<16xf32>
        %get3A_700 = arith.index_cast %add3A_563 : i32 to index
        %get3A_701 = arith.constant 48 : index
        %get3A_702 = tpu.vector_load %arg19[%get3A_700, %get3A_701] {strides = array<i32>} : memref<64x64xf32, #tpu.memory_space<vmem>>, vector<16xf32>,
        %add3A_703 = arith.addf %get3A_702, %gather3A_686 : vector<16xf32>
        %get3A_704 = arith.index_cast %rem3A_182 : i32 to index
        %get3A_705 = arith.index_cast %add3A_563 : i32 to index
        %get3A_706 = arith.constant 48 : index
        %get3A_707 = tpu.vector_load %arg21[%get3A_704, %get3A_705, %get3A_706] {strides = array<i32>} : memref<2x64x64xf32, #tpu.memory_space<vmem>>, vector<16xf32>,
        %sub3A_708 = arith.subf %add3A_703, %get3A_707 : vector<16xf32>
        %abs3A_709 = math.absf %sub3A_708 : vector<16xf32>
        %sub3A_710 = arith.subf %abs3A_699, %abs3A_709 : vector<16xf32>
        %add3A_711 = arith.addf %add3A_641, %sub3A_710 : vector<16xf32>
        %add3A_712 = arith.addf %add3A_676, %add3A_711 : vector<16xf32>
        %swap3A_713 = arith.constant 32 : index
        %swap3A_714 = tpu.vector_load %arg25[%swap3A_713] {strides = array<i32>} : memref<256xf32, #tpu.memory_space<vmem>>, vector<16xf32>,
        tpu.vector_store %arg25[%swap3A_713], %add3A_712 {strides = array<i32>} : memref<256xf32, #tpu.memory_space<vmem>>, vector<16xf32>,
        %mul3A_715 = arith.constant 16 : i32
        %mul3A_716 = arith.muli %scan3A_243, %mul3A_715 : i32
        %add3A_717 = arith.constant 3 : i32
        %add3A_718 = arith.addi %mul3A_716, %add3A_717 : i32
        %slice3A_719 = vector.extract_strided_slice %mul3A_250 {offsets = [3], sizes = [1], strides = [1]} : vector<16xi32> to vector<1xi32>
        %squeeze3A_720 = vector.extract %slice3A_719[0] : i32 from vector<1xi32>
        %slice3A_721 = vector.extract_strided_slice %mul3A_256 {offsets = [3], sizes = [1], strides = [1]} : vector<16xi32> to vector<1xi32>
        %squeeze3A_722 = vector.extract %slice3A_721[0] : i32 from vector<1xi32>
        %broadcast_in_dim3A_723 = arith.constant 0.000000e+00 : f32
        %broadcast_in_dim3A_724 = vector.broadcast %broadcast_in_dim3A_723 : f32 to vector<16xf32>
        %broadcast_in_dim3A_725 = arith.constant 0.000000e+00 : f32
        %broadcast_in_dim3A_726 = vector.broadcast %broadcast_in_dim3A_725 : f32 to vector<16xf32>
        %add3A_727 = arith.constant 0 : i32
        %add3A_728 = arith.addi %squeeze3A_720, %add3A_727 : i32
        %add3A_729 = vector.broadcast %add3A_728 : i32 to vector<16xi32>
        %add3A_730 = arith.addi %add3A_729, %iota3A : vector<16xi32>
        %gather3A_731 = tpu.vector_load_idx %arg23[%add3A_730] : memref<64064xf32, #tpu.memory_space<vmem>>[vector<16xi32>], vector<16xf32>,
        %add3A_732 = arith.constant 0 : i32
        %add3A_733 = arith.addi %squeeze3A_722, %add3A_732 : i32
        %add3A_734 = vector.broadcast %add3A_733 : i32 to vector<16xi32>
        %add3A_735 = arith.addi %add3A_734, %iota3A : vector<16xi32>
        %gather3A_736 = tpu.vector_load_idx %arg23[%add3A_735] : memref<64064xf32, #tpu.memory_space<vmem>>[vector<16xi32>], vector<16xf32>,
        %swap3A_737 = arith.index_cast %add3A_718 : i32 to index
        %swap3A_738 = arith.constant 0 : index
        %swap3A_739 = tpu.vector_load %arg22[%swap3A_737, %swap3A_738] {strides = array<i32>} : memref<64x64xf32, #tpu.memory_space<vmem>>, vector<16xf32>,
        tpu.vector_store %arg22[%swap3A_737, %swap3A_738], %gather3A_731 {strides = array<i32>} : memref<64x64xf32, #tpu.memory_space<vmem>>, vector<16xf32>,
        %get3A_740 = arith.index_cast %add3A_718 : i32 to index
        %get3A_741 = arith.constant 0 : index
        %get3A_742 = tpu.vector_load %arg18[%get3A_740, %get3A_741] {strides = array<i32>} : memref<64x64xf32, #tpu.memory_space<vmem>>, vector<16xf32>,
        %add3A_743 = arith.addf %get3A_742, %gather3A_731 : vector<16xf32>
        %get3A_744 = arith.index_cast %rem3A_182 : i32 to index
        %get3A_745 = arith.index_cast %add3A_718 : i32 to index
        %get3A_746 = arith.constant 0 : index
        %get3A_747 = tpu.vector_load %arg20[%get3A_744, %get3A_745, %get3A_746] {strides = array<i32>} : memref<2x64x64xf32, #tpu.memory_space<vmem>>, vector<16xf32>,
        %sub3A_748 = arith.subf %add3A_743, %get3A_747 : vector<16xf32>
        %abs3A_749 = math.absf %sub3A_748 : vector<16xf32>
        %get3A_750 = arith.index_cast %add3A_718 : i32 to index
        %get3A_751 = arith.constant 0 : index
        %get3A_752 = tpu.vector_load %arg19[%get3A_750, %get3A_751] {strides = array<i32>} : memref<64x64xf32, #tpu.memory_space<vmem>>, vector<16xf32>,
        %add3A_753 = arith.addf %get3A_752, %gather3A_736 : vector<16xf32>
        %get3A_754 = arith.index_cast %rem3A_182 : i32 to index
        %get3A_755 = arith.index_cast %add3A_718 : i32 to index
        %get3A_756 = arith.constant 0 : index
        %get3A_757 = tpu.vector_load %arg21[%get3A_754, %get3A_755, %get3A_756] {strides = array<i32>} : memref<2x64x64xf32, #tpu.memory_space<vmem>>, vector<16xf32>,
        %sub3A_758 = arith.subf %add3A_753, %get3A_757 : vector<16xf32>
        %abs3A_759 = math.absf %sub3A_758 : vector<16xf32>
        %sub3A_760 = arith.subf %abs3A_749, %abs3A_759 : vector<16xf32>
        %add3A_761 = arith.addf %broadcast_in_dim3A_724, %sub3A_760 : vector<16xf32>
        %add3A_762 = arith.constant 16 : i32
        %add3A_763 = arith.addi %squeeze3A_720, %add3A_762 : i32
        %add3A_764 = vector.broadcast %add3A_763 : i32 to vector<16xi32>
        %add3A_765 = arith.addi %add3A_764, %iota3A : vector<16xi32>
        %gather3A_766 = tpu.vector_load_idx %arg23[%add3A_765] : memref<64064xf32, #tpu.memory_space<vmem>>[vector<16xi32>], vector<16xf32>,
        %add3A_767 = arith.constant 16 : i32
        %add3A_768 = arith.addi %squeeze3A_722, %add3A_767 : i32
        %add3A_769 = vector.broadcast %add3A_768 : i32 to vector<16xi32>
        %add3A_770 = arith.addi %add3A_769, %iota3A : vector<16xi32>
        %gather3A_771 = tpu.vector_load_idx %arg23[%add3A_770] : memref<64064xf32, #tpu.memory_space<vmem>>[vector<16xi32>], vector<16xf32>,
        %swap3A_772 = arith.index_cast %add3A_718 : i32 to index
        %swap3A_773 = arith.constant 16 : index
        %swap3A_774 = tpu.vector_load %arg22[%swap3A_772, %swap3A_773] {strides = array<i32>} : memref<64x64xf32, #tpu.memory_space<vmem>>, vector<16xf32>,
        tpu.vector_store %arg22[%swap3A_772, %swap3A_773], %gather3A_766 {strides = array<i32>} : memref<64x64xf32, #tpu.memory_space<vmem>>, vector<16xf32>,
        %get3A_775 = arith.index_cast %add3A_718 : i32 to index
        %get3A_776 = arith.constant 16 : index
        %get3A_777 = tpu.vector_load %arg18[%get3A_775, %get3A_776] {strides = array<i32>} : memref<64x64xf32, #tpu.memory_space<vmem>>, vector<16xf32>,
        %add3A_778 = arith.addf %get3A_777, %gather3A_766 : vector<16xf32>
        %get3A_779 = arith.index_cast %rem3A_182 : i32 to index
        %get3A_780 = arith.index_cast %add3A_718 : i32 to index
        %get3A_781 = arith.constant 16 : index
        %get3A_782 = tpu.vector_load %arg20[%get3A_779, %get3A_780, %get3A_781] {strides = array<i32>} : memref<2x64x64xf32, #tpu.memory_space<vmem>>, vector<16xf32>,
        %sub3A_783 = arith.subf %add3A_778, %get3A_782 : vector<16xf32>
        %abs3A_784 = math.absf %sub3A_783 : vector<16xf32>
        %get3A_785 = arith.index_cast %add3A_718 : i32 to index
        %get3A_786 = arith.constant 16 : index
        %get3A_787 = tpu.vector_load %arg19[%get3A_785, %get3A_786] {strides = array<i32>} : memref<64x64xf32, #tpu.memory_space<vmem>>, vector<16xf32>,
        %add3A_788 = arith.addf %get3A_787, %gather3A_771 : vector<16xf32>
        %get3A_789 = arith.index_cast %rem3A_182 : i32 to index
        %get3A_790 = arith.index_cast %add3A_718 : i32 to index
        %get3A_791 = arith.constant 16 : index
        %get3A_792 = tpu.vector_load %arg21[%get3A_789, %get3A_790, %get3A_791] {strides = array<i32>} : memref<2x64x64xf32, #tpu.memory_space<vmem>>, vector<16xf32>,
        %sub3A_793 = arith.subf %add3A_788, %get3A_792 : vector<16xf32>
        %abs3A_794 = math.absf %sub3A_793 : vector<16xf32>
        %sub3A_795 = arith.subf %abs3A_784, %abs3A_794 : vector<16xf32>
        %add3A_796 = arith.addf %broadcast_in_dim3A_726, %sub3A_795 : vector<16xf32>
        %add3A_797 = arith.constant 32 : i32
        %add3A_798 = arith.addi %squeeze3A_720, %add3A_797 : i32
        %add3A_799 = vector.broadcast %add3A_798 : i32 to vector<16xi32>
        %add3A_800 = arith.addi %add3A_799, %iota3A : vector<16xi32>
        %gather3A_801 = tpu.vector_load_idx %arg23[%add3A_800] : memref<64064xf32, #tpu.memory_space<vmem>>[vector<16xi32>], vector<16xf32>,
        %add3A_802 = arith.constant 32 : i32
        %add3A_803 = arith.addi %squeeze3A_722, %add3A_802 : i32
        %add3A_804 = vector.broadcast %add3A_803 : i32 to vector<16xi32>
        %add3A_805 = arith.addi %add3A_804, %iota3A : vector<16xi32>
        %gather3A_806 = tpu.vector_load_idx %arg23[%add3A_805] : memref<64064xf32, #tpu.memory_space<vmem>>[vector<16xi32>], vector<16xf32>,
        %swap3A_807 = arith.index_cast %add3A_718 : i32 to index
        %swap3A_808 = arith.constant 32 : index
        %swap3A_809 = tpu.vector_load %arg22[%swap3A_807, %swap3A_808] {strides = array<i32>} : memref<64x64xf32, #tpu.memory_space<vmem>>, vector<16xf32>,
        tpu.vector_store %arg22[%swap3A_807, %swap3A_808], %gather3A_801 {strides = array<i32>} : memref<64x64xf32, #tpu.memory_space<vmem>>, vector<16xf32>,
        %get3A_810 = arith.index_cast %add3A_718 : i32 to index
        %get3A_811 = arith.constant 32 : index
        %get3A_812 = tpu.vector_load %arg18[%get3A_810, %get3A_811] {strides = array<i32>} : memref<64x64xf32, #tpu.memory_space<vmem>>, vector<16xf32>,
        %add3A_813 = arith.addf %get3A_812, %gather3A_801 : vector<16xf32>
        %get3A_814 = arith.index_cast %rem3A_182 : i32 to index
        %get3A_815 = arith.index_cast %add3A_718 : i32 to index
        %get3A_816 = arith.constant 32 : index
        %get3A_817 = tpu.vector_load %arg20[%get3A_814, %get3A_815, %get3A_816] {strides = array<i32>} : memref<2x64x64xf32, #tpu.memory_space<vmem>>, vector<16xf32>,
        %sub3A_818 = arith.subf %add3A_813, %get3A_817 : vector<16xf32>
        %abs3A_819 = math.absf %sub3A_818 : vector<16xf32>
        %get3A_820 = arith.index_cast %add3A_718 : i32 to index
        %get3A_821 = arith.constant 32 : index
        %get3A_822 = tpu.vector_load %arg19[%get3A_820, %get3A_821] {strides = array<i32>} : memref<64x64xf32, #tpu.memory_space<vmem>>, vector<16xf32>,
        %add3A_823 = arith.addf %get3A_822, %gather3A_806 : vector<16xf32>
        %get3A_824 = arith.index_cast %rem3A_182 : i32 to index
        %get3A_825 = arith.index_cast %add3A_718 : i32 to index
        %get3A_826 = arith.constant 32 : index
        %get3A_827 = tpu.vector_load %arg21[%get3A_824, %get3A_825, %get3A_826] {strides = array<i32>} : memref<2x64x64xf32, #tpu.memory_space<vmem>>, vector<16xf32>,
        %sub3A_828 = arith.subf %add3A_823, %get3A_827 : vector<16xf32>
        %abs3A_829 = math.absf %sub3A_828 : vector<16xf32>
        %sub3A_830 = arith.subf %abs3A_819, %abs3A_829 : vector<16xf32>
        %add3A_831 = arith.addf %add3A_761, %sub3A_830 : vector<16xf32>
        %add3A_832 = arith.constant 48 : i32
        %add3A_833 = arith.addi %squeeze3A_720, %add3A_832 : i32
        %add3A_834 = vector.broadcast %add3A_833 : i32 to vector<16xi32>
        %add3A_835 = arith.addi %add3A_834, %iota3A : vector<16xi32>
        %gather3A_836 = tpu.vector_load_idx %arg23[%add3A_835] : memref<64064xf32, #tpu.memory_space<vmem>>[vector<16xi32>], vector<16xf32>,
        %add3A_837 = arith.constant 48 : i32
        %add3A_838 = arith.addi %squeeze3A_722, %add3A_837 : i32
        %add3A_839 = vector.broadcast %add3A_838 : i32 to vector<16xi32>
        %add3A_840 = arith.addi %add3A_839, %iota3A : vector<16xi32>
        %gather3A_841 = tpu.vector_load_idx %arg23[%add3A_840] : memref<64064xf32, #tpu.memory_space<vmem>>[vector<16xi32>], vector<16xf32>,
        %swap3A_842 = arith.index_cast %add3A_718 : i32 to index
        %swap3A_843 = arith.constant 48 : index
        %swap3A_844 = tpu.vector_load %arg22[%swap3A_842, %swap3A_843] {strides = array<i32>} : memref<64x64xf32, #tpu.memory_space<vmem>>, vector<16xf32>,
        tpu.vector_store %arg22[%swap3A_842, %swap3A_843], %gather3A_836 {strides = array<i32>} : memref<64x64xf32, #tpu.memory_space<vmem>>, vector<16xf32>,
        %get3A_845 = arith.index_cast %add3A_718 : i32 to index
        %get3A_846 = arith.constant 48 : index
        %get3A_847 = tpu.vector_load %arg18[%get3A_845, %get3A_846] {strides = array<i32>} : memref<64x64xf32, #tpu.memory_space<vmem>>, vector<16xf32>,
        %add3A_848 = arith.addf %get3A_847, %gather3A_836 : vector<16xf32>
        %get3A_849 = arith.index_cast %rem3A_182 : i32 to index
        %get3A_850 = arith.index_cast %add3A_718 : i32 to index
        %get3A_851 = arith.constant 48 : index
        %get3A_852 = tpu.vector_load %arg20[%get3A_849, %get3A_850, %get3A_851] {strides = array<i32>} : memref<2x64x64xf32, #tpu.memory_space<vmem>>, vector<16xf32>,
        %sub3A_853 = arith.subf %add3A_848, %get3A_852 : vector<16xf32>
        %abs3A_854 = math.absf %sub3A_853 : vector<16xf32>
        %get3A_855 = arith.index_cast %add3A_718 : i32 to index
        %get3A_856 = arith.constant 48 : index
        %get3A_857 = tpu.vector_load %arg19[%get3A_855, %get3A_856] {strides = array<i32>} : memref<64x64xf32, #tpu.memory_space<vmem>>, vector<16xf32>,
        %add3A_858 = arith.addf %get3A_857, %gather3A_841 : vector<16xf32>
        %get3A_859 = arith.index_cast %rem3A_182 : i32 to index
        %get3A_860 = arith.index_cast %add3A_718 : i32 to index
        %get3A_861 = arith.constant 48 : index
        %get3A_862 = tpu.vector_load %arg21[%get3A_859, %get3A_860, %get3A_861] {strides = array<i32>} : memref<2x64x64xf32, #tpu.memory_space<vmem>>, vector<16xf32>,
        %sub3A_863 = arith.subf %add3A_858, %get3A_862 : vector<16xf32>
        %abs3A_864 = math.absf %sub3A_863 : vector<16xf32>
        %sub3A_865 = arith.subf %abs3A_854, %abs3A_864 : vector<16xf32>
        %add3A_866 = arith.addf %add3A_796, %sub3A_865 : vector<16xf32>
        %add3A_867 = arith.addf %add3A_831, %add3A_866 : vector<16xf32>
        %swap3A_868 = arith.constant 48 : index
        %swap3A_869 = tpu.vector_load %arg25[%swap3A_868] {strides = array<i32>} : memref<256xf32, #tpu.memory_space<vmem>>, vector<16xf32>,
        tpu.vector_store %arg25[%swap3A_868], %add3A_867 {strides = array<i32>} : memref<256xf32, #tpu.memory_space<vmem>>, vector<16xf32>,
        %mul3A_870 = arith.constant 16 : i32
        %mul3A_871 = arith.muli %scan3A_243, %mul3A_870 : i32
        %add3A_872 = arith.constant 4 : i32
        %add3A_873 = arith.addi %mul3A_871, %add3A_872 : i32
        %slice3A_874 = vector.extract_strided_slice %mul3A_250 {offsets = [4], sizes = [1], strides = [1]} : vector<16xi32> to vector<1xi32>
        %squeeze3A_875 = vector.extract %slice3A_874[0] : i32 from vector<1xi32>
        %slice3A_876 = vector.extract_strided_slice %mul3A_256 {offsets = [4], sizes = [1], strides = [1]} : vector<16xi32> to vector<1xi32>
        %squeeze3A_877 = vector.extract %slice3A_876[0] : i32 from vector<1xi32>
        %broadcast_in_dim3A_878 = arith.constant 0.000000e+00 : f32
        %broadcast_in_dim3A_879 = vector.broadcast %broadcast_in_dim3A_878 : f32 to vector<16xf32>
        %broadcast_in_dim3A_880 = arith.constant 0.000000e+00 : f32
        %broadcast_in_dim3A_881 = vector.broadcast %broadcast_in_dim3A_880 : f32 to vector<16xf32>
        %add3A_882 = arith.constant 0 : i32
        %add3A_883 = arith.addi %squeeze3A_875, %add3A_882 : i32
        %add3A_884 = vector.broadcast %add3A_883 : i32 to vector<16xi32>
        %add3A_885 = arith.addi %add3A_884, %iota3A : vector<16xi32>
        %gather3A_886 = tpu.vector_load_idx %arg23[%add3A_885] : memref<64064xf32, #tpu.memory_space<vmem>>[vector<16xi32>], vector<16xf32>,
        %add3A_887 = arith.constant 0 : i32
        %add3A_888 = arith.addi %squeeze3A_877, %add3A_887 : i32
        %add3A_889 = vector.broadcast %add3A_888 : i32 to vector<16xi32>
        %add3A_890 = arith.addi %add3A_889, %iota3A : vector<16xi32>
        %gather3A_891 = tpu.vector_load_idx %arg23[%add3A_890] : memref<64064xf32, #tpu.memory_space<vmem>>[vector<16xi32>], vector<16xf32>,
        %swap3A_892 = arith.index_cast %add3A_873 : i32 to index
        %swap3A_893 = arith.constant 0 : index
        %swap3A_894 = tpu.vector_load %arg22[%swap3A_892, %swap3A_893] {strides = array<i32>} : memref<64x64xf32, #tpu.memory_space<vmem>>, vector<16xf32>,
        tpu.vector_store %arg22[%swap3A_892, %swap3A_893], %gather3A_886 {strides = array<i32>} : memref<64x64xf32, #tpu.memory_space<vmem>>, vector<16xf32>,
        %get3A_895 = arith.index_cast %add3A_873 : i32 to index
        %get3A_896 = arith.constant 0 : index
        %get3A_897 = tpu.vector_load %arg18[%get3A_895, %get3A_896] {strides = array<i32>} : memref<64x64xf32, #tpu.memory_space<vmem>>, vector<16xf32>,
        %add3A_898 = arith.addf %get3A_897, %gather3A_886 : vector<16xf32>
        %get3A_899 = arith.index_cast %rem3A_182 : i32 to index
        %get3A_900 = arith.index_cast %add3A_873 : i32 to index
        %get3A_901 = arith.constant 0 : index
        %get3A_902 = tpu.vector_load %arg20[%get3A_899, %get3A_900, %get3A_901] {strides = array<i32>} : memref<2x64x64xf32, #tpu.memory_space<vmem>>, vector<16xf32>,
        %sub3A_903 = arith.subf %add3A_898, %get3A_902 : vector<16xf32>
        %abs3A_904 = math.absf %sub3A_903 : vector<16xf32>
        %get3A_905 = arith.index_cast %add3A_873 : i32 to index
        %get3A_906 = arith.constant 0 : index
        %get3A_907 = tpu.vector_load %arg19[%get3A_905, %get3A_906] {strides = array<i32>} : memref<64x64xf32, #tpu.memory_space<vmem>>, vector<16xf32>,
        %add3A_908 = arith.addf %get3A_907, %gather3A_891 : vector<16xf32>
        %get3A_909 = arith.index_cast %rem3A_182 : i32 to index
        %get3A_910 = arith.index_cast %add3A_873 : i32 to index
        %get3A_911 = arith.constant 0 : index
        %get3A_912 = tpu.vector_load %arg21[%get3A_909, %get3A_910, %get3A_911] {strides = array<i32>} : memref<2x64x64xf32, #tpu.memory_space<vmem>>, vector<16xf32>,
        %sub3A_913 = arith.subf %add3A_908, %get3A_912 : vector<16xf32>
        %abs3A_914 = math.absf %sub3A_913 : vector<16xf32>
        %sub3A_915 = arith.subf %abs3A_904, %abs3A_914 : vector<16xf32>
        %add3A_916 = arith.addf %broadcast_in_dim3A_879, %sub3A_915 : vector<16xf32>
        %add3A_917 = arith.constant 16 : i32
        %add3A_918 = arith.addi %squeeze3A_875, %add3A_917 : i32
        %add3A_919 = vector.broadcast %add3A_918 : i32 to vector<16xi32>
        %add3A_920 = arith.addi %add3A_919, %iota3A : vector<16xi32>
        %gather3A_921 = tpu.vector_load_idx %arg23[%add3A_920] : memref<64064xf32, #tpu.memory_space<vmem>>[vector<16xi32>], vector<16xf32>,
        %add3A_922 = arith.constant 16 : i32
        %add3A_923 = arith.addi %squeeze3A_877, %add3A_922 : i32
        %add3A_924 = vector.broadcast %add3A_923 : i32 to vector<16xi32>
        %add3A_925 = arith.addi %add3A_924, %iota3A : vector<16xi32>
        %gather3A_926 = tpu.vector_load_idx %arg23[%add3A_925] : memref<64064xf32, #tpu.memory_space<vmem>>[vector<16xi32>], vector<16xf32>,
        %swap3A_927 = arith.index_cast %add3A_873 : i32 to index
        %swap3A_928 = arith.constant 16 : index
        %swap3A_929 = tpu.vector_load %arg22[%swap3A_927, %swap3A_928] {strides = array<i32>} : memref<64x64xf32, #tpu.memory_space<vmem>>, vector<16xf32>,
        tpu.vector_store %arg22[%swap3A_927, %swap3A_928], %gather3A_921 {strides = array<i32>} : memref<64x64xf32, #tpu.memory_space<vmem>>, vector<16xf32>,
        %get3A_930 = arith.index_cast %add3A_873 : i32 to index
        %get3A_931 = arith.constant 16 : index
        %get3A_932 = tpu.vector_load %arg18[%get3A_930, %get3A_931] {strides = array<i32>} : memref<64x64xf32, #tpu.memory_space<vmem>>, vector<16xf32>,
        %add3A_933 = arith.addf %get3A_932, %gather3A_921 : vector<16xf32>
        %get3A_934 = arith.index_cast %rem3A_182 : i32 to index
        %get3A_935 = arith.index_cast %add3A_873 : i32 to index
        %get3A_936 = arith.constant 16 : index
        %get3A_937 = tpu.vector_load %arg20[%get3A_934, %get3A_935, %get3A_936] {strides = array<i32>} : memref<2x64x64xf32, #tpu.memory_space<vmem>>, vector<16xf32>,
        %sub3A_938 = arith.subf %add3A_933, %get3A_937 : vector<16xf32>
        %abs3A_939 = math.absf %sub3A_938 : vector<16xf32>
        %get3A_940 = arith.index_cast %add3A_873 : i32 to index
        %get3A_941 = arith.constant 16 : index
        %get3A_942 = tpu.vector_load %arg19[%get3A_940, %get3A_941] {strides = array<i32>} : memref<64x64xf32, #tpu.memory_space<vmem>>, vector<16xf32>,
        %add3A_943 = arith.addf %get3A_942, %gather3A_926 : vector<16xf32>
        %get3A_944 = arith.index_cast %rem3A_182 : i32 to index
        %get3A_945 = arith.index_cast %add3A_873 : i32 to index
        %get3A_946 = arith.constant 16 : index
        %get3A_947 = tpu.vector_load %arg21[%get3A_944, %get3A_945, %get3A_946] {strides = array<i32>} : memref<2x64x64xf32, #tpu.memory_space<vmem>>, vector<16xf32>,
        %sub3A_948 = arith.subf %add3A_943, %get3A_947 : vector<16xf32>
        %abs3A_949 = math.absf %sub3A_948 : vector<16xf32>
        %sub3A_950 = arith.subf %abs3A_939, %abs3A_949 : vector<16xf32>
        %add3A_951 = arith.addf %broadcast_in_dim3A_881, %sub3A_950 : vector<16xf32>
        %add3A_952 = arith.constant 32 : i32
        %add3A_953 = arith.addi %squeeze3A_875, %add3A_952 : i32
        %add3A_954 = vector.broadcast %add3A_953 : i32 to vector<16xi32>
        %add3A_955 = arith.addi %add3A_954, %iota3A : vector<16xi32>
        %gather3A_956 = tpu.vector_load_idx %arg23[%add3A_955] : memref<64064xf32, #tpu.memory_space<vmem>>[vector<16xi32>], vector<16xf32>,
        %add3A_957 = arith.constant 32 : i32
        %add3A_958 = arith.addi %squeeze3A_877, %add3A_957 : i32
        %add3A_959 = vector.broadcast %add3A_958 : i32 to vector<16xi32>
        %add3A_960 = arith.addi %add3A_959, %iota3A : vector<16xi32>
        %gather3A_961 = tpu.vector_load_idx %arg23[%add3A_960] : memref<64064xf32, #tpu.memory_space<vmem>>[vector<16xi32>], vector<16xf32>,
        %swap3A_962 = arith.index_cast %add3A_873 : i32 to index
        %swap3A_963 = arith.constant 32 : index
        %swap3A_964 = tpu.vector_load %arg22[%swap3A_962, %swap3A_963] {strides = array<i32>} : memref<64x64xf32, #tpu.memory_space<vmem>>, vector<16xf32>,
        tpu.vector_store %arg22[%swap3A_962, %swap3A_963], %gather3A_956 {strides = array<i32>} : memref<64x64xf32, #tpu.memory_space<vmem>>, vector<16xf32>,
        %get3A_965 = arith.index_cast %add3A_873 : i32 to index
        %get3A_966 = arith.constant 32 : index
        %get3A_967 = tpu.vector_load %arg18[%get3A_965, %get3A_966] {strides = array<i32>} : memref<64x64xf32, #tpu.memory_space<vmem>>, vector<16xf32>,
        %add3A_968 = arith.addf %get3A_967, %gather3A_956 : vector<16xf32>
        %get3A_969 = arith.index_cast %rem3A_182 : i32 to index
        %get3A_970 = arith.index_cast %add3A_873 : i32 to index
        %get3A_971 = arith.constant 32 : index
        %get3A_972 = tpu.vector_load %arg20[%get3A_969, %get3A_970, %get3A_971] {strides = array<i32>} : memref<2x64x64xf32, #tpu.memory_space<vmem>>, vector<16xf32>,
        %sub3A_973 = arith.subf %add3A_968, %get3A_972 : vector<16xf32>
        %abs3A_974 = math.absf %sub3A_973 : vector<16xf32>
        %get3A_975 = arith.index_cast %add3A_873 : i32 to index
        %get3A_976 = arith.constant 32 : index
        %get3A_977 = tpu.vector_load %arg19[%get3A_975, %get3A_976] {strides = array<i32>} : memref<64x64xf32, #tpu.memory_space<vmem>>, vector<16xf32>,
        %add3A_978 = arith.addf %get3A_977, %gather3A_961 : vector<16xf32>
        %get3A_979 = arith.index_cast %rem3A_182 : i32 to index
        %get3A_980 = arith.index_cast %add3A_873 : i32 to index
        %get3A_981 = arith.constant 32 : index
        %get3A_982 = tpu.vector_load %arg21[%get3A_979, %get3A_980, %get3A_981] {strides = array<i32>} : memref<2x64x64xf32, #tpu.memory_space<vmem>>, vector<16xf32>,
        %sub3A_983 = arith.subf %add3A_978, %get3A_982 : vector<16xf32>
        %abs3A_984 = math.absf %sub3A_983 : vector<16xf32>
        %sub3A_985 = arith.subf %abs3A_974, %abs3A_984 : vector<16xf32>
        %add3A_986 = arith.addf %add3A_916, %sub3A_985 : vector<16xf32>
        %add3A_987 = arith.constant 48 : i32
        %add3A_988 = arith.addi %squeeze3A_875, %add3A_987 : i32
        %add3A_989 = vector.broadcast %add3A_988 : i32 to vector<16xi32>
        %add3A_990 = arith.addi %add3A_989, %iota3A : vector<16xi32>
        %gather3A_991 = tpu.vector_load_idx %arg23[%add3A_990] : memref<64064xf32, #tpu.memory_space<vmem>>[vector<16xi32>], vector<16xf32>,
        %add3A_992 = arith.constant 48 : i32
        %add3A_993 = arith.addi %squeeze3A_877, %add3A_992 : i32
        %add3A_994 = vector.broadcast %add3A_993 : i32 to vector<16xi32>
        %add3A_995 = arith.addi %add3A_994, %iota3A : vector<16xi32>
        %gather3A_996 = tpu.vector_load_idx %arg23[%add3A_995] : memref<64064xf32, #tpu.memory_space<vmem>>[vector<16xi32>], vector<16xf32>,
        %swap3A_997 = arith.index_cast %add3A_873 : i32 to index
        %swap3A_998 = arith.constant 48 : index
        %swap3A_999 = tpu.vector_load %arg22[%swap3A_997, %swap3A_998] {strides = array<i32>} : memref<64x64xf32, #tpu.memory_space<vmem>>, vector<16xf32>,
        tpu.vector_store %arg22[%swap3A_997, %swap3A_998], %gather3A_991 {strides = array<i32>} : memref<64x64xf32, #tpu.memory_space<vmem>>, vector<16xf32>,
        %get3A_1000 = arith.index_cast %add3A_873 : i32 to index
        %get3A_1001 = arith.constant 48 : index
        %get3A_1002 = tpu.vector_load %arg18[%get3A_1000, %get3A_1001] {strides = array<i32>} : memref<64x64xf32, #tpu.memory_space<vmem>>, vector<16xf32>,
        %add3A_1003 = arith.addf %get3A_1002, %gather3A_991 : vector<16xf32>
        %get3A_1004 = arith.index_cast %rem3A_182 : i32 to index
        %get3A_1005 = arith.index_cast %add3A_873 : i32 to index
        %get3A_1006 = arith.constant 48 : index
        %get3A_1007 = tpu.vector_load %arg20[%get3A_1004, %get3A_1005, %get3A_1006] {strides = array<i32>} : memref<2x64x64xf32, #tpu.memory_space<vmem>>, vector<16xf32>,
        %sub3A_1008 = arith.subf %add3A_1003, %get3A_1007 : vector<16xf32>
        %abs3A_1009 = math.absf %sub3A_1008 : vector<16xf32>
        %get3A_1010 = arith.index_cast %add3A_873 : i32 to index
        %get3A_1011 = arith.constant 48 : index
        %get3A_1012 = tpu.vector_load %arg19[%get3A_1010, %get3A_1011] {strides = array<i32>} : memref<64x64xf32, #tpu.memory_space<vmem>>, vector<16xf32>,
        %add3A_1013 = arith.addf %get3A_1012, %gather3A_996 : vector<16xf32>
        %get3A_1014 = arith.index_cast %rem3A_182 : i32 to index
        %get3A_1015 = arith.index_cast %add3A_873 : i32 to index
        %get3A_1016 = arith.constant 48 : index
        %get3A_1017 = tpu.vector_load %arg21[%get3A_1014, %get3A_1015, %get3A_1016] {strides = array<i32>} : memref<2x64x64xf32, #tpu.memory_space<vmem>>, vector<16xf32>,
        %sub3A_1018 = arith.subf %add3A_1013, %get3A_1017 : vector<16xf32>
        %abs3A_1019 = math.absf %sub3A_1018 : vector<16xf32>
        %sub3A_1020 = arith.subf %abs3A_1009, %abs3A_1019 : vector<16xf32>
        %add3A_1021 = arith.addf %add3A_951, %sub3A_1020 : vector<16xf32>
        %add3A_1022 = arith.addf %add3A_986, %add3A_1021 : vector<16xf32>
        %swap3A_1023 = arith.constant 64 : index
        %swap3A_1024 = tpu.vector_load %arg25[%swap3A_1023] {strides = array<i32>} : memref<256xf32, #tpu.memory_space<vmem>>, vector<16xf32>,
        tpu.vector_store %arg25[%swap3A_1023], %add3A_1022 {strides = array<i32>} : memref<256xf32, #tpu.memory_space<vmem>>, vector<16xf32>,
        %mul3A_1025 = arith.constant 16 : i32
        %mul3A_1026 = arith.muli %scan3A_243, %mul3A_1025 : i32
        %add3A_1027 = arith.constant 5 : i32
        %add3A_1028 = arith.addi %mul3A_1026, %add3A_1027 : i32
        %slice3A_1029 = vector.extract_strided_slice %mul3A_250 {offsets = [5], sizes = [1], strides = [1]} : vector<16xi32> to vector<1xi32>
        %squeeze3A_1030 = vector.extract %slice3A_1029[0] : i32 from vector<1xi32>
        %slice3A_1031 = vector.extract_strided_slice %mul3A_256 {offsets = [5], sizes = [1], strides = [1]} : vector<16xi32> to vector<1xi32>
        %squeeze3A_1032 = vector.extract %slice3A_1031[0] : i32 from vector<1xi32>
        %broadcast_in_dim3A_1033 = arith.constant 0.000000e+00 : f32
        %broadcast_in_dim3A_1034 = vector.broadcast %broadcast_in_dim3A_1033 : f32 to vector<16xf32>
        %broadcast_in_dim3A_1035 = arith.constant 0.000000e+00 : f32
        %broadcast_in_dim3A_1036 = vector.broadcast %broadcast_in_dim3A_1035 : f32 to vector<16xf32>
        %add3A_1037 = arith.constant 0 : i32
        %add3A_1038 = arith.addi %squeeze3A_1030, %add3A_1037 : i32
        %add3A_1039 = vector.broadcast %add3A_1038 : i32 to vector<16xi32>
        %add3A_1040 = arith.addi %add3A_1039, %iota3A : vector<16xi32>
        %gather3A_1041 = tpu.vector_load_idx %arg23[%add3A_1040] : memref<64064xf32, #tpu.memory_space<vmem>>[vector<16xi32>], vector<16xf32>,
        %add3A_1042 = arith.constant 0 : i32
        %add3A_1043 = arith.addi %squeeze3A_1032, %add3A_1042 : i32
        %add3A_1044 = vector.broadcast %add3A_1043 : i32 to vector<16xi32>
        %add3A_1045 = arith.addi %add3A_1044, %iota3A : vector<16xi32>
        %gather3A_1046 = tpu.vector_load_idx %arg23[%add3A_1045] : memref<64064xf32, #tpu.memory_space<vmem>>[vector<16xi32>], vector<16xf32>,
        %swap3A_1047 = arith.index_cast %add3A_1028 : i32 to index
        %swap3A_1048 = arith.constant 0 : index
        %swap3A_1049 = tpu.vector_load %arg22[%swap3A_1047, %swap3A_1048] {strides = array<i32>} : memref<64x64xf32, #tpu.memory_space<vmem>>, vector<16xf32>,
        tpu.vector_store %arg22[%swap3A_1047, %swap3A_1048], %gather3A_1041 {strides = array<i32>} : memref<64x64xf32, #tpu.memory_space<vmem>>, vector<16xf32>,
        %get3A_1050 = arith.index_cast %add3A_1028 : i32 to index
        %get3A_1051 = arith.constant 0 : index
        %get3A_1052 = tpu.vector_load %arg18[%get3A_1050, %get3A_1051] {strides = array<i32>} : memref<64x64xf32, #tpu.memory_space<vmem>>, vector<16xf32>,
        %add3A_1053 = arith.addf %get3A_1052, %gather3A_1041 : vector<16xf32>
        %get3A_1054 = arith.index_cast %rem3A_182 : i32 to index
        %get3A_1055 = arith.index_cast %add3A_1028 : i32 to index
        %get3A_1056 = arith.constant 0 : index
        %get3A_1057 = tpu.vector_load %arg20[%get3A_1054, %get3A_1055, %get3A_1056] {strides = array<i32>} : memref<2x64x64xf32, #tpu.memory_space<vmem>>, vector<16xf32>,
        %sub3A_1058 = arith.subf %add3A_1053, %get3A_1057 : vector<16xf32>
        %abs3A_1059 = math.absf %sub3A_1058 : vector<16xf32>
        %get3A_1060 = arith.index_cast %add3A_1028 : i32 to index
        %get3A_1061 = arith.constant 0 : index
        %get3A_1062 = tpu.vector_load %arg19[%get3A_1060, %get3A_1061] {strides = array<i32>} : memref<64x64xf32, #tpu.memory_space<vmem>>, vector<16xf32>,
        %add3A_1063 = arith.addf %get3A_1062, %gather3A_1046 : vector<16xf32>
        %get3A_1064 = arith.index_cast %rem3A_182 : i32 to index
        %get3A_1065 = arith.index_cast %add3A_1028 : i32 to index
        %get3A_1066 = arith.constant 0 : index
        %get3A_1067 = tpu.vector_load %arg21[%get3A_1064, %get3A_1065, %get3A_1066] {strides = array<i32>} : memref<2x64x64xf32, #tpu.memory_space<vmem>>, vector<16xf32>,
        %sub3A_1068 = arith.subf %add3A_1063, %get3A_1067 : vector<16xf32>
        %abs3A_1069 = math.absf %sub3A_1068 : vector<16xf32>
        %sub3A_1070 = arith.subf %abs3A_1059, %abs3A_1069 : vector<16xf32>
        %add3A_1071 = arith.addf %broadcast_in_dim3A_1034, %sub3A_1070 : vector<16xf32>
        %add3A_1072 = arith.constant 16 : i32
        %add3A_1073 = arith.addi %squeeze3A_1030, %add3A_1072 : i32
        %add3A_1074 = vector.broadcast %add3A_1073 : i32 to vector<16xi32>
        %add3A_1075 = arith.addi %add3A_1074, %iota3A : vector<16xi32>
        %gather3A_1076 = tpu.vector_load_idx %arg23[%add3A_1075] : memref<64064xf32, #tpu.memory_space<vmem>>[vector<16xi32>], vector<16xf32>,
        %add3A_1077 = arith.constant 16 : i32
        %add3A_1078 = arith.addi %squeeze3A_1032, %add3A_1077 : i32
        %add3A_1079 = vector.broadcast %add3A_1078 : i32 to vector<16xi32>
        %add3A_1080 = arith.addi %add3A_1079, %iota3A : vector<16xi32>
        %gather3A_1081 = tpu.vector_load_idx %arg23[%add3A_1080] : memref<64064xf32, #tpu.memory_space<vmem>>[vector<16xi32>], vector<16xf32>,
        %swap3A_1082 = arith.index_cast %add3A_1028 : i32 to index
        %swap3A_1083 = arith.constant 16 : index
        %swap3A_1084 = tpu.vector_load %arg22[%swap3A_1082, %swap3A_1083] {strides = array<i32>} : memref<64x64xf32, #tpu.memory_space<vmem>>, vector<16xf32>,
        tpu.vector_store %arg22[%swap3A_1082, %swap3A_1083], %gather3A_1076 {strides = array<i32>} : memref<64x64xf32, #tpu.memory_space<vmem>>, vector<16xf32>,
        %get3A_1085 = arith.index_cast %add3A_1028 : i32 to index
        %get3A_1086 = arith.constant 16 : index
        %get3A_1087 = tpu.vector_load %arg18[%get3A_1085, %get3A_1086] {strides = array<i32>} : memref<64x64xf32, #tpu.memory_space<vmem>>, vector<16xf32>,
        %add3A_1088 = arith.addf %get3A_1087, %gather3A_1076 : vector<16xf32>
        %get3A_1089 = arith.index_cast %rem3A_182 : i32 to index
        %get3A_1090 = arith.index_cast %add3A_1028 : i32 to index
        %get3A_1091 = arith.constant 16 : index
        %get3A_1092 = tpu.vector_load %arg20[%get3A_1089, %get3A_1090, %get3A_1091] {strides = array<i32>} : memref<2x64x64xf32, #tpu.memory_space<vmem>>, vector<16xf32>,
        %sub3A_1093 = arith.subf %add3A_1088, %get3A_1092 : vector<16xf32>
        %abs3A_1094 = math.absf %sub3A_1093 : vector<16xf32>
        %get3A_1095 = arith.index_cast %add3A_1028 : i32 to index
        %get3A_1096 = arith.constant 16 : index
        %get3A_1097 = tpu.vector_load %arg19[%get3A_1095, %get3A_1096] {strides = array<i32>} : memref<64x64xf32, #tpu.memory_space<vmem>>, vector<16xf32>,
        %add3A_1098 = arith.addf %get3A_1097, %gather3A_1081 : vector<16xf32>
        %get3A_1099 = arith.index_cast %rem3A_182 : i32 to index
        %get3A_1100 = arith.index_cast %add3A_1028 : i32 to index
        %get3A_1101 = arith.constant 16 : index
        %get3A_1102 = tpu.vector_load %arg21[%get3A_1099, %get3A_1100, %get3A_1101] {strides = array<i32>} : memref<2x64x64xf32, #tpu.memory_space<vmem>>, vector<16xf32>,
        %sub3A_1103 = arith.subf %add3A_1098, %get3A_1102 : vector<16xf32>
        %abs3A_1104 = math.absf %sub3A_1103 : vector<16xf32>
        %sub3A_1105 = arith.subf %abs3A_1094, %abs3A_1104 : vector<16xf32>
        %add3A_1106 = arith.addf %broadcast_in_dim3A_1036, %sub3A_1105 : vector<16xf32>
        %add3A_1107 = arith.constant 32 : i32
        %add3A_1108 = arith.addi %squeeze3A_1030, %add3A_1107 : i32
        %add3A_1109 = vector.broadcast %add3A_1108 : i32 to vector<16xi32>
        %add3A_1110 = arith.addi %add3A_1109, %iota3A : vector<16xi32>
        %gather3A_1111 = tpu.vector_load_idx %arg23[%add3A_1110] : memref<64064xf32, #tpu.memory_space<vmem>>[vector<16xi32>], vector<16xf32>,
        %add3A_1112 = arith.constant 32 : i32
        %add3A_1113 = arith.addi %squeeze3A_1032, %add3A_1112 : i32
        %add3A_1114 = vector.broadcast %add3A_1113 : i32 to vector<16xi32>
        %add3A_1115 = arith.addi %add3A_1114, %iota3A : vector<16xi32>
        %gather3A_1116 = tpu.vector_load_idx %arg23[%add3A_1115] : memref<64064xf32, #tpu.memory_space<vmem>>[vector<16xi32>], vector<16xf32>,
        %swap3A_1117 = arith.index_cast %add3A_1028 : i32 to index
        %swap3A_1118 = arith.constant 32 : index
        %swap3A_1119 = tpu.vector_load %arg22[%swap3A_1117, %swap3A_1118] {strides = array<i32>} : memref<64x64xf32, #tpu.memory_space<vmem>>, vector<16xf32>,
        tpu.vector_store %arg22[%swap3A_1117, %swap3A_1118], %gather3A_1111 {strides = array<i32>} : memref<64x64xf32, #tpu.memory_space<vmem>>, vector<16xf32>,
        %get3A_1120 = arith.index_cast %add3A_1028 : i32 to index
        %get3A_1121 = arith.constant 32 : index
        %get3A_1122 = tpu.vector_load %arg18[%get3A_1120, %get3A_1121] {strides = array<i32>} : memref<64x64xf32, #tpu.memory_space<vmem>>, vector<16xf32>,
        %add3A_1123 = arith.addf %get3A_1122, %gather3A_1111 : vector<16xf32>
        %get3A_1124 = arith.index_cast %rem3A_182 : i32 to index
        %get3A_1125 = arith.index_cast %add3A_1028 : i32 to index
        %get3A_1126 = arith.constant 32 : index
        %get3A_1127 = tpu.vector_load %arg20[%get3A_1124, %get3A_1125, %get3A_1126] {strides = array<i32>} : memref<2x64x64xf32, #tpu.memory_space<vmem>>, vector<16xf32>,
        %sub3A_1128 = arith.subf %add3A_1123, %get3A_1127 : vector<16xf32>
        %abs3A_1129 = math.absf %sub3A_1128 : vector<16xf32>
        %get3A_1130 = arith.index_cast %add3A_1028 : i32 to index
        %get3A_1131 = arith.constant 32 : index
        %get3A_1132 = tpu.vector_load %arg19[%get3A_1130, %get3A_1131] {strides = array<i32>} : memref<64x64xf32, #tpu.memory_space<vmem>>, vector<16xf32>,
        %add3A_1133 = arith.addf %get3A_1132, %gather3A_1116 : vector<16xf32>
        %get3A_1134 = arith.index_cast %rem3A_182 : i32 to index
        %get3A_1135 = arith.index_cast %add3A_1028 : i32 to index
        %get3A_1136 = arith.constant 32 : index
        %get3A_1137 = tpu.vector_load %arg21[%get3A_1134, %get3A_1135, %get3A_1136] {strides = array<i32>} : memref<2x64x64xf32, #tpu.memory_space<vmem>>, vector<16xf32>,
        %sub3A_1138 = arith.subf %add3A_1133, %get3A_1137 : vector<16xf32>
        %abs3A_1139 = math.absf %sub3A_1138 : vector<16xf32>
        %sub3A_1140 = arith.subf %abs3A_1129, %abs3A_1139 : vector<16xf32>
        %add3A_1141 = arith.addf %add3A_1071, %sub3A_1140 : vector<16xf32>
        %add3A_1142 = arith.constant 48 : i32
        %add3A_1143 = arith.addi %squeeze3A_1030, %add3A_1142 : i32
        %add3A_1144 = vector.broadcast %add3A_1143 : i32 to vector<16xi32>
        %add3A_1145 = arith.addi %add3A_1144, %iota3A : vector<16xi32>
        %gather3A_1146 = tpu.vector_load_idx %arg23[%add3A_1145] : memref<64064xf32, #tpu.memory_space<vmem>>[vector<16xi32>], vector<16xf32>,
        %add3A_1147 = arith.constant 48 : i32
        %add3A_1148 = arith.addi %squeeze3A_1032, %add3A_1147 : i32
        %add3A_1149 = vector.broadcast %add3A_1148 : i32 to vector<16xi32>
        %add3A_1150 = arith.addi %add3A_1149, %iota3A : vector<16xi32>
        %gather3A_1151 = tpu.vector_load_idx %arg23[%add3A_1150] : memref<64064xf32, #tpu.memory_space<vmem>>[vector<16xi32>], vector<16xf32>,
        %swap3A_1152 = arith.index_cast %add3A_1028 : i32 to index
        %swap3A_1153 = arith.constant 48 : index
        %swap3A_1154 = tpu.vector_load %arg22[%swap3A_1152, %swap3A_1153] {strides = array<i32>} : memref<64x64xf32, #tpu.memory_space<vmem>>, vector<16xf32>,
        tpu.vector_store %arg22[%swap3A_1152, %swap3A_1153], %gather3A_1146 {strides = array<i32>} : memref<64x64xf32, #tpu.memory_space<vmem>>, vector<16xf32>,
        %get3A_1155 = arith.index_cast %add3A_1028 : i32 to index
        %get3A_1156 = arith.constant 48 : index
        %get3A_1157 = tpu.vector_load %arg18[%get3A_1155, %get3A_1156] {strides = array<i32>} : memref<64x64xf32, #tpu.memory_space<vmem>>, vector<16xf32>,
        %add3A_1158 = arith.addf %get3A_1157, %gather3A_1146 : vector<16xf32>
        %get3A_1159 = arith.index_cast %rem3A_182 : i32 to index
        %get3A_1160 = arith.index_cast %add3A_1028 : i32 to index
        %get3A_1161 = arith.constant 48 : index
        %get3A_1162 = tpu.vector_load %arg20[%get3A_1159, %get3A_1160, %get3A_1161] {strides = array<i32>} : memref<2x64x64xf32, #tpu.memory_space<vmem>>, vector<16xf32>,
        %sub3A_1163 = arith.subf %add3A_1158, %get3A_1162 : vector<16xf32>
        %abs3A_1164 = math.absf %sub3A_1163 : vector<16xf32>
        %get3A_1165 = arith.index_cast %add3A_1028 : i32 to index
        %get3A_1166 = arith.constant 48 : index
        %get3A_1167 = tpu.vector_load %arg19[%get3A_1165, %get3A_1166] {strides = array<i32>} : memref<64x64xf32, #tpu.memory_space<vmem>>, vector<16xf32>,
        %add3A_1168 = arith.addf %get3A_1167, %gather3A_1151 : vector<16xf32>
        %get3A_1169 = arith.index_cast %rem3A_182 : i32 to index
        %get3A_1170 = arith.index_cast %add3A_1028 : i32 to index
        %get3A_1171 = arith.constant 48 : index
        %get3A_1172 = tpu.vector_load %arg21[%get3A_1169, %get3A_1170, %get3A_1171] {strides = array<i32>} : memref<2x64x64xf32, #tpu.memory_space<vmem>>, vector<16xf32>,
        %sub3A_1173 = arith.subf %add3A_1168, %get3A_1172 : vector<16xf32>
        %abs3A_1174 = math.absf %sub3A_1173 : vector<16xf32>
        %sub3A_1175 = arith.subf %abs3A_1164, %abs3A_1174 : vector<16xf32>
        %add3A_1176 = arith.addf %add3A_1106, %sub3A_1175 : vector<16xf32>
        %add3A_1177 = arith.addf %add3A_1141, %add3A_1176 : vector<16xf32>
        %swap3A_1178 = arith.constant 80 : index
        %swap3A_1179 = tpu.vector_load %arg25[%swap3A_1178] {strides = array<i32>} : memref<256xf32, #tpu.memory_space<vmem>>, vector<16xf32>,
        tpu.vector_store %arg25[%swap3A_1178], %add3A_1177 {strides = array<i32>} : memref<256xf32, #tpu.memory_space<vmem>>, vector<16xf32>,
        %mul3A_1180 = arith.constant 16 : i32
        %mul3A_1181 = arith.muli %scan3A_243, %mul3A_1180 : i32
        %add3A_1182 = arith.constant 6 : i32
        %add3A_1183 = arith.addi %mul3A_1181, %add3A_1182 : i32
        %slice3A_1184 = vector.extract_strided_slice %mul3A_250 {offsets = [6], sizes = [1], strides = [1]} : vector<16xi32> to vector<1xi32>
        %squeeze3A_1185 = vector.extract %slice3A_1184[0] : i32 from vector<1xi32>
        %slice3A_1186 = vector.extract_strided_slice %mul3A_256 {offsets = [6], sizes = [1], strides = [1]} : vector<16xi32> to vector<1xi32>
        %squeeze3A_1187 = vector.extract %slice3A_1186[0] : i32 from vector<1xi32>
        %broadcast_in_dim3A_1188 = arith.constant 0.000000e+00 : f32
        %broadcast_in_dim3A_1189 = vector.broadcast %broadcast_in_dim3A_1188 : f32 to vector<16xf32>
        %broadcast_in_dim3A_1190 = arith.constant 0.000000e+00 : f32
        %broadcast_in_dim3A_1191 = vector.broadcast %broadcast_in_dim3A_1190 : f32 to vector<16xf32>
        %add3A_1192 = arith.constant 0 : i32
        %add3A_1193 = arith.addi %squeeze3A_1185, %add3A_1192 : i32
        %add3A_1194 = vector.broadcast %add3A_1193 : i32 to vector<16xi32>
        %add3A_1195 = arith.addi %add3A_1194, %iota3A : vector<16xi32>
        %gather3A_1196 = tpu.vector_load_idx %arg23[%add3A_1195] : memref<64064xf32, #tpu.memory_space<vmem>>[vector<16xi32>], vector<16xf32>,
        %add3A_1197 = arith.constant 0 : i32
        %add3A_1198 = arith.addi %squeeze3A_1187, %add3A_1197 : i32
        %add3A_1199 = vector.broadcast %add3A_1198 : i32 to vector<16xi32>
        %add3A_1200 = arith.addi %add3A_1199, %iota3A : vector<16xi32>
        %gather3A_1201 = tpu.vector_load_idx %arg23[%add3A_1200] : memref<64064xf32, #tpu.memory_space<vmem>>[vector<16xi32>], vector<16xf32>,
        %swap3A_1202 = arith.index_cast %add3A_1183 : i32 to index
        %swap3A_1203 = arith.constant 0 : index
        %swap3A_1204 = tpu.vector_load %arg22[%swap3A_1202, %swap3A_1203] {strides = array<i32>} : memref<64x64xf32, #tpu.memory_space<vmem>>, vector<16xf32>,
        tpu.vector_store %arg22[%swap3A_1202, %swap3A_1203], %gather3A_1196 {strides = array<i32>} : memref<64x64xf32, #tpu.memory_space<vmem>>, vector<16xf32>,
        %get3A_1205 = arith.index_cast %add3A_1183 : i32 to index
        %get3A_1206 = arith.constant 0 : index
        %get3A_1207 = tpu.vector_load %arg18[%get3A_1205, %get3A_1206] {strides = array<i32>} : memref<64x64xf32, #tpu.memory_space<vmem>>, vector<16xf32>,
        %add3A_1208 = arith.addf %get3A_1207, %gather3A_1196 : vector<16xf32>
        %get3A_1209 = arith.index_cast %rem3A_182 : i32 to index
        %get3A_1210 = arith.index_cast %add3A_1183 : i32 to index
        %get3A_1211 = arith.constant 0 : index
        %get3A_1212 = tpu.vector_load %arg20[%get3A_1209, %get3A_1210, %get3A_1211] {strides = array<i32>} : memref<2x64x64xf32, #tpu.memory_space<vmem>>, vector<16xf32>,
        %sub3A_1213 = arith.subf %add3A_1208, %get3A_1212 : vector<16xf32>
        %abs3A_1214 = math.absf %sub3A_1213 : vector<16xf32>
        %get3A_1215 = arith.index_cast %add3A_1183 : i32 to index
        %get3A_1216 = arith.constant 0 : index
        %get3A_1217 = tpu.vector_load %arg19[%get3A_1215, %get3A_1216] {strides = array<i32>} : memref<64x64xf32, #tpu.memory_space<vmem>>, vector<16xf32>,
        %add3A_1218 = arith.addf %get3A_1217, %gather3A_1201 : vector<16xf32>
        %get3A_1219 = arith.index_cast %rem3A_182 : i32 to index
        %get3A_1220 = arith.index_cast %add3A_1183 : i32 to index
        %get3A_1221 = arith.constant 0 : index
        %get3A_1222 = tpu.vector_load %arg21[%get3A_1219, %get3A_1220, %get3A_1221] {strides = array<i32>} : memref<2x64x64xf32, #tpu.memory_space<vmem>>, vector<16xf32>,
        %sub3A_1223 = arith.subf %add3A_1218, %get3A_1222 : vector<16xf32>
        %abs3A_1224 = math.absf %sub3A_1223 : vector<16xf32>
        %sub3A_1225 = arith.subf %abs3A_1214, %abs3A_1224 : vector<16xf32>
        %add3A_1226 = arith.addf %broadcast_in_dim3A_1189, %sub3A_1225 : vector<16xf32>
        %add3A_1227 = arith.constant 16 : i32
        %add3A_1228 = arith.addi %squeeze3A_1185, %add3A_1227 : i32
        %add3A_1229 = vector.broadcast %add3A_1228 : i32 to vector<16xi32>
        %add3A_1230 = arith.addi %add3A_1229, %iota3A : vector<16xi32>
        %gather3A_1231 = tpu.vector_load_idx %arg23[%add3A_1230] : memref<64064xf32, #tpu.memory_space<vmem>>[vector<16xi32>], vector<16xf32>,
        %add3A_1232 = arith.constant 16 : i32
        %add3A_1233 = arith.addi %squeeze3A_1187, %add3A_1232 : i32
        %add3A_1234 = vector.broadcast %add3A_1233 : i32 to vector<16xi32>
        %add3A_1235 = arith.addi %add3A_1234, %iota3A : vector<16xi32>
        %gather3A_1236 = tpu.vector_load_idx %arg23[%add3A_1235] : memref<64064xf32, #tpu.memory_space<vmem>>[vector<16xi32>], vector<16xf32>,
        %swap3A_1237 = arith.index_cast %add3A_1183 : i32 to index
        %swap3A_1238 = arith.constant 16 : index
        %swap3A_1239 = tpu.vector_load %arg22[%swap3A_1237, %swap3A_1238] {strides = array<i32>} : memref<64x64xf32, #tpu.memory_space<vmem>>, vector<16xf32>,
        tpu.vector_store %arg22[%swap3A_1237, %swap3A_1238], %gather3A_1231 {strides = array<i32>} : memref<64x64xf32, #tpu.memory_space<vmem>>, vector<16xf32>,
        %get3A_1240 = arith.index_cast %add3A_1183 : i32 to index
        %get3A_1241 = arith.constant 16 : index
        %get3A_1242 = tpu.vector_load %arg18[%get3A_1240, %get3A_1241] {strides = array<i32>} : memref<64x64xf32, #tpu.memory_space<vmem>>, vector<16xf32>,
        %add3A_1243 = arith.addf %get3A_1242, %gather3A_1231 : vector<16xf32>
        %get3A_1244 = arith.index_cast %rem3A_182 : i32 to index
        %get3A_1245 = arith.index_cast %add3A_1183 : i32 to index
        %get3A_1246 = arith.constant 16 : index
        %get3A_1247 = tpu.vector_load %arg20[%get3A_1244, %get3A_1245, %get3A_1246] {strides = array<i32>} : memref<2x64x64xf32, #tpu.memory_space<vmem>>, vector<16xf32>,
        %sub3A_1248 = arith.subf %add3A_1243, %get3A_1247 : vector<16xf32>
        %abs3A_1249 = math.absf %sub3A_1248 : vector<16xf32>
        %get3A_1250 = arith.index_cast %add3A_1183 : i32 to index
        %get3A_1251 = arith.constant 16 : index
        %get3A_1252 = tpu.vector_load %arg19[%get3A_1250, %get3A_1251] {strides = array<i32>} : memref<64x64xf32, #tpu.memory_space<vmem>>, vector<16xf32>,
        %add3A_1253 = arith.addf %get3A_1252, %gather3A_1236 : vector<16xf32>
        %get3A_1254 = arith.index_cast %rem3A_182 : i32 to index
        %get3A_1255 = arith.index_cast %add3A_1183 : i32 to index
        %get3A_1256 = arith.constant 16 : index
        %get3A_1257 = tpu.vector_load %arg21[%get3A_1254, %get3A_1255, %get3A_1256] {strides = array<i32>} : memref<2x64x64xf32, #tpu.memory_space<vmem>>, vector<16xf32>,
        %sub3A_1258 = arith.subf %add3A_1253, %get3A_1257 : vector<16xf32>
        %abs3A_1259 = math.absf %sub3A_1258 : vector<16xf32>
        %sub3A_1260 = arith.subf %abs3A_1249, %abs3A_1259 : vector<16xf32>
        %add3A_1261 = arith.addf %broadcast_in_dim3A_1191, %sub3A_1260 : vector<16xf32>
        %add3A_1262 = arith.constant 32 : i32
        %add3A_1263 = arith.addi %squeeze3A_1185, %add3A_1262 : i32
        %add3A_1264 = vector.broadcast %add3A_1263 : i32 to vector<16xi32>
        %add3A_1265 = arith.addi %add3A_1264, %iota3A : vector<16xi32>
        %gather3A_1266 = tpu.vector_load_idx %arg23[%add3A_1265] : memref<64064xf32, #tpu.memory_space<vmem>>[vector<16xi32>], vector<16xf32>,
        %add3A_1267 = arith.constant 32 : i32
        %add3A_1268 = arith.addi %squeeze3A_1187, %add3A_1267 : i32
        %add3A_1269 = vector.broadcast %add3A_1268 : i32 to vector<16xi32>
        %add3A_1270 = arith.addi %add3A_1269, %iota3A : vector<16xi32>
        %gather3A_1271 = tpu.vector_load_idx %arg23[%add3A_1270] : memref<64064xf32, #tpu.memory_space<vmem>>[vector<16xi32>], vector<16xf32>,
        %swap3A_1272 = arith.index_cast %add3A_1183 : i32 to index
        %swap3A_1273 = arith.constant 32 : index
        %swap3A_1274 = tpu.vector_load %arg22[%swap3A_1272, %swap3A_1273] {strides = array<i32>} : memref<64x64xf32, #tpu.memory_space<vmem>>, vector<16xf32>,
        tpu.vector_store %arg22[%swap3A_1272, %swap3A_1273], %gather3A_1266 {strides = array<i32>} : memref<64x64xf32, #tpu.memory_space<vmem>>, vector<16xf32>,
        %get3A_1275 = arith.index_cast %add3A_1183 : i32 to index
        %get3A_1276 = arith.constant 32 : index
        %get3A_1277 = tpu.vector_load %arg18[%get3A_1275, %get3A_1276] {strides = array<i32>} : memref<64x64xf32, #tpu.memory_space<vmem>>, vector<16xf32>,
        %add3A_1278 = arith.addf %get3A_1277, %gather3A_1266 : vector<16xf32>
        %get3A_1279 = arith.index_cast %rem3A_182 : i32 to index
        %get3A_1280 = arith.index_cast %add3A_1183 : i32 to index
        %get3A_1281 = arith.constant 32 : index
        %get3A_1282 = tpu.vector_load %arg20[%get3A_1279, %get3A_1280, %get3A_1281] {strides = array<i32>} : memref<2x64x64xf32, #tpu.memory_space<vmem>>, vector<16xf32>,
        %sub3A_1283 = arith.subf %add3A_1278, %get3A_1282 : vector<16xf32>
        %abs3A_1284 = math.absf %sub3A_1283 : vector<16xf32>
        %get3A_1285 = arith.index_cast %add3A_1183 : i32 to index
        %get3A_1286 = arith.constant 32 : index
        %get3A_1287 = tpu.vector_load %arg19[%get3A_1285, %get3A_1286] {strides = array<i32>} : memref<64x64xf32, #tpu.memory_space<vmem>>, vector<16xf32>,
        %add3A_1288 = arith.addf %get3A_1287, %gather3A_1271 : vector<16xf32>
        %get3A_1289 = arith.index_cast %rem3A_182 : i32 to index
        %get3A_1290 = arith.index_cast %add3A_1183 : i32 to index
        %get3A_1291 = arith.constant 32 : index
        %get3A_1292 = tpu.vector_load %arg21[%get3A_1289, %get3A_1290, %get3A_1291] {strides = array<i32>} : memref<2x64x64xf32, #tpu.memory_space<vmem>>, vector<16xf32>,
        %sub3A_1293 = arith.subf %add3A_1288, %get3A_1292 : vector<16xf32>
        %abs3A_1294 = math.absf %sub3A_1293 : vector<16xf32>
        %sub3A_1295 = arith.subf %abs3A_1284, %abs3A_1294 : vector<16xf32>
        %add3A_1296 = arith.addf %add3A_1226, %sub3A_1295 : vector<16xf32>
        %add3A_1297 = arith.constant 48 : i32
        %add3A_1298 = arith.addi %squeeze3A_1185, %add3A_1297 : i32
        %add3A_1299 = vector.broadcast %add3A_1298 : i32 to vector<16xi32>
        %add3A_1300 = arith.addi %add3A_1299, %iota3A : vector<16xi32>
        %gather3A_1301 = tpu.vector_load_idx %arg23[%add3A_1300] : memref<64064xf32, #tpu.memory_space<vmem>>[vector<16xi32>], vector<16xf32>,
        %add3A_1302 = arith.constant 48 : i32
        %add3A_1303 = arith.addi %squeeze3A_1187, %add3A_1302 : i32
        %add3A_1304 = vector.broadcast %add3A_1303 : i32 to vector<16xi32>
        %add3A_1305 = arith.addi %add3A_1304, %iota3A : vector<16xi32>
        %gather3A_1306 = tpu.vector_load_idx %arg23[%add3A_1305] : memref<64064xf32, #tpu.memory_space<vmem>>[vector<16xi32>], vector<16xf32>,
        %swap3A_1307 = arith.index_cast %add3A_1183 : i32 to index
        %swap3A_1308 = arith.constant 48 : index
        %swap3A_1309 = tpu.vector_load %arg22[%swap3A_1307, %swap3A_1308] {strides = array<i32>} : memref<64x64xf32, #tpu.memory_space<vmem>>, vector<16xf32>,
        tpu.vector_store %arg22[%swap3A_1307, %swap3A_1308], %gather3A_1301 {strides = array<i32>} : memref<64x64xf32, #tpu.memory_space<vmem>>, vector<16xf32>,
        %get3A_1310 = arith.index_cast %add3A_1183 : i32 to index
        %get3A_1311 = arith.constant 48 : index
        %get3A_1312 = tpu.vector_load %arg18[%get3A_1310, %get3A_1311] {strides = array<i32>} : memref<64x64xf32, #tpu.memory_space<vmem>>, vector<16xf32>,
        %add3A_1313 = arith.addf %get3A_1312, %gather3A_1301 : vector<16xf32>
        %get3A_1314 = arith.index_cast %rem3A_182 : i32 to index
        %get3A_1315 = arith.index_cast %add3A_1183 : i32 to index
        %get3A_1316 = arith.constant 48 : index
        %get3A_1317 = tpu.vector_load %arg20[%get3A_1314, %get3A_1315, %get3A_1316] {strides = array<i32>} : memref<2x64x64xf32, #tpu.memory_space<vmem>>, vector<16xf32>,
        %sub3A_1318 = arith.subf %add3A_1313, %get3A_1317 : vector<16xf32>
        %abs3A_1319 = math.absf %sub3A_1318 : vector<16xf32>
        %get3A_1320 = arith.index_cast %add3A_1183 : i32 to index
        %get3A_1321 = arith.constant 48 : index
        %get3A_1322 = tpu.vector_load %arg19[%get3A_1320, %get3A_1321] {strides = array<i32>} : memref<64x64xf32, #tpu.memory_space<vmem>>, vector<16xf32>,
        %add3A_1323 = arith.addf %get3A_1322, %gather3A_1306 : vector<16xf32>
        %get3A_1324 = arith.index_cast %rem3A_182 : i32 to index
        %get3A_1325 = arith.index_cast %add3A_1183 : i32 to index
        %get3A_1326 = arith.constant 48 : index
        %get3A_1327 = tpu.vector_load %arg21[%get3A_1324, %get3A_1325, %get3A_1326] {strides = array<i32>} : memref<2x64x64xf32, #tpu.memory_space<vmem>>, vector<16xf32>,
        %sub3A_1328 = arith.subf %add3A_1323, %get3A_1327 : vector<16xf32>
        %abs3A_1329 = math.absf %sub3A_1328 : vector<16xf32>
        %sub3A_1330 = arith.subf %abs3A_1319, %abs3A_1329 : vector<16xf32>
        %add3A_1331 = arith.addf %add3A_1261, %sub3A_1330 : vector<16xf32>
        %add3A_1332 = arith.addf %add3A_1296, %add3A_1331 : vector<16xf32>
        %swap3A_1333 = arith.constant 96 : index
        %swap3A_1334 = tpu.vector_load %arg25[%swap3A_1333] {strides = array<i32>} : memref<256xf32, #tpu.memory_space<vmem>>, vector<16xf32>,
        tpu.vector_store %arg25[%swap3A_1333], %add3A_1332 {strides = array<i32>} : memref<256xf32, #tpu.memory_space<vmem>>, vector<16xf32>,
        %mul3A_1335 = arith.constant 16 : i32
        %mul3A_1336 = arith.muli %scan3A_243, %mul3A_1335 : i32
        %add3A_1337 = arith.constant 7 : i32
        %add3A_1338 = arith.addi %mul3A_1336, %add3A_1337 : i32
        %slice3A_1339 = vector.extract_strided_slice %mul3A_250 {offsets = [7], sizes = [1], strides = [1]} : vector<16xi32> to vector<1xi32>
        %squeeze3A_1340 = vector.extract %slice3A_1339[0] : i32 from vector<1xi32>
        %slice3A_1341 = vector.extract_strided_slice %mul3A_256 {offsets = [7], sizes = [1], strides = [1]} : vector<16xi32> to vector<1xi32>
        %squeeze3A_1342 = vector.extract %slice3A_1341[0] : i32 from vector<1xi32>
        %broadcast_in_dim3A_1343 = arith.constant 0.000000e+00 : f32
        %broadcast_in_dim3A_1344 = vector.broadcast %broadcast_in_dim3A_1343 : f32 to vector<16xf32>
        %broadcast_in_dim3A_1345 = arith.constant 0.000000e+00 : f32
        %broadcast_in_dim3A_1346 = vector.broadcast %broadcast_in_dim3A_1345 : f32 to vector<16xf32>
        %add3A_1347 = arith.constant 0 : i32
        %add3A_1348 = arith.addi %squeeze3A_1340, %add3A_1347 : i32
        %add3A_1349 = vector.broadcast %add3A_1348 : i32 to vector<16xi32>
        %add3A_1350 = arith.addi %add3A_1349, %iota3A : vector<16xi32>
        %gather3A_1351 = tpu.vector_load_idx %arg23[%add3A_1350] : memref<64064xf32, #tpu.memory_space<vmem>>[vector<16xi32>], vector<16xf32>,
        %add3A_1352 = arith.constant 0 : i32
        %add3A_1353 = arith.addi %squeeze3A_1342, %add3A_1352 : i32
        %add3A_1354 = vector.broadcast %add3A_1353 : i32 to vector<16xi32>
        %add3A_1355 = arith.addi %add3A_1354, %iota3A : vector<16xi32>
        %gather3A_1356 = tpu.vector_load_idx %arg23[%add3A_1355] : memref<64064xf32, #tpu.memory_space<vmem>>[vector<16xi32>], vector<16xf32>,
        %swap3A_1357 = arith.index_cast %add3A_1338 : i32 to index
        %swap3A_1358 = arith.constant 0 : index
        %swap3A_1359 = tpu.vector_load %arg22[%swap3A_1357, %swap3A_1358] {strides = array<i32>} : memref<64x64xf32, #tpu.memory_space<vmem>>, vector<16xf32>,
        tpu.vector_store %arg22[%swap3A_1357, %swap3A_1358], %gather3A_1351 {strides = array<i32>} : memref<64x64xf32, #tpu.memory_space<vmem>>, vector<16xf32>,
        %get3A_1360 = arith.index_cast %add3A_1338 : i32 to index
        %get3A_1361 = arith.constant 0 : index
        %get3A_1362 = tpu.vector_load %arg18[%get3A_1360, %get3A_1361] {strides = array<i32>} : memref<64x64xf32, #tpu.memory_space<vmem>>, vector<16xf32>,
        %add3A_1363 = arith.addf %get3A_1362, %gather3A_1351 : vector<16xf32>
        %get3A_1364 = arith.index_cast %rem3A_182 : i32 to index
        %get3A_1365 = arith.index_cast %add3A_1338 : i32 to index
        %get3A_1366 = arith.constant 0 : index
        %get3A_1367 = tpu.vector_load %arg20[%get3A_1364, %get3A_1365, %get3A_1366] {strides = array<i32>} : memref<2x64x64xf32, #tpu.memory_space<vmem>>, vector<16xf32>,
        %sub3A_1368 = arith.subf %add3A_1363, %get3A_1367 : vector<16xf32>
        %abs3A_1369 = math.absf %sub3A_1368 : vector<16xf32>
        %get3A_1370 = arith.index_cast %add3A_1338 : i32 to index
        %get3A_1371 = arith.constant 0 : index
        %get3A_1372 = tpu.vector_load %arg19[%get3A_1370, %get3A_1371] {strides = array<i32>} : memref<64x64xf32, #tpu.memory_space<vmem>>, vector<16xf32>,
        %add3A_1373 = arith.addf %get3A_1372, %gather3A_1356 : vector<16xf32>
        %get3A_1374 = arith.index_cast %rem3A_182 : i32 to index
        %get3A_1375 = arith.index_cast %add3A_1338 : i32 to index
        %get3A_1376 = arith.constant 0 : index
        %get3A_1377 = tpu.vector_load %arg21[%get3A_1374, %get3A_1375, %get3A_1376] {strides = array<i32>} : memref<2x64x64xf32, #tpu.memory_space<vmem>>, vector<16xf32>,
        %sub3A_1378 = arith.subf %add3A_1373, %get3A_1377 : vector<16xf32>
        %abs3A_1379 = math.absf %sub3A_1378 : vector<16xf32>
        %sub3A_1380 = arith.subf %abs3A_1369, %abs3A_1379 : vector<16xf32>
        %add3A_1381 = arith.addf %broadcast_in_dim3A_1344, %sub3A_1380 : vector<16xf32>
        %add3A_1382 = arith.constant 16 : i32
        %add3A_1383 = arith.addi %squeeze3A_1340, %add3A_1382 : i32
        %add3A_1384 = vector.broadcast %add3A_1383 : i32 to vector<16xi32>
        %add3A_1385 = arith.addi %add3A_1384, %iota3A : vector<16xi32>
        %gather3A_1386 = tpu.vector_load_idx %arg23[%add3A_1385] : memref<64064xf32, #tpu.memory_space<vmem>>[vector<16xi32>], vector<16xf32>,
        %add3A_1387 = arith.constant 16 : i32
        %add3A_1388 = arith.addi %squeeze3A_1342, %add3A_1387 : i32
        %add3A_1389 = vector.broadcast %add3A_1388 : i32 to vector<16xi32>
        %add3A_1390 = arith.addi %add3A_1389, %iota3A : vector<16xi32>
        %gather3A_1391 = tpu.vector_load_idx %arg23[%add3A_1390] : memref<64064xf32, #tpu.memory_space<vmem>>[vector<16xi32>], vector<16xf32>,
        %swap3A_1392 = arith.index_cast %add3A_1338 : i32 to index
        %swap3A_1393 = arith.constant 16 : index
        %swap3A_1394 = tpu.vector_load %arg22[%swap3A_1392, %swap3A_1393] {strides = array<i32>} : memref<64x64xf32, #tpu.memory_space<vmem>>, vector<16xf32>,
        tpu.vector_store %arg22[%swap3A_1392, %swap3A_1393], %gather3A_1386 {strides = array<i32>} : memref<64x64xf32, #tpu.memory_space<vmem>>, vector<16xf32>,
        %get3A_1395 = arith.index_cast %add3A_1338 : i32 to index
        %get3A_1396 = arith.constant 16 : index
        %get3A_1397 = tpu.vector_load %arg18[%get3A_1395, %get3A_1396] {strides = array<i32>} : memref<64x64xf32, #tpu.memory_space<vmem>>, vector<16xf32>,
        %add3A_1398 = arith.addf %get3A_1397, %gather3A_1386 : vector<16xf32>
        %get3A_1399 = arith.index_cast %rem3A_182 : i32 to index
        %get3A_1400 = arith.index_cast %add3A_1338 : i32 to index
        %get3A_1401 = arith.constant 16 : index
        %get3A_1402 = tpu.vector_load %arg20[%get3A_1399, %get3A_1400, %get3A_1401] {strides = array<i32>} : memref<2x64x64xf32, #tpu.memory_space<vmem>>, vector<16xf32>,
        %sub3A_1403 = arith.subf %add3A_1398, %get3A_1402 : vector<16xf32>
        %abs3A_1404 = math.absf %sub3A_1403 : vector<16xf32>
        %get3A_1405 = arith.index_cast %add3A_1338 : i32 to index
        %get3A_1406 = arith.constant 16 : index
        %get3A_1407 = tpu.vector_load %arg19[%get3A_1405, %get3A_1406] {strides = array<i32>} : memref<64x64xf32, #tpu.memory_space<vmem>>, vector<16xf32>,
        %add3A_1408 = arith.addf %get3A_1407, %gather3A_1391 : vector<16xf32>
        %get3A_1409 = arith.index_cast %rem3A_182 : i32 to index
        %get3A_1410 = arith.index_cast %add3A_1338 : i32 to index
        %get3A_1411 = arith.constant 16 : index
        %get3A_1412 = tpu.vector_load %arg21[%get3A_1409, %get3A_1410, %get3A_1411] {strides = array<i32>} : memref<2x64x64xf32, #tpu.memory_space<vmem>>, vector<16xf32>,
        %sub3A_1413 = arith.subf %add3A_1408, %get3A_1412 : vector<16xf32>
        %abs3A_1414 = math.absf %sub3A_1413 : vector<16xf32>
        %sub3A_1415 = arith.subf %abs3A_1404, %abs3A_1414 : vector<16xf32>
        %add3A_1416 = arith.addf %broadcast_in_dim3A_1346, %sub3A_1415 : vector<16xf32>
        %add3A_1417 = arith.constant 32 : i32
        %add3A_1418 = arith.addi %squeeze3A_1340, %add3A_1417 : i32
        %add3A_1419 = vector.broadcast %add3A_1418 : i32 to vector<16xi32>
        %add3A_1420 = arith.addi %add3A_1419, %iota3A : vector<16xi32>
        %gather3A_1421 = tpu.vector_load_idx %arg23[%add3A_1420] : memref<64064xf32, #tpu.memory_space<vmem>>[vector<16xi32>], vector<16xf32>,
        %add3A_1422 = arith.constant 32 : i32
        %add3A_1423 = arith.addi %squeeze3A_1342, %add3A_1422 : i32
        %add3A_1424 = vector.broadcast %add3A_1423 : i32 to vector<16xi32>
        %add3A_1425 = arith.addi %add3A_1424, %iota3A : vector<16xi32>
        %gather3A_1426 = tpu.vector_load_idx %arg23[%add3A_1425] : memref<64064xf32, #tpu.memory_space<vmem>>[vector<16xi32>], vector<16xf32>,
        %swap3A_1427 = arith.index_cast %add3A_1338 : i32 to index
        %swap3A_1428 = arith.constant 32 : index
        %swap3A_1429 = tpu.vector_load %arg22[%swap3A_1427, %swap3A_1428] {strides = array<i32>} : memref<64x64xf32, #tpu.memory_space<vmem>>, vector<16xf32>,
        tpu.vector_store %arg22[%swap3A_1427, %swap3A_1428], %gather3A_1421 {strides = array<i32>} : memref<64x64xf32, #tpu.memory_space<vmem>>, vector<16xf32>,
        %get3A_1430 = arith.index_cast %add3A_1338 : i32 to index
        %get3A_1431 = arith.constant 32 : index
        %get3A_1432 = tpu.vector_load %arg18[%get3A_1430, %get3A_1431] {strides = array<i32>} : memref<64x64xf32, #tpu.memory_space<vmem>>, vector<16xf32>,
        %add3A_1433 = arith.addf %get3A_1432, %gather3A_1421 : vector<16xf32>
        %get3A_1434 = arith.index_cast %rem3A_182 : i32 to index
        %get3A_1435 = arith.index_cast %add3A_1338 : i32 to index
        %get3A_1436 = arith.constant 32 : index
        %get3A_1437 = tpu.vector_load %arg20[%get3A_1434, %get3A_1435, %get3A_1436] {strides = array<i32>} : memref<2x64x64xf32, #tpu.memory_space<vmem>>, vector<16xf32>,
        %sub3A_1438 = arith.subf %add3A_1433, %get3A_1437 : vector<16xf32>
        %abs3A_1439 = math.absf %sub3A_1438 : vector<16xf32>
        %get3A_1440 = arith.index_cast %add3A_1338 : i32 to index
        %get3A_1441 = arith.constant 32 : index
        %get3A_1442 = tpu.vector_load %arg19[%get3A_1440, %get3A_1441] {strides = array<i32>} : memref<64x64xf32, #tpu.memory_space<vmem>>, vector<16xf32>,
        %add3A_1443 = arith.addf %get3A_1442, %gather3A_1426 : vector<16xf32>
        %get3A_1444 = arith.index_cast %rem3A_182 : i32 to index
        %get3A_1445 = arith.index_cast %add3A_1338 : i32 to index
        %get3A_1446 = arith.constant 32 : index
        %get3A_1447 = tpu.vector_load %arg21[%get3A_1444, %get3A_1445, %get3A_1446] {strides = array<i32>} : memref<2x64x64xf32, #tpu.memory_space<vmem>>, vector<16xf32>,
        %sub3A_1448 = arith.subf %add3A_1443, %get3A_1447 : vector<16xf32>
        %abs3A_1449 = math.absf %sub3A_1448 : vector<16xf32>
        %sub3A_1450 = arith.subf %abs3A_1439, %abs3A_1449 : vector<16xf32>
        %add3A_1451 = arith.addf %add3A_1381, %sub3A_1450 : vector<16xf32>
        %add3A_1452 = arith.constant 48 : i32
        %add3A_1453 = arith.addi %squeeze3A_1340, %add3A_1452 : i32
        %add3A_1454 = vector.broadcast %add3A_1453 : i32 to vector<16xi32>
        %add3A_1455 = arith.addi %add3A_1454, %iota3A : vector<16xi32>
        %gather3A_1456 = tpu.vector_load_idx %arg23[%add3A_1455] : memref<64064xf32, #tpu.memory_space<vmem>>[vector<16xi32>], vector<16xf32>,
        %add3A_1457 = arith.constant 48 : i32
        %add3A_1458 = arith.addi %squeeze3A_1342, %add3A_1457 : i32
        %add3A_1459 = vector.broadcast %add3A_1458 : i32 to vector<16xi32>
        %add3A_1460 = arith.addi %add3A_1459, %iota3A : vector<16xi32>
        %gather3A_1461 = tpu.vector_load_idx %arg23[%add3A_1460] : memref<64064xf32, #tpu.memory_space<vmem>>[vector<16xi32>], vector<16xf32>,
        %swap3A_1462 = arith.index_cast %add3A_1338 : i32 to index
        %swap3A_1463 = arith.constant 48 : index
        %swap3A_1464 = tpu.vector_load %arg22[%swap3A_1462, %swap3A_1463] {strides = array<i32>} : memref<64x64xf32, #tpu.memory_space<vmem>>, vector<16xf32>,
        tpu.vector_store %arg22[%swap3A_1462, %swap3A_1463], %gather3A_1456 {strides = array<i32>} : memref<64x64xf32, #tpu.memory_space<vmem>>, vector<16xf32>,
        %get3A_1465 = arith.index_cast %add3A_1338 : i32 to index
        %get3A_1466 = arith.constant 48 : index
        %get3A_1467 = tpu.vector_load %arg18[%get3A_1465, %get3A_1466] {strides = array<i32>} : memref<64x64xf32, #tpu.memory_space<vmem>>, vector<16xf32>,
        %add3A_1468 = arith.addf %get3A_1467, %gather3A_1456 : vector<16xf32>
        %get3A_1469 = arith.index_cast %rem3A_182 : i32 to index
        %get3A_1470 = arith.index_cast %add3A_1338 : i32 to index
        %get3A_1471 = arith.constant 48 : index
        %get3A_1472 = tpu.vector_load %arg20[%get3A_1469, %get3A_1470, %get3A_1471] {strides = array<i32>} : memref<2x64x64xf32, #tpu.memory_space<vmem>>, vector<16xf32>,
        %sub3A_1473 = arith.subf %add3A_1468, %get3A_1472 : vector<16xf32>
        %abs3A_1474 = math.absf %sub3A_1473 : vector<16xf32>
        %get3A_1475 = arith.index_cast %add3A_1338 : i32 to index
        %get3A_1476 = arith.constant 48 : index
        %get3A_1477 = tpu.vector_load %arg19[%get3A_1475, %get3A_1476] {strides = array<i32>} : memref<64x64xf32, #tpu.memory_space<vmem>>, vector<16xf32>,
        %add3A_1478 = arith.addf %get3A_1477, %gather3A_1461 : vector<16xf32>
        %get3A_1479 = arith.index_cast %rem3A_182 : i32 to index
        %get3A_1480 = arith.index_cast %add3A_1338 : i32 to index
        %get3A_1481 = arith.constant 48 : index
        %get3A_1482 = tpu.vector_load %arg21[%get3A_1479, %get3A_1480, %get3A_1481] {strides = array<i32>} : memref<2x64x64xf32, #tpu.memory_space<vmem>>, vector<16xf32>,
        %sub3A_1483 = arith.subf %add3A_1478, %get3A_1482 : vector<16xf32>
        %abs3A_1484 = math.absf %sub3A_1483 : vector<16xf32>
        %sub3A_1485 = arith.subf %abs3A_1474, %abs3A_1484 : vector<16xf32>
        %add3A_1486 = arith.addf %add3A_1416, %sub3A_1485 : vector<16xf32>
        %add3A_1487 = arith.addf %add3A_1451, %add3A_1486 : vector<16xf32>
        %swap3A_1488 = arith.constant 112 : index
        %swap3A_1489 = tpu.vector_load %arg25[%swap3A_1488] {strides = array<i32>} : memref<256xf32, #tpu.memory_space<vmem>>, vector<16xf32>,
        tpu.vector_store %arg25[%swap3A_1488], %add3A_1487 {strides = array<i32>} : memref<256xf32, #tpu.memory_space<vmem>>, vector<16xf32>,
        %mul3A_1490 = arith.constant 16 : i32
        %mul3A_1491 = arith.muli %scan3A_243, %mul3A_1490 : i32
        %add3A_1492 = arith.constant 8 : i32
        %add3A_1493 = arith.addi %mul3A_1491, %add3A_1492 : i32
        %slice3A_1494 = vector.extract_strided_slice %mul3A_250 {offsets = [8], sizes = [1], strides = [1]} : vector<16xi32> to vector<1xi32>
        %squeeze3A_1495 = vector.extract %slice3A_1494[0] : i32 from vector<1xi32>
        %slice3A_1496 = vector.extract_strided_slice %mul3A_256 {offsets = [8], sizes = [1], strides = [1]} : vector<16xi32> to vector<1xi32>
        %squeeze3A_1497 = vector.extract %slice3A_1496[0] : i32 from vector<1xi32>
        %broadcast_in_dim3A_1498 = arith.constant 0.000000e+00 : f32
        %broadcast_in_dim3A_1499 = vector.broadcast %broadcast_in_dim3A_1498 : f32 to vector<16xf32>
        %broadcast_in_dim3A_1500 = arith.constant 0.000000e+00 : f32
        %broadcast_in_dim3A_1501 = vector.broadcast %broadcast_in_dim3A_1500 : f32 to vector<16xf32>
        %add3A_1502 = arith.constant 0 : i32
        %add3A_1503 = arith.addi %squeeze3A_1495, %add3A_1502 : i32
        %add3A_1504 = vector.broadcast %add3A_1503 : i32 to vector<16xi32>
        %add3A_1505 = arith.addi %add3A_1504, %iota3A : vector<16xi32>
        %gather3A_1506 = tpu.vector_load_idx %arg23[%add3A_1505] : memref<64064xf32, #tpu.memory_space<vmem>>[vector<16xi32>], vector<16xf32>,
        %add3A_1507 = arith.constant 0 : i32
        %add3A_1508 = arith.addi %squeeze3A_1497, %add3A_1507 : i32
        %add3A_1509 = vector.broadcast %add3A_1508 : i32 to vector<16xi32>
        %add3A_1510 = arith.addi %add3A_1509, %iota3A : vector<16xi32>
        %gather3A_1511 = tpu.vector_load_idx %arg23[%add3A_1510] : memref<64064xf32, #tpu.memory_space<vmem>>[vector<16xi32>], vector<16xf32>,
        %swap3A_1512 = arith.index_cast %add3A_1493 : i32 to index
        %swap3A_1513 = arith.constant 0 : index
        %swap3A_1514 = tpu.vector_load %arg22[%swap3A_1512, %swap3A_1513] {strides = array<i32>} : memref<64x64xf32, #tpu.memory_space<vmem>>, vector<16xf32>,
        tpu.vector_store %arg22[%swap3A_1512, %swap3A_1513], %gather3A_1506 {strides = array<i32>} : memref<64x64xf32, #tpu.memory_space<vmem>>, vector<16xf32>,
        %get3A_1515 = arith.index_cast %add3A_1493 : i32 to index
        %get3A_1516 = arith.constant 0 : index
        %get3A_1517 = tpu.vector_load %arg18[%get3A_1515, %get3A_1516] {strides = array<i32>} : memref<64x64xf32, #tpu.memory_space<vmem>>, vector<16xf32>,
        %add3A_1518 = arith.addf %get3A_1517, %gather3A_1506 : vector<16xf32>
        %get3A_1519 = arith.index_cast %rem3A_182 : i32 to index
        %get3A_1520 = arith.index_cast %add3A_1493 : i32 to index
        %get3A_1521 = arith.constant 0 : index
        %get3A_1522 = tpu.vector_load %arg20[%get3A_1519, %get3A_1520, %get3A_1521] {strides = array<i32>} : memref<2x64x64xf32, #tpu.memory_space<vmem>>, vector<16xf32>,
        %sub3A_1523 = arith.subf %add3A_1518, %get3A_1522 : vector<16xf32>
        %abs3A_1524 = math.absf %sub3A_1523 : vector<16xf32>
        %get3A_1525 = arith.index_cast %add3A_1493 : i32 to index
        %get3A_1526 = arith.constant 0 : index
        %get3A_1527 = tpu.vector_load %arg19[%get3A_1525, %get3A_1526] {strides = array<i32>} : memref<64x64xf32, #tpu.memory_space<vmem>>, vector<16xf32>,
        %add3A_1528 = arith.addf %get3A_1527, %gather3A_1511 : vector<16xf32>
        %get3A_1529 = arith.index_cast %rem3A_182 : i32 to index
        %get3A_1530 = arith.index_cast %add3A_1493 : i32 to index
        %get3A_1531 = arith.constant 0 : index
        %get3A_1532 = tpu.vector_load %arg21[%get3A_1529, %get3A_1530, %get3A_1531] {strides = array<i32>} : memref<2x64x64xf32, #tpu.memory_space<vmem>>, vector<16xf32>,
        %sub3A_1533 = arith.subf %add3A_1528, %get3A_1532 : vector<16xf32>
        %abs3A_1534 = math.absf %sub3A_1533 : vector<16xf32>
        %sub3A_1535 = arith.subf %abs3A_1524, %abs3A_1534 : vector<16xf32>
        %add3A_1536 = arith.addf %broadcast_in_dim3A_1499, %sub3A_1535 : vector<16xf32>
        %add3A_1537 = arith.constant 16 : i32
        %add3A_1538 = arith.addi %squeeze3A_1495, %add3A_1537 : i32
        %add3A_1539 = vector.broadcast %add3A_1538 : i32 to vector<16xi32>
        %add3A_1540 = arith.addi %add3A_1539, %iota3A : vector<16xi32>
        %gather3A_1541 = tpu.vector_load_idx %arg23[%add3A_1540] : memref<64064xf32, #tpu.memory_space<vmem>>[vector<16xi32>], vector<16xf32>,
        %add3A_1542 = arith.constant 16 : i32
        %add3A_1543 = arith.addi %squeeze3A_1497, %add3A_1542 : i32
        %add3A_1544 = vector.broadcast %add3A_1543 : i32 to vector<16xi32>
        %add3A_1545 = arith.addi %add3A_1544, %iota3A : vector<16xi32>
        %gather3A_1546 = tpu.vector_load_idx %arg23[%add3A_1545] : memref<64064xf32, #tpu.memory_space<vmem>>[vector<16xi32>], vector<16xf32>,
        %swap3A_1547 = arith.index_cast %add3A_1493 : i32 to index
        %swap3A_1548 = arith.constant 16 : index
        %swap3A_1549 = tpu.vector_load %arg22[%swap3A_1547, %swap3A_1548] {strides = array<i32>} : memref<64x64xf32, #tpu.memory_space<vmem>>, vector<16xf32>,
        tpu.vector_store %arg22[%swap3A_1547, %swap3A_1548], %gather3A_1541 {strides = array<i32>} : memref<64x64xf32, #tpu.memory_space<vmem>>, vector<16xf32>,
        %get3A_1550 = arith.index_cast %add3A_1493 : i32 to index
        %get3A_1551 = arith.constant 16 : index
        %get3A_1552 = tpu.vector_load %arg18[%get3A_1550, %get3A_1551] {strides = array<i32>} : memref<64x64xf32, #tpu.memory_space<vmem>>, vector<16xf32>,
        %add3A_1553 = arith.addf %get3A_1552, %gather3A_1541 : vector<16xf32>
        %get3A_1554 = arith.index_cast %rem3A_182 : i32 to index
        %get3A_1555 = arith.index_cast %add3A_1493 : i32 to index
        %get3A_1556 = arith.constant 16 : index
        %get3A_1557 = tpu.vector_load %arg20[%get3A_1554, %get3A_1555, %get3A_1556] {strides = array<i32>} : memref<2x64x64xf32, #tpu.memory_space<vmem>>, vector<16xf32>,
        %sub3A_1558 = arith.subf %add3A_1553, %get3A_1557 : vector<16xf32>
        %abs3A_1559 = math.absf %sub3A_1558 : vector<16xf32>
        %get3A_1560 = arith.index_cast %add3A_1493 : i32 to index
        %get3A_1561 = arith.constant 16 : index
        %get3A_1562 = tpu.vector_load %arg19[%get3A_1560, %get3A_1561] {strides = array<i32>} : memref<64x64xf32, #tpu.memory_space<vmem>>, vector<16xf32>,
        %add3A_1563 = arith.addf %get3A_1562, %gather3A_1546 : vector<16xf32>
        %get3A_1564 = arith.index_cast %rem3A_182 : i32 to index
        %get3A_1565 = arith.index_cast %add3A_1493 : i32 to index
        %get3A_1566 = arith.constant 16 : index
        %get3A_1567 = tpu.vector_load %arg21[%get3A_1564, %get3A_1565, %get3A_1566] {strides = array<i32>} : memref<2x64x64xf32, #tpu.memory_space<vmem>>, vector<16xf32>,
        %sub3A_1568 = arith.subf %add3A_1563, %get3A_1567 : vector<16xf32>
        %abs3A_1569 = math.absf %sub3A_1568 : vector<16xf32>
        %sub3A_1570 = arith.subf %abs3A_1559, %abs3A_1569 : vector<16xf32>
        %add3A_1571 = arith.addf %broadcast_in_dim3A_1501, %sub3A_1570 : vector<16xf32>
        %add3A_1572 = arith.constant 32 : i32
        %add3A_1573 = arith.addi %squeeze3A_1495, %add3A_1572 : i32
        %add3A_1574 = vector.broadcast %add3A_1573 : i32 to vector<16xi32>
        %add3A_1575 = arith.addi %add3A_1574, %iota3A : vector<16xi32>
        %gather3A_1576 = tpu.vector_load_idx %arg23[%add3A_1575] : memref<64064xf32, #tpu.memory_space<vmem>>[vector<16xi32>], vector<16xf32>,
        %add3A_1577 = arith.constant 32 : i32
        %add3A_1578 = arith.addi %squeeze3A_1497, %add3A_1577 : i32
        %add3A_1579 = vector.broadcast %add3A_1578 : i32 to vector<16xi32>
        %add3A_1580 = arith.addi %add3A_1579, %iota3A : vector<16xi32>
        %gather3A_1581 = tpu.vector_load_idx %arg23[%add3A_1580] : memref<64064xf32, #tpu.memory_space<vmem>>[vector<16xi32>], vector<16xf32>,
        %swap3A_1582 = arith.index_cast %add3A_1493 : i32 to index
        %swap3A_1583 = arith.constant 32 : index
        %swap3A_1584 = tpu.vector_load %arg22[%swap3A_1582, %swap3A_1583] {strides = array<i32>} : memref<64x64xf32, #tpu.memory_space<vmem>>, vector<16xf32>,
        tpu.vector_store %arg22[%swap3A_1582, %swap3A_1583], %gather3A_1576 {strides = array<i32>} : memref<64x64xf32, #tpu.memory_space<vmem>>, vector<16xf32>,
        %get3A_1585 = arith.index_cast %add3A_1493 : i32 to index
        %get3A_1586 = arith.constant 32 : index
        %get3A_1587 = tpu.vector_load %arg18[%get3A_1585, %get3A_1586] {strides = array<i32>} : memref<64x64xf32, #tpu.memory_space<vmem>>, vector<16xf32>,
        %add3A_1588 = arith.addf %get3A_1587, %gather3A_1576 : vector<16xf32>
        %get3A_1589 = arith.index_cast %rem3A_182 : i32 to index
        %get3A_1590 = arith.index_cast %add3A_1493 : i32 to index
        %get3A_1591 = arith.constant 32 : index
        %get3A_1592 = tpu.vector_load %arg20[%get3A_1589, %get3A_1590, %get3A_1591] {strides = array<i32>} : memref<2x64x64xf32, #tpu.memory_space<vmem>>, vector<16xf32>,
        %sub3A_1593 = arith.subf %add3A_1588, %get3A_1592 : vector<16xf32>
        %abs3A_1594 = math.absf %sub3A_1593 : vector<16xf32>
        %get3A_1595 = arith.index_cast %add3A_1493 : i32 to index
        %get3A_1596 = arith.constant 32 : index
        %get3A_1597 = tpu.vector_load %arg19[%get3A_1595, %get3A_1596] {strides = array<i32>} : memref<64x64xf32, #tpu.memory_space<vmem>>, vector<16xf32>,
        %add3A_1598 = arith.addf %get3A_1597, %gather3A_1581 : vector<16xf32>
        %get3A_1599 = arith.index_cast %rem3A_182 : i32 to index
        %get3A_1600 = arith.index_cast %add3A_1493 : i32 to index
        %get3A_1601 = arith.constant 32 : index
        %get3A_1602 = tpu.vector_load %arg21[%get3A_1599, %get3A_1600, %get3A_1601] {strides = array<i32>} : memref<2x64x64xf32, #tpu.memory_space<vmem>>, vector<16xf32>,
        %sub3A_1603 = arith.subf %add3A_1598, %get3A_1602 : vector<16xf32>
        %abs3A_1604 = math.absf %sub3A_1603 : vector<16xf32>
        %sub3A_1605 = arith.subf %abs3A_1594, %abs3A_1604 : vector<16xf32>
        %add3A_1606 = arith.addf %add3A_1536, %sub3A_1605 : vector<16xf32>
        %add3A_1607 = arith.constant 48 : i32
        %add3A_1608 = arith.addi %squeeze3A_1495, %add3A_1607 : i32
        %add3A_1609 = vector.broadcast %add3A_1608 : i32 to vector<16xi32>
        %add3A_1610 = arith.addi %add3A_1609, %iota3A : vector<16xi32>
        %gather3A_1611 = tpu.vector_load_idx %arg23[%add3A_1610] : memref<64064xf32, #tpu.memory_space<vmem>>[vector<16xi32>], vector<16xf32>,
        %add3A_1612 = arith.constant 48 : i32
        %add3A_1613 = arith.addi %squeeze3A_1497, %add3A_1612 : i32
        %add3A_1614 = vector.broadcast %add3A_1613 : i32 to vector<16xi32>
        %add3A_1615 = arith.addi %add3A_1614, %iota3A : vector<16xi32>
        %gather3A_1616 = tpu.vector_load_idx %arg23[%add3A_1615] : memref<64064xf32, #tpu.memory_space<vmem>>[vector<16xi32>], vector<16xf32>,
        %swap3A_1617 = arith.index_cast %add3A_1493 : i32 to index
        %swap3A_1618 = arith.constant 48 : index
        %swap3A_1619 = tpu.vector_load %arg22[%swap3A_1617, %swap3A_1618] {strides = array<i32>} : memref<64x64xf32, #tpu.memory_space<vmem>>, vector<16xf32>,
        tpu.vector_store %arg22[%swap3A_1617, %swap3A_1618], %gather3A_1611 {strides = array<i32>} : memref<64x64xf32, #tpu.memory_space<vmem>>, vector<16xf32>,
        %get3A_1620 = arith.index_cast %add3A_1493 : i32 to index
        %get3A_1621 = arith.constant 48 : index
        %get3A_1622 = tpu.vector_load %arg18[%get3A_1620, %get3A_1621] {strides = array<i32>} : memref<64x64xf32, #tpu.memory_space<vmem>>, vector<16xf32>,
        %add3A_1623 = arith.addf %get3A_1622, %gather3A_1611 : vector<16xf32>
        %get3A_1624 = arith.index_cast %rem3A_182 : i32 to index
        %get3A_1625 = arith.index_cast %add3A_1493 : i32 to index
        %get3A_1626 = arith.constant 48 : index
        %get3A_1627 = tpu.vector_load %arg20[%get3A_1624, %get3A_1625, %get3A_1626] {strides = array<i32>} : memref<2x64x64xf32, #tpu.memory_space<vmem>>, vector<16xf32>,
        %sub3A_1628 = arith.subf %add3A_1623, %get3A_1627 : vector<16xf32>
        %abs3A_1629 = math.absf %sub3A_1628 : vector<16xf32>
        %get3A_1630 = arith.index_cast %add3A_1493 : i32 to index
        %get3A_1631 = arith.constant 48 : index
        %get3A_1632 = tpu.vector_load %arg19[%get3A_1630, %get3A_1631] {strides = array<i32>} : memref<64x64xf32, #tpu.memory_space<vmem>>, vector<16xf32>,
        %add3A_1633 = arith.addf %get3A_1632, %gather3A_1616 : vector<16xf32>
        %get3A_1634 = arith.index_cast %rem3A_182 : i32 to index
        %get3A_1635 = arith.index_cast %add3A_1493 : i32 to index
        %get3A_1636 = arith.constant 48 : index
        %get3A_1637 = tpu.vector_load %arg21[%get3A_1634, %get3A_1635, %get3A_1636] {strides = array<i32>} : memref<2x64x64xf32, #tpu.memory_space<vmem>>, vector<16xf32>,
        %sub3A_1638 = arith.subf %add3A_1633, %get3A_1637 : vector<16xf32>
        %abs3A_1639 = math.absf %sub3A_1638 : vector<16xf32>
        %sub3A_1640 = arith.subf %abs3A_1629, %abs3A_1639 : vector<16xf32>
        %add3A_1641 = arith.addf %add3A_1571, %sub3A_1640 : vector<16xf32>
        %add3A_1642 = arith.addf %add3A_1606, %add3A_1641 : vector<16xf32>
        %swap3A_1643 = arith.constant 128 : index
        %swap3A_1644 = tpu.vector_load %arg25[%swap3A_1643] {strides = array<i32>} : memref<256xf32, #tpu.memory_space<vmem>>, vector<16xf32>,
        tpu.vector_store %arg25[%swap3A_1643], %add3A_1642 {strides = array<i32>} : memref<256xf32, #tpu.memory_space<vmem>>, vector<16xf32>,
        %mul3A_1645 = arith.constant 16 : i32
        %mul3A_1646 = arith.muli %scan3A_243, %mul3A_1645 : i32
        %add3A_1647 = arith.constant 9 : i32
        %add3A_1648 = arith.addi %mul3A_1646, %add3A_1647 : i32
        %slice3A_1649 = vector.extract_strided_slice %mul3A_250 {offsets = [9], sizes = [1], strides = [1]} : vector<16xi32> to vector<1xi32>
        %squeeze3A_1650 = vector.extract %slice3A_1649[0] : i32 from vector<1xi32>
        %slice3A_1651 = vector.extract_strided_slice %mul3A_256 {offsets = [9], sizes = [1], strides = [1]} : vector<16xi32> to vector<1xi32>
        %squeeze3A_1652 = vector.extract %slice3A_1651[0] : i32 from vector<1xi32>
        %broadcast_in_dim3A_1653 = arith.constant 0.000000e+00 : f32
        %broadcast_in_dim3A_1654 = vector.broadcast %broadcast_in_dim3A_1653 : f32 to vector<16xf32>
        %broadcast_in_dim3A_1655 = arith.constant 0.000000e+00 : f32
        %broadcast_in_dim3A_1656 = vector.broadcast %broadcast_in_dim3A_1655 : f32 to vector<16xf32>
        %add3A_1657 = arith.constant 0 : i32
        %add3A_1658 = arith.addi %squeeze3A_1650, %add3A_1657 : i32
        %add3A_1659 = vector.broadcast %add3A_1658 : i32 to vector<16xi32>
        %add3A_1660 = arith.addi %add3A_1659, %iota3A : vector<16xi32>
        %gather3A_1661 = tpu.vector_load_idx %arg23[%add3A_1660] : memref<64064xf32, #tpu.memory_space<vmem>>[vector<16xi32>], vector<16xf32>,
        %add3A_1662 = arith.constant 0 : i32
        %add3A_1663 = arith.addi %squeeze3A_1652, %add3A_1662 : i32
        %add3A_1664 = vector.broadcast %add3A_1663 : i32 to vector<16xi32>
        %add3A_1665 = arith.addi %add3A_1664, %iota3A : vector<16xi32>
        %gather3A_1666 = tpu.vector_load_idx %arg23[%add3A_1665] : memref<64064xf32, #tpu.memory_space<vmem>>[vector<16xi32>], vector<16xf32>,
        %swap3A_1667 = arith.index_cast %add3A_1648 : i32 to index
        %swap3A_1668 = arith.constant 0 : index
        %swap3A_1669 = tpu.vector_load %arg22[%swap3A_1667, %swap3A_1668] {strides = array<i32>} : memref<64x64xf32, #tpu.memory_space<vmem>>, vector<16xf32>,
        tpu.vector_store %arg22[%swap3A_1667, %swap3A_1668], %gather3A_1661 {strides = array<i32>} : memref<64x64xf32, #tpu.memory_space<vmem>>, vector<16xf32>,
        %get3A_1670 = arith.index_cast %add3A_1648 : i32 to index
        %get3A_1671 = arith.constant 0 : index
        %get3A_1672 = tpu.vector_load %arg18[%get3A_1670, %get3A_1671] {strides = array<i32>} : memref<64x64xf32, #tpu.memory_space<vmem>>, vector<16xf32>,
        %add3A_1673 = arith.addf %get3A_1672, %gather3A_1661 : vector<16xf32>
        %get3A_1674 = arith.index_cast %rem3A_182 : i32 to index
        %get3A_1675 = arith.index_cast %add3A_1648 : i32 to index
        %get3A_1676 = arith.constant 0 : index
        %get3A_1677 = tpu.vector_load %arg20[%get3A_1674, %get3A_1675, %get3A_1676] {strides = array<i32>} : memref<2x64x64xf32, #tpu.memory_space<vmem>>, vector<16xf32>,
        %sub3A_1678 = arith.subf %add3A_1673, %get3A_1677 : vector<16xf32>
        %abs3A_1679 = math.absf %sub3A_1678 : vector<16xf32>
        %get3A_1680 = arith.index_cast %add3A_1648 : i32 to index
        %get3A_1681 = arith.constant 0 : index
        %get3A_1682 = tpu.vector_load %arg19[%get3A_1680, %get3A_1681] {strides = array<i32>} : memref<64x64xf32, #tpu.memory_space<vmem>>, vector<16xf32>,
        %add3A_1683 = arith.addf %get3A_1682, %gather3A_1666 : vector<16xf32>
        %get3A_1684 = arith.index_cast %rem3A_182 : i32 to index
        %get3A_1685 = arith.index_cast %add3A_1648 : i32 to index
        %get3A_1686 = arith.constant 0 : index
        %get3A_1687 = tpu.vector_load %arg21[%get3A_1684, %get3A_1685, %get3A_1686] {strides = array<i32>} : memref<2x64x64xf32, #tpu.memory_space<vmem>>, vector<16xf32>,
        %sub3A_1688 = arith.subf %add3A_1683, %get3A_1687 : vector<16xf32>
        %abs3A_1689 = math.absf %sub3A_1688 : vector<16xf32>
        %sub3A_1690 = arith.subf %abs3A_1679, %abs3A_1689 : vector<16xf32>
        %add3A_1691 = arith.addf %broadcast_in_dim3A_1654, %sub3A_1690 : vector<16xf32>
        %add3A_1692 = arith.constant 16 : i32
        %add3A_1693 = arith.addi %squeeze3A_1650, %add3A_1692 : i32
        %add3A_1694 = vector.broadcast %add3A_1693 : i32 to vector<16xi32>
        %add3A_1695 = arith.addi %add3A_1694, %iota3A : vector<16xi32>
        %gather3A_1696 = tpu.vector_load_idx %arg23[%add3A_1695] : memref<64064xf32, #tpu.memory_space<vmem>>[vector<16xi32>], vector<16xf32>,
        %add3A_1697 = arith.constant 16 : i32
        %add3A_1698 = arith.addi %squeeze3A_1652, %add3A_1697 : i32
        %add3A_1699 = vector.broadcast %add3A_1698 : i32 to vector<16xi32>
        %add3A_1700 = arith.addi %add3A_1699, %iota3A : vector<16xi32>
        %gather3A_1701 = tpu.vector_load_idx %arg23[%add3A_1700] : memref<64064xf32, #tpu.memory_space<vmem>>[vector<16xi32>], vector<16xf32>,
        %swap3A_1702 = arith.index_cast %add3A_1648 : i32 to index
        %swap3A_1703 = arith.constant 16 : index
        %swap3A_1704 = tpu.vector_load %arg22[%swap3A_1702, %swap3A_1703] {strides = array<i32>} : memref<64x64xf32, #tpu.memory_space<vmem>>, vector<16xf32>,
        tpu.vector_store %arg22[%swap3A_1702, %swap3A_1703], %gather3A_1696 {strides = array<i32>} : memref<64x64xf32, #tpu.memory_space<vmem>>, vector<16xf32>,
        %get3A_1705 = arith.index_cast %add3A_1648 : i32 to index
        %get3A_1706 = arith.constant 16 : index
        %get3A_1707 = tpu.vector_load %arg18[%get3A_1705, %get3A_1706] {strides = array<i32>} : memref<64x64xf32, #tpu.memory_space<vmem>>, vector<16xf32>,
        %add3A_1708 = arith.addf %get3A_1707, %gather3A_1696 : vector<16xf32>
        %get3A_1709 = arith.index_cast %rem3A_182 : i32 to index
        %get3A_1710 = arith.index_cast %add3A_1648 : i32 to index
        %get3A_1711 = arith.constant 16 : index
        %get3A_1712 = tpu.vector_load %arg20[%get3A_1709, %get3A_1710, %get3A_1711] {strides = array<i32>} : memref<2x64x64xf32, #tpu.memory_space<vmem>>, vector<16xf32>,
        %sub3A_1713 = arith.subf %add3A_1708, %get3A_1712 : vector<16xf32>
        %abs3A_1714 = math.absf %sub3A_1713 : vector<16xf32>
        %get3A_1715 = arith.index_cast %add3A_1648 : i32 to index
        %get3A_1716 = arith.constant 16 : index
        %get3A_1717 = tpu.vector_load %arg19[%get3A_1715, %get3A_1716] {strides = array<i32>} : memref<64x64xf32, #tpu.memory_space<vmem>>, vector<16xf32>,
        %add3A_1718 = arith.addf %get3A_1717, %gather3A_1701 : vector<16xf32>
        %get3A_1719 = arith.index_cast %rem3A_182 : i32 to index
        %get3A_1720 = arith.index_cast %add3A_1648 : i32 to index
        %get3A_1721 = arith.constant 16 : index
        %get3A_1722 = tpu.vector_load %arg21[%get3A_1719, %get3A_1720, %get3A_1721] {strides = array<i32>} : memref<2x64x64xf32, #tpu.memory_space<vmem>>, vector<16xf32>,
        %sub3A_1723 = arith.subf %add3A_1718, %get3A_1722 : vector<16xf32>
        %abs3A_1724 = math.absf %sub3A_1723 : vector<16xf32>
        %sub3A_1725 = arith.subf %abs3A_1714, %abs3A_1724 : vector<16xf32>
        %add3A_1726 = arith.addf %broadcast_in_dim3A_1656, %sub3A_1725 : vector<16xf32>
        %add3A_1727 = arith.constant 32 : i32
        %add3A_1728 = arith.addi %squeeze3A_1650, %add3A_1727 : i32
        %add3A_1729 = vector.broadcast %add3A_1728 : i32 to vector<16xi32>
        %add3A_1730 = arith.addi %add3A_1729, %iota3A : vector<16xi32>
        %gather3A_1731 = tpu.vector_load_idx %arg23[%add3A_1730] : memref<64064xf32, #tpu.memory_space<vmem>>[vector<16xi32>], vector<16xf32>,
        %add3A_1732 = arith.constant 32 : i32
        %add3A_1733 = arith.addi %squeeze3A_1652, %add3A_1732 : i32
        %add3A_1734 = vector.broadcast %add3A_1733 : i32 to vector<16xi32>
        %add3A_1735 = arith.addi %add3A_1734, %iota3A : vector<16xi32>
        %gather3A_1736 = tpu.vector_load_idx %arg23[%add3A_1735] : memref<64064xf32, #tpu.memory_space<vmem>>[vector<16xi32>], vector<16xf32>,
        %swap3A_1737 = arith.index_cast %add3A_1648 : i32 to index
        %swap3A_1738 = arith.constant 32 : index
        %swap3A_1739 = tpu.vector_load %arg22[%swap3A_1737, %swap3A_1738] {strides = array<i32>} : memref<64x64xf32, #tpu.memory_space<vmem>>, vector<16xf32>,
        tpu.vector_store %arg22[%swap3A_1737, %swap3A_1738], %gather3A_1731 {strides = array<i32>} : memref<64x64xf32, #tpu.memory_space<vmem>>, vector<16xf32>,
        %get3A_1740 = arith.index_cast %add3A_1648 : i32 to index
        %get3A_1741 = arith.constant 32 : index
        %get3A_1742 = tpu.vector_load %arg18[%get3A_1740, %get3A_1741] {strides = array<i32>} : memref<64x64xf32, #tpu.memory_space<vmem>>, vector<16xf32>,
        %add3A_1743 = arith.addf %get3A_1742, %gather3A_1731 : vector<16xf32>
        %get3A_1744 = arith.index_cast %rem3A_182 : i32 to index
        %get3A_1745 = arith.index_cast %add3A_1648 : i32 to index
        %get3A_1746 = arith.constant 32 : index
        %get3A_1747 = tpu.vector_load %arg20[%get3A_1744, %get3A_1745, %get3A_1746] {strides = array<i32>} : memref<2x64x64xf32, #tpu.memory_space<vmem>>, vector<16xf32>,
        %sub3A_1748 = arith.subf %add3A_1743, %get3A_1747 : vector<16xf32>
        %abs3A_1749 = math.absf %sub3A_1748 : vector<16xf32>
        %get3A_1750 = arith.index_cast %add3A_1648 : i32 to index
        %get3A_1751 = arith.constant 32 : index
        %get3A_1752 = tpu.vector_load %arg19[%get3A_1750, %get3A_1751] {strides = array<i32>} : memref<64x64xf32, #tpu.memory_space<vmem>>, vector<16xf32>,
        %add3A_1753 = arith.addf %get3A_1752, %gather3A_1736 : vector<16xf32>
        %get3A_1754 = arith.index_cast %rem3A_182 : i32 to index
        %get3A_1755 = arith.index_cast %add3A_1648 : i32 to index
        %get3A_1756 = arith.constant 32 : index
        %get3A_1757 = tpu.vector_load %arg21[%get3A_1754, %get3A_1755, %get3A_1756] {strides = array<i32>} : memref<2x64x64xf32, #tpu.memory_space<vmem>>, vector<16xf32>,
        %sub3A_1758 = arith.subf %add3A_1753, %get3A_1757 : vector<16xf32>
        %abs3A_1759 = math.absf %sub3A_1758 : vector<16xf32>
        %sub3A_1760 = arith.subf %abs3A_1749, %abs3A_1759 : vector<16xf32>
        %add3A_1761 = arith.addf %add3A_1691, %sub3A_1760 : vector<16xf32>
        %add3A_1762 = arith.constant 48 : i32
        %add3A_1763 = arith.addi %squeeze3A_1650, %add3A_1762 : i32
        %add3A_1764 = vector.broadcast %add3A_1763 : i32 to vector<16xi32>
        %add3A_1765 = arith.addi %add3A_1764, %iota3A : vector<16xi32>
        %gather3A_1766 = tpu.vector_load_idx %arg23[%add3A_1765] : memref<64064xf32, #tpu.memory_space<vmem>>[vector<16xi32>], vector<16xf32>,
        %add3A_1767 = arith.constant 48 : i32
        %add3A_1768 = arith.addi %squeeze3A_1652, %add3A_1767 : i32
        %add3A_1769 = vector.broadcast %add3A_1768 : i32 to vector<16xi32>
        %add3A_1770 = arith.addi %add3A_1769, %iota3A : vector<16xi32>
        %gather3A_1771 = tpu.vector_load_idx %arg23[%add3A_1770] : memref<64064xf32, #tpu.memory_space<vmem>>[vector<16xi32>], vector<16xf32>,
        %swap3A_1772 = arith.index_cast %add3A_1648 : i32 to index
        %swap3A_1773 = arith.constant 48 : index
        %swap3A_1774 = tpu.vector_load %arg22[%swap3A_1772, %swap3A_1773] {strides = array<i32>} : memref<64x64xf32, #tpu.memory_space<vmem>>, vector<16xf32>,
        tpu.vector_store %arg22[%swap3A_1772, %swap3A_1773], %gather3A_1766 {strides = array<i32>} : memref<64x64xf32, #tpu.memory_space<vmem>>, vector<16xf32>,
        %get3A_1775 = arith.index_cast %add3A_1648 : i32 to index
        %get3A_1776 = arith.constant 48 : index
        %get3A_1777 = tpu.vector_load %arg18[%get3A_1775, %get3A_1776] {strides = array<i32>} : memref<64x64xf32, #tpu.memory_space<vmem>>, vector<16xf32>,
        %add3A_1778 = arith.addf %get3A_1777, %gather3A_1766 : vector<16xf32>
        %get3A_1779 = arith.index_cast %rem3A_182 : i32 to index
        %get3A_1780 = arith.index_cast %add3A_1648 : i32 to index
        %get3A_1781 = arith.constant 48 : index
        %get3A_1782 = tpu.vector_load %arg20[%get3A_1779, %get3A_1780, %get3A_1781] {strides = array<i32>} : memref<2x64x64xf32, #tpu.memory_space<vmem>>, vector<16xf32>,
        %sub3A_1783 = arith.subf %add3A_1778, %get3A_1782 : vector<16xf32>
        %abs3A_1784 = math.absf %sub3A_1783 : vector<16xf32>
        %get3A_1785 = arith.index_cast %add3A_1648 : i32 to index
        %get3A_1786 = arith.constant 48 : index
        %get3A_1787 = tpu.vector_load %arg19[%get3A_1785, %get3A_1786] {strides = array<i32>} : memref<64x64xf32, #tpu.memory_space<vmem>>, vector<16xf32>,
        %add3A_1788 = arith.addf %get3A_1787, %gather3A_1771 : vector<16xf32>
        %get3A_1789 = arith.index_cast %rem3A_182 : i32 to index
        %get3A_1790 = arith.index_cast %add3A_1648 : i32 to index
        %get3A_1791 = arith.constant 48 : index
        %get3A_1792 = tpu.vector_load %arg21[%get3A_1789, %get3A_1790, %get3A_1791] {strides = array<i32>} : memref<2x64x64xf32, #tpu.memory_space<vmem>>, vector<16xf32>,
        %sub3A_1793 = arith.subf %add3A_1788, %get3A_1792 : vector<16xf32>
        %abs3A_1794 = math.absf %sub3A_1793 : vector<16xf32>
        %sub3A_1795 = arith.subf %abs3A_1784, %abs3A_1794 : vector<16xf32>
        %add3A_1796 = arith.addf %add3A_1726, %sub3A_1795 : vector<16xf32>
        %add3A_1797 = arith.addf %add3A_1761, %add3A_1796 : vector<16xf32>
        %swap3A_1798 = arith.constant 144 : index
        %swap3A_1799 = tpu.vector_load %arg25[%swap3A_1798] {strides = array<i32>} : memref<256xf32, #tpu.memory_space<vmem>>, vector<16xf32>,
        tpu.vector_store %arg25[%swap3A_1798], %add3A_1797 {strides = array<i32>} : memref<256xf32, #tpu.memory_space<vmem>>, vector<16xf32>,
        %mul3A_1800 = arith.constant 16 : i32
        %mul3A_1801 = arith.muli %scan3A_243, %mul3A_1800 : i32
        %add3A_1802 = arith.constant 10 : i32
        %add3A_1803 = arith.addi %mul3A_1801, %add3A_1802 : i32
        %slice3A_1804 = vector.extract_strided_slice %mul3A_250 {offsets = [10], sizes = [1], strides = [1]} : vector<16xi32> to vector<1xi32>
        %squeeze3A_1805 = vector.extract %slice3A_1804[0] : i32 from vector<1xi32>
        %slice3A_1806 = vector.extract_strided_slice %mul3A_256 {offsets = [10], sizes = [1], strides = [1]} : vector<16xi32> to vector<1xi32>
        %squeeze3A_1807 = vector.extract %slice3A_1806[0] : i32 from vector<1xi32>
        %broadcast_in_dim3A_1808 = arith.constant 0.000000e+00 : f32
        %broadcast_in_dim3A_1809 = vector.broadcast %broadcast_in_dim3A_1808 : f32 to vector<16xf32>
        %broadcast_in_dim3A_1810 = arith.constant 0.000000e+00 : f32
        %broadcast_in_dim3A_1811 = vector.broadcast %broadcast_in_dim3A_1810 : f32 to vector<16xf32>
        %add3A_1812 = arith.constant 0 : i32
        %add3A_1813 = arith.addi %squeeze3A_1805, %add3A_1812 : i32
        %add3A_1814 = vector.broadcast %add3A_1813 : i32 to vector<16xi32>
        %add3A_1815 = arith.addi %add3A_1814, %iota3A : vector<16xi32>
        %gather3A_1816 = tpu.vector_load_idx %arg23[%add3A_1815] : memref<64064xf32, #tpu.memory_space<vmem>>[vector<16xi32>], vector<16xf32>,
        %add3A_1817 = arith.constant 0 : i32
        %add3A_1818 = arith.addi %squeeze3A_1807, %add3A_1817 : i32
        %add3A_1819 = vector.broadcast %add3A_1818 : i32 to vector<16xi32>
        %add3A_1820 = arith.addi %add3A_1819, %iota3A : vector<16xi32>
        %gather3A_1821 = tpu.vector_load_idx %arg23[%add3A_1820] : memref<64064xf32, #tpu.memory_space<vmem>>[vector<16xi32>], vector<16xf32>,
        %swap3A_1822 = arith.index_cast %add3A_1803 : i32 to index
        %swap3A_1823 = arith.constant 0 : index
        %swap3A_1824 = tpu.vector_load %arg22[%swap3A_1822, %swap3A_1823] {strides = array<i32>} : memref<64x64xf32, #tpu.memory_space<vmem>>, vector<16xf32>,
        tpu.vector_store %arg22[%swap3A_1822, %swap3A_1823], %gather3A_1816 {strides = array<i32>} : memref<64x64xf32, #tpu.memory_space<vmem>>, vector<16xf32>,
        %get3A_1825 = arith.index_cast %add3A_1803 : i32 to index
        %get3A_1826 = arith.constant 0 : index
        %get3A_1827 = tpu.vector_load %arg18[%get3A_1825, %get3A_1826] {strides = array<i32>} : memref<64x64xf32, #tpu.memory_space<vmem>>, vector<16xf32>,
        %add3A_1828 = arith.addf %get3A_1827, %gather3A_1816 : vector<16xf32>
        %get3A_1829 = arith.index_cast %rem3A_182 : i32 to index
        %get3A_1830 = arith.index_cast %add3A_1803 : i32 to index
        %get3A_1831 = arith.constant 0 : index
        %get3A_1832 = tpu.vector_load %arg20[%get3A_1829, %get3A_1830, %get3A_1831] {strides = array<i32>} : memref<2x64x64xf32, #tpu.memory_space<vmem>>, vector<16xf32>,
        %sub3A_1833 = arith.subf %add3A_1828, %get3A_1832 : vector<16xf32>
        %abs3A_1834 = math.absf %sub3A_1833 : vector<16xf32>
        %get3A_1835 = arith.index_cast %add3A_1803 : i32 to index
        %get3A_1836 = arith.constant 0 : index
        %get3A_1837 = tpu.vector_load %arg19[%get3A_1835, %get3A_1836] {strides = array<i32>} : memref<64x64xf32, #tpu.memory_space<vmem>>, vector<16xf32>,
        %add3A_1838 = arith.addf %get3A_1837, %gather3A_1821 : vector<16xf32>
        %get3A_1839 = arith.index_cast %rem3A_182 : i32 to index
        %get3A_1840 = arith.index_cast %add3A_1803 : i32 to index
        %get3A_1841 = arith.constant 0 : index
        %get3A_1842 = tpu.vector_load %arg21[%get3A_1839, %get3A_1840, %get3A_1841] {strides = array<i32>} : memref<2x64x64xf32, #tpu.memory_space<vmem>>, vector<16xf32>,
        %sub3A_1843 = arith.subf %add3A_1838, %get3A_1842 : vector<16xf32>
        %abs3A_1844 = math.absf %sub3A_1843 : vector<16xf32>
        %sub3A_1845 = arith.subf %abs3A_1834, %abs3A_1844 : vector<16xf32>
        %add3A_1846 = arith.addf %broadcast_in_dim3A_1809, %sub3A_1845 : vector<16xf32>
        %add3A_1847 = arith.constant 16 : i32
        %add3A_1848 = arith.addi %squeeze3A_1805, %add3A_1847 : i32
        %add3A_1849 = vector.broadcast %add3A_1848 : i32 to vector<16xi32>
        %add3A_1850 = arith.addi %add3A_1849, %iota3A : vector<16xi32>
        %gather3A_1851 = tpu.vector_load_idx %arg23[%add3A_1850] : memref<64064xf32, #tpu.memory_space<vmem>>[vector<16xi32>], vector<16xf32>,
        %add3A_1852 = arith.constant 16 : i32
        %add3A_1853 = arith.addi %squeeze3A_1807, %add3A_1852 : i32
        %add3A_1854 = vector.broadcast %add3A_1853 : i32 to vector<16xi32>
        %add3A_1855 = arith.addi %add3A_1854, %iota3A : vector<16xi32>
        %gather3A_1856 = tpu.vector_load_idx %arg23[%add3A_1855] : memref<64064xf32, #tpu.memory_space<vmem>>[vector<16xi32>], vector<16xf32>,
        %swap3A_1857 = arith.index_cast %add3A_1803 : i32 to index
        %swap3A_1858 = arith.constant 16 : index
        %swap3A_1859 = tpu.vector_load %arg22[%swap3A_1857, %swap3A_1858] {strides = array<i32>} : memref<64x64xf32, #tpu.memory_space<vmem>>, vector<16xf32>,
        tpu.vector_store %arg22[%swap3A_1857, %swap3A_1858], %gather3A_1851 {strides = array<i32>} : memref<64x64xf32, #tpu.memory_space<vmem>>, vector<16xf32>,
        %get3A_1860 = arith.index_cast %add3A_1803 : i32 to index
        %get3A_1861 = arith.constant 16 : index
        %get3A_1862 = tpu.vector_load %arg18[%get3A_1860, %get3A_1861] {strides = array<i32>} : memref<64x64xf32, #tpu.memory_space<vmem>>, vector<16xf32>,
        %add3A_1863 = arith.addf %get3A_1862, %gather3A_1851 : vector<16xf32>
        %get3A_1864 = arith.index_cast %rem3A_182 : i32 to index
        %get3A_1865 = arith.index_cast %add3A_1803 : i32 to index
        %get3A_1866 = arith.constant 16 : index
        %get3A_1867 = tpu.vector_load %arg20[%get3A_1864, %get3A_1865, %get3A_1866] {strides = array<i32>} : memref<2x64x64xf32, #tpu.memory_space<vmem>>, vector<16xf32>,
        %sub3A_1868 = arith.subf %add3A_1863, %get3A_1867 : vector<16xf32>
        %abs3A_1869 = math.absf %sub3A_1868 : vector<16xf32>
        %get3A_1870 = arith.index_cast %add3A_1803 : i32 to index
        %get3A_1871 = arith.constant 16 : index
        %get3A_1872 = tpu.vector_load %arg19[%get3A_1870, %get3A_1871] {strides = array<i32>} : memref<64x64xf32, #tpu.memory_space<vmem>>, vector<16xf32>,
        %add3A_1873 = arith.addf %get3A_1872, %gather3A_1856 : vector<16xf32>
        %get3A_1874 = arith.index_cast %rem3A_182 : i32 to index
        %get3A_1875 = arith.index_cast %add3A_1803 : i32 to index
        %get3A_1876 = arith.constant 16 : index
        %get3A_1877 = tpu.vector_load %arg21[%get3A_1874, %get3A_1875, %get3A_1876] {strides = array<i32>} : memref<2x64x64xf32, #tpu.memory_space<vmem>>, vector<16xf32>,
        %sub3A_1878 = arith.subf %add3A_1873, %get3A_1877 : vector<16xf32>
        %abs3A_1879 = math.absf %sub3A_1878 : vector<16xf32>
        %sub3A_1880 = arith.subf %abs3A_1869, %abs3A_1879 : vector<16xf32>
        %add3A_1881 = arith.addf %broadcast_in_dim3A_1811, %sub3A_1880 : vector<16xf32>
        %add3A_1882 = arith.constant 32 : i32
        %add3A_1883 = arith.addi %squeeze3A_1805, %add3A_1882 : i32
        %add3A_1884 = vector.broadcast %add3A_1883 : i32 to vector<16xi32>
        %add3A_1885 = arith.addi %add3A_1884, %iota3A : vector<16xi32>
        %gather3A_1886 = tpu.vector_load_idx %arg23[%add3A_1885] : memref<64064xf32, #tpu.memory_space<vmem>>[vector<16xi32>], vector<16xf32>,
        %add3A_1887 = arith.constant 32 : i32
        %add3A_1888 = arith.addi %squeeze3A_1807, %add3A_1887 : i32
        %add3A_1889 = vector.broadcast %add3A_1888 : i32 to vector<16xi32>
        %add3A_1890 = arith.addi %add3A_1889, %iota3A : vector<16xi32>
        %gather3A_1891 = tpu.vector_load_idx %arg23[%add3A_1890] : memref<64064xf32, #tpu.memory_space<vmem>>[vector<16xi32>], vector<16xf32>,
        %swap3A_1892 = arith.index_cast %add3A_1803 : i32 to index
        %swap3A_1893 = arith.constant 32 : index
        %swap3A_1894 = tpu.vector_load %arg22[%swap3A_1892, %swap3A_1893] {strides = array<i32>} : memref<64x64xf32, #tpu.memory_space<vmem>>, vector<16xf32>,
        tpu.vector_store %arg22[%swap3A_1892, %swap3A_1893], %gather3A_1886 {strides = array<i32>} : memref<64x64xf32, #tpu.memory_space<vmem>>, vector<16xf32>,
        %get3A_1895 = arith.index_cast %add3A_1803 : i32 to index
        %get3A_1896 = arith.constant 32 : index
        %get3A_1897 = tpu.vector_load %arg18[%get3A_1895, %get3A_1896] {strides = array<i32>} : memref<64x64xf32, #tpu.memory_space<vmem>>, vector<16xf32>,
        %add3A_1898 = arith.addf %get3A_1897, %gather3A_1886 : vector<16xf32>
        %get3A_1899 = arith.index_cast %rem3A_182 : i32 to index
        %get3A_1900 = arith.index_cast %add3A_1803 : i32 to index
        %get3A_1901 = arith.constant 32 : index
        %get3A_1902 = tpu.vector_load %arg20[%get3A_1899, %get3A_1900, %get3A_1901] {strides = array<i32>} : memref<2x64x64xf32, #tpu.memory_space<vmem>>, vector<16xf32>,
        %sub3A_1903 = arith.subf %add3A_1898, %get3A_1902 : vector<16xf32>
        %abs3A_1904 = math.absf %sub3A_1903 : vector<16xf32>
        %get3A_1905 = arith.index_cast %add3A_1803 : i32 to index
        %get3A_1906 = arith.constant 32 : index
        %get3A_1907 = tpu.vector_load %arg19[%get3A_1905, %get3A_1906] {strides = array<i32>} : memref<64x64xf32, #tpu.memory_space<vmem>>, vector<16xf32>,
        %add3A_1908 = arith.addf %get3A_1907, %gather3A_1891 : vector<16xf32>
        %get3A_1909 = arith.index_cast %rem3A_182 : i32 to index
        %get3A_1910 = arith.index_cast %add3A_1803 : i32 to index
        %get3A_1911 = arith.constant 32 : index
        %get3A_1912 = tpu.vector_load %arg21[%get3A_1909, %get3A_1910, %get3A_1911] {strides = array<i32>} : memref<2x64x64xf32, #tpu.memory_space<vmem>>, vector<16xf32>,
        %sub3A_1913 = arith.subf %add3A_1908, %get3A_1912 : vector<16xf32>
        %abs3A_1914 = math.absf %sub3A_1913 : vector<16xf32>
        %sub3A_1915 = arith.subf %abs3A_1904, %abs3A_1914 : vector<16xf32>
        %add3A_1916 = arith.addf %add3A_1846, %sub3A_1915 : vector<16xf32>
        %add3A_1917 = arith.constant 48 : i32
        %add3A_1918 = arith.addi %squeeze3A_1805, %add3A_1917 : i32
        %add3A_1919 = vector.broadcast %add3A_1918 : i32 to vector<16xi32>
        %add3A_1920 = arith.addi %add3A_1919, %iota3A : vector<16xi32>
        %gather3A_1921 = tpu.vector_load_idx %arg23[%add3A_1920] : memref<64064xf32, #tpu.memory_space<vmem>>[vector<16xi32>], vector<16xf32>,
        %add3A_1922 = arith.constant 48 : i32
        %add3A_1923 = arith.addi %squeeze3A_1807, %add3A_1922 : i32
        %add3A_1924 = vector.broadcast %add3A_1923 : i32 to vector<16xi32>
        %add3A_1925 = arith.addi %add3A_1924, %iota3A : vector<16xi32>
        %gather3A_1926 = tpu.vector_load_idx %arg23[%add3A_1925] : memref<64064xf32, #tpu.memory_space<vmem>>[vector<16xi32>], vector<16xf32>,
        %swap3A_1927 = arith.index_cast %add3A_1803 : i32 to index
        %swap3A_1928 = arith.constant 48 : index
        %swap3A_1929 = tpu.vector_load %arg22[%swap3A_1927, %swap3A_1928] {strides = array<i32>} : memref<64x64xf32, #tpu.memory_space<vmem>>, vector<16xf32>,
        tpu.vector_store %arg22[%swap3A_1927, %swap3A_1928], %gather3A_1921 {strides = array<i32>} : memref<64x64xf32, #tpu.memory_space<vmem>>, vector<16xf32>,
        %get3A_1930 = arith.index_cast %add3A_1803 : i32 to index
        %get3A_1931 = arith.constant 48 : index
        %get3A_1932 = tpu.vector_load %arg18[%get3A_1930, %get3A_1931] {strides = array<i32>} : memref<64x64xf32, #tpu.memory_space<vmem>>, vector<16xf32>,
        %add3A_1933 = arith.addf %get3A_1932, %gather3A_1921 : vector<16xf32>
        %get3A_1934 = arith.index_cast %rem3A_182 : i32 to index
        %get3A_1935 = arith.index_cast %add3A_1803 : i32 to index
        %get3A_1936 = arith.constant 48 : index
        %get3A_1937 = tpu.vector_load %arg20[%get3A_1934, %get3A_1935, %get3A_1936] {strides = array<i32>} : memref<2x64x64xf32, #tpu.memory_space<vmem>>, vector<16xf32>,
        %sub3A_1938 = arith.subf %add3A_1933, %get3A_1937 : vector<16xf32>
        %abs3A_1939 = math.absf %sub3A_1938 : vector<16xf32>
        %get3A_1940 = arith.index_cast %add3A_1803 : i32 to index
        %get3A_1941 = arith.constant 48 : index
        %get3A_1942 = tpu.vector_load %arg19[%get3A_1940, %get3A_1941] {strides = array<i32>} : memref<64x64xf32, #tpu.memory_space<vmem>>, vector<16xf32>,
        %add3A_1943 = arith.addf %get3A_1942, %gather3A_1926 : vector<16xf32>
        %get3A_1944 = arith.index_cast %rem3A_182 : i32 to index
        %get3A_1945 = arith.index_cast %add3A_1803 : i32 to index
        %get3A_1946 = arith.constant 48 : index
        %get3A_1947 = tpu.vector_load %arg21[%get3A_1944, %get3A_1945, %get3A_1946] {strides = array<i32>} : memref<2x64x64xf32, #tpu.memory_space<vmem>>, vector<16xf32>,
        %sub3A_1948 = arith.subf %add3A_1943, %get3A_1947 : vector<16xf32>
        %abs3A_1949 = math.absf %sub3A_1948 : vector<16xf32>
        %sub3A_1950 = arith.subf %abs3A_1939, %abs3A_1949 : vector<16xf32>
        %add3A_1951 = arith.addf %add3A_1881, %sub3A_1950 : vector<16xf32>
        %add3A_1952 = arith.addf %add3A_1916, %add3A_1951 : vector<16xf32>
        %swap3A_1953 = arith.constant 160 : index
        %swap3A_1954 = tpu.vector_load %arg25[%swap3A_1953] {strides = array<i32>} : memref<256xf32, #tpu.memory_space<vmem>>, vector<16xf32>,
        tpu.vector_store %arg25[%swap3A_1953], %add3A_1952 {strides = array<i32>} : memref<256xf32, #tpu.memory_space<vmem>>, vector<16xf32>,
        %mul3A_1955 = arith.constant 16 : i32
        %mul3A_1956 = arith.muli %scan3A_243, %mul3A_1955 : i32
        %add3A_1957 = arith.constant 11 : i32
        %add3A_1958 = arith.addi %mul3A_1956, %add3A_1957 : i32
        %slice3A_1959 = vector.extract_strided_slice %mul3A_250 {offsets = [11], sizes = [1], strides = [1]} : vector<16xi32> to vector<1xi32>
        %squeeze3A_1960 = vector.extract %slice3A_1959[0] : i32 from vector<1xi32>
        %slice3A_1961 = vector.extract_strided_slice %mul3A_256 {offsets = [11], sizes = [1], strides = [1]} : vector<16xi32> to vector<1xi32>
        %squeeze3A_1962 = vector.extract %slice3A_1961[0] : i32 from vector<1xi32>
        %broadcast_in_dim3A_1963 = arith.constant 0.000000e+00 : f32
        %broadcast_in_dim3A_1964 = vector.broadcast %broadcast_in_dim3A_1963 : f32 to vector<16xf32>
        %broadcast_in_dim3A_1965 = arith.constant 0.000000e+00 : f32
        %broadcast_in_dim3A_1966 = vector.broadcast %broadcast_in_dim3A_1965 : f32 to vector<16xf32>
        %add3A_1967 = arith.constant 0 : i32
        %add3A_1968 = arith.addi %squeeze3A_1960, %add3A_1967 : i32
        %add3A_1969 = vector.broadcast %add3A_1968 : i32 to vector<16xi32>
        %add3A_1970 = arith.addi %add3A_1969, %iota3A : vector<16xi32>
        %gather3A_1971 = tpu.vector_load_idx %arg23[%add3A_1970] : memref<64064xf32, #tpu.memory_space<vmem>>[vector<16xi32>], vector<16xf32>,
        %add3A_1972 = arith.constant 0 : i32
        %add3A_1973 = arith.addi %squeeze3A_1962, %add3A_1972 : i32
        %add3A_1974 = vector.broadcast %add3A_1973 : i32 to vector<16xi32>
        %add3A_1975 = arith.addi %add3A_1974, %iota3A : vector<16xi32>
        %gather3A_1976 = tpu.vector_load_idx %arg23[%add3A_1975] : memref<64064xf32, #tpu.memory_space<vmem>>[vector<16xi32>], vector<16xf32>,
        %swap3A_1977 = arith.index_cast %add3A_1958 : i32 to index
        %swap3A_1978 = arith.constant 0 : index
        %swap3A_1979 = tpu.vector_load %arg22[%swap3A_1977, %swap3A_1978] {strides = array<i32>} : memref<64x64xf32, #tpu.memory_space<vmem>>, vector<16xf32>,
        tpu.vector_store %arg22[%swap3A_1977, %swap3A_1978], %gather3A_1971 {strides = array<i32>} : memref<64x64xf32, #tpu.memory_space<vmem>>, vector<16xf32>,
        %get3A_1980 = arith.index_cast %add3A_1958 : i32 to index
        %get3A_1981 = arith.constant 0 : index
        %get3A_1982 = tpu.vector_load %arg18[%get3A_1980, %get3A_1981] {strides = array<i32>} : memref<64x64xf32, #tpu.memory_space<vmem>>, vector<16xf32>,
        %add3A_1983 = arith.addf %get3A_1982, %gather3A_1971 : vector<16xf32>
        %get3A_1984 = arith.index_cast %rem3A_182 : i32 to index
        %get3A_1985 = arith.index_cast %add3A_1958 : i32 to index
        %get3A_1986 = arith.constant 0 : index
        %get3A_1987 = tpu.vector_load %arg20[%get3A_1984, %get3A_1985, %get3A_1986] {strides = array<i32>} : memref<2x64x64xf32, #tpu.memory_space<vmem>>, vector<16xf32>,
        %sub3A_1988 = arith.subf %add3A_1983, %get3A_1987 : vector<16xf32>
        %abs3A_1989 = math.absf %sub3A_1988 : vector<16xf32>
        %get3A_1990 = arith.index_cast %add3A_1958 : i32 to index
        %get3A_1991 = arith.constant 0 : index
        %get3A_1992 = tpu.vector_load %arg19[%get3A_1990, %get3A_1991] {strides = array<i32>} : memref<64x64xf32, #tpu.memory_space<vmem>>, vector<16xf32>,
        %add3A_1993 = arith.addf %get3A_1992, %gather3A_1976 : vector<16xf32>
        %get3A_1994 = arith.index_cast %rem3A_182 : i32 to index
        %get3A_1995 = arith.index_cast %add3A_1958 : i32 to index
        %get3A_1996 = arith.constant 0 : index
        %get3A_1997 = tpu.vector_load %arg21[%get3A_1994, %get3A_1995, %get3A_1996] {strides = array<i32>} : memref<2x64x64xf32, #tpu.memory_space<vmem>>, vector<16xf32>,
        %sub3A_1998 = arith.subf %add3A_1993, %get3A_1997 : vector<16xf32>
        %abs3A_1999 = math.absf %sub3A_1998 : vector<16xf32>
        %sub3A_2000 = arith.subf %abs3A_1989, %abs3A_1999 : vector<16xf32>
        %add3A_2001 = arith.addf %broadcast_in_dim3A_1964, %sub3A_2000 : vector<16xf32>
        %add3A_2002 = arith.constant 16 : i32
        %add3A_2003 = arith.addi %squeeze3A_1960, %add3A_2002 : i32
        %add3A_2004 = vector.broadcast %add3A_2003 : i32 to vector<16xi32>
        %add3A_2005 = arith.addi %add3A_2004, %iota3A : vector<16xi32>
        %gather3A_2006 = tpu.vector_load_idx %arg23[%add3A_2005] : memref<64064xf32, #tpu.memory_space<vmem>>[vector<16xi32>], vector<16xf32>,
        %add3A_2007 = arith.constant 16 : i32
        %add3A_2008 = arith.addi %squeeze3A_1962, %add3A_2007 : i32
        %add3A_2009 = vector.broadcast %add3A_2008 : i32 to vector<16xi32>
        %add3A_2010 = arith.addi %add3A_2009, %iota3A : vector<16xi32>
        %gather3A_2011 = tpu.vector_load_idx %arg23[%add3A_2010] : memref<64064xf32, #tpu.memory_space<vmem>>[vector<16xi32>], vector<16xf32>,
        %swap3A_2012 = arith.index_cast %add3A_1958 : i32 to index
        %swap3A_2013 = arith.constant 16 : index
        %swap3A_2014 = tpu.vector_load %arg22[%swap3A_2012, %swap3A_2013] {strides = array<i32>} : memref<64x64xf32, #tpu.memory_space<vmem>>, vector<16xf32>,
        tpu.vector_store %arg22[%swap3A_2012, %swap3A_2013], %gather3A_2006 {strides = array<i32>} : memref<64x64xf32, #tpu.memory_space<vmem>>, vector<16xf32>,
        %get3A_2015 = arith.index_cast %add3A_1958 : i32 to index
        %get3A_2016 = arith.constant 16 : index
        %get3A_2017 = tpu.vector_load %arg18[%get3A_2015, %get3A_2016] {strides = array<i32>} : memref<64x64xf32, #tpu.memory_space<vmem>>, vector<16xf32>,
        %add3A_2018 = arith.addf %get3A_2017, %gather3A_2006 : vector<16xf32>
        %get3A_2019 = arith.index_cast %rem3A_182 : i32 to index
        %get3A_2020 = arith.index_cast %add3A_1958 : i32 to index
        %get3A_2021 = arith.constant 16 : index
        %get3A_2022 = tpu.vector_load %arg20[%get3A_2019, %get3A_2020, %get3A_2021] {strides = array<i32>} : memref<2x64x64xf32, #tpu.memory_space<vmem>>, vector<16xf32>,
        %sub3A_2023 = arith.subf %add3A_2018, %get3A_2022 : vector<16xf32>
        %abs3A_2024 = math.absf %sub3A_2023 : vector<16xf32>
        %get3A_2025 = arith.index_cast %add3A_1958 : i32 to index
        %get3A_2026 = arith.constant 16 : index
        %get3A_2027 = tpu.vector_load %arg19[%get3A_2025, %get3A_2026] {strides = array<i32>} : memref<64x64xf32, #tpu.memory_space<vmem>>, vector<16xf32>,
        %add3A_2028 = arith.addf %get3A_2027, %gather3A_2011 : vector<16xf32>
        %get3A_2029 = arith.index_cast %rem3A_182 : i32 to index
        %get3A_2030 = arith.index_cast %add3A_1958 : i32 to index
        %get3A_2031 = arith.constant 16 : index
        %get3A_2032 = tpu.vector_load %arg21[%get3A_2029, %get3A_2030, %get3A_2031] {strides = array<i32>} : memref<2x64x64xf32, #tpu.memory_space<vmem>>, vector<16xf32>,
        %sub3A_2033 = arith.subf %add3A_2028, %get3A_2032 : vector<16xf32>
        %abs3A_2034 = math.absf %sub3A_2033 : vector<16xf32>
        %sub3A_2035 = arith.subf %abs3A_2024, %abs3A_2034 : vector<16xf32>
        %add3A_2036 = arith.addf %broadcast_in_dim3A_1966, %sub3A_2035 : vector<16xf32>
        %add3A_2037 = arith.constant 32 : i32
        %add3A_2038 = arith.addi %squeeze3A_1960, %add3A_2037 : i32
        %add3A_2039 = vector.broadcast %add3A_2038 : i32 to vector<16xi32>
        %add3A_2040 = arith.addi %add3A_2039, %iota3A : vector<16xi32>
        %gather3A_2041 = tpu.vector_load_idx %arg23[%add3A_2040] : memref<64064xf32, #tpu.memory_space<vmem>>[vector<16xi32>], vector<16xf32>,
        %add3A_2042 = arith.constant 32 : i32
        %add3A_2043 = arith.addi %squeeze3A_1962, %add3A_2042 : i32
        %add3A_2044 = vector.broadcast %add3A_2043 : i32 to vector<16xi32>
        %add3A_2045 = arith.addi %add3A_2044, %iota3A : vector<16xi32>
        %gather3A_2046 = tpu.vector_load_idx %arg23[%add3A_2045] : memref<64064xf32, #tpu.memory_space<vmem>>[vector<16xi32>], vector<16xf32>,
        %swap3A_2047 = arith.index_cast %add3A_1958 : i32 to index
        %swap3A_2048 = arith.constant 32 : index
        %swap3A_2049 = tpu.vector_load %arg22[%swap3A_2047, %swap3A_2048] {strides = array<i32>} : memref<64x64xf32, #tpu.memory_space<vmem>>, vector<16xf32>,
        tpu.vector_store %arg22[%swap3A_2047, %swap3A_2048], %gather3A_2041 {strides = array<i32>} : memref<64x64xf32, #tpu.memory_space<vmem>>, vector<16xf32>,
        %get3A_2050 = arith.index_cast %add3A_1958 : i32 to index
        %get3A_2051 = arith.constant 32 : index
        %get3A_2052 = tpu.vector_load %arg18[%get3A_2050, %get3A_2051] {strides = array<i32>} : memref<64x64xf32, #tpu.memory_space<vmem>>, vector<16xf32>,
        %add3A_2053 = arith.addf %get3A_2052, %gather3A_2041 : vector<16xf32>
        %get3A_2054 = arith.index_cast %rem3A_182 : i32 to index
        %get3A_2055 = arith.index_cast %add3A_1958 : i32 to index
        %get3A_2056 = arith.constant 32 : index
        %get3A_2057 = tpu.vector_load %arg20[%get3A_2054, %get3A_2055, %get3A_2056] {strides = array<i32>} : memref<2x64x64xf32, #tpu.memory_space<vmem>>, vector<16xf32>,
        %sub3A_2058 = arith.subf %add3A_2053, %get3A_2057 : vector<16xf32>
        %abs3A_2059 = math.absf %sub3A_2058 : vector<16xf32>
        %get3A_2060 = arith.index_cast %add3A_1958 : i32 to index
        %get3A_2061 = arith.constant 32 : index
        %get3A_2062 = tpu.vector_load %arg19[%get3A_2060, %get3A_2061] {strides = array<i32>} : memref<64x64xf32, #tpu.memory_space<vmem>>, vector<16xf32>,
        %add3A_2063 = arith.addf %get3A_2062, %gather3A_2046 : vector<16xf32>
        %get3A_2064 = arith.index_cast %rem3A_182 : i32 to index
        %get3A_2065 = arith.index_cast %add3A_1958 : i32 to index
        %get3A_2066 = arith.constant 32 : index
        %get3A_2067 = tpu.vector_load %arg21[%get3A_2064, %get3A_2065, %get3A_2066] {strides = array<i32>} : memref<2x64x64xf32, #tpu.memory_space<vmem>>, vector<16xf32>,
        %sub3A_2068 = arith.subf %add3A_2063, %get3A_2067 : vector<16xf32>
        %abs3A_2069 = math.absf %sub3A_2068 : vector<16xf32>
        %sub3A_2070 = arith.subf %abs3A_2059, %abs3A_2069 : vector<16xf32>
        %add3A_2071 = arith.addf %add3A_2001, %sub3A_2070 : vector<16xf32>
        %add3A_2072 = arith.constant 48 : i32
        %add3A_2073 = arith.addi %squeeze3A_1960, %add3A_2072 : i32
        %add3A_2074 = vector.broadcast %add3A_2073 : i32 to vector<16xi32>
        %add3A_2075 = arith.addi %add3A_2074, %iota3A : vector<16xi32>
        %gather3A_2076 = tpu.vector_load_idx %arg23[%add3A_2075] : memref<64064xf32, #tpu.memory_space<vmem>>[vector<16xi32>], vector<16xf32>,
        %add3A_2077 = arith.constant 48 : i32
        %add3A_2078 = arith.addi %squeeze3A_1962, %add3A_2077 : i32
        %add3A_2079 = vector.broadcast %add3A_2078 : i32 to vector<16xi32>
        %add3A_2080 = arith.addi %add3A_2079, %iota3A : vector<16xi32>
        %gather3A_2081 = tpu.vector_load_idx %arg23[%add3A_2080] : memref<64064xf32, #tpu.memory_space<vmem>>[vector<16xi32>], vector<16xf32>,
        %swap3A_2082 = arith.index_cast %add3A_1958 : i32 to index
        %swap3A_2083 = arith.constant 48 : index
        %swap3A_2084 = tpu.vector_load %arg22[%swap3A_2082, %swap3A_2083] {strides = array<i32>} : memref<64x64xf32, #tpu.memory_space<vmem>>, vector<16xf32>,
        tpu.vector_store %arg22[%swap3A_2082, %swap3A_2083], %gather3A_2076 {strides = array<i32>} : memref<64x64xf32, #tpu.memory_space<vmem>>, vector<16xf32>,
        %get3A_2085 = arith.index_cast %add3A_1958 : i32 to index
        %get3A_2086 = arith.constant 48 : index
        %get3A_2087 = tpu.vector_load %arg18[%get3A_2085, %get3A_2086] {strides = array<i32>} : memref<64x64xf32, #tpu.memory_space<vmem>>, vector<16xf32>,
        %add3A_2088 = arith.addf %get3A_2087, %gather3A_2076 : vector<16xf32>
        %get3A_2089 = arith.index_cast %rem3A_182 : i32 to index
        %get3A_2090 = arith.index_cast %add3A_1958 : i32 to index
        %get3A_2091 = arith.constant 48 : index
        %get3A_2092 = tpu.vector_load %arg20[%get3A_2089, %get3A_2090, %get3A_2091] {strides = array<i32>} : memref<2x64x64xf32, #tpu.memory_space<vmem>>, vector<16xf32>,
        %sub3A_2093 = arith.subf %add3A_2088, %get3A_2092 : vector<16xf32>
        %abs3A_2094 = math.absf %sub3A_2093 : vector<16xf32>
        %get3A_2095 = arith.index_cast %add3A_1958 : i32 to index
        %get3A_2096 = arith.constant 48 : index
        %get3A_2097 = tpu.vector_load %arg19[%get3A_2095, %get3A_2096] {strides = array<i32>} : memref<64x64xf32, #tpu.memory_space<vmem>>, vector<16xf32>,
        %add3A_2098 = arith.addf %get3A_2097, %gather3A_2081 : vector<16xf32>
        %get3A_2099 = arith.index_cast %rem3A_182 : i32 to index
        %get3A_2100 = arith.index_cast %add3A_1958 : i32 to index
        %get3A_2101 = arith.constant 48 : index
        %get3A_2102 = tpu.vector_load %arg21[%get3A_2099, %get3A_2100, %get3A_2101] {strides = array<i32>} : memref<2x64x64xf32, #tpu.memory_space<vmem>>, vector<16xf32>,
        %sub3A_2103 = arith.subf %add3A_2098, %get3A_2102 : vector<16xf32>
        %abs3A_2104 = math.absf %sub3A_2103 : vector<16xf32>
        %sub3A_2105 = arith.subf %abs3A_2094, %abs3A_2104 : vector<16xf32>
        %add3A_2106 = arith.addf %add3A_2036, %sub3A_2105 : vector<16xf32>
        %add3A_2107 = arith.addf %add3A_2071, %add3A_2106 : vector<16xf32>
        %swap3A_2108 = arith.constant 176 : index
        %swap3A_2109 = tpu.vector_load %arg25[%swap3A_2108] {strides = array<i32>} : memref<256xf32, #tpu.memory_space<vmem>>, vector<16xf32>,
        tpu.vector_store %arg25[%swap3A_2108], %add3A_2107 {strides = array<i32>} : memref<256xf32, #tpu.memory_space<vmem>>, vector<16xf32>,
        %mul3A_2110 = arith.constant 16 : i32
        %mul3A_2111 = arith.muli %scan3A_243, %mul3A_2110 : i32
        %add3A_2112 = arith.constant 12 : i32
        %add3A_2113 = arith.addi %mul3A_2111, %add3A_2112 : i32
        %slice3A_2114 = vector.extract_strided_slice %mul3A_250 {offsets = [12], sizes = [1], strides = [1]} : vector<16xi32> to vector<1xi32>
        %squeeze3A_2115 = vector.extract %slice3A_2114[0] : i32 from vector<1xi32>
        %slice3A_2116 = vector.extract_strided_slice %mul3A_256 {offsets = [12], sizes = [1], strides = [1]} : vector<16xi32> to vector<1xi32>
        %squeeze3A_2117 = vector.extract %slice3A_2116[0] : i32 from vector<1xi32>
        %broadcast_in_dim3A_2118 = arith.constant 0.000000e+00 : f32
        %broadcast_in_dim3A_2119 = vector.broadcast %broadcast_in_dim3A_2118 : f32 to vector<16xf32>
        %broadcast_in_dim3A_2120 = arith.constant 0.000000e+00 : f32
        %broadcast_in_dim3A_2121 = vector.broadcast %broadcast_in_dim3A_2120 : f32 to vector<16xf32>
        %add3A_2122 = arith.constant 0 : i32
        %add3A_2123 = arith.addi %squeeze3A_2115, %add3A_2122 : i32
        %add3A_2124 = vector.broadcast %add3A_2123 : i32 to vector<16xi32>
        %add3A_2125 = arith.addi %add3A_2124, %iota3A : vector<16xi32>
        %gather3A_2126 = tpu.vector_load_idx %arg23[%add3A_2125] : memref<64064xf32, #tpu.memory_space<vmem>>[vector<16xi32>], vector<16xf32>,
        %add3A_2127 = arith.constant 0 : i32
        %add3A_2128 = arith.addi %squeeze3A_2117, %add3A_2127 : i32
        %add3A_2129 = vector.broadcast %add3A_2128 : i32 to vector<16xi32>
        %add3A_2130 = arith.addi %add3A_2129, %iota3A : vector<16xi32>
        %gather3A_2131 = tpu.vector_load_idx %arg23[%add3A_2130] : memref<64064xf32, #tpu.memory_space<vmem>>[vector<16xi32>], vector<16xf32>,
        %swap3A_2132 = arith.index_cast %add3A_2113 : i32 to index
        %swap3A_2133 = arith.constant 0 : index
        %swap3A_2134 = tpu.vector_load %arg22[%swap3A_2132, %swap3A_2133] {strides = array<i32>} : memref<64x64xf32, #tpu.memory_space<vmem>>, vector<16xf32>,
        tpu.vector_store %arg22[%swap3A_2132, %swap3A_2133], %gather3A_2126 {strides = array<i32>} : memref<64x64xf32, #tpu.memory_space<vmem>>, vector<16xf32>,
        %get3A_2135 = arith.index_cast %add3A_2113 : i32 to index
        %get3A_2136 = arith.constant 0 : index
        %get3A_2137 = tpu.vector_load %arg18[%get3A_2135, %get3A_2136] {strides = array<i32>} : memref<64x64xf32, #tpu.memory_space<vmem>>, vector<16xf32>,
        %add3A_2138 = arith.addf %get3A_2137, %gather3A_2126 : vector<16xf32>
        %get3A_2139 = arith.index_cast %rem3A_182 : i32 to index
        %get3A_2140 = arith.index_cast %add3A_2113 : i32 to index
        %get3A_2141 = arith.constant 0 : index
        %get3A_2142 = tpu.vector_load %arg20[%get3A_2139, %get3A_2140, %get3A_2141] {strides = array<i32>} : memref<2x64x64xf32, #tpu.memory_space<vmem>>, vector<16xf32>,
        %sub3A_2143 = arith.subf %add3A_2138, %get3A_2142 : vector<16xf32>
        %abs3A_2144 = math.absf %sub3A_2143 : vector<16xf32>
        %get3A_2145 = arith.index_cast %add3A_2113 : i32 to index
        %get3A_2146 = arith.constant 0 : index
        %get3A_2147 = tpu.vector_load %arg19[%get3A_2145, %get3A_2146] {strides = array<i32>} : memref<64x64xf32, #tpu.memory_space<vmem>>, vector<16xf32>,
        %add3A_2148 = arith.addf %get3A_2147, %gather3A_2131 : vector<16xf32>
        %get3A_2149 = arith.index_cast %rem3A_182 : i32 to index
        %get3A_2150 = arith.index_cast %add3A_2113 : i32 to index
        %get3A_2151 = arith.constant 0 : index
        %get3A_2152 = tpu.vector_load %arg21[%get3A_2149, %get3A_2150, %get3A_2151] {strides = array<i32>} : memref<2x64x64xf32, #tpu.memory_space<vmem>>, vector<16xf32>,
        %sub3A_2153 = arith.subf %add3A_2148, %get3A_2152 : vector<16xf32>
        %abs3A_2154 = math.absf %sub3A_2153 : vector<16xf32>
        %sub3A_2155 = arith.subf %abs3A_2144, %abs3A_2154 : vector<16xf32>
        %add3A_2156 = arith.addf %broadcast_in_dim3A_2119, %sub3A_2155 : vector<16xf32>
        %add3A_2157 = arith.constant 16 : i32
        %add3A_2158 = arith.addi %squeeze3A_2115, %add3A_2157 : i32
        %add3A_2159 = vector.broadcast %add3A_2158 : i32 to vector<16xi32>
        %add3A_2160 = arith.addi %add3A_2159, %iota3A : vector<16xi32>
        %gather3A_2161 = tpu.vector_load_idx %arg23[%add3A_2160] : memref<64064xf32, #tpu.memory_space<vmem>>[vector<16xi32>], vector<16xf32>,
        %add3A_2162 = arith.constant 16 : i32
        %add3A_2163 = arith.addi %squeeze3A_2117, %add3A_2162 : i32
        %add3A_2164 = vector.broadcast %add3A_2163 : i32 to vector<16xi32>
        %add3A_2165 = arith.addi %add3A_2164, %iota3A : vector<16xi32>
        %gather3A_2166 = tpu.vector_load_idx %arg23[%add3A_2165] : memref<64064xf32, #tpu.memory_space<vmem>>[vector<16xi32>], vector<16xf32>,
        %swap3A_2167 = arith.index_cast %add3A_2113 : i32 to index
        %swap3A_2168 = arith.constant 16 : index
        %swap3A_2169 = tpu.vector_load %arg22[%swap3A_2167, %swap3A_2168] {strides = array<i32>} : memref<64x64xf32, #tpu.memory_space<vmem>>, vector<16xf32>,
        tpu.vector_store %arg22[%swap3A_2167, %swap3A_2168], %gather3A_2161 {strides = array<i32>} : memref<64x64xf32, #tpu.memory_space<vmem>>, vector<16xf32>,
        %get3A_2170 = arith.index_cast %add3A_2113 : i32 to index
        %get3A_2171 = arith.constant 16 : index
        %get3A_2172 = tpu.vector_load %arg18[%get3A_2170, %get3A_2171] {strides = array<i32>} : memref<64x64xf32, #tpu.memory_space<vmem>>, vector<16xf32>,
        %add3A_2173 = arith.addf %get3A_2172, %gather3A_2161 : vector<16xf32>
        %get3A_2174 = arith.index_cast %rem3A_182 : i32 to index
        %get3A_2175 = arith.index_cast %add3A_2113 : i32 to index
        %get3A_2176 = arith.constant 16 : index
        %get3A_2177 = tpu.vector_load %arg20[%get3A_2174, %get3A_2175, %get3A_2176] {strides = array<i32>} : memref<2x64x64xf32, #tpu.memory_space<vmem>>, vector<16xf32>,
        %sub3A_2178 = arith.subf %add3A_2173, %get3A_2177 : vector<16xf32>
        %abs3A_2179 = math.absf %sub3A_2178 : vector<16xf32>
        %get3A_2180 = arith.index_cast %add3A_2113 : i32 to index
        %get3A_2181 = arith.constant 16 : index
        %get3A_2182 = tpu.vector_load %arg19[%get3A_2180, %get3A_2181] {strides = array<i32>} : memref<64x64xf32, #tpu.memory_space<vmem>>, vector<16xf32>,
        %add3A_2183 = arith.addf %get3A_2182, %gather3A_2166 : vector<16xf32>
        %get3A_2184 = arith.index_cast %rem3A_182 : i32 to index
        %get3A_2185 = arith.index_cast %add3A_2113 : i32 to index
        %get3A_2186 = arith.constant 16 : index
        %get3A_2187 = tpu.vector_load %arg21[%get3A_2184, %get3A_2185, %get3A_2186] {strides = array<i32>} : memref<2x64x64xf32, #tpu.memory_space<vmem>>, vector<16xf32>,
        %sub3A_2188 = arith.subf %add3A_2183, %get3A_2187 : vector<16xf32>
        %abs3A_2189 = math.absf %sub3A_2188 : vector<16xf32>
        %sub3A_2190 = arith.subf %abs3A_2179, %abs3A_2189 : vector<16xf32>
        %add3A_2191 = arith.addf %broadcast_in_dim3A_2121, %sub3A_2190 : vector<16xf32>
        %add3A_2192 = arith.constant 32 : i32
        %add3A_2193 = arith.addi %squeeze3A_2115, %add3A_2192 : i32
        %add3A_2194 = vector.broadcast %add3A_2193 : i32 to vector<16xi32>
        %add3A_2195 = arith.addi %add3A_2194, %iota3A : vector<16xi32>
        %gather3A_2196 = tpu.vector_load_idx %arg23[%add3A_2195] : memref<64064xf32, #tpu.memory_space<vmem>>[vector<16xi32>], vector<16xf32>,
        %add3A_2197 = arith.constant 32 : i32
        %add3A_2198 = arith.addi %squeeze3A_2117, %add3A_2197 : i32
        %add3A_2199 = vector.broadcast %add3A_2198 : i32 to vector<16xi32>
        %add3A_2200 = arith.addi %add3A_2199, %iota3A : vector<16xi32>
        %gather3A_2201 = tpu.vector_load_idx %arg23[%add3A_2200] : memref<64064xf32, #tpu.memory_space<vmem>>[vector<16xi32>], vector<16xf32>,
        %swap3A_2202 = arith.index_cast %add3A_2113 : i32 to index
        %swap3A_2203 = arith.constant 32 : index
        %swap3A_2204 = tpu.vector_load %arg22[%swap3A_2202, %swap3A_2203] {strides = array<i32>} : memref<64x64xf32, #tpu.memory_space<vmem>>, vector<16xf32>,
        tpu.vector_store %arg22[%swap3A_2202, %swap3A_2203], %gather3A_2196 {strides = array<i32>} : memref<64x64xf32, #tpu.memory_space<vmem>>, vector<16xf32>,
        %get3A_2205 = arith.index_cast %add3A_2113 : i32 to index
        %get3A_2206 = arith.constant 32 : index
        %get3A_2207 = tpu.vector_load %arg18[%get3A_2205, %get3A_2206] {strides = array<i32>} : memref<64x64xf32, #tpu.memory_space<vmem>>, vector<16xf32>,
        %add3A_2208 = arith.addf %get3A_2207, %gather3A_2196 : vector<16xf32>
        %get3A_2209 = arith.index_cast %rem3A_182 : i32 to index
        %get3A_2210 = arith.index_cast %add3A_2113 : i32 to index
        %get3A_2211 = arith.constant 32 : index
        %get3A_2212 = tpu.vector_load %arg20[%get3A_2209, %get3A_2210, %get3A_2211] {strides = array<i32>} : memref<2x64x64xf32, #tpu.memory_space<vmem>>, vector<16xf32>,
        %sub3A_2213 = arith.subf %add3A_2208, %get3A_2212 : vector<16xf32>
        %abs3A_2214 = math.absf %sub3A_2213 : vector<16xf32>
        %get3A_2215 = arith.index_cast %add3A_2113 : i32 to index
        %get3A_2216 = arith.constant 32 : index
        %get3A_2217 = tpu.vector_load %arg19[%get3A_2215, %get3A_2216] {strides = array<i32>} : memref<64x64xf32, #tpu.memory_space<vmem>>, vector<16xf32>,
        %add3A_2218 = arith.addf %get3A_2217, %gather3A_2201 : vector<16xf32>
        %get3A_2219 = arith.index_cast %rem3A_182 : i32 to index
        %get3A_2220 = arith.index_cast %add3A_2113 : i32 to index
        %get3A_2221 = arith.constant 32 : index
        %get3A_2222 = tpu.vector_load %arg21[%get3A_2219, %get3A_2220, %get3A_2221] {strides = array<i32>} : memref<2x64x64xf32, #tpu.memory_space<vmem>>, vector<16xf32>,
        %sub3A_2223 = arith.subf %add3A_2218, %get3A_2222 : vector<16xf32>
        %abs3A_2224 = math.absf %sub3A_2223 : vector<16xf32>
        %sub3A_2225 = arith.subf %abs3A_2214, %abs3A_2224 : vector<16xf32>
        %add3A_2226 = arith.addf %add3A_2156, %sub3A_2225 : vector<16xf32>
        %add3A_2227 = arith.constant 48 : i32
        %add3A_2228 = arith.addi %squeeze3A_2115, %add3A_2227 : i32
        %add3A_2229 = vector.broadcast %add3A_2228 : i32 to vector<16xi32>
        %add3A_2230 = arith.addi %add3A_2229, %iota3A : vector<16xi32>
        %gather3A_2231 = tpu.vector_load_idx %arg23[%add3A_2230] : memref<64064xf32, #tpu.memory_space<vmem>>[vector<16xi32>], vector<16xf32>,
        %add3A_2232 = arith.constant 48 : i32
        %add3A_2233 = arith.addi %squeeze3A_2117, %add3A_2232 : i32
        %add3A_2234 = vector.broadcast %add3A_2233 : i32 to vector<16xi32>
        %add3A_2235 = arith.addi %add3A_2234, %iota3A : vector<16xi32>
        %gather3A_2236 = tpu.vector_load_idx %arg23[%add3A_2235] : memref<64064xf32, #tpu.memory_space<vmem>>[vector<16xi32>], vector<16xf32>,
        %swap3A_2237 = arith.index_cast %add3A_2113 : i32 to index
        %swap3A_2238 = arith.constant 48 : index
        %swap3A_2239 = tpu.vector_load %arg22[%swap3A_2237, %swap3A_2238] {strides = array<i32>} : memref<64x64xf32, #tpu.memory_space<vmem>>, vector<16xf32>,
        tpu.vector_store %arg22[%swap3A_2237, %swap3A_2238], %gather3A_2231 {strides = array<i32>} : memref<64x64xf32, #tpu.memory_space<vmem>>, vector<16xf32>,
        %get3A_2240 = arith.index_cast %add3A_2113 : i32 to index
        %get3A_2241 = arith.constant 48 : index
        %get3A_2242 = tpu.vector_load %arg18[%get3A_2240, %get3A_2241] {strides = array<i32>} : memref<64x64xf32, #tpu.memory_space<vmem>>, vector<16xf32>,
        %add3A_2243 = arith.addf %get3A_2242, %gather3A_2231 : vector<16xf32>
        %get3A_2244 = arith.index_cast %rem3A_182 : i32 to index
        %get3A_2245 = arith.index_cast %add3A_2113 : i32 to index
        %get3A_2246 = arith.constant 48 : index
        %get3A_2247 = tpu.vector_load %arg20[%get3A_2244, %get3A_2245, %get3A_2246] {strides = array<i32>} : memref<2x64x64xf32, #tpu.memory_space<vmem>>, vector<16xf32>,
        %sub3A_2248 = arith.subf %add3A_2243, %get3A_2247 : vector<16xf32>
        %abs3A_2249 = math.absf %sub3A_2248 : vector<16xf32>
        %get3A_2250 = arith.index_cast %add3A_2113 : i32 to index
        %get3A_2251 = arith.constant 48 : index
        %get3A_2252 = tpu.vector_load %arg19[%get3A_2250, %get3A_2251] {strides = array<i32>} : memref<64x64xf32, #tpu.memory_space<vmem>>, vector<16xf32>,
        %add3A_2253 = arith.addf %get3A_2252, %gather3A_2236 : vector<16xf32>
        %get3A_2254 = arith.index_cast %rem3A_182 : i32 to index
        %get3A_2255 = arith.index_cast %add3A_2113 : i32 to index
        %get3A_2256 = arith.constant 48 : index
        %get3A_2257 = tpu.vector_load %arg21[%get3A_2254, %get3A_2255, %get3A_2256] {strides = array<i32>} : memref<2x64x64xf32, #tpu.memory_space<vmem>>, vector<16xf32>,
        %sub3A_2258 = arith.subf %add3A_2253, %get3A_2257 : vector<16xf32>
        %abs3A_2259 = math.absf %sub3A_2258 : vector<16xf32>
        %sub3A_2260 = arith.subf %abs3A_2249, %abs3A_2259 : vector<16xf32>
        %add3A_2261 = arith.addf %add3A_2191, %sub3A_2260 : vector<16xf32>
        %add3A_2262 = arith.addf %add3A_2226, %add3A_2261 : vector<16xf32>
        %swap3A_2263 = arith.constant 192 : index
        %swap3A_2264 = tpu.vector_load %arg25[%swap3A_2263] {strides = array<i32>} : memref<256xf32, #tpu.memory_space<vmem>>, vector<16xf32>,
        tpu.vector_store %arg25[%swap3A_2263], %add3A_2262 {strides = array<i32>} : memref<256xf32, #tpu.memory_space<vmem>>, vector<16xf32>,
        %mul3A_2265 = arith.constant 16 : i32
        %mul3A_2266 = arith.muli %scan3A_243, %mul3A_2265 : i32
        %add3A_2267 = arith.constant 13 : i32
        %add3A_2268 = arith.addi %mul3A_2266, %add3A_2267 : i32
        %slice3A_2269 = vector.extract_strided_slice %mul3A_250 {offsets = [13], sizes = [1], strides = [1]} : vector<16xi32> to vector<1xi32>
        %squeeze3A_2270 = vector.extract %slice3A_2269[0] : i32 from vector<1xi32>
        %slice3A_2271 = vector.extract_strided_slice %mul3A_256 {offsets = [13], sizes = [1], strides = [1]} : vector<16xi32> to vector<1xi32>
        %squeeze3A_2272 = vector.extract %slice3A_2271[0] : i32 from vector<1xi32>
        %broadcast_in_dim3A_2273 = arith.constant 0.000000e+00 : f32
        %broadcast_in_dim3A_2274 = vector.broadcast %broadcast_in_dim3A_2273 : f32 to vector<16xf32>
        %broadcast_in_dim3A_2275 = arith.constant 0.000000e+00 : f32
        %broadcast_in_dim3A_2276 = vector.broadcast %broadcast_in_dim3A_2275 : f32 to vector<16xf32>
        %add3A_2277 = arith.constant 0 : i32
        %add3A_2278 = arith.addi %squeeze3A_2270, %add3A_2277 : i32
        %add3A_2279 = vector.broadcast %add3A_2278 : i32 to vector<16xi32>
        %add3A_2280 = arith.addi %add3A_2279, %iota3A : vector<16xi32>
        %gather3A_2281 = tpu.vector_load_idx %arg23[%add3A_2280] : memref<64064xf32, #tpu.memory_space<vmem>>[vector<16xi32>], vector<16xf32>,
        %add3A_2282 = arith.constant 0 : i32
        %add3A_2283 = arith.addi %squeeze3A_2272, %add3A_2282 : i32
        %add3A_2284 = vector.broadcast %add3A_2283 : i32 to vector<16xi32>
        %add3A_2285 = arith.addi %add3A_2284, %iota3A : vector<16xi32>
        %gather3A_2286 = tpu.vector_load_idx %arg23[%add3A_2285] : memref<64064xf32, #tpu.memory_space<vmem>>[vector<16xi32>], vector<16xf32>,
        %swap3A_2287 = arith.index_cast %add3A_2268 : i32 to index
        %swap3A_2288 = arith.constant 0 : index
        %swap3A_2289 = tpu.vector_load %arg22[%swap3A_2287, %swap3A_2288] {strides = array<i32>} : memref<64x64xf32, #tpu.memory_space<vmem>>, vector<16xf32>,
        tpu.vector_store %arg22[%swap3A_2287, %swap3A_2288], %gather3A_2281 {strides = array<i32>} : memref<64x64xf32, #tpu.memory_space<vmem>>, vector<16xf32>,
        %get3A_2290 = arith.index_cast %add3A_2268 : i32 to index
        %get3A_2291 = arith.constant 0 : index
        %get3A_2292 = tpu.vector_load %arg18[%get3A_2290, %get3A_2291] {strides = array<i32>} : memref<64x64xf32, #tpu.memory_space<vmem>>, vector<16xf32>,
        %add3A_2293 = arith.addf %get3A_2292, %gather3A_2281 : vector<16xf32>
        %get3A_2294 = arith.index_cast %rem3A_182 : i32 to index
        %get3A_2295 = arith.index_cast %add3A_2268 : i32 to index
        %get3A_2296 = arith.constant 0 : index
        %get3A_2297 = tpu.vector_load %arg20[%get3A_2294, %get3A_2295, %get3A_2296] {strides = array<i32>} : memref<2x64x64xf32, #tpu.memory_space<vmem>>, vector<16xf32>,
        %sub3A_2298 = arith.subf %add3A_2293, %get3A_2297 : vector<16xf32>
        %abs3A_2299 = math.absf %sub3A_2298 : vector<16xf32>
        %get3A_2300 = arith.index_cast %add3A_2268 : i32 to index
        %get3A_2301 = arith.constant 0 : index
        %get3A_2302 = tpu.vector_load %arg19[%get3A_2300, %get3A_2301] {strides = array<i32>} : memref<64x64xf32, #tpu.memory_space<vmem>>, vector<16xf32>,
        %add3A_2303 = arith.addf %get3A_2302, %gather3A_2286 : vector<16xf32>
        %get3A_2304 = arith.index_cast %rem3A_182 : i32 to index
        %get3A_2305 = arith.index_cast %add3A_2268 : i32 to index
        %get3A_2306 = arith.constant 0 : index
        %get3A_2307 = tpu.vector_load %arg21[%get3A_2304, %get3A_2305, %get3A_2306] {strides = array<i32>} : memref<2x64x64xf32, #tpu.memory_space<vmem>>, vector<16xf32>,
        %sub3A_2308 = arith.subf %add3A_2303, %get3A_2307 : vector<16xf32>
        %abs3A_2309 = math.absf %sub3A_2308 : vector<16xf32>
        %sub3A_2310 = arith.subf %abs3A_2299, %abs3A_2309 : vector<16xf32>
        %add3A_2311 = arith.addf %broadcast_in_dim3A_2274, %sub3A_2310 : vector<16xf32>
        %add3A_2312 = arith.constant 16 : i32
        %add3A_2313 = arith.addi %squeeze3A_2270, %add3A_2312 : i32
        %add3A_2314 = vector.broadcast %add3A_2313 : i32 to vector<16xi32>
        %add3A_2315 = arith.addi %add3A_2314, %iota3A : vector<16xi32>
        %gather3A_2316 = tpu.vector_load_idx %arg23[%add3A_2315] : memref<64064xf32, #tpu.memory_space<vmem>>[vector<16xi32>], vector<16xf32>,
        %add3A_2317 = arith.constant 16 : i32
        %add3A_2318 = arith.addi %squeeze3A_2272, %add3A_2317 : i32
        %add3A_2319 = vector.broadcast %add3A_2318 : i32 to vector<16xi32>
        %add3A_2320 = arith.addi %add3A_2319, %iota3A : vector<16xi32>
        %gather3A_2321 = tpu.vector_load_idx %arg23[%add3A_2320] : memref<64064xf32, #tpu.memory_space<vmem>>[vector<16xi32>], vector<16xf32>,
        %swap3A_2322 = arith.index_cast %add3A_2268 : i32 to index
        %swap3A_2323 = arith.constant 16 : index
        %swap3A_2324 = tpu.vector_load %arg22[%swap3A_2322, %swap3A_2323] {strides = array<i32>} : memref<64x64xf32, #tpu.memory_space<vmem>>, vector<16xf32>,
        tpu.vector_store %arg22[%swap3A_2322, %swap3A_2323], %gather3A_2316 {strides = array<i32>} : memref<64x64xf32, #tpu.memory_space<vmem>>, vector<16xf32>,
        %get3A_2325 = arith.index_cast %add3A_2268 : i32 to index
        %get3A_2326 = arith.constant 16 : index
        %get3A_2327 = tpu.vector_load %arg18[%get3A_2325, %get3A_2326] {strides = array<i32>} : memref<64x64xf32, #tpu.memory_space<vmem>>, vector<16xf32>,
        %add3A_2328 = arith.addf %get3A_2327, %gather3A_2316 : vector<16xf32>
        %get3A_2329 = arith.index_cast %rem3A_182 : i32 to index
        %get3A_2330 = arith.index_cast %add3A_2268 : i32 to index
        %get3A_2331 = arith.constant 16 : index
        %get3A_2332 = tpu.vector_load %arg20[%get3A_2329, %get3A_2330, %get3A_2331] {strides = array<i32>} : memref<2x64x64xf32, #tpu.memory_space<vmem>>, vector<16xf32>,
        %sub3A_2333 = arith.subf %add3A_2328, %get3A_2332 : vector<16xf32>
        %abs3A_2334 = math.absf %sub3A_2333 : vector<16xf32>
        %get3A_2335 = arith.index_cast %add3A_2268 : i32 to index
        %get3A_2336 = arith.constant 16 : index
        %get3A_2337 = tpu.vector_load %arg19[%get3A_2335, %get3A_2336] {strides = array<i32>} : memref<64x64xf32, #tpu.memory_space<vmem>>, vector<16xf32>,
        %add3A_2338 = arith.addf %get3A_2337, %gather3A_2321 : vector<16xf32>
        %get3A_2339 = arith.index_cast %rem3A_182 : i32 to index
        %get3A_2340 = arith.index_cast %add3A_2268 : i32 to index
        %get3A_2341 = arith.constant 16 : index
        %get3A_2342 = tpu.vector_load %arg21[%get3A_2339, %get3A_2340, %get3A_2341] {strides = array<i32>} : memref<2x64x64xf32, #tpu.memory_space<vmem>>, vector<16xf32>,
        %sub3A_2343 = arith.subf %add3A_2338, %get3A_2342 : vector<16xf32>
        %abs3A_2344 = math.absf %sub3A_2343 : vector<16xf32>
        %sub3A_2345 = arith.subf %abs3A_2334, %abs3A_2344 : vector<16xf32>
        %add3A_2346 = arith.addf %broadcast_in_dim3A_2276, %sub3A_2345 : vector<16xf32>
        %add3A_2347 = arith.constant 32 : i32
        %add3A_2348 = arith.addi %squeeze3A_2270, %add3A_2347 : i32
        %add3A_2349 = vector.broadcast %add3A_2348 : i32 to vector<16xi32>
        %add3A_2350 = arith.addi %add3A_2349, %iota3A : vector<16xi32>
        %gather3A_2351 = tpu.vector_load_idx %arg23[%add3A_2350] : memref<64064xf32, #tpu.memory_space<vmem>>[vector<16xi32>], vector<16xf32>,
        %add3A_2352 = arith.constant 32 : i32
        %add3A_2353 = arith.addi %squeeze3A_2272, %add3A_2352 : i32
        %add3A_2354 = vector.broadcast %add3A_2353 : i32 to vector<16xi32>
        %add3A_2355 = arith.addi %add3A_2354, %iota3A : vector<16xi32>
        %gather3A_2356 = tpu.vector_load_idx %arg23[%add3A_2355] : memref<64064xf32, #tpu.memory_space<vmem>>[vector<16xi32>], vector<16xf32>,
        %swap3A_2357 = arith.index_cast %add3A_2268 : i32 to index
        %swap3A_2358 = arith.constant 32 : index
        %swap3A_2359 = tpu.vector_load %arg22[%swap3A_2357, %swap3A_2358] {strides = array<i32>} : memref<64x64xf32, #tpu.memory_space<vmem>>, vector<16xf32>,
        tpu.vector_store %arg22[%swap3A_2357, %swap3A_2358], %gather3A_2351 {strides = array<i32>} : memref<64x64xf32, #tpu.memory_space<vmem>>, vector<16xf32>,
        %get3A_2360 = arith.index_cast %add3A_2268 : i32 to index
        %get3A_2361 = arith.constant 32 : index
        %get3A_2362 = tpu.vector_load %arg18[%get3A_2360, %get3A_2361] {strides = array<i32>} : memref<64x64xf32, #tpu.memory_space<vmem>>, vector<16xf32>,
        %add3A_2363 = arith.addf %get3A_2362, %gather3A_2351 : vector<16xf32>
        %get3A_2364 = arith.index_cast %rem3A_182 : i32 to index
        %get3A_2365 = arith.index_cast %add3A_2268 : i32 to index
        %get3A_2366 = arith.constant 32 : index
        %get3A_2367 = tpu.vector_load %arg20[%get3A_2364, %get3A_2365, %get3A_2366] {strides = array<i32>} : memref<2x64x64xf32, #tpu.memory_space<vmem>>, vector<16xf32>,
        %sub3A_2368 = arith.subf %add3A_2363, %get3A_2367 : vector<16xf32>
        %abs3A_2369 = math.absf %sub3A_2368 : vector<16xf32>
        %get3A_2370 = arith.index_cast %add3A_2268 : i32 to index
        %get3A_2371 = arith.constant 32 : index
        %get3A_2372 = tpu.vector_load %arg19[%get3A_2370, %get3A_2371] {strides = array<i32>} : memref<64x64xf32, #tpu.memory_space<vmem>>, vector<16xf32>,
        %add3A_2373 = arith.addf %get3A_2372, %gather3A_2356 : vector<16xf32>
        %get3A_2374 = arith.index_cast %rem3A_182 : i32 to index
        %get3A_2375 = arith.index_cast %add3A_2268 : i32 to index
        %get3A_2376 = arith.constant 32 : index
        %get3A_2377 = tpu.vector_load %arg21[%get3A_2374, %get3A_2375, %get3A_2376] {strides = array<i32>} : memref<2x64x64xf32, #tpu.memory_space<vmem>>, vector<16xf32>,
        %sub3A_2378 = arith.subf %add3A_2373, %get3A_2377 : vector<16xf32>
        %abs3A_2379 = math.absf %sub3A_2378 : vector<16xf32>
        %sub3A_2380 = arith.subf %abs3A_2369, %abs3A_2379 : vector<16xf32>
        %add3A_2381 = arith.addf %add3A_2311, %sub3A_2380 : vector<16xf32>
        %add3A_2382 = arith.constant 48 : i32
        %add3A_2383 = arith.addi %squeeze3A_2270, %add3A_2382 : i32
        %add3A_2384 = vector.broadcast %add3A_2383 : i32 to vector<16xi32>
        %add3A_2385 = arith.addi %add3A_2384, %iota3A : vector<16xi32>
        %gather3A_2386 = tpu.vector_load_idx %arg23[%add3A_2385] : memref<64064xf32, #tpu.memory_space<vmem>>[vector<16xi32>], vector<16xf32>,
        %add3A_2387 = arith.constant 48 : i32
        %add3A_2388 = arith.addi %squeeze3A_2272, %add3A_2387 : i32
        %add3A_2389 = vector.broadcast %add3A_2388 : i32 to vector<16xi32>
        %add3A_2390 = arith.addi %add3A_2389, %iota3A : vector<16xi32>
        %gather3A_2391 = tpu.vector_load_idx %arg23[%add3A_2390] : memref<64064xf32, #tpu.memory_space<vmem>>[vector<16xi32>], vector<16xf32>,
        %swap3A_2392 = arith.index_cast %add3A_2268 : i32 to index
        %swap3A_2393 = arith.constant 48 : index
        %swap3A_2394 = tpu.vector_load %arg22[%swap3A_2392, %swap3A_2393] {strides = array<i32>} : memref<64x64xf32, #tpu.memory_space<vmem>>, vector<16xf32>,
        tpu.vector_store %arg22[%swap3A_2392, %swap3A_2393], %gather3A_2386 {strides = array<i32>} : memref<64x64xf32, #tpu.memory_space<vmem>>, vector<16xf32>,
        %get3A_2395 = arith.index_cast %add3A_2268 : i32 to index
        %get3A_2396 = arith.constant 48 : index
        %get3A_2397 = tpu.vector_load %arg18[%get3A_2395, %get3A_2396] {strides = array<i32>} : memref<64x64xf32, #tpu.memory_space<vmem>>, vector<16xf32>,
        %add3A_2398 = arith.addf %get3A_2397, %gather3A_2386 : vector<16xf32>
        %get3A_2399 = arith.index_cast %rem3A_182 : i32 to index
        %get3A_2400 = arith.index_cast %add3A_2268 : i32 to index
        %get3A_2401 = arith.constant 48 : index
        %get3A_2402 = tpu.vector_load %arg20[%get3A_2399, %get3A_2400, %get3A_2401] {strides = array<i32>} : memref<2x64x64xf32, #tpu.memory_space<vmem>>, vector<16xf32>,
        %sub3A_2403 = arith.subf %add3A_2398, %get3A_2402 : vector<16xf32>
        %abs3A_2404 = math.absf %sub3A_2403 : vector<16xf32>
        %get3A_2405 = arith.index_cast %add3A_2268 : i32 to index
        %get3A_2406 = arith.constant 48 : index
        %get3A_2407 = tpu.vector_load %arg19[%get3A_2405, %get3A_2406] {strides = array<i32>} : memref<64x64xf32, #tpu.memory_space<vmem>>, vector<16xf32>,
        %add3A_2408 = arith.addf %get3A_2407, %gather3A_2391 : vector<16xf32>
        %get3A_2409 = arith.index_cast %rem3A_182 : i32 to index
        %get3A_2410 = arith.index_cast %add3A_2268 : i32 to index
        %get3A_2411 = arith.constant 48 : index
        %get3A_2412 = tpu.vector_load %arg21[%get3A_2409, %get3A_2410, %get3A_2411] {strides = array<i32>} : memref<2x64x64xf32, #tpu.memory_space<vmem>>, vector<16xf32>,
        %sub3A_2413 = arith.subf %add3A_2408, %get3A_2412 : vector<16xf32>
        %abs3A_2414 = math.absf %sub3A_2413 : vector<16xf32>
        %sub3A_2415 = arith.subf %abs3A_2404, %abs3A_2414 : vector<16xf32>
        %add3A_2416 = arith.addf %add3A_2346, %sub3A_2415 : vector<16xf32>
        %add3A_2417 = arith.addf %add3A_2381, %add3A_2416 : vector<16xf32>
        %swap3A_2418 = arith.constant 208 : index
        %swap3A_2419 = tpu.vector_load %arg25[%swap3A_2418] {strides = array<i32>} : memref<256xf32, #tpu.memory_space<vmem>>, vector<16xf32>,
        tpu.vector_store %arg25[%swap3A_2418], %add3A_2417 {strides = array<i32>} : memref<256xf32, #tpu.memory_space<vmem>>, vector<16xf32>,
        %mul3A_2420 = arith.constant 16 : i32
        %mul3A_2421 = arith.muli %scan3A_243, %mul3A_2420 : i32
        %add3A_2422 = arith.constant 14 : i32
        %add3A_2423 = arith.addi %mul3A_2421, %add3A_2422 : i32
        %slice3A_2424 = vector.extract_strided_slice %mul3A_250 {offsets = [14], sizes = [1], strides = [1]} : vector<16xi32> to vector<1xi32>
        %squeeze3A_2425 = vector.extract %slice3A_2424[0] : i32 from vector<1xi32>
        %slice3A_2426 = vector.extract_strided_slice %mul3A_256 {offsets = [14], sizes = [1], strides = [1]} : vector<16xi32> to vector<1xi32>
        %squeeze3A_2427 = vector.extract %slice3A_2426[0] : i32 from vector<1xi32>
        %broadcast_in_dim3A_2428 = arith.constant 0.000000e+00 : f32
        %broadcast_in_dim3A_2429 = vector.broadcast %broadcast_in_dim3A_2428 : f32 to vector<16xf32>
        %broadcast_in_dim3A_2430 = arith.constant 0.000000e+00 : f32
        %broadcast_in_dim3A_2431 = vector.broadcast %broadcast_in_dim3A_2430 : f32 to vector<16xf32>
        %add3A_2432 = arith.constant 0 : i32
        %add3A_2433 = arith.addi %squeeze3A_2425, %add3A_2432 : i32
        %add3A_2434 = vector.broadcast %add3A_2433 : i32 to vector<16xi32>
        %add3A_2435 = arith.addi %add3A_2434, %iota3A : vector<16xi32>
        %gather3A_2436 = tpu.vector_load_idx %arg23[%add3A_2435] : memref<64064xf32, #tpu.memory_space<vmem>>[vector<16xi32>], vector<16xf32>,
        %add3A_2437 = arith.constant 0 : i32
        %add3A_2438 = arith.addi %squeeze3A_2427, %add3A_2437 : i32
        %add3A_2439 = vector.broadcast %add3A_2438 : i32 to vector<16xi32>
        %add3A_2440 = arith.addi %add3A_2439, %iota3A : vector<16xi32>
        %gather3A_2441 = tpu.vector_load_idx %arg23[%add3A_2440] : memref<64064xf32, #tpu.memory_space<vmem>>[vector<16xi32>], vector<16xf32>,
        %swap3A_2442 = arith.index_cast %add3A_2423 : i32 to index
        %swap3A_2443 = arith.constant 0 : index
        %swap3A_2444 = tpu.vector_load %arg22[%swap3A_2442, %swap3A_2443] {strides = array<i32>} : memref<64x64xf32, #tpu.memory_space<vmem>>, vector<16xf32>,
        tpu.vector_store %arg22[%swap3A_2442, %swap3A_2443], %gather3A_2436 {strides = array<i32>} : memref<64x64xf32, #tpu.memory_space<vmem>>, vector<16xf32>,
        %get3A_2445 = arith.index_cast %add3A_2423 : i32 to index
        %get3A_2446 = arith.constant 0 : index
        %get3A_2447 = tpu.vector_load %arg18[%get3A_2445, %get3A_2446] {strides = array<i32>} : memref<64x64xf32, #tpu.memory_space<vmem>>, vector<16xf32>,
        %add3A_2448 = arith.addf %get3A_2447, %gather3A_2436 : vector<16xf32>
        %get3A_2449 = arith.index_cast %rem3A_182 : i32 to index
        %get3A_2450 = arith.index_cast %add3A_2423 : i32 to index
        %get3A_2451 = arith.constant 0 : index
        %get3A_2452 = tpu.vector_load %arg20[%get3A_2449, %get3A_2450, %get3A_2451] {strides = array<i32>} : memref<2x64x64xf32, #tpu.memory_space<vmem>>, vector<16xf32>,
        %sub3A_2453 = arith.subf %add3A_2448, %get3A_2452 : vector<16xf32>
        %abs3A_2454 = math.absf %sub3A_2453 : vector<16xf32>
        %get3A_2455 = arith.index_cast %add3A_2423 : i32 to index
        %get3A_2456 = arith.constant 0 : index
        %get3A_2457 = tpu.vector_load %arg19[%get3A_2455, %get3A_2456] {strides = array<i32>} : memref<64x64xf32, #tpu.memory_space<vmem>>, vector<16xf32>,
        %add3A_2458 = arith.addf %get3A_2457, %gather3A_2441 : vector<16xf32>
        %get3A_2459 = arith.index_cast %rem3A_182 : i32 to index
        %get3A_2460 = arith.index_cast %add3A_2423 : i32 to index
        %get3A_2461 = arith.constant 0 : index
        %get3A_2462 = tpu.vector_load %arg21[%get3A_2459, %get3A_2460, %get3A_2461] {strides = array<i32>} : memref<2x64x64xf32, #tpu.memory_space<vmem>>, vector<16xf32>,
        %sub3A_2463 = arith.subf %add3A_2458, %get3A_2462 : vector<16xf32>
        %abs3A_2464 = math.absf %sub3A_2463 : vector<16xf32>
        %sub3A_2465 = arith.subf %abs3A_2454, %abs3A_2464 : vector<16xf32>
        %add3A_2466 = arith.addf %broadcast_in_dim3A_2429, %sub3A_2465 : vector<16xf32>
        %add3A_2467 = arith.constant 16 : i32
        %add3A_2468 = arith.addi %squeeze3A_2425, %add3A_2467 : i32
        %add3A_2469 = vector.broadcast %add3A_2468 : i32 to vector<16xi32>
        %add3A_2470 = arith.addi %add3A_2469, %iota3A : vector<16xi32>
        %gather3A_2471 = tpu.vector_load_idx %arg23[%add3A_2470] : memref<64064xf32, #tpu.memory_space<vmem>>[vector<16xi32>], vector<16xf32>,
        %add3A_2472 = arith.constant 16 : i32
        %add3A_2473 = arith.addi %squeeze3A_2427, %add3A_2472 : i32
        %add3A_2474 = vector.broadcast %add3A_2473 : i32 to vector<16xi32>
        %add3A_2475 = arith.addi %add3A_2474, %iota3A : vector<16xi32>
        %gather3A_2476 = tpu.vector_load_idx %arg23[%add3A_2475] : memref<64064xf32, #tpu.memory_space<vmem>>[vector<16xi32>], vector<16xf32>,
        %swap3A_2477 = arith.index_cast %add3A_2423 : i32 to index
        %swap3A_2478 = arith.constant 16 : index
        %swap3A_2479 = tpu.vector_load %arg22[%swap3A_2477, %swap3A_2478] {strides = array<i32>} : memref<64x64xf32, #tpu.memory_space<vmem>>, vector<16xf32>,
        tpu.vector_store %arg22[%swap3A_2477, %swap3A_2478], %gather3A_2471 {strides = array<i32>} : memref<64x64xf32, #tpu.memory_space<vmem>>, vector<16xf32>,
        %get3A_2480 = arith.index_cast %add3A_2423 : i32 to index
        %get3A_2481 = arith.constant 16 : index
        %get3A_2482 = tpu.vector_load %arg18[%get3A_2480, %get3A_2481] {strides = array<i32>} : memref<64x64xf32, #tpu.memory_space<vmem>>, vector<16xf32>,
        %add3A_2483 = arith.addf %get3A_2482, %gather3A_2471 : vector<16xf32>
        %get3A_2484 = arith.index_cast %rem3A_182 : i32 to index
        %get3A_2485 = arith.index_cast %add3A_2423 : i32 to index
        %get3A_2486 = arith.constant 16 : index
        %get3A_2487 = tpu.vector_load %arg20[%get3A_2484, %get3A_2485, %get3A_2486] {strides = array<i32>} : memref<2x64x64xf32, #tpu.memory_space<vmem>>, vector<16xf32>,
        %sub3A_2488 = arith.subf %add3A_2483, %get3A_2487 : vector<16xf32>
        %abs3A_2489 = math.absf %sub3A_2488 : vector<16xf32>
        %get3A_2490 = arith.index_cast %add3A_2423 : i32 to index
        %get3A_2491 = arith.constant 16 : index
        %get3A_2492 = tpu.vector_load %arg19[%get3A_2490, %get3A_2491] {strides = array<i32>} : memref<64x64xf32, #tpu.memory_space<vmem>>, vector<16xf32>,
        %add3A_2493 = arith.addf %get3A_2492, %gather3A_2476 : vector<16xf32>
        %get3A_2494 = arith.index_cast %rem3A_182 : i32 to index
        %get3A_2495 = arith.index_cast %add3A_2423 : i32 to index
        %get3A_2496 = arith.constant 16 : index
        %get3A_2497 = tpu.vector_load %arg21[%get3A_2494, %get3A_2495, %get3A_2496] {strides = array<i32>} : memref<2x64x64xf32, #tpu.memory_space<vmem>>, vector<16xf32>,
        %sub3A_2498 = arith.subf %add3A_2493, %get3A_2497 : vector<16xf32>
        %abs3A_2499 = math.absf %sub3A_2498 : vector<16xf32>
        %sub3A_2500 = arith.subf %abs3A_2489, %abs3A_2499 : vector<16xf32>
        %add3A_2501 = arith.addf %broadcast_in_dim3A_2431, %sub3A_2500 : vector<16xf32>
        %add3A_2502 = arith.constant 32 : i32
        %add3A_2503 = arith.addi %squeeze3A_2425, %add3A_2502 : i32
        %add3A_2504 = vector.broadcast %add3A_2503 : i32 to vector<16xi32>
        %add3A_2505 = arith.addi %add3A_2504, %iota3A : vector<16xi32>
        %gather3A_2506 = tpu.vector_load_idx %arg23[%add3A_2505] : memref<64064xf32, #tpu.memory_space<vmem>>[vector<16xi32>], vector<16xf32>,
        %add3A_2507 = arith.constant 32 : i32
        %add3A_2508 = arith.addi %squeeze3A_2427, %add3A_2507 : i32
        %add3A_2509 = vector.broadcast %add3A_2508 : i32 to vector<16xi32>
        %add3A_2510 = arith.addi %add3A_2509, %iota3A : vector<16xi32>
        %gather3A_2511 = tpu.vector_load_idx %arg23[%add3A_2510] : memref<64064xf32, #tpu.memory_space<vmem>>[vector<16xi32>], vector<16xf32>,
        %swap3A_2512 = arith.index_cast %add3A_2423 : i32 to index
        %swap3A_2513 = arith.constant 32 : index
        %swap3A_2514 = tpu.vector_load %arg22[%swap3A_2512, %swap3A_2513] {strides = array<i32>} : memref<64x64xf32, #tpu.memory_space<vmem>>, vector<16xf32>,
        tpu.vector_store %arg22[%swap3A_2512, %swap3A_2513], %gather3A_2506 {strides = array<i32>} : memref<64x64xf32, #tpu.memory_space<vmem>>, vector<16xf32>,
        %get3A_2515 = arith.index_cast %add3A_2423 : i32 to index
        %get3A_2516 = arith.constant 32 : index
        %get3A_2517 = tpu.vector_load %arg18[%get3A_2515, %get3A_2516] {strides = array<i32>} : memref<64x64xf32, #tpu.memory_space<vmem>>, vector<16xf32>,
        %add3A_2518 = arith.addf %get3A_2517, %gather3A_2506 : vector<16xf32>
        %get3A_2519 = arith.index_cast %rem3A_182 : i32 to index
        %get3A_2520 = arith.index_cast %add3A_2423 : i32 to index
        %get3A_2521 = arith.constant 32 : index
        %get3A_2522 = tpu.vector_load %arg20[%get3A_2519, %get3A_2520, %get3A_2521] {strides = array<i32>} : memref<2x64x64xf32, #tpu.memory_space<vmem>>, vector<16xf32>,
        %sub3A_2523 = arith.subf %add3A_2518, %get3A_2522 : vector<16xf32>
        %abs3A_2524 = math.absf %sub3A_2523 : vector<16xf32>
        %get3A_2525 = arith.index_cast %add3A_2423 : i32 to index
        %get3A_2526 = arith.constant 32 : index
        %get3A_2527 = tpu.vector_load %arg19[%get3A_2525, %get3A_2526] {strides = array<i32>} : memref<64x64xf32, #tpu.memory_space<vmem>>, vector<16xf32>,
        %add3A_2528 = arith.addf %get3A_2527, %gather3A_2511 : vector<16xf32>
        %get3A_2529 = arith.index_cast %rem3A_182 : i32 to index
        %get3A_2530 = arith.index_cast %add3A_2423 : i32 to index
        %get3A_2531 = arith.constant 32 : index
        %get3A_2532 = tpu.vector_load %arg21[%get3A_2529, %get3A_2530, %get3A_2531] {strides = array<i32>} : memref<2x64x64xf32, #tpu.memory_space<vmem>>, vector<16xf32>,
        %sub3A_2533 = arith.subf %add3A_2528, %get3A_2532 : vector<16xf32>
        %abs3A_2534 = math.absf %sub3A_2533 : vector<16xf32>
        %sub3A_2535 = arith.subf %abs3A_2524, %abs3A_2534 : vector<16xf32>
        %add3A_2536 = arith.addf %add3A_2466, %sub3A_2535 : vector<16xf32>
        %add3A_2537 = arith.constant 48 : i32
        %add3A_2538 = arith.addi %squeeze3A_2425, %add3A_2537 : i32
        %add3A_2539 = vector.broadcast %add3A_2538 : i32 to vector<16xi32>
        %add3A_2540 = arith.addi %add3A_2539, %iota3A : vector<16xi32>
        %gather3A_2541 = tpu.vector_load_idx %arg23[%add3A_2540] : memref<64064xf32, #tpu.memory_space<vmem>>[vector<16xi32>], vector<16xf32>,
        %add3A_2542 = arith.constant 48 : i32
        %add3A_2543 = arith.addi %squeeze3A_2427, %add3A_2542 : i32
        %add3A_2544 = vector.broadcast %add3A_2543 : i32 to vector<16xi32>
        %add3A_2545 = arith.addi %add3A_2544, %iota3A : vector<16xi32>
        %gather3A_2546 = tpu.vector_load_idx %arg23[%add3A_2545] : memref<64064xf32, #tpu.memory_space<vmem>>[vector<16xi32>], vector<16xf32>,
        %swap3A_2547 = arith.index_cast %add3A_2423 : i32 to index
        %swap3A_2548 = arith.constant 48 : index
        %swap3A_2549 = tpu.vector_load %arg22[%swap3A_2547, %swap3A_2548] {strides = array<i32>} : memref<64x64xf32, #tpu.memory_space<vmem>>, vector<16xf32>,
        tpu.vector_store %arg22[%swap3A_2547, %swap3A_2548], %gather3A_2541 {strides = array<i32>} : memref<64x64xf32, #tpu.memory_space<vmem>>, vector<16xf32>,
        %get3A_2550 = arith.index_cast %add3A_2423 : i32 to index
        %get3A_2551 = arith.constant 48 : index
        %get3A_2552 = tpu.vector_load %arg18[%get3A_2550, %get3A_2551] {strides = array<i32>} : memref<64x64xf32, #tpu.memory_space<vmem>>, vector<16xf32>,
        %add3A_2553 = arith.addf %get3A_2552, %gather3A_2541 : vector<16xf32>
        %get3A_2554 = arith.index_cast %rem3A_182 : i32 to index
        %get3A_2555 = arith.index_cast %add3A_2423 : i32 to index
        %get3A_2556 = arith.constant 48 : index
        %get3A_2557 = tpu.vector_load %arg20[%get3A_2554, %get3A_2555, %get3A_2556] {strides = array<i32>} : memref<2x64x64xf32, #tpu.memory_space<vmem>>, vector<16xf32>,
        %sub3A_2558 = arith.subf %add3A_2553, %get3A_2557 : vector<16xf32>
        %abs3A_2559 = math.absf %sub3A_2558 : vector<16xf32>
        %get3A_2560 = arith.index_cast %add3A_2423 : i32 to index
        %get3A_2561 = arith.constant 48 : index
        %get3A_2562 = tpu.vector_load %arg19[%get3A_2560, %get3A_2561] {strides = array<i32>} : memref<64x64xf32, #tpu.memory_space<vmem>>, vector<16xf32>,
        %add3A_2563 = arith.addf %get3A_2562, %gather3A_2546 : vector<16xf32>
        %get3A_2564 = arith.index_cast %rem3A_182 : i32 to index
        %get3A_2565 = arith.index_cast %add3A_2423 : i32 to index
        %get3A_2566 = arith.constant 48 : index
        %get3A_2567 = tpu.vector_load %arg21[%get3A_2564, %get3A_2565, %get3A_2566] {strides = array<i32>} : memref<2x64x64xf32, #tpu.memory_space<vmem>>, vector<16xf32>,
        %sub3A_2568 = arith.subf %add3A_2563, %get3A_2567 : vector<16xf32>
        %abs3A_2569 = math.absf %sub3A_2568 : vector<16xf32>
        %sub3A_2570 = arith.subf %abs3A_2559, %abs3A_2569 : vector<16xf32>
        %add3A_2571 = arith.addf %add3A_2501, %sub3A_2570 : vector<16xf32>
        %add3A_2572 = arith.addf %add3A_2536, %add3A_2571 : vector<16xf32>
        %swap3A_2573 = arith.constant 224 : index
        %swap3A_2574 = tpu.vector_load %arg25[%swap3A_2573] {strides = array<i32>} : memref<256xf32, #tpu.memory_space<vmem>>, vector<16xf32>,
        tpu.vector_store %arg25[%swap3A_2573], %add3A_2572 {strides = array<i32>} : memref<256xf32, #tpu.memory_space<vmem>>, vector<16xf32>,
        %mul3A_2575 = arith.constant 16 : i32
        %mul3A_2576 = arith.muli %scan3A_243, %mul3A_2575 : i32
        %add3A_2577 = arith.constant 15 : i32
        %add3A_2578 = arith.addi %mul3A_2576, %add3A_2577 : i32
        %slice3A_2579 = vector.extract_strided_slice %mul3A_250 {offsets = [15], sizes = [1], strides = [1]} : vector<16xi32> to vector<1xi32>
        %squeeze3A_2580 = vector.extract %slice3A_2579[0] : i32 from vector<1xi32>
        %slice3A_2581 = vector.extract_strided_slice %mul3A_256 {offsets = [15], sizes = [1], strides = [1]} : vector<16xi32> to vector<1xi32>
        %squeeze3A_2582 = vector.extract %slice3A_2581[0] : i32 from vector<1xi32>
        %broadcast_in_dim3A_2583 = arith.constant 0.000000e+00 : f32
        %broadcast_in_dim3A_2584 = vector.broadcast %broadcast_in_dim3A_2583 : f32 to vector<16xf32>
        %broadcast_in_dim3A_2585 = arith.constant 0.000000e+00 : f32
        %broadcast_in_dim3A_2586 = vector.broadcast %broadcast_in_dim3A_2585 : f32 to vector<16xf32>
        %add3A_2587 = arith.constant 0 : i32
        %add3A_2588 = arith.addi %squeeze3A_2580, %add3A_2587 : i32
        %add3A_2589 = vector.broadcast %add3A_2588 : i32 to vector<16xi32>
        %add3A_2590 = arith.addi %add3A_2589, %iota3A : vector<16xi32>
        %gather3A_2591 = tpu.vector_load_idx %arg23[%add3A_2590] : memref<64064xf32, #tpu.memory_space<vmem>>[vector<16xi32>], vector<16xf32>,
        %add3A_2592 = arith.constant 0 : i32
        %add3A_2593 = arith.addi %squeeze3A_2582, %add3A_2592 : i32
        %add3A_2594 = vector.broadcast %add3A_2593 : i32 to vector<16xi32>
        %add3A_2595 = arith.addi %add3A_2594, %iota3A : vector<16xi32>
        %gather3A_2596 = tpu.vector_load_idx %arg23[%add3A_2595] : memref<64064xf32, #tpu.memory_space<vmem>>[vector<16xi32>], vector<16xf32>,
        %swap3A_2597 = arith.index_cast %add3A_2578 : i32 to index
        %swap3A_2598 = arith.constant 0 : index
        %swap3A_2599 = tpu.vector_load %arg22[%swap3A_2597, %swap3A_2598] {strides = array<i32>} : memref<64x64xf32, #tpu.memory_space<vmem>>, vector<16xf32>,
        tpu.vector_store %arg22[%swap3A_2597, %swap3A_2598], %gather3A_2591 {strides = array<i32>} : memref<64x64xf32, #tpu.memory_space<vmem>>, vector<16xf32>,
        %get3A_2600 = arith.index_cast %add3A_2578 : i32 to index
        %get3A_2601 = arith.constant 0 : index
        %get3A_2602 = tpu.vector_load %arg18[%get3A_2600, %get3A_2601] {strides = array<i32>} : memref<64x64xf32, #tpu.memory_space<vmem>>, vector<16xf32>,
        %add3A_2603 = arith.addf %get3A_2602, %gather3A_2591 : vector<16xf32>
        %get3A_2604 = arith.index_cast %rem3A_182 : i32 to index
        %get3A_2605 = arith.index_cast %add3A_2578 : i32 to index
        %get3A_2606 = arith.constant 0 : index
        %get3A_2607 = tpu.vector_load %arg20[%get3A_2604, %get3A_2605, %get3A_2606] {strides = array<i32>} : memref<2x64x64xf32, #tpu.memory_space<vmem>>, vector<16xf32>,
        %sub3A_2608 = arith.subf %add3A_2603, %get3A_2607 : vector<16xf32>
        %abs3A_2609 = math.absf %sub3A_2608 : vector<16xf32>
        %get3A_2610 = arith.index_cast %add3A_2578 : i32 to index
        %get3A_2611 = arith.constant 0 : index
        %get3A_2612 = tpu.vector_load %arg19[%get3A_2610, %get3A_2611] {strides = array<i32>} : memref<64x64xf32, #tpu.memory_space<vmem>>, vector<16xf32>,
        %add3A_2613 = arith.addf %get3A_2612, %gather3A_2596 : vector<16xf32>
        %get3A_2614 = arith.index_cast %rem3A_182 : i32 to index
        %get3A_2615 = arith.index_cast %add3A_2578 : i32 to index
        %get3A_2616 = arith.constant 0 : index
        %get3A_2617 = tpu.vector_load %arg21[%get3A_2614, %get3A_2615, %get3A_2616] {strides = array<i32>} : memref<2x64x64xf32, #tpu.memory_space<vmem>>, vector<16xf32>,
        %sub3A_2618 = arith.subf %add3A_2613, %get3A_2617 : vector<16xf32>
        %abs3A_2619 = math.absf %sub3A_2618 : vector<16xf32>
        %sub3A_2620 = arith.subf %abs3A_2609, %abs3A_2619 : vector<16xf32>
        %add3A_2621 = arith.addf %broadcast_in_dim3A_2584, %sub3A_2620 : vector<16xf32>
        %add3A_2622 = arith.constant 16 : i32
        %add3A_2623 = arith.addi %squeeze3A_2580, %add3A_2622 : i32
        %add3A_2624 = vector.broadcast %add3A_2623 : i32 to vector<16xi32>
        %add3A_2625 = arith.addi %add3A_2624, %iota3A : vector<16xi32>
        %gather3A_2626 = tpu.vector_load_idx %arg23[%add3A_2625] : memref<64064xf32, #tpu.memory_space<vmem>>[vector<16xi32>], vector<16xf32>,
        %add3A_2627 = arith.constant 16 : i32
        %add3A_2628 = arith.addi %squeeze3A_2582, %add3A_2627 : i32
        %add3A_2629 = vector.broadcast %add3A_2628 : i32 to vector<16xi32>
        %add3A_2630 = arith.addi %add3A_2629, %iota3A : vector<16xi32>
        %gather3A_2631 = tpu.vector_load_idx %arg23[%add3A_2630] : memref<64064xf32, #tpu.memory_space<vmem>>[vector<16xi32>], vector<16xf32>,
        %swap3A_2632 = arith.index_cast %add3A_2578 : i32 to index
        %swap3A_2633 = arith.constant 16 : index
        %swap3A_2634 = tpu.vector_load %arg22[%swap3A_2632, %swap3A_2633] {strides = array<i32>} : memref<64x64xf32, #tpu.memory_space<vmem>>, vector<16xf32>,
        tpu.vector_store %arg22[%swap3A_2632, %swap3A_2633], %gather3A_2626 {strides = array<i32>} : memref<64x64xf32, #tpu.memory_space<vmem>>, vector<16xf32>,
        %get3A_2635 = arith.index_cast %add3A_2578 : i32 to index
        %get3A_2636 = arith.constant 16 : index
        %get3A_2637 = tpu.vector_load %arg18[%get3A_2635, %get3A_2636] {strides = array<i32>} : memref<64x64xf32, #tpu.memory_space<vmem>>, vector<16xf32>,
        %add3A_2638 = arith.addf %get3A_2637, %gather3A_2626 : vector<16xf32>
        %get3A_2639 = arith.index_cast %rem3A_182 : i32 to index
        %get3A_2640 = arith.index_cast %add3A_2578 : i32 to index
        %get3A_2641 = arith.constant 16 : index
        %get3A_2642 = tpu.vector_load %arg20[%get3A_2639, %get3A_2640, %get3A_2641] {strides = array<i32>} : memref<2x64x64xf32, #tpu.memory_space<vmem>>, vector<16xf32>,
        %sub3A_2643 = arith.subf %add3A_2638, %get3A_2642 : vector<16xf32>
        %abs3A_2644 = math.absf %sub3A_2643 : vector<16xf32>
        %get3A_2645 = arith.index_cast %add3A_2578 : i32 to index
        %get3A_2646 = arith.constant 16 : index
        %get3A_2647 = tpu.vector_load %arg19[%get3A_2645, %get3A_2646] {strides = array<i32>} : memref<64x64xf32, #tpu.memory_space<vmem>>, vector<16xf32>,
        %add3A_2648 = arith.addf %get3A_2647, %gather3A_2631 : vector<16xf32>
        %get3A_2649 = arith.index_cast %rem3A_182 : i32 to index
        %get3A_2650 = arith.index_cast %add3A_2578 : i32 to index
        %get3A_2651 = arith.constant 16 : index
        %get3A_2652 = tpu.vector_load %arg21[%get3A_2649, %get3A_2650, %get3A_2651] {strides = array<i32>} : memref<2x64x64xf32, #tpu.memory_space<vmem>>, vector<16xf32>,
        %sub3A_2653 = arith.subf %add3A_2648, %get3A_2652 : vector<16xf32>
        %abs3A_2654 = math.absf %sub3A_2653 : vector<16xf32>
        %sub3A_2655 = arith.subf %abs3A_2644, %abs3A_2654 : vector<16xf32>
        %add3A_2656 = arith.addf %broadcast_in_dim3A_2586, %sub3A_2655 : vector<16xf32>
        %add3A_2657 = arith.constant 32 : i32
        %add3A_2658 = arith.addi %squeeze3A_2580, %add3A_2657 : i32
        %add3A_2659 = vector.broadcast %add3A_2658 : i32 to vector<16xi32>
        %add3A_2660 = arith.addi %add3A_2659, %iota3A : vector<16xi32>
        %gather3A_2661 = tpu.vector_load_idx %arg23[%add3A_2660] : memref<64064xf32, #tpu.memory_space<vmem>>[vector<16xi32>], vector<16xf32>,
        %add3A_2662 = arith.constant 32 : i32
        %add3A_2663 = arith.addi %squeeze3A_2582, %add3A_2662 : i32
        %add3A_2664 = vector.broadcast %add3A_2663 : i32 to vector<16xi32>
        %add3A_2665 = arith.addi %add3A_2664, %iota3A : vector<16xi32>
        %gather3A_2666 = tpu.vector_load_idx %arg23[%add3A_2665] : memref<64064xf32, #tpu.memory_space<vmem>>[vector<16xi32>], vector<16xf32>,
        %swap3A_2667 = arith.index_cast %add3A_2578 : i32 to index
        %swap3A_2668 = arith.constant 32 : index
        %swap3A_2669 = tpu.vector_load %arg22[%swap3A_2667, %swap3A_2668] {strides = array<i32>} : memref<64x64xf32, #tpu.memory_space<vmem>>, vector<16xf32>,
        tpu.vector_store %arg22[%swap3A_2667, %swap3A_2668], %gather3A_2661 {strides = array<i32>} : memref<64x64xf32, #tpu.memory_space<vmem>>, vector<16xf32>,
        %get3A_2670 = arith.index_cast %add3A_2578 : i32 to index
        %get3A_2671 = arith.constant 32 : index
        %get3A_2672 = tpu.vector_load %arg18[%get3A_2670, %get3A_2671] {strides = array<i32>} : memref<64x64xf32, #tpu.memory_space<vmem>>, vector<16xf32>,
        %add3A_2673 = arith.addf %get3A_2672, %gather3A_2661 : vector<16xf32>
        %get3A_2674 = arith.index_cast %rem3A_182 : i32 to index
        %get3A_2675 = arith.index_cast %add3A_2578 : i32 to index
        %get3A_2676 = arith.constant 32 : index
        %get3A_2677 = tpu.vector_load %arg20[%get3A_2674, %get3A_2675, %get3A_2676] {strides = array<i32>} : memref<2x64x64xf32, #tpu.memory_space<vmem>>, vector<16xf32>,
        %sub3A_2678 = arith.subf %add3A_2673, %get3A_2677 : vector<16xf32>
        %abs3A_2679 = math.absf %sub3A_2678 : vector<16xf32>
        %get3A_2680 = arith.index_cast %add3A_2578 : i32 to index
        %get3A_2681 = arith.constant 32 : index
        %get3A_2682 = tpu.vector_load %arg19[%get3A_2680, %get3A_2681] {strides = array<i32>} : memref<64x64xf32, #tpu.memory_space<vmem>>, vector<16xf32>,
        %add3A_2683 = arith.addf %get3A_2682, %gather3A_2666 : vector<16xf32>
        %get3A_2684 = arith.index_cast %rem3A_182 : i32 to index
        %get3A_2685 = arith.index_cast %add3A_2578 : i32 to index
        %get3A_2686 = arith.constant 32 : index
        %get3A_2687 = tpu.vector_load %arg21[%get3A_2684, %get3A_2685, %get3A_2686] {strides = array<i32>} : memref<2x64x64xf32, #tpu.memory_space<vmem>>, vector<16xf32>,
        %sub3A_2688 = arith.subf %add3A_2683, %get3A_2687 : vector<16xf32>
        %abs3A_2689 = math.absf %sub3A_2688 : vector<16xf32>
        %sub3A_2690 = arith.subf %abs3A_2679, %abs3A_2689 : vector<16xf32>
        %add3A_2691 = arith.addf %add3A_2621, %sub3A_2690 : vector<16xf32>
        %add3A_2692 = arith.constant 48 : i32
        %add3A_2693 = arith.addi %squeeze3A_2580, %add3A_2692 : i32
        %add3A_2694 = vector.broadcast %add3A_2693 : i32 to vector<16xi32>
        %add3A_2695 = arith.addi %add3A_2694, %iota3A : vector<16xi32>
        %gather3A_2696 = tpu.vector_load_idx %arg23[%add3A_2695] : memref<64064xf32, #tpu.memory_space<vmem>>[vector<16xi32>], vector<16xf32>,
        %add3A_2697 = arith.constant 48 : i32
        %add3A_2698 = arith.addi %squeeze3A_2582, %add3A_2697 : i32
        %add3A_2699 = vector.broadcast %add3A_2698 : i32 to vector<16xi32>
        %add3A_2700 = arith.addi %add3A_2699, %iota3A : vector<16xi32>
        %gather3A_2701 = tpu.vector_load_idx %arg23[%add3A_2700] : memref<64064xf32, #tpu.memory_space<vmem>>[vector<16xi32>], vector<16xf32>,
        %swap3A_2702 = arith.index_cast %add3A_2578 : i32 to index
        %swap3A_2703 = arith.constant 48 : index
        %swap3A_2704 = tpu.vector_load %arg22[%swap3A_2702, %swap3A_2703] {strides = array<i32>} : memref<64x64xf32, #tpu.memory_space<vmem>>, vector<16xf32>,
        tpu.vector_store %arg22[%swap3A_2702, %swap3A_2703], %gather3A_2696 {strides = array<i32>} : memref<64x64xf32, #tpu.memory_space<vmem>>, vector<16xf32>,
        %get3A_2705 = arith.index_cast %add3A_2578 : i32 to index
        %get3A_2706 = arith.constant 48 : index
        %get3A_2707 = tpu.vector_load %arg18[%get3A_2705, %get3A_2706] {strides = array<i32>} : memref<64x64xf32, #tpu.memory_space<vmem>>, vector<16xf32>,
        %add3A_2708 = arith.addf %get3A_2707, %gather3A_2696 : vector<16xf32>
        %get3A_2709 = arith.index_cast %rem3A_182 : i32 to index
        %get3A_2710 = arith.index_cast %add3A_2578 : i32 to index
        %get3A_2711 = arith.constant 48 : index
        %get3A_2712 = tpu.vector_load %arg20[%get3A_2709, %get3A_2710, %get3A_2711] {strides = array<i32>} : memref<2x64x64xf32, #tpu.memory_space<vmem>>, vector<16xf32>,
        %sub3A_2713 = arith.subf %add3A_2708, %get3A_2712 : vector<16xf32>
        %abs3A_2714 = math.absf %sub3A_2713 : vector<16xf32>
        %get3A_2715 = arith.index_cast %add3A_2578 : i32 to index
        %get3A_2716 = arith.constant 48 : index
        %get3A_2717 = tpu.vector_load %arg19[%get3A_2715, %get3A_2716] {strides = array<i32>} : memref<64x64xf32, #tpu.memory_space<vmem>>, vector<16xf32>,
        %add3A_2718 = arith.addf %get3A_2717, %gather3A_2701 : vector<16xf32>
        %get3A_2719 = arith.index_cast %rem3A_182 : i32 to index
        %get3A_2720 = arith.index_cast %add3A_2578 : i32 to index
        %get3A_2721 = arith.constant 48 : index
        %get3A_2722 = tpu.vector_load %arg21[%get3A_2719, %get3A_2720, %get3A_2721] {strides = array<i32>} : memref<2x64x64xf32, #tpu.memory_space<vmem>>, vector<16xf32>,
        %sub3A_2723 = arith.subf %add3A_2718, %get3A_2722 : vector<16xf32>
        %abs3A_2724 = math.absf %sub3A_2723 : vector<16xf32>
        %sub3A_2725 = arith.subf %abs3A_2714, %abs3A_2724 : vector<16xf32>
        %add3A_2726 = arith.addf %add3A_2656, %sub3A_2725 : vector<16xf32>
        %add3A_2727 = arith.addf %add3A_2691, %add3A_2726 : vector<16xf32>
        %swap3A_2728 = arith.constant 240 : index
        %swap3A_2729 = tpu.vector_load %arg25[%swap3A_2728] {strides = array<i32>} : memref<256xf32, #tpu.memory_space<vmem>>, vector<16xf32>,
        tpu.vector_store %arg25[%swap3A_2728], %add3A_2727 {strides = array<i32>} : memref<256xf32, #tpu.memory_space<vmem>>, vector<16xf32>,
        %broadcast_in_dim3A_2730 = arith.constant 0.000000e+00 : f32
        %broadcast_in_dim3A_2731 = vector.broadcast %broadcast_in_dim3A_2730 : f32 to vector<16xf32>
        %mul3A_2732 = arith.constant 16 : i32
        %mul3A_2733 = vector.broadcast %mul3A_2732 : i32 to vector<16xi32>
        %mul3A_2734 = arith.muli %iota3A, %mul3A_2733 : vector<16xi32>
        %add3A_2735 = arith.constant 0 : i32
        %add3A_2736 = vector.broadcast %add3A_2735 : i32 to vector<16xi32>
        %add3A_2737 = arith.addi %mul3A_2734, %add3A_2736 : vector<16xi32>
        %gather3A_2738 = tpu.vector_load_idx %arg25[%add3A_2737] : memref<256xf32, #tpu.memory_space<vmem>>[vector<16xi32>], vector<16xf32>,
        %add3A_2739 = arith.addf %broadcast_in_dim3A_2731, %gather3A_2738 : vector<16xf32>
        %mul3A_2740 = arith.constant 16 : i32
        %mul3A_2741 = vector.broadcast %mul3A_2740 : i32 to vector<16xi32>
        %mul3A_2742 = arith.muli %iota3A, %mul3A_2741 : vector<16xi32>
        %add3A_2743 = arith.constant 1 : i32
        %add3A_2744 = vector.broadcast %add3A_2743 : i32 to vector<16xi32>
        %add3A_2745 = arith.addi %mul3A_2742, %add3A_2744 : vector<16xi32>
        %gather3A_2746 = tpu.vector_load_idx %arg25[%add3A_2745] : memref<256xf32, #tpu.memory_space<vmem>>[vector<16xi32>], vector<16xf32>,
        %add3A_2747 = arith.addf %add3A_2739, %gather3A_2746 : vector<16xf32>
        %mul3A_2748 = arith.constant 16 : i32
        %mul3A_2749 = vector.broadcast %mul3A_2748 : i32 to vector<16xi32>
        %mul3A_2750 = arith.muli %iota3A, %mul3A_2749 : vector<16xi32>
        %add3A_2751 = arith.constant 2 : i32
        %add3A_2752 = vector.broadcast %add3A_2751 : i32 to vector<16xi32>
        %add3A_2753 = arith.addi %mul3A_2750, %add3A_2752 : vector<16xi32>
        %gather3A_2754 = tpu.vector_load_idx %arg25[%add3A_2753] : memref<256xf32, #tpu.memory_space<vmem>>[vector<16xi32>], vector<16xf32>,
        %add3A_2755 = arith.addf %add3A_2747, %gather3A_2754 : vector<16xf32>
        %mul3A_2756 = arith.constant 16 : i32
        %mul3A_2757 = vector.broadcast %mul3A_2756 : i32 to vector<16xi32>
        %mul3A_2758 = arith.muli %iota3A, %mul3A_2757 : vector<16xi32>
        %add3A_2759 = arith.constant 3 : i32
        %add3A_2760 = vector.broadcast %add3A_2759 : i32 to vector<16xi32>
        %add3A_2761 = arith.addi %mul3A_2758, %add3A_2760 : vector<16xi32>
        %gather3A_2762 = tpu.vector_load_idx %arg25[%add3A_2761] : memref<256xf32, #tpu.memory_space<vmem>>[vector<16xi32>], vector<16xf32>,
        %add3A_2763 = arith.addf %add3A_2755, %gather3A_2762 : vector<16xf32>
        %mul3A_2764 = arith.constant 16 : i32
        %mul3A_2765 = vector.broadcast %mul3A_2764 : i32 to vector<16xi32>
        %mul3A_2766 = arith.muli %iota3A, %mul3A_2765 : vector<16xi32>
        %add3A_2767 = arith.constant 4 : i32
        %add3A_2768 = vector.broadcast %add3A_2767 : i32 to vector<16xi32>
        %add3A_2769 = arith.addi %mul3A_2766, %add3A_2768 : vector<16xi32>
        %gather3A_2770 = tpu.vector_load_idx %arg25[%add3A_2769] : memref<256xf32, #tpu.memory_space<vmem>>[vector<16xi32>], vector<16xf32>,
        %add3A_2771 = arith.addf %add3A_2763, %gather3A_2770 : vector<16xf32>
        %mul3A_2772 = arith.constant 16 : i32
        %mul3A_2773 = vector.broadcast %mul3A_2772 : i32 to vector<16xi32>
        %mul3A_2774 = arith.muli %iota3A, %mul3A_2773 : vector<16xi32>
        %add3A_2775 = arith.constant 5 : i32
        %add3A_2776 = vector.broadcast %add3A_2775 : i32 to vector<16xi32>
        %add3A_2777 = arith.addi %mul3A_2774, %add3A_2776 : vector<16xi32>
        %gather3A_2778 = tpu.vector_load_idx %arg25[%add3A_2777] : memref<256xf32, #tpu.memory_space<vmem>>[vector<16xi32>], vector<16xf32>,
        %add3A_2779 = arith.addf %add3A_2771, %gather3A_2778 : vector<16xf32>
        %mul3A_2780 = arith.constant 16 : i32
        %mul3A_2781 = vector.broadcast %mul3A_2780 : i32 to vector<16xi32>
        %mul3A_2782 = arith.muli %iota3A, %mul3A_2781 : vector<16xi32>
        %add3A_2783 = arith.constant 6 : i32
        %add3A_2784 = vector.broadcast %add3A_2783 : i32 to vector<16xi32>
        %add3A_2785 = arith.addi %mul3A_2782, %add3A_2784 : vector<16xi32>
        %gather3A_2786 = tpu.vector_load_idx %arg25[%add3A_2785] : memref<256xf32, #tpu.memory_space<vmem>>[vector<16xi32>], vector<16xf32>,
        %add3A_2787 = arith.addf %add3A_2779, %gather3A_2786 : vector<16xf32>
        %mul3A_2788 = arith.constant 16 : i32
        %mul3A_2789 = vector.broadcast %mul3A_2788 : i32 to vector<16xi32>
        %mul3A_2790 = arith.muli %iota3A, %mul3A_2789 : vector<16xi32>
        %add3A_2791 = arith.constant 7 : i32
        %add3A_2792 = vector.broadcast %add3A_2791 : i32 to vector<16xi32>
        %add3A_2793 = arith.addi %mul3A_2790, %add3A_2792 : vector<16xi32>
        %gather3A_2794 = tpu.vector_load_idx %arg25[%add3A_2793] : memref<256xf32, #tpu.memory_space<vmem>>[vector<16xi32>], vector<16xf32>,
        %add3A_2795 = arith.addf %add3A_2787, %gather3A_2794 : vector<16xf32>
        %mul3A_2796 = arith.constant 16 : i32
        %mul3A_2797 = vector.broadcast %mul3A_2796 : i32 to vector<16xi32>
        %mul3A_2798 = arith.muli %iota3A, %mul3A_2797 : vector<16xi32>
        %add3A_2799 = arith.constant 8 : i32
        %add3A_2800 = vector.broadcast %add3A_2799 : i32 to vector<16xi32>
        %add3A_2801 = arith.addi %mul3A_2798, %add3A_2800 : vector<16xi32>
        %gather3A_2802 = tpu.vector_load_idx %arg25[%add3A_2801] : memref<256xf32, #tpu.memory_space<vmem>>[vector<16xi32>], vector<16xf32>,
        %add3A_2803 = arith.addf %add3A_2795, %gather3A_2802 : vector<16xf32>
        %mul3A_2804 = arith.constant 16 : i32
        %mul3A_2805 = vector.broadcast %mul3A_2804 : i32 to vector<16xi32>
        %mul3A_2806 = arith.muli %iota3A, %mul3A_2805 : vector<16xi32>
        %add3A_2807 = arith.constant 9 : i32
        %add3A_2808 = vector.broadcast %add3A_2807 : i32 to vector<16xi32>
        %add3A_2809 = arith.addi %mul3A_2806, %add3A_2808 : vector<16xi32>
        %gather3A_2810 = tpu.vector_load_idx %arg25[%add3A_2809] : memref<256xf32, #tpu.memory_space<vmem>>[vector<16xi32>], vector<16xf32>,
        %add3A_2811 = arith.addf %add3A_2803, %gather3A_2810 : vector<16xf32>
        %mul3A_2812 = arith.constant 16 : i32
        %mul3A_2813 = vector.broadcast %mul3A_2812 : i32 to vector<16xi32>
        %mul3A_2814 = arith.muli %iota3A, %mul3A_2813 : vector<16xi32>
        %add3A_2815 = arith.constant 10 : i32
        %add3A_2816 = vector.broadcast %add3A_2815 : i32 to vector<16xi32>
        %add3A_2817 = arith.addi %mul3A_2814, %add3A_2816 : vector<16xi32>
        %gather3A_2818 = tpu.vector_load_idx %arg25[%add3A_2817] : memref<256xf32, #tpu.memory_space<vmem>>[vector<16xi32>], vector<16xf32>,
        %add3A_2819 = arith.addf %add3A_2811, %gather3A_2818 : vector<16xf32>
        %mul3A_2820 = arith.constant 16 : i32
        %mul3A_2821 = vector.broadcast %mul3A_2820 : i32 to vector<16xi32>
        %mul3A_2822 = arith.muli %iota3A, %mul3A_2821 : vector<16xi32>
        %add3A_2823 = arith.constant 11 : i32
        %add3A_2824 = vector.broadcast %add3A_2823 : i32 to vector<16xi32>
        %add3A_2825 = arith.addi %mul3A_2822, %add3A_2824 : vector<16xi32>
        %gather3A_2826 = tpu.vector_load_idx %arg25[%add3A_2825] : memref<256xf32, #tpu.memory_space<vmem>>[vector<16xi32>], vector<16xf32>,
        %add3A_2827 = arith.addf %add3A_2819, %gather3A_2826 : vector<16xf32>
        %mul3A_2828 = arith.constant 16 : i32
        %mul3A_2829 = vector.broadcast %mul3A_2828 : i32 to vector<16xi32>
        %mul3A_2830 = arith.muli %iota3A, %mul3A_2829 : vector<16xi32>
        %add3A_2831 = arith.constant 12 : i32
        %add3A_2832 = vector.broadcast %add3A_2831 : i32 to vector<16xi32>
        %add3A_2833 = arith.addi %mul3A_2830, %add3A_2832 : vector<16xi32>
        %gather3A_2834 = tpu.vector_load_idx %arg25[%add3A_2833] : memref<256xf32, #tpu.memory_space<vmem>>[vector<16xi32>], vector<16xf32>,
        %add3A_2835 = arith.addf %add3A_2827, %gather3A_2834 : vector<16xf32>
        %mul3A_2836 = arith.constant 16 : i32
        %mul3A_2837 = vector.broadcast %mul3A_2836 : i32 to vector<16xi32>
        %mul3A_2838 = arith.muli %iota3A, %mul3A_2837 : vector<16xi32>
        %add3A_2839 = arith.constant 13 : i32
        %add3A_2840 = vector.broadcast %add3A_2839 : i32 to vector<16xi32>
        %add3A_2841 = arith.addi %mul3A_2838, %add3A_2840 : vector<16xi32>
        %gather3A_2842 = tpu.vector_load_idx %arg25[%add3A_2841] : memref<256xf32, #tpu.memory_space<vmem>>[vector<16xi32>], vector<16xf32>,
        %add3A_2843 = arith.addf %add3A_2835, %gather3A_2842 : vector<16xf32>
        %mul3A_2844 = arith.constant 16 : i32
        %mul3A_2845 = vector.broadcast %mul3A_2844 : i32 to vector<16xi32>
        %mul3A_2846 = arith.muli %iota3A, %mul3A_2845 : vector<16xi32>
        %add3A_2847 = arith.constant 14 : i32
        %add3A_2848 = vector.broadcast %add3A_2847 : i32 to vector<16xi32>
        %add3A_2849 = arith.addi %mul3A_2846, %add3A_2848 : vector<16xi32>
        %gather3A_2850 = tpu.vector_load_idx %arg25[%add3A_2849] : memref<256xf32, #tpu.memory_space<vmem>>[vector<16xi32>], vector<16xf32>,
        %add3A_2851 = arith.addf %add3A_2843, %gather3A_2850 : vector<16xf32>
        %mul3A_2852 = arith.constant 16 : i32
        %mul3A_2853 = vector.broadcast %mul3A_2852 : i32 to vector<16xi32>
        %mul3A_2854 = arith.muli %iota3A, %mul3A_2853 : vector<16xi32>
        %add3A_2855 = arith.constant 15 : i32
        %add3A_2856 = vector.broadcast %add3A_2855 : i32 to vector<16xi32>
        %add3A_2857 = arith.addi %mul3A_2854, %add3A_2856 : vector<16xi32>
        %gather3A_2858 = tpu.vector_load_idx %arg25[%add3A_2857] : memref<256xf32, #tpu.memory_space<vmem>>[vector<16xi32>], vector<16xf32>,
        %add3A_2859 = arith.addf %add3A_2851, %gather3A_2858 : vector<16xf32>
        %get3A_2860 = arith.index_cast %rem3A_182 : i32 to index
        %get3A_2861 = arith.index_cast %mul3A_245 : i32 to index
        %get3A_2862 = tpu.vector_load %arg17[%get3A_2860, %get3A_2861] {strides = array<i32>} : memref<2x64xf32, #tpu.memory_space<vmem>>, vector<16xf32>,
        %mul3A_2863 = arith.mulf %get3A_2862, %add3A_2859 : vector<16xf32>
        %add3A_2864 = arith.constant 1.000000e+00 : f32
        %add3A_2865 = vector.broadcast %add3A_2864 : f32 to vector<16xf32>
        %add3A_2866 = arith.addf %mul3A_2863, %add3A_2865 : vector<16xf32>
        %max3A = arith.constant 0.000000e+00 : f32
        %max3A_2867 = vector.broadcast %max3A : f32 to vector<16xf32>
        %max3A_2868 = arith.maximumf %add3A_2866, %max3A_2867 : vector<16xf32>
        %mul3A_2869 = arith.constant 64 : i32
        %mul3A_2870 = arith.muli %scan3A_181, %mul3A_2869 : i32
        %mul3A_2871 = arith.constant 16 : i32
        %mul3A_2872 = arith.muli %scan3A_243, %mul3A_2871 : i32
        %add3A_2873 = arith.addi %mul3A_2870, %mul3A_2872 : i32
        %swap3A_2874 = arith.index_cast %add3A_2873 : i32 to index
        %swap3A_2875 = tpu.vector_load %arg24[%swap3A_2874] {strides = array<i32>} : memref<2560xf32, #tpu.memory_space<vmem>>, vector<16xf32>,
        tpu.vector_store %arg24[%swap3A_2874], %max3A_2868 {strides = array<i32>} : memref<2560xf32, #tpu.memory_space<vmem>>, vector<16xf32>,
      }
      %scan3A_224 = arith.constant 4 : i32
      %dma_start3A_225 = arith.constant 0 : i32
      %dma_start3A_226 = tpu.memref_slice %arg12[%add3A_185, %dma_start3A_225] : memref<81920x64xf32, #tpu.memory_space<hbm>> -> memref<64x64xf32, #tpu.memory_space<hbm>>
      %dma_start3A_227 = arith.constant 0 : i32
      %dma_start3A_228 = tpu.memref_slice %arg12[%add3A_185, %dma_start3A_227] : memref<81920x64xf32, #tpu.memory_space<hbm>> -> memref<64x64xf32, #tpu.memory_space<hbm>>
      tpu.enqueue_dma source(%arg22 : memref<64x64xf32, #tpu.memory_space<vmem>>) target(%dma_start3A_228 : memref<64x64xf32, #tpu.memory_space<hbm>>) target_semaphore(%arg29 : memref<!tpu.dma_semaphore, #tpu.memory_space<semaphore_mem>>)
      %add3A_229 = arith.constant 1 : i32
      %add3A_230 = arith.addi %scan3A_181, %add3A_229 : i32
      %lt3A_231 = arith.constant 40 : i32
      %lt3A_232 = arith.cmpi slt, %add3A_230, %lt3A_231 : i32
      %convert_element_type3A_233 = arith.extui %lt3A_232 : i1 to i32
      %cond3A_234 = arith.constant 0 : i32
      %cond3A_235 = arith.cmpi ne, %convert_element_type3A_233, %cond3A_234 : i32
      scf.if %cond3A_235 {
        %add3A_243 = arith.constant 1 : i32
        %add3A_244 = arith.addi %scan3A_181, %add3A_243 : i32
        %mul3A_245 = arith.constant 64 : i32
        %mul3A_246 = arith.muli %add3A_244, %mul3A_245 : i32
        %add3A_247 = arith.addi %mul3A_2, %mul3A_246 : i32
        %dma_start3A_248 = arith.constant 0 : i32
        %dma_start3A_249 = tpu.memref_slice %arg2[%add3A_247, %dma_start3A_248] : memref<81920x64xf32, #tpu.memory_space<hbm>> -> memref<64x64xf32, #tpu.memory_space<hbm>>
        %dma_start3A_250 = arith.constant 0 : i32
        %dma_start3A_251 = tpu.memref_slice %arg2[%add3A_247, %dma_start3A_250] : memref<81920x64xf32, #tpu.memory_space<hbm>> -> memref<64x64xf32, #tpu.memory_space<hbm>>
        tpu.enqueue_dma source(%dma_start3A_251 : memref<64x64xf32, #tpu.memory_space<hbm>>) target(%arg18 : memref<64x64xf32, #tpu.memory_space<vmem>>) target_semaphore(%arg27 : memref<!tpu.dma_semaphore, #tpu.memory_space<semaphore_mem>>)
        %dma_start3A_252 = arith.constant 0 : i32
        %dma_start3A_253 = tpu.memref_slice %arg3[%add3A_247, %dma_start3A_252] : memref<81920x64xf32, #tpu.memory_space<hbm>> -> memref<64x64xf32, #tpu.memory_space<hbm>>
        %dma_start3A_254 = arith.constant 0 : i32
        %dma_start3A_255 = tpu.memref_slice %arg3[%add3A_247, %dma_start3A_254] : memref<81920x64xf32, #tpu.memory_space<hbm>> -> memref<64x64xf32, #tpu.memory_space<hbm>>
        tpu.enqueue_dma source(%dma_start3A_255 : memref<64x64xf32, #tpu.memory_space<hbm>>) target(%arg19 : memref<64x64xf32, #tpu.memory_space<vmem>>) target_semaphore(%arg27 : memref<!tpu.dma_semaphore, #tpu.memory_space<semaphore_mem>>)
      } else {
      }
      %add3A_236 = arith.constant 2 : i32
      %add3A_237 = arith.addi %scan3A_181, %add3A_236 : i32
      %lt3A_238 = arith.constant 40 : i32
      %lt3A_239 = arith.cmpi slt, %add3A_237, %lt3A_238 : i32
      %convert_element_type3A_240 = arith.extui %lt3A_239 : i1 to i32
      %cond3A_241 = arith.constant 0 : i32
      %cond3A_242 = arith.cmpi ne, %convert_element_type3A_240, %cond3A_241 : i32
      scf.if %cond3A_242 {
        %add3A_243 = arith.constant 2 : i32
        %add3A_244 = arith.addi %scan3A_181, %add3A_243 : i32
        %mul3A_245 = arith.constant 64 : i32
        %mul3A_246 = arith.muli %add3A_244, %mul3A_245 : i32
        %add3A_247 = arith.addi %mul3A_2, %mul3A_246 : i32
        %dma_start3A_248 = arith.constant 0 : i32
        %dma_start3A_249 = tpu.memref_slice %arg13[%rem3A_182, %dma_start3A_248] : memref<2x64xi32, #tpu.memory_space<vmem>> -> memref<1x64xi32, #tpu.memory_space<vmem>>
        %dma_start3A_250 = tpu.memref_squeeze %dma_start3A_249 : memref<1x64xi32, #tpu.memory_space<vmem>> -> memref<64xi32, #tpu.memory_space<vmem>>
        %dma_start3A_251 = tpu.memref_slice %arg4[%add3A_247] : memref<81920xi32, #tpu.memory_space<hbm>> -> memref<64xi32, #tpu.memory_space<hbm>>
        %dma_start3A_252 = arith.constant 0 : i32
        %dma_start3A_253 = tpu.memref_slice %arg13[%rem3A_182, %dma_start3A_252] : memref<2x64xi32, #tpu.memory_space<vmem>> -> memref<1x64xi32, #tpu.memory_space<vmem>>
        %dma_start3A_254 = tpu.memref_squeeze %dma_start3A_253 : memref<1x64xi32, #tpu.memory_space<vmem>> -> memref<64xi32, #tpu.memory_space<vmem>>
        %dma_start3A_255 = tpu.memref_slice %arg4[%add3A_247] : memref<81920xi32, #tpu.memory_space<hbm>> -> memref<64xi32, #tpu.memory_space<hbm>>
        tpu.enqueue_dma source(%dma_start3A_255 : memref<64xi32, #tpu.memory_space<hbm>>) target(%dma_start3A_254 : memref<64xi32, #tpu.memory_space<vmem>>) target_semaphore(%arg26 : memref<!tpu.dma_semaphore, #tpu.memory_space<semaphore_mem>>)
        %dma_start3A_256 = arith.constant 0 : i32
        %dma_start3A_257 = tpu.memref_slice %arg14[%rem3A_182, %dma_start3A_256] : memref<2x64xi32, #tpu.memory_space<vmem>> -> memref<1x64xi32, #tpu.memory_space<vmem>>
        %dma_start3A_258 = tpu.memref_squeeze %dma_start3A_257 : memref<1x64xi32, #tpu.memory_space<vmem>> -> memref<64xi32, #tpu.memory_space<vmem>>
        %dma_start3A_259 = tpu.memref_slice %arg5[%add3A_247] : memref<81920xi32, #tpu.memory_space<hbm>> -> memref<64xi32, #tpu.memory_space<hbm>>
        %dma_start3A_260 = arith.constant 0 : i32
        %dma_start3A_261 = tpu.memref_slice %arg14[%rem3A_182, %dma_start3A_260] : memref<2x64xi32, #tpu.memory_space<vmem>> -> memref<1x64xi32, #tpu.memory_space<vmem>>
        %dma_start3A_262 = tpu.memref_squeeze %dma_start3A_261 : memref<1x64xi32, #tpu.memory_space<vmem>> -> memref<64xi32, #tpu.memory_space<vmem>>
        %dma_start3A_263 = tpu.memref_slice %arg5[%add3A_247] : memref<81920xi32, #tpu.memory_space<hbm>> -> memref<64xi32, #tpu.memory_space<hbm>>
        tpu.enqueue_dma source(%dma_start3A_263 : memref<64xi32, #tpu.memory_space<hbm>>) target(%dma_start3A_262 : memref<64xi32, #tpu.memory_space<vmem>>) target_semaphore(%arg26 : memref<!tpu.dma_semaphore, #tpu.memory_space<semaphore_mem>>)
        %dma_start3A_264 = arith.constant 0 : i32
        %dma_start3A_265 = tpu.memref_slice %arg15[%rem3A_182, %dma_start3A_264] : memref<2x64xi32, #tpu.memory_space<vmem>> -> memref<1x64xi32, #tpu.memory_space<vmem>>
        %dma_start3A_266 = tpu.memref_squeeze %dma_start3A_265 : memref<1x64xi32, #tpu.memory_space<vmem>> -> memref<64xi32, #tpu.memory_space<vmem>>
        %dma_start3A_267 = tpu.memref_slice %arg6[%add3A_247] : memref<81920xi32, #tpu.memory_space<hbm>> -> memref<64xi32, #tpu.memory_space<hbm>>
        %dma_start3A_268 = arith.constant 0 : i32
        %dma_start3A_269 = tpu.memref_slice %arg15[%rem3A_182, %dma_start3A_268] : memref<2x64xi32, #tpu.memory_space<vmem>> -> memref<1x64xi32, #tpu.memory_space<vmem>>
        %dma_start3A_270 = tpu.memref_squeeze %dma_start3A_269 : memref<1x64xi32, #tpu.memory_space<vmem>> -> memref<64xi32, #tpu.memory_space<vmem>>
        %dma_start3A_271 = tpu.memref_slice %arg6[%add3A_247] : memref<81920xi32, #tpu.memory_space<hbm>> -> memref<64xi32, #tpu.memory_space<hbm>>
        tpu.enqueue_dma source(%dma_start3A_271 : memref<64xi32, #tpu.memory_space<hbm>>) target(%dma_start3A_270 : memref<64xi32, #tpu.memory_space<vmem>>) target_semaphore(%arg26 : memref<!tpu.dma_semaphore, #tpu.memory_space<semaphore_mem>>)
        %dma_start3A_272 = arith.constant 0 : i32
        %dma_start3A_273 = tpu.memref_slice %arg16[%rem3A_182, %dma_start3A_272] : memref<2x64xi32, #tpu.memory_space<vmem>> -> memref<1x64xi32, #tpu.memory_space<vmem>>
        %dma_start3A_274 = tpu.memref_squeeze %dma_start3A_273 : memref<1x64xi32, #tpu.memory_space<vmem>> -> memref<64xi32, #tpu.memory_space<vmem>>
        %dma_start3A_275 = tpu.memref_slice %arg7[%add3A_247] : memref<81920xi32, #tpu.memory_space<hbm>> -> memref<64xi32, #tpu.memory_space<hbm>>
        %dma_start3A_276 = arith.constant 0 : i32
        %dma_start3A_277 = tpu.memref_slice %arg16[%rem3A_182, %dma_start3A_276] : memref<2x64xi32, #tpu.memory_space<vmem>> -> memref<1x64xi32, #tpu.memory_space<vmem>>
        %dma_start3A_278 = tpu.memref_squeeze %dma_start3A_277 : memref<1x64xi32, #tpu.memory_space<vmem>> -> memref<64xi32, #tpu.memory_space<vmem>>
        %dma_start3A_279 = tpu.memref_slice %arg7[%add3A_247] : memref<81920xi32, #tpu.memory_space<hbm>> -> memref<64xi32, #tpu.memory_space<hbm>>
        tpu.enqueue_dma source(%dma_start3A_279 : memref<64xi32, #tpu.memory_space<hbm>>) target(%dma_start3A_278 : memref<64xi32, #tpu.memory_space<vmem>>) target_semaphore(%arg26 : memref<!tpu.dma_semaphore, #tpu.memory_space<semaphore_mem>>)
        %dma_start3A_280 = arith.constant 0 : i32
        %dma_start3A_281 = tpu.memref_slice %arg17[%rem3A_182, %dma_start3A_280] : memref<2x64xf32, #tpu.memory_space<vmem>> -> memref<1x64xf32, #tpu.memory_space<vmem>>
        %dma_start3A_282 = tpu.memref_squeeze %dma_start3A_281 : memref<1x64xf32, #tpu.memory_space<vmem>> -> memref<64xf32, #tpu.memory_space<vmem>>
        %dma_start3A_283 = tpu.memref_slice %arg8[%add3A_247] : memref<81920xf32, #tpu.memory_space<hbm>> -> memref<64xf32, #tpu.memory_space<hbm>>
        %dma_start3A_284 = arith.constant 0 : i32
        %dma_start3A_285 = tpu.memref_slice %arg17[%rem3A_182, %dma_start3A_284] : memref<2x64xf32, #tpu.memory_space<vmem>> -> memref<1x64xf32, #tpu.memory_space<vmem>>
        %dma_start3A_286 = tpu.memref_squeeze %dma_start3A_285 : memref<1x64xf32, #tpu.memory_space<vmem>> -> memref<64xf32, #tpu.memory_space<vmem>>
        %dma_start3A_287 = tpu.memref_slice %arg8[%add3A_247] : memref<81920xf32, #tpu.memory_space<hbm>> -> memref<64xf32, #tpu.memory_space<hbm>>
        tpu.enqueue_dma source(%dma_start3A_287 : memref<64xf32, #tpu.memory_space<hbm>>) target(%dma_start3A_286 : memref<64xf32, #tpu.memory_space<vmem>>) target_semaphore(%arg26 : memref<!tpu.dma_semaphore, #tpu.memory_space<semaphore_mem>>)
      } else {
      }
    }
    %scan3A_170 = arith.constant 40 : i32
    %dma_wait3A_171 = arith.constant 0 : i32
    %dma_wait3A_172 = arith.constant 0 : i32
    %dma_wait3A_173 = tpu.memref_slice %arg12[%dma_wait3A_171, %dma_wait3A_172] : memref<81920x64xf32, #tpu.memory_space<hbm>> -> memref<64x64xf32, #tpu.memory_space<hbm>>
    %dma_wait3A_174 = arith.constant 0 : i32
    %dma_wait3A_175 = arith.constant 0 : i32
    %dma_wait3A_176 = tpu.memref_slice %arg12[%dma_wait3A_174, %dma_wait3A_175] : memref<81920x64xf32, #tpu.memory_space<hbm>> -> memref<64x64xf32, #tpu.memory_space<hbm>>
    tpu.wait_dma2 semaphore(%arg29 : memref<!tpu.dma_semaphore, #tpu.memory_space<semaphore_mem>>) src(%dma_wait3A_176 : memref<64x64xf32, #tpu.memory_space<hbm>>) dst(%arg22 : memref<64x64xf32, #tpu.memory_space<vmem>>)
    %dma_start3A_177 = tpu.memref_slice %arg11[%mul3A_2] : memref<81920xf32, #tpu.memory_space<hbm>> -> memref<2560xf32, #tpu.memory_space<hbm>>
    %dma_start3A_178 = tpu.memref_slice %arg11[%mul3A_2] : memref<81920xf32, #tpu.memory_space<hbm>> -> memref<2560xf32, #tpu.memory_space<hbm>>
    tpu.enqueue_dma source(%arg24 : memref<2560xf32, #tpu.memory_space<vmem>>) target(%dma_start3A_178 : memref<2560xf32, #tpu.memory_space<hbm>>) target_semaphore(%arg29 : memref<!tpu.dma_semaphore, #tpu.memory_space<semaphore_mem>>)
    %dma_wait3A_179 = tpu.memref_slice %arg11[%mul3A_2] : memref<81920xf32, #tpu.memory_space<hbm>> -> memref<2560xf32, #tpu.memory_space<hbm>>
    %dma_wait3A_180 = tpu.memref_slice %arg11[%mul3A_2] : memref<81920xf32, #tpu.memory_space<hbm>> -> memref<2560xf32, #tpu.memory_space<hbm>>
    tpu.wait_dma2 semaphore(%arg29 : memref<!tpu.dma_semaphore, #tpu.memory_space<semaphore_mem>>) src(%arg24 : memref<2560xf32, #tpu.memory_space<vmem>>) dst(%dma_wait3A_180 : memref<2560xf32, #tpu.memory_space<hbm>>)
    return
  }
}

</mosaic_0001>

<sc_bundles>
// kernel: kernel.3.cloned.1.call-start
scs
__scs_entry_jumppad:
0x0: {  	(pc) =	sbr.rel $0x88, $3  }
0x1: {  	(tag) =	ssettag $0x0;
	lr =	simm.s32 $0x1  }
0x2: {  	[smem:$0x3F98] =	sst lr;
	_ =	strace $0xD0000000  }
0x3: {  	_ = 	snop  }
0x4: {  	_ = 	snop  }
0x5: {  	_ = 	snop  }
0x6: {  	_ = 	snop  }
0x7: {  	_ = 	snop  }
__scs_overlays_trampoline_lowered:
0x8: {  	[smem:$0x3FA7] =	sst s0  }
0x9: {  	[smem:$0x3FA8] =	sst s1  }
0xa: {  	[smem:$0x3FA9] =	sst s2  }
0xb: {  	[smem:$0x3FAA] =	sst s3  }
0xc: {  	[smem:$0x3FAB] =	sst s4  }
0xd: {  	[smem:$0x3FAC] =	sst s5  }
0xe: {  	[smem:$0x3FAD] =	sst s6  }
0xf: {  	[smem:$0x3FAE] =	sst s7  }
0x10: {  	[smem:$0x3FAF] =	sst s8  }
0x11: {  	[smem:$0x3FB0] =	sst s9;
	s0 =	simm.s32 @!p0 $0x0  }
0x12: {  	s1 =	sld [smem:$0x3F96];
	s0 =	simm.s32 @p0 $0x1  }
0x13: {  	[smem:$0x3FB1] =	sst s0;
	s0 =	simm.s32 @!p1 $0x0  }
0x14: {  	s2 =	sld [smem:$0x3F95];
	s0 =	simm.s32 @p1 $0x1  }
0x15: {  	[smem:$0x3FB2] =	sst s0;
	s0 =	simm.s32 @!p2 $0x0  }
0x16: {  	s3 =	sld [smem:$0x3FDB];
	s0 =	simm.s32 @p2 $0x1  }
0x17: {  	s4 =	simm.s32 $0x1BF5;
	[smem:$0x3FB4] =	sst s0  }
0x18: {  	s0 =	sld [smem:$0x3F97];
	_ =	swait.ge [sflag:s4], $0x0  }
0x19: {  	s7 =	sld [smem:$0x3F98]  }
0x1a: {  	s8 =	sadd.s32 $0xFFFFE003, lr  }
0x1b: {  	s9 =	sadd.s32 $0xFFFFFEF7, lr;
	s5 =	simm.s32 $0xFFFFFFFF;
	p2 =	slt.u32 s8, $0xFFFFF086  }
0x1c: {  	p1 =	slt.u32 s9, $0xF7A;
	s5 =	simm.s32 @!p2 $0x0  }
0x1d: {  	s5 =	simm.s32 @p1 $0x1;
	p0 =	seq.s32 s7, s2  }
0x1e: {  	s7 =	smul.u32 @!p0 $0xF7A, s2;
	p2 =	seq.s32 @!p0 s5, $0x0  }
0x1f: {  	s9 =	smul.u32 $0xF7A, s1;
	s8 =	simm.s32 @!p0 $0x1BF5;
	p2 =	por !p2, p0  }
0x20: {  	[sflag:s8] =	ssyncset.s32 @!p0 $0xFFFFF086;
	s6 =	sadd.s32 @!p0 s3, s7;
	s7 =	simm.s32 @!p0 $0x108  }
0x21: {  	s3 =	sadd.s32 s3, s9;
	s6 =	sadd.s32 @!p0 $0x88, s6;
	s7 =	simm.s32 @p2 $0x1082  }
0x22: {  	[simem:s7], [sflag:s8] =	dma.local @!p0 [hbm:s6], $0xF7A  }
0x23: {  	s9 =	sor.u32 $0xD0000000, s2;
	s6 =	simm.s32 $0x108;
	_ =	swait.ge @!p0 [sflag:s8], $0x0  }
0x24: {  	s3 =	sadd.s32 $0x88, s3;
	s6 =	simm.s32 @!p1 $0x1082;
	[sflag:s4] =	ssyncset.s32 $0xFFFFF086  }
0x25: {  	[simem:s6], [sflag:s4] =	dma.local [hbm:s3], $0xF7A  }
0x26: {  	[smem:$0x3F98] =	sst s1;
	(tag) =	ssettag s2;
	_ =	strace s9  }
0x27: {  	s1 =	sld [smem:$0x3FA8]  }
0x28: {  	s2 =	sld [smem:$0x3FA9]  }
0x29: {  	s4 =	sld [smem:$0x3FAB]  }
0x2a: {  	p0 =	seq.s32 s5, $0x0;
	s5 =	sld [smem:$0x3FAC]  }
0x2b: {  	s6 =	sld [smem:$0x3FAD]  }
0x2c: {  	s7 =	sld [smem:$0x3FAE]  }
0x2d: {  	s3 =	simm.s32 $0x108;
	s8 =	sld [smem:$0x3FAF]  }
0x2e: {  	s3 =	simm.s32 @!p0 $0x1082;
	s9 =	sld [smem:$0x3FB0]  }
0x2f: {  	lr =	sadd.s32 s0, s3;
	s0 =	sld [smem:$0x3FA7]  }
0x30: {  	s3 =	sld [smem:$0x3FAA]  }
0x31: {  	[smem:$0x3FB3] =	sst s10  }
0x32: {  	s10 =	sld [smem:$0x3FB1];
	_ =	sdelay $0x3  }
0x33: {  	p0 =	seq.s32 s10, $0x1;
	s10 =	sld [smem:$0x3FB3];
	_ =	sdelay $0x3  }
0x34: {  	[smem:$0x3FB3] =	sst s10  }
0x35: {  	s10 =	sld [smem:$0x3FB2];
	_ =	sdelay $0x3  }
0x36: {  	p1 =	seq.s32 s10, $0x1;
	s10 =	sld [smem:$0x3FB3];
	_ =	sdelay $0x3  }
0x37: {  	[smem:$0x3FB3] =	sst s10  }
0x38: {  	s10 =	sld [smem:$0x3FB4]  }
0x39: {  	_ = 	snop;
	(pc) =	sbr.ind lr, $3  }
0x3a: {  	_ = 	snop  }
0x3b: {  	_ = 	snop  }
0x3c: {  	p2 =	seq.s32 s10, $0x1;
	s10 =	sld [smem:$0x3FB3]  }
0x3d: {  	_ =	shalt  }
0x3e: {  	_ =	shalt  }
0x3f: {  	_ =	shalt  }
0x40: {  	_ =	shalt  }
0x41: {  	_ =	shalt  }
0x42: {  	_ =	shalt  }
0x43: {  	_ =	shalt  }
0x44: {  	_ =	shalt  }
0x45: {  	_ =	shalt  }
0x46: {  	_ =	shalt  }
0x47: {  	_ =	shalt  }
0x48: {  	_ =	shalt  }
0x49: {  	_ =	shalt  }
0x4a: {  	_ =	shalt  }
0x4b: {  	_ =	shalt  }
0x4c: {  	_ =	shalt  }
0x4d: {  	_ =	shalt  }
0x4e: {  	_ =	shalt  }
0x4f: {  	_ =	shalt  }
0x50: {  	_ =	shalt  }
0x51: {  	_ =	shalt  }
0x52: {  	_ =	shalt  }
0x53: {  	_ =	shalt  }
0x54: {  	_ =	shalt  }
0x55: {  	_ =	shalt  }
0x56: {  	_ =	shalt  }
0x57: {  	_ =	shalt  }
0x58: {  	_ =	shalt  }
0x59: {  	_ =	shalt  }
0x5a: {  	_ =	shalt  }
0x5b: {  	_ =	shalt  }
0x5c: {  	_ =	shalt  }
0x5d: {  	_ =	shalt  }
0x5e: {  	_ =	shalt  }
0x5f: {  	_ =	shalt  }
0x60: {  	_ =	shalt  }
0x61: {  	_ =	shalt  }
0x62: {  	_ =	shalt  }
0x63: {  	_ =	shalt  }
0x64: {  	_ =	shalt  }
0x65: {  	_ =	shalt  }
0x66: {  	_ =	shalt  }
0x67: {  	_ =	shalt  }
0x68: {  	_ =	shalt  }
0x69: {  	_ =	shalt  }
0x6a: {  	_ =	shalt  }
0x6b: {  	_ =	shalt  }
0x6c: {  	_ =	shalt  }
0x6d: {  	_ =	shalt  }
0x6e: {  	_ =	shalt  }
0x6f: {  	_ =	shalt  }
0x70: {  	_ =	shalt  }
0x71: {  	_ =	shalt  }
0x72: {  	_ =	shalt  }
0x73: {  	_ =	shalt  }
0x74: {  	_ =	shalt  }
0x75: {  	_ =	shalt  }
0x76: {  	_ =	shalt  }
0x77: {  	_ =	shalt  }
0x78: {  	_ =	shalt  }
0x79: {  	_ =	shalt  }
0x7a: {  	_ =	shalt  }
0x7b: {  	_ =	shalt  }
0x7c: {  	_ =	shalt  }
0x7d: {  	_ =	shalt  }
0x7e: {  	_ =	shalt  }
0x7f: {  	_ =	shalt  }
0x80: {  	_ =	shalt  }
0x81: {  	_ =	shalt  }
0x82: {  	_ =	shalt  }
0x83: {  	_ =	shalt  }
0x84: {  	_ =	shalt  }
0x85: {  	_ =	shalt  }
0x86: {  	_ =	shalt  }
0x87: {  	_ =	shalt  }
.Lfunc_end0:
.L_simem_size_0:
called_computation_lowered:
.L_overlay_start_0:
0x88: {  	s2 =	sld [smem:$0x3FD9]  }
0x89: {  	s3 =	sld [smem:$0x3FFE];
	_ =	sdelay $0x1  }
0x8a: {  	s1 =	srdreg.scid  }
0x8b: {  	s0 =	sand.u32 $0x1, s1  }
0x8c: {  	s14 =	sshll.u32 s0, $0xA;
	s2 =	sadd.s32 s3, s2  }
0x8d: {  	s2 =	sadd.s32 s2, s14  }
0x8e: {  	[smem:$0x3FBF] =	sst s2  }
0x8f: {  	_ = 	snop  }
0x90: {  	s2 =	sld [smem:$0x3FD0];
	_ =	sdelay $0x2  }
0x91: {  	s15 =	simm.s32 $0xA;
	s4 =	simm.s32 $0x10  }
0x92: {  	[smem:s4], [sflag:s15] =	dma.local [hbm:s2], $0x1  }
0x93: {  	_ =	swait.eq [sflag:s15], $0x1  }
0x94: {  	[sflag:s15] =	ssyncset.done $0x0  }
0x95: {  	s16 =	sld [smem:$0x10];
	[sflag:s15] =	ssyncadd.s32 $0xFFFFFFFF  }
0x96: {  	s17 =	sld [smem:$0x11];
	(tm) =	ssettm $0x1  }
0x97: {  	s18 =	sld [smem:$0x3FFB];
	_ =	sdelay $0x3  }
0x98: {  	_ =	strace s18  }
0x99: {  	s4 =	sld [smem:$0x3FFC];
	_ =	sdelay $0x3  }
0x9a: {  	_ =	strace s4  }
0x9b: {  	s4 =	sld [smem:$0x3FFD];
	_ =	sdelay $0x3  }
0x9c: {  	_ =	strace s4  }
0x9d: {  	_ =	strace $0x8FFFFFFF  }
0x9e: {  	s19 =	sld [smem:$0x3FDB];
	_ =	sdelay $0x1  }
0x9f: {  	s5 =	simm.s32 $_scs_section_size  }
0xa0: {  	s6 =	simm.s32 $_size__tile_overlayer_lowered;
	s7 =	simm.s32 $_tile_overlayer_lowered  }
0xa1: {  	s22 =	simm.s32 $0x1BFF;
	s21 =	sshll.u32 s7, $0x1;
	s4 =	sadd.s32 s5, s19  }
0xa2: {  	s8 =	simm.s32 $0x0;
	s20 =	sshll.u32 s6, $0x1;
	s6 =	sadd.s32 s21, s4  }
0xa3: {  	[timem:s8], [sflag:s22] =	dma.local [hbm:s6], s20  }
0xa4: {  	_ =	swait.ge [sflag:s22], s20  }
0xa5: {  	s5 =	ssub.s32 $0x0, s20;
	[sflag:s22] =	ssyncset.done $0x0  }
0xa6: {  	[sflag:s22] =	ssyncadd.s32 s5;
	_ =	sdelay $0x1  }
0xa7: {  	s23 =	simm.s32 $0x1B8B  }
0xa8: {  	_ =	swait.ge [sflag:s23], $0x1  }
0xa9: {  	[sflag:s23] =	ssyncset.done $0x0  }
0xaa: {  	s25 =	simm.s32 $0x1B8E;
	s24 =	sld [smem:$0x3FFE];
	[sflag:s23] =	ssyncadd.s32 $0xFFFFFFFF  }
0xab: {  	s26 =	simm.s32 $execute0_lowered;
	[smem:$0x3FD2] =	sst s25  }
0xac: {  	s6 =	sshll.u32 s26, $0x1;
	_ =	strace $0x80000046;
	[dreg:$0x1] =	wrdreg $0xFFFFFFFF  }
0xad: {  	s28 =	simm.s32 $_size_execute0_lowered;
	s4 =	sadd.s32 s4, s6;
	[dreg:$0x0] =	wrdreg $0x0  }
0xae: {  	s6 =	sshll.u32 s28, $0x1;
	[dreg:$0x2] =	wrdreg s4  }
0xaf: {  	[dreg:$0x3] =	wrdreg s6  }
0xb0: {  	[dreg:$0x4] =	wrdreg $0xC0  }
0xb1: {  	_ =	task [dreg:s8], $0x5FFFF  }
0xb2: {  	[dreg:$0x1] =	wrdreg $0xFFFFFFFF  }
0xb3: {  	[dreg:$0x0] =	wrdreg $0x60  }
0xb4: {  	[dreg:$0x2] =	wrdreg s24  }
0xb5: {  	[dreg:$0x3] =	wrdreg s17  }
0xb6: {  	[dreg:$0x4] =	wrdreg s16  }
0xb7: {  	[dreg:$0x5] =	wrdreg $0x9  }
0xb8: {  	_ =	task.clear_ibuf [dreg:s8], $0x6FFFF;
	_ =	strace $0x90000046  }
0xb9: {  	s29 =	simm.s32 $0x9;
	_ =	strace $0x80000048  }
0xba: {  	_ =	swait.ge [sflag:s29], $0x1  }
0xbb: {  	[sflag:s29] =	ssyncadd.s32 $0xFFFFFFFF  }
0xbc: {  	_ =	strace $0x90000048  }
0xbd: {  	_ =	sfence  }
0xbe: {  	s30 =	sld [smem:$0x0];
	_ =	sdelay $0x2  }
0xbf: {  	s31 =	sshll.u32 s1, $0xD;
	s1 =	sshrl.u32 s1, $0x2  }
0xc0: {  	s3 =	sand.u32 $0x4000, s31;
	s1 =	sadd.s32 s1, s30  }
0xc1: {  	s0 =	sor.u32 s3, s0;
	s1 =	sshll.u32 s1, $0x11  }
0xc2: {  	s0 =	sor.u32 s1, s0  }
0xc3: {  	s0 =	sadd.s32 $0x8F2B, s0  }
0xc4: {  	[sflag:s0] =	ssyncadd.remote.s32 $0x1  }
0xc5: {  	_ =	sfence.sel $0xFFFF  }
0xc6: {  	[dreg:$0x0] =	wrdreg $0xFFFFFFFF;
	(pc) =	sbr.abs _section_cstart, $3  }
0xc7: {  	[dreg:$0x1] =	wrdreg $0xFFFFFFFF  }
0xc8: {  	_ =	task.clear_ibuf [dreg:s8], $0x2FFFF;
	_ =	strace $0x9FFFFFFF  }
0xc9: {  	(tm) =	ssettm $0x7FFFFFFF  }
tec
execute0_lowered:
.L_overlay_start_1:
0x0: {  	(tag) =	ssettag $0x1  }
0x1: {  	s0 =	rddreg [dreg:$0x0]  }
0x2: {  	s5 =	rddreg [dreg:$0x1];
	s21 =	simm.s32 $0x0  }
0x3: {  	[smem:$0x7FF] =	sst s21  }
0x4: {  	s1 =	rddreg [dreg:$0x2];
	s6 =	sadd.s32 $0x18DC00, s0;
	s7 =	sadd.s32 $0x2CDC00, s0  }
0x5: {  	s8 =	sadd.s32 $0x8C00, s0;
	s9 =	sadd.s32 $0x6400, s0;
	s10 =	sadd.s32 $0xB400, s0  }
0x6: {  	s11 =	sadd.s32 $0x3C00, s0;
	s4 =	sadd.s32 $0x1C00, s0;
	s12 =	sadd.s32 $0x40DC00, s0  }
0x7: {  	s0 =	sadd.s32 $0xDC00, s0;
	_ =	strace $0x80000047;
	[dreg:$0x1b] =	wrdreg s4  }
0x8: {  	s2 =	srdreg.scid;
	[dreg:$0x1c] =	wrdreg s0  }
0x9: {  	s3 =	stileid.u32;
	[dreg:$0x16] =	wrdreg s8  }
0xa: {  	s2 =	sand.u32 $0x1, s2;
	s3 =	sshll.u32 s3, $0x1;
	[dreg:$0x17] =	wrdreg s9  }
0xb: {  	s3 =	sor.u32 s2, s3;
	[dreg:$0x18] =	wrdreg s10  }
0xc: {  	[dreg:$0x19] =	wrdreg s11;
	s13 =	smul.u32 $0xA00, s3  }
0xd: {  	[dreg:$0x14] =	wrdreg s6;
	s30 =	smul.u32 $0x50000, s3  }
0xe: {  	[dreg:$0x15] =	wrdreg s7;
	s22 =	smul.u32 $0xA000, s3  }
0xf: {  	s2 =	ssub.s32 $0x2, s2;
	[smem:$0x7FB] =	sst s30  }
0x10: {  	s14 =	sshrl.u32 s2, $0x1;
	s28 =	sadd.s32 s6, s22;
	[dreg:$0x1a] =	wrdreg s13  }
0x11: {  	s0 =	ssub.s32 s2, s14;
	s29 =	sadd.s32 s7, s22;
	[smem:$0x7F9] =	sst s28  }
0x12: {  	s0 =	smax.u32 s0, $0x1;
	[smem:$0x7FA] =	sst s29  }
0x13: {  	s15 =	sshrl.u32 s13, $0x3;
	s31 =	sor.u32 $0x80, s13;
	[smem:$0x7FC] =	sst s0  }
0x14: {  	s16 =	sadd.s32 s5, s15;
	[smem:$0x7FD] =	sst s31  }
0x15: {  	s17 =	sadd.s32 s8, s15;
	[dreg:$0x1d] =	wrdreg s16  }
0x16: {  	s18 =	sadd.s32 s9, s15;
	[dreg:$0x1e] =	wrdreg s17  }
0x17: {  	s19 =	sadd.s32 s10, s15;
	[dreg:$0x1f] =	wrdreg s18  }
0x18: {  	v0 =	vlaneseq.u32;
	s14 =	sadd.s32 s11, s15;
	[smem:$0x7F1] =	sst s19  }
0x19: {  	v1 =	vmul.u32 $0x10, v0;
	s20 =	sor.u32 $0x8, s15;
	s1 =	sadd.s32 s1, s15;
	[smem:$0x7F2] =	sst s14  }
0x1a: {  	s5 =	sadd.s32 s5, s20;
	[smem:$0x7F4] =	sst s1  }
0x1b: {  	v2 =	vor.u32 $0x1, v1;
	v3 =	vor.u32 $0x2, v1;
	v4 =	vor.u32 $0x3, v1;
	s23 =	sadd.s32 s8, s20;
	[smem:$0x7F3] =	sst s5  }
0x1c: {  	v5 =	vor.u32 $0x4, v1;
	v6 =	vor.u32 $0x5, v1;
	v7 =	vor.u32 $0x6, v1;
	s24 =	sadd.s32 s9, s20;
	[smem:$0x7F5] =	sst s23  }
0x1d: {  	v8 =	vor.u32 $0x7, v1;
	v9 =	vor.u32 $0x8, v1;
	v10 =	vor.u32 $0x9, v1;
	s25 =	sadd.s32 s10, s20;
	[smem:$0x7F6] =	sst s24  }
0x1e: {  	v11 =	vor.u32 $0xA, v1;
	v12 =	vor.u32 $0xB, v1;
	v13 =	vor.u32 $0xC, v1;
	s26 =	sadd.s32 s11, s20;
	[smem:$0x7F7] =	sst s25  }
0x1f: {  	v14 =	vor.u32 $0xD, v1;
	v15 =	vor.u32 $0xE, v1;
	v16 =	vor.u32 $0xF, v1;
	s2 =	simm.s32 $0x0;
	[smem:$0x7F8] =	sst s26;
	s5 =	simm.s32 $0xE500  }
.LBB2_1:
0x20: {  	s0 =	rddreg [dreg:$0x1b]  }
0x21: {  	s14 =	rddreg [dreg:$0x1d]  }
0x22: {  	[tilespmem:s5], [sflag:$0x5] =	stream.linear.gather [hbm4b:s0+s21], $0xFA80, $0x38;
	[tilespmem:$0x1EA80] =	vst v63  }
0x23: {  	s1 =	rddreg [dreg:$0x1e]  }
0x24: {  	[tilespmem:s21], [sflag:$0x1] =	stream.linear.gather [hbm4b:s14+s21], $0x40, $0x38;
	[tilespmem:$0x1EA80] =	vst v63  }
0x25: {  	s15 =	simm.s32 $0x100;
	s16 =	rddreg [dreg:$0x1f]  }
0x26: {  	[tilespmem:s15], [sflag:$0x1] =	stream.linear.gather [hbm4b:s1+s21], $0x40, $0x38;
	[tilespmem:$0x1EA80] =	vst v63  }
0x27: {  	s17 =	simm.s32 $0x200;
	s18 =	sld [smem:$0x7F1]  }
0x28: {  	[tilespmem:s17], [sflag:$0x1] =	stream.linear.gather [hbm4b:s16+s21], $0x40, $0x38;
	[tilespmem:$0x1EA80] =	vst v63  }
0x29: {  	s19 =	simm.s32 $0x300;
	s20 =	sld [smem:$0x7F2]  }
0x2a: {  	[tilespmem:s19], [sflag:$0x1] =	stream.linear.gather [hbm4b:s18+s21], $0x40, $0x38;
	[tilespmem:$0x1EA80] =	vst v63  }
0x2b: {  	[smem:$0x7F0] =	sst s2;
	s22 =	simm.s32 $0x400;
	s23 =	simm.s32 $0x5  }
0x2c: {  	[tilespmem:s22], [sflag:$0x1] =	stream.linear.gather [hbm4b:s20+s21], $0x40, $0x38;
	[tilespmem:$0x1EA80] =	vst v63  }
0x2d: {  	_ =	swait.ge [sflag:s23], $0xFA80  }
0x2e: {  	[sflag:s23] =	ssyncset.done $0x0  }
0x2f: {  	s24 =	simm.s32 $0x1;
	[sflag:s23] =	ssyncadd.s32 $0xFFFF0580  }
0x30: {  	_ =	swait.ge [sflag:s24], $0x40  }
0x31: {  	[sflag:s24] =	ssyncset.done $0x0  }
0x32: {  	[sflag:s24] =	ssyncadd.s32 $0xFFFFFFC0  }
0x33: {  	_ =	swait.ge [sflag:s24], $0x40  }
0x34: {  	[sflag:s24] =	ssyncset.done $0x0  }
0x35: {  	[sflag:s24] =	ssyncadd.s32 $0xFFFFFFC0  }
0x36: {  	_ =	swait.ge [sflag:s24], $0x40  }
0x37: {  	[sflag:s24] =	ssyncset.done $0x0  }
0x38: {  	[sflag:s24] =	ssyncadd.s32 $0xFFFFFFC0  }
0x39: {  	_ =	swait.ge [sflag:s24], $0x40  }
0x3a: {  	[sflag:s24] =	ssyncset.done $0x0  }
0x3b: {  	[sflag:s24] =	ssyncadd.s32 $0xFFFFFFC0  }
0x3c: {  	_ =	swait.ge [sflag:s24], $0x40  }
0x3d: {  	[sflag:s24] =	ssyncset.done $0x0  }
0x3e: {  	[sflag:s24] =	ssyncadd.s32 $0xFFFFFFC0  }
0x3f: {  	v17 =	vld [tilespmem:s21+$0x0]  }
0x40: {  	v19 =	vld [tilespmem:s15+$0x0];
	_ =	sdelay $0x3  }
0x41: {  	v18 =	vshll.u32 v17, $0x4  }
0x42: {  	v17 =	vshll.u32 v19, $0x4;
	(v2sf) =	vpush v18, $0x0  }
0x43: {  	(v2sf) =	vpush v17, $0x0  }
0x44: {  	(v2sf) =	vpush v18, $0x1;
	_ =	sdelay $0x2  }
0x45: {  	(v2sf) =	vpush v17, $0x1;
	_ =	sdelay $0x1  }
0x46: {  	(v2sf) =	vpush v18, $0x2;
	_ =	sdelay $0x1  }
0x47: {  	(v2sf) =	vpush v17, $0x2;
	_ =	sdelay $0x1  }
0x48: {  	s3 =	simm.s32 $0x0;
	(v2sf) =	vpush v18, $0x3  }
0x49: {  	s25 =	simm.s32 $0x8500;
	s4 =	simm.s32 $0x4500;
	s7 =	simm.s32 $0x4700  }
0x4a: {  	s11 =	simm.s32 $0x4680;
	s26 =	simm.s32 $0x8680;
	s30 =	simm.s32 $0x4580  }
0x4b: {  	s5 =	simm.s32 $0x4780;
	s0 =	simm.s32 $0x4980;
	s14 =	simm.s32 $0x4600  }
0x4c: {  	s1 =	simm.s32 $0x8A00;
	s17 =	simm.s32 $0x8600;
	s6 =	spop (v2sf);
	(v2sf) =	vpush v17, $0x3  }
0x4d: {  	s19 =	simm.s32 $0x2000;
	s6 =	sand.u32 $0x1FFFFFF0, s6;
	s9 =	spop (v2sf)  }
0x4e: {  	(v2sf) =	vpush v18, $0x4;
	s6 =	sadd.s32 s12, s6;
	s28 =	sand.u32 $0x1FFFFFF0, s9;
	s29 =	spop (v2sf)  }
0x4f: {  	(v2sf) =	vpush v17, $0x4;
	[tilespmem:s4], [sflag:$0x3] =	stream.linear.gather [hbm4b:s6+s21], $0x80, $0x38;
	[tilespmem:$0x1EA80] =	vst v63  }
0x50: {  	s23 =	simm.s32 $0x8700;
	s4 =	sadd.s32 s12, s28;
	s9 =	sand.u32 $0x1FFFFFF0, s29  }
0x51: {  	s10 =	spop (v2sf);
	(v2sf) =	vpush v18, $0x5;
	s29 =	simm.s32 $0x8780;
	s31 =	sadd.s32 s12, s9  }
0x52: {  	[tilespmem:s25], [sflag:$0x3] =	stream.linear.gather [hbm4b:s4+s21], $0x80, $0x38;
	[tilespmem:$0x1EA80] =	vst v63  }
0x53: {  	s8 =	sand.u32 $0x1FFFFFF0, s10;
	s10 =	simm.s32 $0x8580;
	s13 =	spop (v2sf)  }
0x54: {  	(v2sf) =	vpush v17, $0x5;
	[tilespmem:s30], [sflag:$0x3] =	stream.linear.gather [hbm4b:s31+s21], $0x80, $0x38;
	[tilespmem:$0x1EA80] =	vst v63  }
0x55: {  	s9 =	sadd.s32 s12, s8;
	s4 =	sand.u32 $0x1FFFFFF0, s13;
	s15 =	spop (v2sf)  }
0x56: {  	(v2sf) =	vpush v18, $0x6;
	[tilespmem:s10], [sflag:$0x3] =	stream.linear.gather [hbm4b:s9+s21], $0x80, $0x38;
	[tilespmem:$0x1EA80] =	vst v63  }
0x57: {  	s4 =	sadd.s32 s12, s4;
	s16 =	spop (v2sf);
	s9 =	sand.u32 $0x1FFFFFF0, s15  }
0x58: {  	(v2sf) =	vpush v17, $0x6;
	[tilespmem:s14], [sflag:$0x3] =	stream.linear.gather [hbm4b:s4+s21], $0x80, $0x38;
	[tilespmem:$0x1EA80] =	vst v63  }
0x59: {  	s8 =	simm.s32 $0x8B00;
	s20 =	sand.u32 $0x1FFFFFF0, s16;
	s18 =	sadd.s32 s12, s9  }
0x5a: {  	[tilespmem:s17], [sflag:$0x3] =	stream.linear.gather [hbm4b:s18+s21], $0x80, $0x38;
	[tilespmem:$0x1EA80] =	vst v63  }
0x5b: {  	s31 =	simm.s32 $0x4800;
	s9 =	sadd.s32 s12, s20;
	s22 =	spop (v2sf)  }
0x5c: {  	(v2sf) =	vpush v18, $0x7;
	[tilespmem:s11], [sflag:$0x3] =	stream.linear.gather [hbm4b:s9+s21], $0x80, $0x38;
	[tilespmem:$0x1EA80] =	vst v63  }
0x5d: {  	s17 =	simm.s32 $0x8B80;
	s2 =	sand.u32 $0x1FFFFFF0, s22;
	s24 =	spop (v2sf)  }
0x5e: {  	s18 =	simm.s32 $0x8800;
	(v2sf) =	vpush v17, $0x7;
	s2 =	sadd.s32 s12, s2;
	s25 =	spop (v2sf)  }
0x5f: {  	(v2sf) =	vpush v18, $0x8;
	[tilespmem:s26], [sflag:$0x3] =	stream.linear.gather [hbm4b:s2+s21], $0x80, $0x38;
	[tilespmem:$0x1EA80] =	vst v63  }
0x60: {  	s11 =	simm.s32 $0x4B80;
	s9 =	sand.u32 $0x1FFFFFF0, s24;
	s30 =	spop (v2sf)  }
0x61: {  	s26 =	sadd.s32 s12, s9;
	s28 =	sand.u32 $0x1FFFFFF0, s25;
	(v2sf) =	vpush v17, $0x8;
	s2 =	sand.u32 $0x1FFFFFF0, s30  }
0x62: {  	(v2sf) =	vpush v18, $0x9;
	[tilespmem:s7], [sflag:$0x3] =	stream.linear.gather [hbm4b:s26+s21], $0x80, $0x38;
	[tilespmem:$0x1EA80] =	vst v63  }
0x63: {  	s6 =	sadd.s32 s12, s28;
	s9 =	spop (v2sf);
	s2 =	sadd.s32 s12, s2  }
0x64: {  	(v2sf) =	vpush v17, $0x9;
	[tilespmem:s23], [sflag:$0x3] =	stream.linear.gather [hbm4b:s6+s21], $0x80, $0x38;
	[tilespmem:$0x1EA80] =	vst v63  }
0x65: {  	s4 =	sand.u32 $0x1FFFFFF0, s9;
	s10 =	spop (v2sf);
	s26 =	simm.s32 $0x8880;
	(v2sf) =	vpush v18, $0xA  }
0x66: {  	[tilespmem:s5], [sflag:$0x3] =	stream.linear.gather [hbm4b:s2+s21], $0x80, $0x38;
	[tilespmem:$0x1EA80] =	vst v63  }
0x67: {  	s13 =	sadd.s32 s12, s4;
	s14 =	sand.u32 $0x1FFFFFF0, s10;
	s15 =	spop (v2sf);
	(v2sf) =	vpush v17, $0xA  }
0x68: {  	[tilespmem:s29], [sflag:$0x3] =	stream.linear.gather [hbm4b:s13+s21], $0x80, $0x38;
	[tilespmem:$0x1EA80] =	vst v63  }
0x69: {  	s10 =	simm.s32 $0x8980;
	s16 =	sadd.s32 s12, s14;
	s5 =	sand.u32 $0x1FFFFFF0, s15  }
0x6a: {  	[tilespmem:s31], [sflag:$0x3] =	stream.linear.gather [hbm4b:s16+s21], $0x80, $0x38;
	[tilespmem:$0x1EA80] =	vst v63  }
0x6b: {  	s23 =	simm.s32 $0x4880;
	s5 =	sadd.s32 s12, s5;
	s20 =	spop (v2sf)  }
0x6c: {  	[tilespmem:s18], [sflag:$0x3] =	stream.linear.gather [hbm4b:s5+s21], $0x80, $0x38;
	[tilespmem:$0x1EA80] =	vst v63  }
0x6d: {  	s14 =	simm.s32 $0x4A00;
	(v2sf) =	vpush v18, $0xB;
	s7 =	sand.u32 $0x1FFFFFF0, s20;
	s22 =	spop (v2sf)  }
0x6e: {  	s2 =	simm.s32 $0x8A80;
	s24 =	sadd.s32 s12, s7;
	s28 =	spop (v2sf)  }
0x6f: {  	(v2sf) =	vpush v17, $0xB;
	[tilespmem:s23], [sflag:$0x3] =	stream.linear.gather [hbm4b:s24+s21], $0x80, $0x38;
	[tilespmem:$0x1EA80] =	vst v63  }
0x70: {  	s29 =	simm.s32 $0x4900;
	s25 =	sand.u32 $0x1FFFFFF0, s22;
	s30 =	spop (v2sf)  }
0x71: {  	s7 =	sadd.s32 s12, s25;
	s6 =	sand.u32 $0x1FFFFFF0, s28;
	s31 =	spop (v2sf)  }
0x72: {  	(v2sf) =	vpush v18, $0xC;
	[tilespmem:s26], [sflag:$0x3] =	stream.linear.gather [hbm4b:s7+s21], $0x80, $0x38;
	[tilespmem:$0x1EA80] =	vst v63  }
0x73: {  	s6 =	sadd.s32 s12, s6;
	s7 =	sand.u32 $0x1FFFFFF0, s30;
	s13 =	spop (v2sf)  }
0x74: {  	(v2sf) =	vpush v17, $0xC;
	s9 =	sand.u32 $0x1FFFFFF0, s31;
	s26 =	simm.s32 $0x4A80;
	s15 =	spop (v2sf)  }
0x75: {  	[tilespmem:s29], [sflag:$0x3] =	stream.linear.gather [hbm4b:s6+s21], $0x80, $0x38;
	[tilespmem:$0x1EA80] =	vst v63  }
0x76: {  	s7 =	sadd.s32 s12, s7;
	s6 =	simm.s32 $0x8900;
	s16 =	spop (v2sf)  }
0x77: {  	[tilespmem:s6], [sflag:$0x3] =	stream.linear.gather [hbm4b:s7+s21], $0x80, $0x38;
	[tilespmem:$0x1EA80] =	vst v63  }
0x78: {  	s20 =	sand.u32 $0x1FFFFFF0, s16;
	s7 =	sadd.s32 s12, s9;
	s6 =	sand.u32 $0x1FFFFFF0, s13  }
0x79: {  	[tilespmem:s0], [sflag:$0x3] =	stream.linear.gather [hbm4b:s7+s21], $0x80, $0x38;
	[tilespmem:$0x1EA80] =	vst v63  }
0x7a: {  	s23 =	sadd.s32 s12, s20;
	s6 =	sadd.s32 s12, s6;
	s7 =	sand.u32 $0x1FFFFFF0, s15  }
0x7b: {  	[tilespmem:s10], [sflag:$0x3] =	stream.linear.gather [hbm4b:s6+s21], $0x80, $0x38;
	[tilespmem:$0x1EA80] =	vst v63  }
0x7c: {  	s13 =	simm.s32 $0x8C00;
	s18 =	sadd.s32 s12, s7;
	s22 =	spop (v2sf)  }
0x7d: {  	[tilespmem:s14], [sflag:$0x3] =	stream.linear.gather [hbm4b:s18+s21], $0x80, $0x38;
	[tilespmem:$0x1EA80] =	vst v63  }
0x7e: {  	s18 =	simm.s32 $0x4C00;
	s24 =	sand.u32 $0x1FFFFFF0, s22;
	s25 =	spop (v2sf)  }
0x7f: {  	(v2sf) =	vpush v18, $0xD;
	[tilespmem:s1], [sflag:$0x3] =	stream.linear.gather [hbm4b:s23+s21], $0x80, $0x38;
	[tilespmem:$0x1EA80] =	vst v63  }
0x80: {  	(v2sf) =	vpush v17, $0xD;
	s28 =	sadd.s32 s12, s24;
	s29 =	sand.u32 $0x1FFFFFF0, s25;
	s25 =	simm.s32 $0x4B00  }
0x81: {  	s23 =	simm.s32 $0x10;
	(v2sf) =	vpush v18, $0xE;
	s24 =	simm.s32 $0x110;
	s31 =	spop (v2sf)  }
0x82: {  	(v2sf) =	vpush v17, $0xE;
	[tilespmem:s26], [sflag:$0x3] =	stream.linear.gather [hbm4b:s28+s21], $0x80, $0x38;
	[tilespmem:$0x1EA80] =	vst v63  }
0x83: {  	s30 =	sadd.s32 s12, s29;
	(v2sf) =	vpush v18, $0xF;
	s0 =	sand.u32 $0x1FFFFFF0, s31;
	s1 =	spop (v2sf)  }
0x84: {  	(v2sf) =	vpush v17, $0xF;
	[tilespmem:s2], [sflag:$0x3] =	stream.linear.gather [hbm4b:s30+s21], $0x80, $0x38;
	[tilespmem:$0x1EA80] =	vst v63  }
.LBB2_2:
0x85: {  	_ =	sdelay $0x4  }
0x86: {  	s0 =	sadd.s32 s12, s0;
	s1 =	sand.u32 $0x1FFFFFF0, s1  }
0x87: {  	[tilespmem:s25], [sflag:$0x3] =	stream.linear.gather [hbm4b:s0+s21], $0x80, $0x38;
	[tilespmem:$0x1EA80] =	vst v63  }
0x88: {  	s10 =	sadd.s32 s12, s1  }
0x89: {  	[tilespmem:s8], [sflag:$0x3] =	stream.linear.gather [hbm4b:s10+s21], $0x80, $0x38;
	[tilespmem:$0x1EA80] =	vst v63  }
0x8a: {  	s2 =	spop (v2sf)  }
0x8b: {  	s14 =	sand.u32 $0x1FFFFFF0, s2;
	s15 =	spop (v2sf)  }
0x8c: {  	s16 =	sadd.s32 s12, s14;
	s20 =	sand.u32 $0x1FFFFFF0, s15;
	s22 =	spop (v2sf)  }
0x8d: {  	[tilespmem:s11], [sflag:$0x3] =	stream.linear.gather [hbm4b:s16+s21], $0x80, $0x38;
	[tilespmem:$0x1EA80] =	vst v63  }
0x8e: {  	s25 =	sadd.s32 s12, s20;
	s26 =	sand.u32 $0x1FFFFFF0, s22;
	s28 =	spop (v2sf)  }
0x8f: {  	[tilespmem:s17], [sflag:$0x3] =	stream.linear.gather [hbm4b:s25+s21], $0x80, $0x38;
	[tilespmem:$0x1EA80] =	vst v63  }
0x90: {  	s29 =	sadd.s32 s12, s26;
	s30 =	sand.u32 $0x1FFFFFF0, s28;
	s31 =	spop (v2sf)  }
0x91: {  	[tilespmem:s18], [sflag:$0x3] =	stream.linear.gather [hbm4b:s29+s21], $0x80, $0x38;
	[tilespmem:$0x1EA80] =	vst v63  }
0x92: {  	s1 =	sadd.s32 s12, s30;
	s4 =	sand.u32 $0x1FFFFFF0, s31;
	s5 =	spop (v2sf)  }
0x93: {  	[tilespmem:s13], [sflag:$0x3] =	stream.linear.gather [hbm4b:s1+s21], $0x80, $0x38;
	[tilespmem:$0x1EA80] =	vst v63  }
0x94: {  	s6 =	sadd.s32 $0x4C80, s3;
	s2 =	sand.u32 $0x1FFFFFF0, s5;
	s1 =	sadd.s32 s12, s4  }
0x95: {  	[tilespmem:s6], [sflag:$0x3] =	stream.linear.gather [hbm4b:s1+s21], $0x80, $0x38;
	[tilespmem:$0x1EA80] =	vst v63  }
0x96: {  	s7 =	sadd.s32 $0x8C80, s3;
	s8 =	sadd.s32 s12, s2  }
0x97: {  	[tilespmem:s7], [sflag:$0x3] =	stream.linear.gather [hbm4b:s8+s21], $0x80, $0x38;
	[tilespmem:$0x1EA80] =	vst v63  }
0x98: {  	v17 =	vld [tilespmem:s23+$0x0]  }
0x99: {  	v19 =	vld [tilespmem:s24+$0x0];
	_ =	sdelay $0x3  }
0x9a: {  	s9 =	smov.u32 s19;
	v18 =	vshll.u32 v17, $0x4  }
0x9b: {  	s3 =	sshra.s32 s9, $0x2;
	v17 =	vshll.u32 v19, $0x4;
	(v2sf) =	vpush v18, $0x0  }
0x9c: {  	s0 =	sadd.s32 $0x4780, s3;
	(v2sf) =	vpush v17, $0x0  }
0x9d: {  	p0 =	sne.s32 s19, $0x6000;
	[dreg:$0x13] =	wrdreg s0;
	s10 =	sadd.s32 $0x4980, s3;
	(v2sf) =	vpush v18, $0x1  }
0x9e: {  	s19 =	sadd.s32 $0x2000, s19;
	s0 =	simm.s32 $0x0;
	[dreg:$0xb] =	wrdreg s10  }
0x9f: {  	s10 =	sadd.s32 $0x4700, s3;
	s15 =	sadd.s32 $0x8680, s3;
	s14 =	sadd.s32 $0x8780, s3;
	(v2sf) =	vpush v17, $0x1  }
0xa0: {  	s11 =	sadd.s32 $0x8A00, s3;
	s20 =	sadd.s32 $0x4680, s3;
	s16 =	sadd.s32 $0x8980, s3  }
0xa1: {  	[dreg:$0x7] =	wrdreg s11;
	s11 =	sadd.s32 $0x8600, s3;
	s28 =	sadd.s32 $0x8800, s3;
	(v2sf) =	vpush v18, $0x2  }
0xa2: {  	[dreg:$0x10] =	wrdreg s16;
	s26 =	sadd.s32 $0x4880, s3;
	s16 =	sadd.s32 $0x8880, s3  }
0xa3: {  	s31 =	sadd.s32 $0x4600, s3;
	s30 =	sadd.s32 $0x8700, s3;
	s17 =	sadd.s32 $0x8B80, s3;
	(v2sf) =	vpush v17, $0x2  }
0xa4: {  	s25 =	sadd.s32 $0x4B00, s3;
	s5 =	sadd.s32 $0x4900, s3;
	s2 =	sadd.s32 $0x8500, s3;
	(v2sf) =	vpush v18, $0x3  }
0xa5: {  	s29 =	sadd.s32 $0x4800, s3;
	s18 =	sadd.s32 $0x4A00, s3;
	[dreg:$0x12] =	wrdreg s5  }
0xa6: {  	s5 =	sadd.s32 $0x4A80, s3;
	[dreg:$0xe] =	wrdreg s18;
	s13 =	sadd.s32 $0x8A80, s3;
	(v2sf) =	vpush v17, $0x3  }
0xa7: {  	s18 =	sadd.s32 $0x4C00, s3;
	s4 =	sadd.s32 $0x4500, s3;
	[dreg:$0x9] =	wrdreg s13  }
0xa8: {  	s13 =	sadd.s32 $0x8C00, s3;
	s6 =	sadd.s32 $0x8B00, s3;
	s1 =	sadd.s32 $0x8580, s3;
	(v2sf) =	vpush v18, $0x4  }
0xa9: {  	s7 =	sadd.s32 $0x4B80, s3;
	s21 =	sadd.s32 $0x8900, s3;
	s8 =	sadd.s32 $0x4580, s3  }
0xaa: {  	[dreg:$0x11] =	wrdreg s21;
	s23 =	sadd.s32 $0x10, s23;
	s22 =	spop (v2sf)  }
0xab: {  	s24 =	sadd.s32 $0x10, s24;
	s9 =	sand.u32 $0x1FFFFFF0, s22;
	s22 =	spop (v2sf)  }
0xac: {  	(v2sf) =	vpush v17, $0x4;
	s21 =	sadd.s32 s12, s9;
	s22 =	sand.u32 $0x1FFFFFF0, s22;
	s9 =	spop (v2sf)  }
0xad: {  	[tilespmem:s4], [sflag:$0x3] =	stream.linear.gather [hbm4b:s21+s0], $0x80, $0x38;
	[tilespmem:$0x1EA80] =	vst v63  }
0xae: {  	(v2sf) =	vpush v18, $0x5;
	s21 =	sadd.s32 s12, s22;
	s9 =	sand.u32 $0x1FFFFFF0, s9;
	s22 =	spop (v2sf)  }
0xaf: {  	[tilespmem:s2], [sflag:$0x3] =	stream.linear.gather [hbm4b:s21+s0], $0x80, $0x38;
	[tilespmem:$0x1EA80] =	vst v63  }
0xb0: {  	(v2sf) =	vpush v17, $0x5;
	s9 =	sadd.s32 s12, s9;
	s21 =	sand.u32 $0x1FFFFFF0, s22;
	s22 =	spop (v2sf)  }
0xb1: {  	[tilespmem:s8], [sflag:$0x3] =	stream.linear.gather [hbm4b:s9+s0], $0x80, $0x38;
	[tilespmem:$0x1EA80] =	vst v63  }
0xb2: {  	(v2sf) =	vpush v18, $0x6;
	s8 =	sadd.s32 s12, s21;
	s21 =	sand.u32 $0x1FFFFFF0, s22;
	s22 =	spop (v2sf)  }
0xb3: {  	(v2sf) =	vpush v17, $0x6;
	s2 =	sadd.s32 s12, s21;
	s4 =	sand.u32 $0x1FFFFFF0, s22;
	s9 =	spop (v2sf)  }
0xb4: {  	[tilespmem:s1], [sflag:$0x3] =	stream.linear.gather [hbm4b:s8+s0], $0x80, $0x38;
	[tilespmem:$0x1EA80] =	vst v63  }
0xb5: {  	s21 =	simm.s32 $0x0;
	(v2sf) =	vpush v18, $0x7;
	s8 =	smov.u32 s6;
	s0 =	spop (v2sf)  }
0xb6: {  	[tilespmem:s31], [sflag:$0x3] =	stream.linear.gather [hbm4b:s2+s21], $0x80, $0x38;
	[tilespmem:$0x1EA80] =	vst v63  }
0xb7: {  	s22 =	sadd.s32 s12, s4;
	(v2sf) =	vpush v17, $0x7;
	s31 =	sand.u32 $0x1FFFFFF0, s9;
	s9 =	spop (v2sf)  }
0xb8: {  	[tilespmem:s11], [sflag:$0x3] =	stream.linear.gather [hbm4b:s22+s21], $0x80, $0x38;
	[tilespmem:$0x1EA80] =	vst v63  }
0xb9: {  	s6 =	sadd.s32 s12, s31;
	s11 =	smov.u32 s7;
	s7 =	sand.u32 $0x1FFFFFF0, s0  }
0xba: {  	[tilespmem:s20], [sflag:$0x3] =	stream.linear.gather [hbm4b:s6+s21], $0x80, $0x38;
	[tilespmem:$0x1EA80] =	vst v63  }
0xbb: {  	(v2sf) =	vpush v18, $0x8;
	s31 =	sand.u32 $0x1FFFFFF0, s9;
	s22 =	sadd.s32 s12, s7;
	s0 =	spop (v2sf)  }
0xbc: {  	[tilespmem:s15], [sflag:$0x3] =	stream.linear.gather [hbm4b:s22+s21], $0x80, $0x38;
	[tilespmem:$0x1EA80] =	vst v63  }
0xbd: {  	s2 =	sadd.s32 s12, s31;
	(v2sf) =	vpush v17, $0x8;
	s6 =	sand.u32 $0x1FFFFFF0, s0;
	s7 =	spop (v2sf)  }
0xbe: {  	(v2sf) =	vpush v18, $0x9;
	[tilespmem:s10], [sflag:$0x3] =	stream.linear.gather [hbm4b:s2+s21], $0x80, $0x38;
	[tilespmem:$0x1EA80] =	vst v63  }
0xbf: {  	s31 =	rddreg [dreg:$0x13];
	s9 =	sadd.s32 s12, s6;
	s15 =	spop (v2sf)  }
0xc0: {  	[tilespmem:s30], [sflag:$0x3] =	stream.linear.gather [hbm4b:s9+s21], $0x80, $0x38;
	[tilespmem:$0x1EA80] =	vst v63  }
0xc1: {  	s10 =	sand.u32 $0x1FFFFFF0, s7;
	s22 =	sand.u32 $0x1FFFFFF0, s15;
	s30 =	spop (v2sf)  }
0xc2: {  	(v2sf) =	vpush v17, $0x9;
	s20 =	sadd.s32 s12, s10;
	s1 =	sadd.s32 s12, s22;
	s4 =	spop (v2sf)  }
0xc3: {  	[tilespmem:s31], [sflag:$0x3] =	stream.linear.gather [hbm4b:s20+s21], $0x80, $0x38;
	[tilespmem:$0x1EA80] =	vst v63  }
0xc4: {  	(v2sf) =	vpush v18, $0xA;
	s2 =	sand.u32 $0x1FFFFFF0, s30;
	s7 =	sand.u32 $0x1FFFFFF0, s4;
	s9 =	spop (v2sf)  }
0xc5: {  	[tilespmem:s14], [sflag:$0x3] =	stream.linear.gather [hbm4b:s1+s21], $0x80, $0x38;
	[tilespmem:$0x1EA80] =	vst v63  }
0xc6: {  	(v2sf) =	vpush v17, $0xA;
	s6 =	sadd.s32 s12, s2;
	s10 =	sadd.s32 s12, s7;
	s15 =	spop (v2sf)  }
0xc7: {  	[tilespmem:s29], [sflag:$0x3] =	stream.linear.gather [hbm4b:s6+s21], $0x80, $0x38;
	[tilespmem:$0x1EA80] =	vst v63  }
0xc8: {  	s14 =	sand.u32 $0x1FFFFFF0, s9;
	s22 =	sand.u32 $0x1FFFFFF0, s15;
	s9 =	rddreg [dreg:$0x12]  }
0xc9: {  	[tilespmem:s28], [sflag:$0x3] =	stream.linear.gather [hbm4b:s10+s21], $0x80, $0x38;
	[tilespmem:$0x1EA80] =	vst v63  }
0xca: {  	(v2sf) =	vpush v18, $0xB;
	s20 =	sadd.s32 s12, s14;
	s29 =	sadd.s32 s12, s22;
	s28 =	spop (v2sf)  }
0xcb: {  	[tilespmem:s26], [sflag:$0x3] =	stream.linear.gather [hbm4b:s20+s21], $0x80, $0x38;
	[tilespmem:$0x1EA80] =	vst v63  }
0xcc: {  	(v2sf) =	vpush v17, $0xB;
	s30 =	sand.u32 $0x1FFFFFF0, s28;
	s28 =	rddreg [dreg:$0xb];
	s31 =	spop (v2sf)  }
0xcd: {  	(v2sf) =	vpush v18, $0xC;
	s4 =	sadd.s32 s12, s30;
	s6 =	sand.u32 $0x1FFFFFF0, s31;
	s7 =	spop (v2sf)  }
0xce: {  	[tilespmem:s16], [sflag:$0x3] =	stream.linear.gather [hbm4b:s29+s21], $0x80, $0x38;
	[tilespmem:$0x1EA80] =	vst v63  }
0xcf: {  	(v2sf) =	vpush v17, $0xC;
	s10 =	sadd.s32 s12, s6;
	s14 =	sand.u32 $0x1FFFFFF0, s7;
	s16 =	rddreg [dreg:$0x11]  }
0xd0: {  	[tilespmem:s9], [sflag:$0x3] =	stream.linear.gather [hbm4b:s4+s21], $0x80, $0x38;
	[tilespmem:$0x1EA80] =	vst v63  }
0xd1: {  	s15 =	spop (v2sf);
	s6 =	rddreg [dreg:$0x10];
	s20 =	sadd.s32 s12, s14  }
0xd2: {  	[tilespmem:s16], [sflag:$0x3] =	stream.linear.gather [hbm4b:s10+s21], $0x80, $0x38;
	[tilespmem:$0x1EA80] =	vst v63  }
0xd3: {  	s22 =	sand.u32 $0x1FFFFFF0, s15;
	s14 =	rddreg [dreg:$0xe];
	s26 =	spop (v2sf)  }
0xd4: {  	[tilespmem:s28], [sflag:$0x3] =	stream.linear.gather [hbm4b:s20+s21], $0x80, $0x38;
	[tilespmem:$0x1EA80] =	vst v63  }
0xd5: {  	s29 =	sadd.s32 s12, s22;
	s30 =	sand.u32 $0x1FFFFFF0, s26;
	s31 =	spop (v2sf)  }
0xd6: {  	[tilespmem:s6], [sflag:$0x3] =	stream.linear.gather [hbm4b:s29+s21], $0x80, $0x38;
	[tilespmem:$0x1EA80] =	vst v63  }
0xd7: {  	s22 =	rddreg [dreg:$0x7];
	s7 =	sadd.s32 s12, s30;
	s9 =	sand.u32 $0x1FFFFFF0, s31  }
0xd8: {  	[tilespmem:s14], [sflag:$0x3] =	stream.linear.gather [hbm4b:s7+s21], $0x80, $0x38;
	[tilespmem:$0x1EA80] =	vst v63  }
0xd9: {  	s10 =	spop (v2sf);
	s31 =	rddreg [dreg:$0x9];
	s15 =	sadd.s32 s12, s9  }
0xda: {  	(v2sf) =	vpush v18, $0xD;
	[tilespmem:s22], [sflag:$0x3] =	stream.linear.gather [hbm4b:s15+s21], $0x80, $0x38;
	[tilespmem:$0x1EA80] =	vst v63  }
.Ltmp0:
0xdb: {  	(v2sf) =	vpush v17, $0xD;
	s16 =	sand.u32 $0x1FFFFFF0, s10;
	s20 =	spop (v2sf);
	(pc) =	sbr.rel @p0 .LBB2_2-.Ltmp0, $4  }
0xdc: {  	(v2sf) =	vpush v18, $0xE;
	s26 =	sadd.s32 s12, s16;
	s28 =	sand.u32 $0x1FFFFFF0, s20;
	s29 =	spop (v2sf)  }
0xdd: {  	(v2sf) =	vpush v17, $0xE;
	[tilespmem:s5], [sflag:$0x3] =	stream.linear.gather [hbm4b:s26+s21], $0x80, $0x38;
	[tilespmem:$0x1EA80] =	vst v63  }
0xde: {  	(v2sf) =	vpush v18, $0xF;
	s30 =	sadd.s32 s12, s28;
	s0 =	sand.u32 $0x1FFFFFF0, s29;
	s1 =	spop (v2sf)  }
0xdf: {  	(v2sf) =	vpush v17, $0xF;
	[tilespmem:s31], [sflag:$0x3] =	stream.linear.gather [hbm4b:s30+s21], $0x80, $0x38;
	[tilespmem:$0x1EA80] =	vst v63  }
0xe0: {  	_ =	sdelay $0x4  }
0xe1: {  	s0 =	sadd.s32 s12, s0;
	s1 =	sand.u32 $0x1FFFFFF0, s1  }
0xe2: {  	[tilespmem:s25], [sflag:$0x3] =	stream.linear.gather [hbm4b:s0+s21], $0x80, $0x38;
	[tilespmem:$0x1EA80] =	vst v63  }
0xe3: {  	s25 =	sadd.s32 s12, s1  }
0xe4: {  	[tilespmem:s8], [sflag:$0x3] =	stream.linear.gather [hbm4b:s25+s21], $0x80, $0x38;
	[tilespmem:$0x1EA80] =	vst v63  }
0xe5: {  	s2 =	spop (v2sf)  }
0xe6: {  	s26 =	sand.u32 $0x1FFFFFF0, s2;
	s28 =	spop (v2sf)  }
0xe7: {  	s29 =	sadd.s32 s12, s26;
	s30 =	sand.u32 $0x1FFFFFF0, s28;
	s31 =	spop (v2sf)  }
0xe8: {  	[tilespmem:s11], [sflag:$0x3] =	stream.linear.gather [hbm4b:s29+s21], $0x80, $0x38;
	[tilespmem:$0x1EA80] =	vst v63  }
0xe9: {  	s1 =	sadd.s32 s12, s30;
	s4 =	sand.u32 $0x1FFFFFF0, s31;
	s5 =	spop (v2sf)  }
0xea: {  	[tilespmem:s17], [sflag:$0x3] =	stream.linear.gather [hbm4b:s1+s21], $0x80, $0x38;
	[tilespmem:$0x1EA80] =	vst v63  }
0xeb: {  	s6 =	sadd.s32 s12, s4;
	s7 =	sand.u32 $0x1FFFFFF0, s5;
	s8 =	spop (v2sf)  }
0xec: {  	[tilespmem:s18], [sflag:$0x3] =	stream.linear.gather [hbm4b:s6+s21], $0x80, $0x38;
	[tilespmem:$0x1EA80] =	vst v63  }
0xed: {  	s9 =	sadd.s32 s12, s7;
	s10 =	sand.u32 $0x1FFFFFF0, s8;
	s11 =	spop (v2sf)  }
0xee: {  	[tilespmem:s13], [sflag:$0x3] =	stream.linear.gather [hbm4b:s9+s21], $0x80, $0x38;
	[tilespmem:$0x1EA80] =	vst v63  }
0xef: {  	s1 =	sadd.s32 s12, s10;
	s2 =	sand.u32 $0x1FFFFFF0, s11;
	s13 =	sadd.s32 $0x4C80, s3  }
0xf0: {  	[tilespmem:s13], [sflag:$0x3] =	stream.linear.gather [hbm4b:s1+s21], $0x80, $0x38;
	[tilespmem:$0x1EA80] =	vst v63  }
0xf1: {  	s14 =	sadd.s32 $0x8C80, s3;
	s16 =	sld [smem:$0x7F3];
	s15 =	sadd.s32 s12, s2  }
0xf2: {  	[tilespmem:s14], [sflag:$0x3] =	stream.linear.gather [hbm4b:s15+s21], $0x80, $0x38;
	[tilespmem:$0x1EA80] =	vst v63  }
0xf3: {  	s8 =	simm.s32 $0x0;
	s17 =	simm.s32 $0x80;
	s18 =	sld [smem:$0x7F5]  }
0xf4: {  	[tilespmem:s17], [sflag:$0x1] =	stream.linear.gather [hbm4b:s16+s8], $0x40, $0x38;
	[tilespmem:$0x1EA80] =	vst v63  }
0xf5: {  	s19 =	simm.s32 $0x180;
	s20 =	sld [smem:$0x7F6]  }
0xf6: {  	[tilespmem:s19], [sflag:$0x1] =	stream.linear.gather [hbm4b:s18+s8], $0x40, $0x38;
	[tilespmem:$0x1EA80] =	vst v63  }
0xf7: {  	s22 =	simm.s32 $0x280;
	s23 =	sld [smem:$0x7F7]  }
0xf8: {  	[tilespmem:s22], [sflag:$0x1] =	stream.linear.gather [hbm4b:s20+s8], $0x40, $0x38;
	[tilespmem:$0x1EA80] =	vst v63  }
0xf9: {  	s24 =	simm.s32 $0x380;
	s25 =	sld [smem:$0x7F8]  }
0xfa: {  	[tilespmem:s24], [sflag:$0x1] =	stream.linear.gather [hbm4b:s23+s8], $0x40, $0x38;
	[tilespmem:$0x1EA80] =	vst v63  }
0xfb: {  	p0 =	por $0x1, $0x1;
	s26 =	simm.s32 $0x480;
	s28 =	sld [smem:$0x7F9]  }
0xfc: {  	[tilespmem:s26], [sflag:$0x1] =	stream.linear.gather [hbm4b:s25+s8], $0x40, $0x38;
	[tilespmem:$0x1EA80] =	vst v63  }
0xfd: {  	s29 =	simm.s32 $0x500;
	s30 =	sld [smem:$0x7FA];
	s31 =	simm.s32 $0x2500  }
0xfe: {  	[tilespmem:s29], [sflag:$0x2] =	stream.linear.gather [hbm4b:s28+s8], $0x2000, $0x38;
	[tilespmem:$0x1EA80] =	vst v63  }
0xff: {  	s5 =	simm.s32 $0xE500;
	s7 =	simm.s32 $0x1E980;
	s6 =	simm.s32 $0x3  }
0x100: {  	[tilespmem:s31], [sflag:$0x2] =	stream.linear.gather [hbm4b:s30+s8], $0x2000, $0x38;
	[tilespmem:$0x1EA80] =	vst v63  }
.LBB2_4:
0x101: {  	s0 =	simm.s32 $0x1  }
0x102: {  	s0 =	simm.s32 @!p0 $0x0  }
0x103: {  	s1 =	sshll.u32 s0, $0xD  }
0x104: {  	s2 =	sor.u32 $0x8500, s1  }
0x105: {  	p1 =	seq.s32 s8, $0x0;
	s1 =	sor.u32 $0x4500, s1;
	[dreg:$0x5] =	wrdreg s2  }
0x106: {  	[dreg:$0x4] =	wrdreg s1;
	s1 =	simm.s32 @!p1 $0x4  }
0x107: {  	_ =	swait.ge @!p1 [sflag:s1], $0x2000  }
0x108: {  	[sflag:s1] =	ssyncset.done @!p1 $0x0  }
0x109: {  	[sflag:s1] =	ssyncadd.s32 @!p1 $0xFFFFE000  }
0x10a: {  	s9 =	sshll.u32 s8, $0x6;
	s0 =	sshll.u32 s0, $0x7;
	_ =	swait.ge [sflag:s6], $0x80  }
0x10b: {  	s29 =	sor.u32 $0x100, s0;
	s2 =	sand.u32 $0x1, s8;
	s31 =	rddreg [dreg:$0x1a]  }
0x10c: {  	s1 =	simm.s32 $0x7F;
	[sflag:s6] =	ssyncset.done $0x0;
	s10 =	sadd.s32 s31, s9  }
.LBB2_5:
0x10d: {  	p1 =	sne.s32 s1, $0x1;
	s1 =	sadd.s32 $0xFFFFFFFF, s1;
	[sflag:s6] =	ssyncadd.s32 $0xFFFFFF80  }
.Ltmp1:
0x10e: {  	(pc) =	sbr.rel @p1 .LBB2_5-.Ltmp1, $3  }
0x10f: {  	_ =	sdelay $0x1  }
0x110: {  	_ =	swait.ge [sflag:s6], $0x80  }
0x111: {  	[sflag:s6] =	ssyncset.done $0x0  }
0x112: {  	p1 =	seq.s32 s8, $0x27  }
.Ltmp2:
0x113: {  	_ = 	snop;
	(pc) =	sbr.rel @p1 .LBB2_10-.Ltmp2, $2  }
0x114: {  	_ =	sdelay $0x2  }
0x115: {  	[sflag:s6] =	ssyncadd.s32 $0xFFFFFF80  }
0x116: {  	[smem:$0x7EC] =	sst s2  }
0x117: {  	[smem:$0x7ED] =	sst s10  }
0x118: {  	[smem:$0x7EE] =	sst s9  }
0x119: {  	[smem:$0x7EF] =	sst s8;
	s1 =	simm.s32 $0x1  }
0x11a: {  	_ =	swait.ge [sflag:s1], $0x40  }
0x11b: {  	[sflag:s1] =	ssyncset.done $0x0  }
0x11c: {  	[sflag:s1] =	ssyncadd.s32 $0xFFFFFFC0  }
0x11d: {  	_ =	swait.ge [sflag:s1], $0x40  }
0x11e: {  	[sflag:s1] =	ssyncset.done $0x0  }
0x11f: {  	[sflag:s1] =	ssyncadd.s32 $0xFFFFFFC0  }
0x120: {  	_ =	swait.ge [sflag:s1], $0x40  }
0x121: {  	[sflag:s1] =	ssyncset.done $0x0  }
0x122: {  	[sflag:s1] =	ssyncadd.s32 $0xFFFFFFC0  }
0x123: {  	_ =	swait.ge [sflag:s1], $0x40  }
0x124: {  	[sflag:s1] =	ssyncset.done $0x0  }
0x125: {  	[sflag:s1] =	ssyncadd.s32 $0xFFFFFFC0  }
0x126: {  	_ =	swait.ge [sflag:s1], $0x40  }
0x127: {  	[sflag:s1] =	ssyncset.done $0x0  }
0x128: {  	[sflag:s1] =	ssyncadd.s32 $0xFFFFFFC0  }
0x129: {  	v17 =	vld [tilespmem:s0+$0x0]  }
0x12a: {  	v19 =	vld [tilespmem:s29+$0x0];
	_ =	sdelay $0x3  }
0x12b: {  	v18 =	vshll.u32 v17, $0x4  }
0x12c: {  	v17 =	vshll.u32 v19, $0x4;
	(v2sf) =	vpush v18, $0x0  }
0x12d: {  	(v2sf) =	vpush v17, $0x0  }
0x12e: {  	(v2sf) =	vpush v18, $0x1;
	_ =	sdelay $0x2  }
0x12f: {  	(v2sf) =	vpush v17, $0x1  }
0x130: {  	(v2sf) =	vpush v18, $0x2;
	_ =	sdelay $0x1  }
0x131: {  	(v2sf) =	vpush v17, $0x2;
	_ =	sdelay $0x1  }
0x132: {  	(v2sf) =	vpush v18, $0x3  }
0x133: {  	s22 =	simm.s32 $0x2000;
	s9 =	rddreg [dreg:$0x4]  }
0x134: {  	s23 =	sadd.s32 $0x10, s0;
	s10 =	rddreg [dreg:$0x5];
	s24 =	sadd.s32 $0x0, s9  }
0x135: {  	s25 =	sadd.s32 $0x0, s10;
	s3 =	sadd.s32 $0x180, s24;
	s0 =	sadd.s32 $0x580, s24  }
0x136: {  	s7 =	sadd.s32 $0x680, s24;
	s14 =	sadd.s32 $0x80, s24;
	s16 =	sadd.s32 $0x80, s25;
	(v2sf) =	vpush v17, $0x3  }
0x137: {  	s20 =	sadd.s32 $0x100, s24;
	s30 =	sadd.s32 $0x100, s25;
	s4 =	spop (v2sf)  }
0x138: {  	s1 =	sadd.s32 $0x200, s24;
	(v2sf) =	vpush v18, $0x4;
	s4 =	sand.u32 $0x1FFFFFF0, s4;
	s5 =	spop (v2sf)  }
0x139: {  	s10 =	sadd.s32 $0x180, s25;
	s4 =	sadd.s32 s12, s4;
	s6 =	spop (v2sf)  }
0x13a: {  	[tilespmem:s24], [sflag:$0x3] =	stream.linear.gather [hbm4b:s4+s21], $0x80, $0x38;
	[tilespmem:$0x1EA80] =	vst v63  }
0x13b: {  	s29 =	sadd.s32 $0x10, s29;
	s5 =	sand.u32 $0x1FFFFFF0, s5;
	s13 =	sand.u32 $0x1FFFFFF0, s6  }
0x13c: {  	(v2sf) =	vpush v17, $0x4;
	s11 =	sadd.s32 s12, s5;
	s15 =	spop (v2sf);
	s4 =	sadd.s32 s12, s13  }
0x13d: {  	(v2sf) =	vpush v18, $0x5;
	s17 =	sand.u32 $0x1FFFFFF0, s15;
	s18 =	spop (v2sf);
	s15 =	sadd.s32 $0x200, s25  }
0x13e: {  	[tilespmem:s25], [sflag:$0x3] =	stream.linear.gather [hbm4b:s11+s21], $0x80, $0x38;
	[tilespmem:$0x1EA80] =	vst v63  }
0x13f: {  	(v2sf) =	vpush v17, $0x5;
	s5 =	sand.u32 $0x1FFFFFF0, s18;
	s19 =	spop (v2sf);
	s18 =	sadd.s32 $0x280, s24  }
0x140: {  	[tilespmem:s14], [sflag:$0x3] =	stream.linear.gather [hbm4b:s4+s21], $0x80, $0x38;
	[tilespmem:$0x1EA80] =	vst v63  }
0x141: {  	(v2sf) =	vpush v18, $0x6;
	s28 =	sand.u32 $0x1FFFFFF0, s19;
	s31 =	spop (v2sf);
	s4 =	sadd.s32 s12, s17  }
0x142: {  	[tilespmem:s16], [sflag:$0x3] =	stream.linear.gather [hbm4b:s4+s21], $0x80, $0x38;
	[tilespmem:$0x1EA80] =	vst v63  }
0x143: {  	(v2sf) =	vpush v17, $0x6;
	s26 =	sadd.s32 s12, s5;
	s5 =	sadd.s32 s12, s28;
	s4 =	sand.u32 $0x1FFFFFF0, s31  }
0x144: {  	[tilespmem:s20], [sflag:$0x3] =	stream.linear.gather [hbm4b:s26+s21], $0x80, $0x38;
	[tilespmem:$0x1EA80] =	vst v63  }
0x145: {  	(v2sf) =	vpush v18, $0x7;
	s8 =	spop (v2sf);
	s4 =	sadd.s32 s12, s4;
	s26 =	sadd.s32 $0x280, s25  }
0x146: {  	[tilespmem:s30], [sflag:$0x3] =	stream.linear.gather [hbm4b:s5+s21], $0x80, $0x38;
	[tilespmem:$0x1EA80] =	vst v63  }
0x147: {  	s5 =	sand.u32 $0x1FFFFFF0, s8;
	s30 =	sadd.s32 $0x300, s24;
	s9 =	spop (v2sf)  }
0x148: {  	[tilespmem:s3], [sflag:$0x3] =	stream.linear.gather [hbm4b:s4+s21], $0x80, $0x38;
	[tilespmem:$0x1EA80] =	vst v63  }
0x149: {  	s8 =	sadd.s32 $0x300, s25;
	s11 =	sadd.s32 s12, s5;
	(v2sf) =	vpush v17, $0x7;
	s13 =	sand.u32 $0x1FFFFFF0, s9  }
0x14a: {  	[tilespmem:s10], [sflag:$0x3] =	stream.linear.gather [hbm4b:s11+s21], $0x80, $0x38;
	[tilespmem:$0x1EA80] =	vst v63  }
0x14b: {  	s3 =	sadd.s32 $0x400, s24;
	s14 =	spop (v2sf);
	(v2sf) =	vpush v18, $0x8;
	s5 =	sadd.s32 s12, s13  }
0x14c: {  	(v2sf) =	vpush v17, $0x8;
	s4 =	sand.u32 $0x1FFFFFF0, s14;
	s16 =	spop (v2sf);
	s11 =	sadd.s32 $0x380, s24  }
0x14d: {  	[tilespmem:s1], [sflag:$0x3] =	stream.linear.gather [hbm4b:s5+s21], $0x80, $0x38;
	[tilespmem:$0x1EA80] =	vst v63  }
0x14e: {  	s4 =	sadd.s32 s12, s4;
	s17 =	spop (v2sf);
	(v2sf) =	vpush v18, $0x9;
	s5 =	sand.u32 $0x1FFFFFF0, s16  }
0x14f: {  	(v2sf) =	vpush v17, $0x9;
	[tilespmem:s15], [sflag:$0x3] =	stream.linear.gather [hbm4b:s4+s21], $0x80, $0x38;
	[tilespmem:$0x1EA80] =	vst v63  }
0x150: {  	s20 =	sand.u32 $0x1FFFFFF0, s17;
	s28 =	spop (v2sf);
	s19 =	sadd.s32 s12, s5  }
0x151: {  	(v2sf) =	vpush v18, $0xA;
	[tilespmem:s18], [sflag:$0x3] =	stream.linear.gather [hbm4b:s19+s21], $0x80, $0x38;
	[tilespmem:$0x1EA80] =	vst v63  }
0x152: {  	s5 =	sadd.s32 s12, s20;
	s31 =	spop (v2sf);
	s4 =	sand.u32 $0x1FFFFFF0, s28  }
0x153: {  	[tilespmem:s26], [sflag:$0x3] =	stream.linear.gather [hbm4b:s5+s21], $0x80, $0x38;
	[tilespmem:$0x1EA80] =	vst v63  }
0x154: {  	s1 =	spop (v2sf);
	s4 =	sadd.s32 s12, s4;
	s5 =	sand.u32 $0x1FFFFFF0, s31  }
0x155: {  	(v2sf) =	vpush v17, $0xA;
	[tilespmem:s30], [sflag:$0x3] =	stream.linear.gather [hbm4b:s4+s21], $0x80, $0x38;
	[tilespmem:$0x1EA80] =	vst v63  }
0x156: {  	s14 =	sadd.s32 $0x380, s25;
	s10 =	sand.u32 $0x1FFFFFF0, s1;
	s9 =	sadd.s32 s12, s5  }
0x157: {  	[tilespmem:s8], [sflag:$0x3] =	stream.linear.gather [hbm4b:s9+s21], $0x80, $0x38;
	[tilespmem:$0x1EA80] =	vst v63  }
0x158: {  	s17 =	sadd.s32 $0x480, s24;
	s5 =	sadd.s32 s12, s10;
	s13 =	spop (v2sf)  }
0x159: {  	(v2sf) =	vpush v18, $0xB;
	[tilespmem:s11], [sflag:$0x3] =	stream.linear.gather [hbm4b:s5+s21], $0x80, $0x38;
	[tilespmem:$0x1EA80] =	vst v63  }
0x15a: {  	s20 =	sadd.s32 $0x400, s25;
	s4 =	sand.u32 $0x1FFFFFF0, s13;
	s15 =	spop (v2sf)  }
0x15b: {  	s10 =	sadd.s32 $0x500, s24;
	(v2sf) =	vpush v17, $0xB;
	s4 =	sadd.s32 s12, s4;
	s16 =	spop (v2sf)  }
0x15c: {  	(v2sf) =	vpush v18, $0xC;
	[tilespmem:s14], [sflag:$0x3] =	stream.linear.gather [hbm4b:s4+s21], $0x80, $0x38;
	[tilespmem:$0x1EA80] =	vst v63  }
0x15d: {  	s5 =	sand.u32 $0x1FFFFFF0, s15;
	s19 =	sand.u32 $0x1FFFFFF0, s16;
	s26 =	spop (v2sf)  }
0x15e: {  	s18 =	sadd.s32 s12, s5;
	s5 =	sadd.s32 s12, s19;
	s30 =	spop (v2sf)  }
0x15f: {  	(v2sf) =	vpush v17, $0xC;
	[tilespmem:s3], [sflag:$0x3] =	stream.linear.gather [hbm4b:s18+s21], $0x80, $0x38;
	[tilespmem:$0x1EA80] =	vst v63  }
0x160: {  	s28 =	sand.u32 $0x1FFFFFF0, s26;
	s4 =	sand.u32 $0x1FFFFFF0, s30;
	s31 =	spop (v2sf)  }
0x161: {  	(v2sf) =	vpush v18, $0xD;
	[tilespmem:s20], [sflag:$0x3] =	stream.linear.gather [hbm4b:s5+s21], $0x80, $0x38;
	[tilespmem:$0x1EA80] =	vst v63  }
0x162: {  	s8 =	sadd.s32 $0x680, s25;
	s3 =	sadd.s32 s12, s28;
	s6 =	sadd.s32 s12, s4  }
0x163: {  	[tilespmem:s17], [sflag:$0x3] =	stream.linear.gather [hbm4b:s3+s21], $0x80, $0x38;
	[tilespmem:$0x1EA80] =	vst v63  }
0x164: {  	s9 =	sand.u32 $0x1FFFFFF0, s31;
	s11 =	spop (v2sf);
	s5 =	sadd.s32 $0x480, s25  }
0x165: {  	[tilespmem:s5], [sflag:$0x3] =	stream.linear.gather [hbm4b:s6+s21], $0x80, $0x38;
	[tilespmem:$0x1EA80] =	vst v63  }
0x166: {  	s13 =	sadd.s32 $0x500, s25;
	s4 =	sadd.s32 s12, s9;
	s3 =	sand.u32 $0x1FFFFFF0, s11  }
0x167: {  	[tilespmem:s10], [sflag:$0x3] =	stream.linear.gather [hbm4b:s4+s21], $0x80, $0x38;
	[tilespmem:$0x1EA80] =	vst v63  }
0x168: {  	s19 =	sadd.s32 $0x580, s25;
	s3 =	sadd.s32 s12, s3;
	s14 =	spop (v2sf)  }
0x169: {  	[tilespmem:s13], [sflag:$0x3] =	stream.linear.gather [hbm4b:s3+s21], $0x80, $0x38;
	[tilespmem:$0x1EA80] =	vst v63  }
0x16a: {  	s28 =	sadd.s32 $0x600, s24;
	s4 =	sand.u32 $0x1FFFFFF0, s14;
	s15 =	spop (v2sf)  }
0x16b: {  	s16 =	sadd.s32 s12, s4;
	s17 =	sand.u32 $0x1FFFFFF0, s15;
	s18 =	spop (v2sf)  }
0x16c: {  	[tilespmem:s0], [sflag:$0x3] =	stream.linear.gather [hbm4b:s16+s21], $0x80, $0x38;
	[tilespmem:$0x1EA80] =	vst v63  }
0x16d: {  	(v2sf) =	vpush v17, $0xD;
	s4 =	sadd.s32 $0x600, s25;
	s20 =	sadd.s32 s12, s17;
	s26 =	sand.u32 $0x1FFFFFF0, s18  }
0x16e: {  	(v2sf) =	vpush v18, $0xE;
	s18 =	sadd.s32 $0x700, s25;
	s31 =	spop (v2sf);
	s16 =	sadd.s32 $0x700, s24  }
0x16f: {  	(v2sf) =	vpush v17, $0xE;
	[tilespmem:s19], [sflag:$0x3] =	stream.linear.gather [hbm4b:s20+s21], $0x80, $0x38;
	[tilespmem:$0x1EA80] =	vst v63  }
0x170: {  	(v2sf) =	vpush v18, $0xF;
	s30 =	sadd.s32 s12, s26;
	s0 =	sand.u32 $0x1FFFFFF0, s31;
	s2 =	spop (v2sf)  }
0x171: {  	(v2sf) =	vpush v17, $0xF;
	[tilespmem:s28], [sflag:$0x3] =	stream.linear.gather [hbm4b:s30+s21], $0x80, $0x38;
	[tilespmem:$0x1EA80] =	vst v63  }
.LBB2_8:
0x172: {  	_ =	sdelay $0x5  }
0x173: {  	s0 =	sadd.s32 s12, s0;
	s2 =	sand.u32 $0x1FFFFFF0, s2  }
0x174: {  	[tilespmem:s4], [sflag:$0x3] =	stream.linear.gather [hbm4b:s0+s21], $0x80, $0x38;
	[tilespmem:$0x1EA80] =	vst v63  }
0x175: {  	s20 =	sadd.s32 s12, s2  }
0x176: {  	[tilespmem:s7], [sflag:$0x3] =	stream.linear.gather [hbm4b:s20+s21], $0x80, $0x38;
	[tilespmem:$0x1EA80] =	vst v63  }
0x177: {  	s3 =	spop (v2sf)  }
0x178: {  	s26 =	sand.u32 $0x1FFFFFF0, s3;
	s28 =	spop (v2sf)  }
0x179: {  	s30 =	sadd.s32 s12, s26;
	s1 =	sand.u32 $0x1FFFFFF0, s28;
	s31 =	spop (v2sf)  }
0x17a: {  	[tilespmem:s8], [sflag:$0x3] =	stream.linear.gather [hbm4b:s30+s21], $0x80, $0x38;
	[tilespmem:$0x1EA80] =	vst v63  }
0x17b: {  	s1 =	sadd.s32 s12, s1;
	s2 =	sand.u32 $0x1FFFFFF0, s31;
	s3 =	spop (v2sf)  }
0x17c: {  	[tilespmem:s16], [sflag:$0x3] =	stream.linear.gather [hbm4b:s1+s21], $0x80, $0x38;
	[tilespmem:$0x1EA80] =	vst v63  }
0x17d: {  	s4 =	sadd.s32 s12, s2;
	s5 =	sand.u32 $0x1FFFFFF0, s3;
	s6 =	spop (v2sf)  }
0x17e: {  	[tilespmem:s18], [sflag:$0x3] =	stream.linear.gather [hbm4b:s4+s21], $0x80, $0x38;
	[tilespmem:$0x1EA80] =	vst v63  }
0x17f: {  	s7 =	sadd.s32 $0x780, s24;
	s1 =	sadd.s32 s12, s5;
	s2 =	sand.u32 $0x1FFFFFF0, s6  }
0x180: {  	[tilespmem:s7], [sflag:$0x3] =	stream.linear.gather [hbm4b:s1+s21], $0x80, $0x38;
	[tilespmem:$0x1EA80] =	vst v63  }
0x181: {  	s8 =	sadd.s32 $0x780, s25;
	s9 =	sadd.s32 s12, s2  }
0x182: {  	[tilespmem:s8], [sflag:$0x3] =	stream.linear.gather [hbm4b:s9+s21], $0x80, $0x38;
	[tilespmem:$0x1EA80] =	vst v63  }
0x183: {  	v17 =	vld [tilespmem:s23+$0x0]  }
0x184: {  	v19 =	vld [tilespmem:s29+$0x0];
	_ =	sdelay $0x3  }
0x185: {  	v18 =	vshll.u32 v17, $0x4  }
0x186: {  	v17 =	vshll.u32 v19, $0x4;
	(v2sf) =	vpush v18, $0x0  }
0x187: {  	s10 =	smov.u32 s22;
	(v2sf) =	vpush v17, $0x0  }
0x188: {  	s11 =	rddreg [dreg:$0x4];
	s0 =	sshra.s32 s10, $0x2;
	(v2sf) =	vpush v18, $0x1  }
0x189: {  	p2 =	sne.s32 s22, $0x6000;
	s24 =	sadd.s32 s0, s11  }
0x18a: {  	s22 =	sadd.s32 $0x2000, s22;
	s13 =	rddreg [dreg:$0x5];
	s14 =	sadd.s32 $0x680, s24  }
0x18b: {  	s19 =	sadd.s32 $0x180, s24;
	s15 =	sadd.s32 $0x500, s24;
	[dreg:$0x8] =	wrdreg s14  }
0x18c: {  	s20 =	sadd.s32 $0x200, s24;
	s17 =	sadd.s32 $0x600, s24;
	[dreg:$0xd] =	wrdreg s15;
	(v2sf) =	vpush v17, $0x1  }
0x18d: {  	s10 =	sadd.s32 $0x380, s24;
	s15 =	sadd.s32 $0x280, s24;
	[dreg:$0xa] =	wrdreg s17  }
0x18e: {  	s26 =	sadd.s32 $0x80, s24;
	s31 =	sadd.s32 $0x100, s24;
	s25 =	sadd.s32 s0, s13;
	(v2sf) =	vpush v18, $0x2  }
0x18f: {  	s13 =	sadd.s32 $0x480, s24;
	s0 =	sadd.s32 $0x300, s24;
	s3 =	sadd.s32 $0x180, s25;
	(v2sf) =	vpush v17, $0x2  }
0x190: {  	s14 =	sadd.s32 $0x300, s25;
	s30 =	sadd.s32 $0x380, s25;
	s16 =	sadd.s32 $0x500, s25  }
0x191: {  	s11 =	sadd.s32 $0x200, s25;
	s2 =	sadd.s32 $0x100, s25;
	[dreg:$0xf] =	wrdreg s16;
	(v2sf) =	vpush v18, $0x3  }
0x192: {  	s18 =	sadd.s32 $0x700, s25;
	s4 =	sadd.s32 $0x600, s25;
	s1 =	sadd.s32 $0x580, s24  }
0x193: {  	s7 =	simm.s32 $0x0;
	[dreg:$0x6] =	wrdreg s1;
	s1 =	sadd.s32 $0x80, s25;
	(v2sf) =	vpush v17, $0x3  }
0x194: {  	s9 =	sadd.s32 $0x400, s24;
	s8 =	sadd.s32 $0x680, s25;
	s21 =	sadd.s32 $0x580, s25  }
0x195: {  	s23 =	sadd.s32 $0x10, s23;
	[dreg:$0xc] =	wrdreg s21;
	s28 =	spop (v2sf);
	(v2sf) =	vpush v18, $0x4  }
0x196: {  	s29 =	sadd.s32 $0x10, s29;
	s16 =	sand.u32 $0x1FFFFFF0, s28;
	s28 =	spop (v2sf)  }
0x197: {  	s16 =	sadd.s32 s12, s16;
	s28 =	sand.u32 $0x1FFFFFF0, s28;
	s17 =	spop (v2sf);
	(v2sf) =	vpush v17, $0x4  }
0x198: {  	[tilespmem:s24], [sflag:$0x3] =	stream.linear.gather [hbm4b:s16+s7], $0x80, $0x38;
	[tilespmem:$0x1EA80] =	vst v63  }
0x199: {  	s21 =	sadd.s32 $0x400, s25;
	s5 =	sadd.s32 s12, s28;
	s17 =	sand.u32 $0x1FFFFFF0, s17;
	(v2sf) =	vpush v18, $0x5  }
0x19a: {  	[tilespmem:s25], [sflag:$0x3] =	stream.linear.gather [hbm4b:s5+s7], $0x80, $0x38;
	[tilespmem:$0x1EA80] =	vst v63  }
0x19b: {  	s28 =	sadd.s32 $0x480, s25;
	s17 =	sadd.s32 s12, s17;
	s5 =	spop (v2sf);
	(v2sf) =	vpush v17, $0x5  }
0x19c: {  	[tilespmem:s26], [sflag:$0x3] =	stream.linear.gather [hbm4b:s17+s7], $0x80, $0x38;
	[tilespmem:$0x1EA80] =	vst v63  }
0x19d: {  	s5 =	sand.u32 $0x1FFFFFF0, s5;
	s6 =	spop (v2sf);
	(v2sf) =	vpush v18, $0x6;
	s26 =	sadd.s32 $0x280, s25  }
0x19e: {  	s5 =	sadd.s32 s12, s5;
	s17 =	sand.u32 $0x1FFFFFF0, s6;
	s6 =	spop (v2sf)  }
0x19f: {  	(v2sf) =	vpush v17, $0x6;
	[tilespmem:s1], [sflag:$0x3] =	stream.linear.gather [hbm4b:s5+s7], $0x80, $0x38;
	[tilespmem:$0x1EA80] =	vst v63  }
0x1a0: {  	s6 =	sand.u32 $0x1FFFFFF0, s6;
	s5 =	sadd.s32 s12, s17;
	s17 =	spop (v2sf)  }
0x1a1: {  	(v2sf) =	vpush v18, $0x7;
	[tilespmem:s31], [sflag:$0x3] =	stream.linear.gather [hbm4b:s5+s7], $0x80, $0x38;
	[tilespmem:$0x1EA80] =	vst v63  }
0x1a2: {  	s17 =	sand.u32 $0x1FFFFFF0, s17;
	s5 =	sadd.s32 s12, s6;
	s31 =	spop (v2sf)  }
0x1a3: {  	(v2sf) =	vpush v17, $0x7;
	[tilespmem:s2], [sflag:$0x3] =	stream.linear.gather [hbm4b:s5+s7], $0x80, $0x38;
	[tilespmem:$0x1EA80] =	vst v63  }
0x1a4: {  	s5 =	sadd.s32 s12, s17;
	s17 =	sand.u32 $0x1FFFFFF0, s31;
	s31 =	spop (v2sf)  }
0x1a5: {  	[tilespmem:s19], [sflag:$0x3] =	stream.linear.gather [hbm4b:s5+s7], $0x80, $0x38;
	(v2sf) =	vpush v18, $0x8;
	[tilespmem:$0x1EA80] =	vst v63  }
0x1a6: {  	s2 =	sadd.s32 s12, s17;
	s5 =	sand.u32 $0x1FFFFFF0, s31;
	s6 =	spop (v2sf)  }
0x1a7: {  	[tilespmem:s3], [sflag:$0x3] =	stream.linear.gather [hbm4b:s2+s7], $0x80, $0x38;
	(v2sf) =	vpush v17, $0x8;
	[tilespmem:$0x1EA80] =	vst v63  }
0x1a8: {  	s17 =	sadd.s32 s12, s5;
	s19 =	sand.u32 $0x1FFFFFF0, s6;
	s31 =	spop (v2sf)  }
0x1a9: {  	(v2sf) =	vpush v18, $0x9;
	[tilespmem:s20], [sflag:$0x3] =	stream.linear.gather [hbm4b:s17+s7], $0x80, $0x38;
	[tilespmem:$0x1EA80] =	vst v63  }
0x1aa: {  	s2 =	sadd.s32 s12, s19;
	s3 =	sand.u32 $0x1FFFFFF0, s31;
	s5 =	spop (v2sf)  }
0x1ab: {  	(v2sf) =	vpush v17, $0x9;
	[tilespmem:s11], [sflag:$0x3] =	stream.linear.gather [hbm4b:s2+s7], $0x80, $0x38;
	[tilespmem:$0x1EA80] =	vst v63  }
0x1ac: {  	s6 =	sadd.s32 s12, s3;
	s11 =	sand.u32 $0x1FFFFFF0, s5;
	s17 =	spop (v2sf)  }
0x1ad: {  	[tilespmem:s15], [sflag:$0x3] =	stream.linear.gather [hbm4b:s6+s7], $0x80, $0x38;
	[tilespmem:$0x1EA80] =	vst v63  }
0x1ae: {  	(v2sf) =	vpush v18, $0xA;
	s19 =	sadd.s32 s12, s11;
	s20 =	sand.u32 $0x1FFFFFF0, s17;
	s31 =	spop (v2sf)  }
0x1af: {  	[tilespmem:s26], [sflag:$0x3] =	stream.linear.gather [hbm4b:s19+s7], $0x80, $0x38;
	[tilespmem:$0x1EA80] =	vst v63  }
0x1b0: {  	(v2sf) =	vpush v17, $0xA;
	s5 =	sadd.s32 s12, s20;
	s6 =	sand.u32 $0x1FFFFFF0, s31;
	s11 =	spop (v2sf)  }
0x1b1: {  	[tilespmem:s0], [sflag:$0x3] =	stream.linear.gather [hbm4b:s5+s7], $0x80, $0x38;
	[tilespmem:$0x1EA80] =	vst v63  }
0x1b2: {  	s15 =	sadd.s32 s12, s6;
	s17 =	sand.u32 $0x1FFFFFF0, s11;
	s19 =	spop (v2sf)  }
0x1b3: {  	(v2sf) =	vpush v18, $0xB;
	[tilespmem:s14], [sflag:$0x3] =	stream.linear.gather [hbm4b:s15+s7], $0x80, $0x38;
	[tilespmem:$0x1EA80] =	vst v63  }
0x1b4: {  	s20 =	sadd.s32 s12, s17;
	s26 =	sand.u32 $0x1FFFFFF0, s19;
	s31 =	spop (v2sf)  }
0x1b5: {  	(v2sf) =	vpush v17, $0xB;
	[tilespmem:s10], [sflag:$0x3] =	stream.linear.gather [hbm4b:s20+s7], $0x80, $0x38;
	[tilespmem:$0x1EA80] =	vst v63  }
0x1b6: {  	s1 =	sadd.s32 s12, s26;
	s3 =	sand.u32 $0x1FFFFFF0, s31;
	s5 =	spop (v2sf)  }
0x1b7: {  	[tilespmem:s30], [sflag:$0x3] =	stream.linear.gather [hbm4b:s1+s7], $0x80, $0x38;
	[tilespmem:$0x1EA80] =	vst v63  }
0x1b8: {  	s16 =	sadd.s32 $0x700, s24;
	s6 =	sadd.s32 s12, s3;
	s11 =	spop (v2sf)  }
0x1b9: {  	(v2sf) =	vpush v18, $0xC;
	[tilespmem:s9], [sflag:$0x3] =	stream.linear.gather [hbm4b:s6+s7], $0x80, $0x38;
	[tilespmem:$0x1EA80] =	vst v63  }
0x1ba: {  	(v2sf) =	vpush v17, $0xC;
	s10 =	sand.u32 $0x1FFFFFF0, s5;
	s15 =	sand.u32 $0x1FFFFFF0, s11;
	s17 =	spop (v2sf)  }
0x1bb: {  	s14 =	sadd.s32 s12, s10;
	s19 =	sadd.s32 s12, s15;
	s20 =	sand.u32 $0x1FFFFFF0, s17  }
0x1bc: {  	(v2sf) =	vpush v18, $0xD;
	[tilespmem:s21], [sflag:$0x3] =	stream.linear.gather [hbm4b:s14+s7], $0x80, $0x38;
	[tilespmem:$0x1EA80] =	vst v63  }
0x1bd: {  	s6 =	rddreg [dreg:$0xd];
	s21 =	spop (v2sf);
	s26 =	sadd.s32 s12, s20  }
0x1be: {  	[tilespmem:s13], [sflag:$0x3] =	stream.linear.gather [hbm4b:s19+s7], $0x80, $0x38;
	[tilespmem:$0x1EA80] =	vst v63  }
0x1bf: {  	s30 =	sand.u32 $0x1FFFFFF0, s21;
	s31 =	spop (v2sf);
	s13 =	rddreg [dreg:$0xf]  }
0x1c0: {  	s21 =	simm.s32 $0x0;
	s1 =	sadd.s32 s12, s30;
	s19 =	rddreg [dreg:$0x6]  }
0x1c1: {  	[tilespmem:s28], [sflag:$0x3] =	stream.linear.gather [hbm4b:s26+s7], $0x80, $0x38;
	[tilespmem:$0x1EA80] =	vst v63  }
0x1c2: {  	s2 =	sand.u32 $0x1FFFFFF0, s31;
	s5 =	spop (v2sf);
	s30 =	rddreg [dreg:$0xc]  }
0x1c3: {  	[tilespmem:s6], [sflag:$0x3] =	stream.linear.gather [hbm4b:s1+s7], $0x80, $0x38;
	[tilespmem:$0x1EA80] =	vst v63  }
0x1c4: {  	s9 =	sadd.s32 s12, s2;
	s10 =	sand.u32 $0x1FFFFFF0, s5;
	s11 =	spop (v2sf)  }
0x1c5: {  	[tilespmem:s13], [sflag:$0x3] =	stream.linear.gather [hbm4b:s9+s7], $0x80, $0x38;
	[tilespmem:$0x1EA80] =	vst v63  }
0x1c6: {  	s31 =	rddreg [dreg:$0xa];
	s14 =	sadd.s32 s12, s10;
	s15 =	sand.u32 $0x1FFFFFF0, s11  }
0x1c7: {  	[tilespmem:s19], [sflag:$0x3] =	stream.linear.gather [hbm4b:s14+s21], $0x80, $0x38;
	[tilespmem:$0x1EA80] =	vst v63  }
.Ltmp3:
0x1c8: {  	(v2sf) =	vpush v17, $0xD;
	s20 =	sadd.s32 s12, s15;
	s17 =	spop (v2sf);
	(pc) =	sbr.rel @p2 .LBB2_8-.Ltmp3, $4  }
0x1c9: {  	(v2sf) =	vpush v18, $0xE;
	s7 =	rddreg [dreg:$0x8];
	s26 =	sand.u32 $0x1FFFFFF0, s17;
	s28 =	spop (v2sf)  }
0x1ca: {  	(v2sf) =	vpush v17, $0xE;
	[tilespmem:s30], [sflag:$0x3] =	stream.linear.gather [hbm4b:s20+s21], $0x80, $0x38;
	[tilespmem:$0x1EA80] =	vst v63  }
0x1cb: {  	(v2sf) =	vpush v18, $0xF;
	s1 =	sadd.s32 s12, s26;
	s0 =	sand.u32 $0x1FFFFFF0, s28;
	s2 =	spop (v2sf)  }
0x1cc: {  	(v2sf) =	vpush v17, $0xF;
	[tilespmem:s31], [sflag:$0x3] =	stream.linear.gather [hbm4b:s1+s21], $0x80, $0x38;
	[tilespmem:$0x1EA80] =	vst v63  }
0x1cd: {  	_ =	sdelay $0x5  }
0x1ce: {  	s0 =	sadd.s32 s12, s0;
	s1 =	sand.u32 $0x1FFFFFF0, s2;
	s29 =	sadd.s32 $0x780, s24  }
0x1cf: {  	[tilespmem:s4], [sflag:$0x3] =	stream.linear.gather [hbm4b:s0+s21], $0x80, $0x38;
	[tilespmem:$0x1EA80] =	vst v63  }
0x1d0: {  	s30 =	sadd.s32 $0x780, s25;
	s5 =	simm.s32 $0xE500;
	s10 =	sadd.s32 s12, s1  }
0x1d1: {  	[tilespmem:s7], [sflag:$0x3] =	stream.linear.gather [hbm4b:s10+s21], $0x80, $0x38;
	[tilespmem:$0x1EA80] =	vst v63  }
0x1d2: {  	s6 =	simm.s32 $0x3;
	s10 =	sld [smem:$0x7ED];
	s9 =	spop (v2sf)  }
0x1d3: {  	s11 =	sand.u32 $0x1FFFFFF0, s9;
	s13 =	spop (v2sf);
	s9 =	sld [smem:$0x7EE]  }
0x1d4: {  	s14 =	sadd.s32 s12, s11;
	s15 =	sand.u32 $0x1FFFFFF0, s13;
	s17 =	spop (v2sf)  }
0x1d5: {  	[tilespmem:s8], [sflag:$0x3] =	stream.linear.gather [hbm4b:s14+s21], $0x80, $0x38;
	[tilespmem:$0x1EA80] =	vst v63  }
0x1d6: {  	s19 =	sadd.s32 s12, s15;
	s20 =	sand.u32 $0x1FFFFFF0, s17;
	s22 =	spop (v2sf)  }
0x1d7: {  	[tilespmem:s16], [sflag:$0x3] =	stream.linear.gather [hbm4b:s19+s21], $0x80, $0x38;
	[tilespmem:$0x1EA80] =	vst v63  }
0x1d8: {  	s23 =	sadd.s32 s12, s20;
	s26 =	sand.u32 $0x1FFFFFF0, s22;
	s28 =	spop (v2sf)  }
0x1d9: {  	[tilespmem:s18], [sflag:$0x3] =	stream.linear.gather [hbm4b:s23+s21], $0x80, $0x38;
	[tilespmem:$0x1EA80] =	vst v63  }
0x1da: {  	s8 =	sld [smem:$0x7EF];
	s1 =	sadd.s32 s12, s26;
	s2 =	sand.u32 $0x1FFFFFF0, s28  }
0x1db: {  	[tilespmem:s29], [sflag:$0x3] =	stream.linear.gather [hbm4b:s1+s21], $0x80, $0x38;
	[tilespmem:$0x1EA80] =	vst v63  }
0x1dc: {  	s7 =	simm.s32 $0x1E980;
	s31 =	sadd.s32 s12, s2;
	s2 =	sld [smem:$0x7EC]  }
0x1dd: {  	[tilespmem:s30], [sflag:$0x3] =	stream.linear.gather [hbm4b:s31+s21], $0x80, $0x38;
	[tilespmem:$0x1EA80] =	vst v63  }
.LBB2_10:
0x1de: {  	s1 =	simm.s32 $0x2  }
0x1df: {  	_ =	swait.ge [sflag:s1], $0x2000  }
0x1e0: {  	s23 =	sshll.u32 s2, $0x7;
	[sflag:s1] =	ssyncset.done $0x0  }
0x1e1: {  	v17 =	vmov s23;
	[sflag:s1] =	ssyncadd.s32 $0xFFFFE000  }
0x1e2: {  	_ =	swait.ge [sflag:s1], $0x2000  }
0x1e3: {  	s22 =	sadd.s32 $0x1, s8;
	s0 =	sadd.s32 $0x1DF80, s9;
	[sflag:s1] =	ssyncset.done $0x0  }
0x1e4: {  	s25 =	simm.s32 $0x0;
	s24 =	sshll.u32 s2, $0xD;
	v18 =	vmov s0;
	[sflag:s1] =	ssyncadd.s32 $0xFFFFE000  }
.LBB2_11:
0x1e5: {  	s26 =	sshll.u32 s25, $0x4  }
0x1e6: {  	v19 =	vld.idx.msk [tilespmem:v17+s26+$0x200 ss:$0x1], $0xffff;
	_ =	sdelay $0x4  }
0x1e7: {  	v21 =	vld.idx.msk [tilespmem:v17+s26+$0x300 ss:$0x1], $0xffff;
	v20 =	vshll.u32 v19, $0x6  }
0x1e8: {  	(v2sf) =	vpush v20, $0x0;
	_ =	sdelay $0x3  }
0x1e9: {  	v19 =	vshll.u32 v21, $0x6  }
0x1ea: {  	(v2sf) =	vpush v19, $0x0;
	_ =	sdelay $0x3  }
0x1eb: {  	v58 =	vbroadcast v20, $0x0;
	_ =	sdelay $0x1  }
0x1ec: {  	v21 =	vor.u32 v0, v58;
	_ =	sdelay $0x2  }
0x1ed: {  	v22 =	vbroadcast v19, $0x0  }
0x1ee: {  	s0 =	spop (v2sf)  }
0x1ef: {  	v22 =	vor.u32 v0, v22;
	v21 =	vld.idx.msk [tilespmem:v21+s5+$0x0], $0xffff;
	s1 =	sor.u32 $0x10, s0  }
0x1f0: {  	v23 =	vor.u32 s1, v0  }
0x1f1: {  	s29 =	sshll.u32 s25, $0xB  }
0x1f2: {  	v24 =	vld [tilespmem:s29+$0x500]  }
0x1f3: {  	v28 =	vld [tilespmem:s29+$0x2500];
	s28 =	spop (v2sf)  }
0x1f4: {  	v22 =	vld.idx.msk [tilespmem:v22+s5+$0x0], $0xffff;
	[tilespmem:s29+$0xC500] =	vst v21;
	s2 =	sor.u32 $0x10, s28  }
0x1f5: {  	s30 =	sor.u32 $0x20, s0;
	v25 =	vor.u32 s2, v0;
	v23 =	vld.idx.msk [tilespmem:v23+s5+$0x0], $0xffff  }
0x1f6: {  	v30 =	vld [tilespmem:s29+$0x510];
	v27 =	vor.u32 s30, v0  }
0x1f7: {  	s3 =	sor.u32 s24, s29;
	v33 =	vld [tilespmem:s29+$0x2510]  }
0x1f8: {  	v26 =	vld [tilespmem:s3+$0x4500]  }
0x1f9: {  	v29 =	vld [tilespmem:s3+$0x8500]  }
0x1fa: {  	s31 =	sor.u32 $0x20, s28;
	v25 =	vld.idx.msk [tilespmem:v25+s5+$0x0], $0xffff;
	[tilespmem:s29+$0xC510] =	vst v23  }
0x1fb: {  	s0 =	sor.u32 $0x30, s0;
	v31 =	vor.u32 s31, v0;
	v27 =	vld.idx.msk [tilespmem:v27+s5+$0x0], $0xffff  }
0x1fc: {  	v36 =	vld [tilespmem:s29+$0x520];
	v34 =	vor.u32 s0, v0  }
0x1fd: {  	v39 =	vld [tilespmem:s29+$0x2520]  }
0x1fe: {  	v32 =	vld [tilespmem:s3+$0x4510]  }
0x1ff: {  	v35 =	vld [tilespmem:s3+$0x8510]  }
0x200: {  	s4 =	sor.u32 $0x30, s28;
	v31 =	vld.idx.msk [tilespmem:v31+s5+$0x0], $0xffff;
	[tilespmem:s29+$0xC520] =	vst v27  }
0x201: {  	v37 =	vor.u32 s4, v0;
	v34 =	vld.idx.msk [tilespmem:v34+s5+$0x0], $0xffff  }
0x202: {  	v60 =	vld [tilespmem:s29+$0x530]  }
0x203: {  	v61 =	vld [tilespmem:s29+$0x2530]  }
0x204: {  	v38 =	vld [tilespmem:s3+$0x4520]  }
0x205: {  	v21 =	vadd.f32 v24, v21;
	(v2sf) =	vpush v20, $0x1;
	v59 =	vld [tilespmem:s3+$0x8520]  }
0x206: {  	v22 =	vadd.f32 v28, v22;
	(v2sf) =	vpush v19, $0x1;
	v37 =	vld.idx.msk [tilespmem:v37+s5+$0x0], $0xffff;
	[tilespmem:s29+$0xC530] =	vst v34  }
0x207: {  	v23 =	vadd.f32 v30, v23;
	v25 =	vadd.f32 v33, v25;
	v62 =	vld [tilespmem:s3+$0x4530]  }
0x208: {  	v21 =	vsub.f32 v21, v26;
	v22 =	vsub.f32 v22, v29;
	v63 =	vld [tilespmem:s3+$0x8530]  }
0x209: {  	v23 =	vsub.f32 v23, v32;
	v25 =	vsub.f32 v25, v35  }
0x20a: {  	v21 =	vand.u32 $0x7FFFFFFF, v21;
	v27 =	vadd.f32 v36, v27;
	v31 =	vadd.f32 v39, v31  }
0x20b: {  	v22 =	vand.u32 $0x7FFFFFFF, v22;
	v26 =	vadd.f32 v60, v34;
	v28 =	vadd.f32 v61, v37  }
0x20c: {  	v23 =	vand.u32 $0x7FFFFFFF, v23;
	v27 =	vsub.f32 v27, v38;
	v24 =	vsub.f32 v31, v59  }
0x20d: {  	v25 =	vand.u32 $0x7FFFFFFF, v25;
	v26 =	vsub.f32 v26, v62;
	v28 =	vsub.f32 v28, v63  }
0x20e: {  	v21 =	vsub.f32 v21, v22;
	v33 =	vsub.f32 v23, v25;
	v34 =	vand.u32 $0x7FFFFFFF, v27  }
0x20f: {  	v24 =	vand.u32 $0x7FFFFFFF, v24;
	v35 =	vand.u32 $0x7FFFFFFF, v26;
	v36 =	vand.u32 $0x7FFFFFFF, v28  }
0x210: {  	v38 =	vbroadcast v20, $0x1;
	v23 =	vsub.f32 v34, v24;
	v37 =	vsub.f32 v35, v36;
	_ =	sdelay $0x1  }
0x211: {  	v39 =	vor.u32 v0, v38;
	v21 =	vadd.f32 v23, v21;
	v22 =	vadd.f32 v37, v33;
	_ =	sdelay $0x1  }
0x212: {  	v21 =	vadd.f32 v22, v21  }
0x213: {  	v40 =	vbroadcast v19, $0x1  }
0x214: {  	s11 =	spop (v2sf);
	[tilespmem:$0x1E980] =	vst v21  }
0x215: {  	v41 =	vor.u32 v0, v40;
	s13 =	sor.u32 $0x10, s11;
	v42 =	vld.idx.msk [tilespmem:v39+s5+$0x0], $0xffff  }
0x216: {  	v43 =	vor.u32 s13, v0;
	_ =	sdelay $0x2  }
0x217: {  	s14 =	spop (v2sf)  }
0x218: {  	s15 =	sor.u32 $0x10, s14;
	v21 =	vld.idx.msk [tilespmem:v41+s5+$0x0], $0xffff;
	[tilespmem:s29+$0xC580] =	vst v42  }
0x219: {  	v45 =	vor.u32 s15, v0;
	v23 =	vld.idx.msk [tilespmem:v43+s5+$0x0], $0xffff  }
0x21a: {  	s4 =	sor.u32 $0x20, s11;
	v44 =	vld [tilespmem:s29+$0x580]  }
0x21b: {  	s16 =	sor.u32 $0x80, s3;
	v48 =	vor.u32 s4, v0;
	v47 =	vld [tilespmem:s29+$0x2580]  }
0x21c: {  	v46 =	vld [tilespmem:s16+$0x4500]  }
0x21d: {  	v49 =	vld [tilespmem:s16+$0x8500]  }
0x21e: {  	s17 =	sor.u32 $0x20, s14;
	v25 =	vld.idx.msk [tilespmem:v45+s5+$0x0], $0xffff;
	[tilespmem:s29+$0xC590] =	vst v23  }
0x21f: {  	v51 =	vor.u32 s17, v0;
	v50 =	vld [tilespmem:s29+$0x590]  }
0x220: {  	v28 =	vld.idx.msk [tilespmem:v48+s5+$0x0], $0xffff  }
0x221: {  	s0 =	sor.u32 $0x30, s11;
	v52 =	vld [tilespmem:s16+$0x4510]  }
0x222: {  	v54 =	vor.u32 s0, v0;
	v53 =	vld [tilespmem:s29+$0x2590]  }
0x223: {  	v55 =	vld [tilespmem:s16+$0x8510]  }
0x224: {  	v31 =	vld.idx.msk [tilespmem:v51+s5+$0x0], $0xffff  }
0x225: {  	v56 =	vld [tilespmem:s29+$0x5A0]  }
0x226: {  	s18 =	sor.u32 $0x30, s14;
	v59 =	vld [tilespmem:s29+$0x25A0];
	[tilespmem:s29+$0xC5A0] =	vst v28  }
0x227: {  	v57 =	vor.u32 s18, v0;
	v34 =	vld.idx.msk [tilespmem:v54+s5+$0x0], $0xffff  }
0x228: {  	v61 =	vld [tilespmem:s29+$0x5B0]  }
0x229: {  	v62 =	vld [tilespmem:s29+$0x25B0]  }
0x22a: {  	v22 =	vadd.f32 v44, v42;
	v58 =	vld [tilespmem:s16+$0x4520]  }
0x22b: {  	v21 =	vadd.f32 v47, v21;
	v60 =	vld [tilespmem:s16+$0x8520]  }
0x22c: {  	v22 =	vsub.f32 v22, v46;
	(v2sf) =	vpush v20, $0x2;
	v37 =	vld.idx.msk [tilespmem:v57+s5+$0x0], $0xffff;
	[tilespmem:s29+$0xC5B0] =	vst v34  }
0x22d: {  	v21 =	vsub.f32 v21, v49;
	(v2sf) =	vpush v19, $0x2;
	v63 =	vld [tilespmem:s16+$0x4530]  }
0x22e: {  	v23 =	vadd.f32 v50, v23;
	v25 =	vadd.f32 v53, v25;
	v33 =	vld [tilespmem:s16+$0x8530]  }
0x22f: {  	v28 =	vadd.f32 v56, v28;
	v31 =	vadd.f32 v59, v31  }
0x230: {  	v22 =	vand.u32 $0x7FFFFFFF, v22;
	v23 =	vsub.f32 v23, v52;
	v25 =	vsub.f32 v25, v55  }
0x231: {  	v21 =	vand.u32 $0x7FFFFFFF, v21;
	v26 =	vadd.f32 v61, v34;
	v27 =	vadd.f32 v62, v37  }
0x232: {  	v23 =	vand.u32 $0x7FFFFFFF, v23;
	v28 =	vsub.f32 v28, v58;
	v24 =	vsub.f32 v31, v60  }
0x233: {  	v25 =	vand.u32 $0x7FFFFFFF, v25;
	v26 =	vsub.f32 v26, v63;
	v27 =	vsub.f32 v27, v33  }
0x234: {  	v21 =	vsub.f32 v22, v21;
	v36 =	vsub.f32 v23, v25;
	v37 =	vand.u32 $0x7FFFFFFF, v28  }
0x235: {  	v24 =	vand.u32 $0x7FFFFFFF, v24;
	v38 =	vand.u32 $0x7FFFFFFF, v26;
	v39 =	vand.u32 $0x7FFFFFFF, v27  }
0x236: {  	v41 =	vbroadcast v20, $0x2;
	v23 =	vsub.f32 v37, v24;
	v40 =	vsub.f32 v38, v39;
	_ =	sdelay $0x1  }
0x237: {  	v42 =	vor.u32 v0, v41;
	v21 =	vadd.f32 v23, v21;
	v22 =	vadd.f32 v40, v36  }
0x238: {  	v43 =	vbroadcast v19, $0x2  }
0x239: {  	v21 =	vadd.f32 v22, v21  }
0x23a: {  	v44 =	vor.u32 v0, v43  }
0x23b: {  	s19 =	spop (v2sf);
	[tilespmem:$0x1E990] =	vst v21  }
0x23c: {  	s20 =	sor.u32 $0x10, s19;
	v45 =	vld.idx.msk [tilespmem:v42+s5+$0x0], $0xffff  }
0x23d: {  	v46 =	vor.u32 s20, v0;
	_ =	sdelay $0x1  }
0x23e: {  	v21 =	vld.idx.msk [tilespmem:v44+s5+$0x0], $0xffff  }
0x23f: {  	s28 =	spop (v2sf);
	v47 =	vld [tilespmem:s29+$0x600]  }
0x240: {  	s30 =	sor.u32 $0x10, s28;
	v51 =	vld [tilespmem:s29+$0x2600];
	[tilespmem:s29+$0xC600] =	vst v45  }
0x241: {  	s11 =	sor.u32 $0x20, s19;
	v48 =	vor.u32 s30, v0;
	v23 =	vld.idx.msk [tilespmem:v46+s5+$0x0], $0xffff  }
0x242: {  	v50 =	vor.u32 s11, v0;
	v53 =	vld [tilespmem:s29+$0x610]  }
0x243: {  	s31 =	sor.u32 $0x100, s3;
	v56 =	vld [tilespmem:s29+$0x2610]  }
0x244: {  	v49 =	vld [tilespmem:s31+$0x4500]  }
0x245: {  	v52 =	vld [tilespmem:s31+$0x8500]  }
0x246: {  	s13 =	sor.u32 $0x20, s28;
	v25 =	vld.idx.msk [tilespmem:v48+s5+$0x0], $0xffff;
	[tilespmem:s29+$0xC610] =	vst v23  }
0x247: {  	s0 =	sor.u32 $0x30, s19;
	v54 =	vor.u32 s13, v0;
	v27 =	vld.idx.msk [tilespmem:v50+s5+$0x0], $0xffff  }
0x248: {  	v57 =	vor.u32 s0, v0;
	v59 =	vld [tilespmem:s29+$0x620]  }
0x249: {  	v62 =	vld [tilespmem:s29+$0x2620]  }
0x24a: {  	v55 =	vld [tilespmem:s31+$0x4510]  }
0x24b: {  	v58 =	vld [tilespmem:s31+$0x8510]  }
0x24c: {  	s14 =	sor.u32 $0x30, s28;
	v31 =	vld.idx.msk [tilespmem:v54+s5+$0x0], $0xffff;
	[tilespmem:s29+$0xC620] =	vst v27  }
0x24d: {  	v60 =	vor.u32 s14, v0;
	v34 =	vld.idx.msk [tilespmem:v57+s5+$0x0], $0xffff  }
0x24e: {  	v40 =	vld [tilespmem:s29+$0x630]  }
0x24f: {  	v41 =	vld [tilespmem:s29+$0x2630]  }
0x250: {  	(v2sf) =	vpush v20, $0x3;
	v61 =	vld [tilespmem:s31+$0x4520]  }
0x251: {  	(v2sf) =	vpush v19, $0x3;
	v63 =	vld [tilespmem:s31+$0x8520]  }
0x252: {  	v22 =	vadd.f32 v47, v45;
	v21 =	vadd.f32 v51, v21;
	v37 =	vld.idx.msk [tilespmem:v60+s5+$0x0], $0xffff;
	[tilespmem:s29+$0xC630] =	vst v34  }
0x253: {  	v23 =	vadd.f32 v53, v23;
	v25 =	vadd.f32 v56, v25;
	v42 =	vld [tilespmem:s31+$0x4530]  }
0x254: {  	v22 =	vsub.f32 v22, v49;
	v21 =	vsub.f32 v21, v52;
	v43 =	vld [tilespmem:s31+$0x8530]  }
0x255: {  	v23 =	vsub.f32 v23, v55;
	v25 =	vsub.f32 v25, v58  }
0x256: {  	v22 =	vand.u32 $0x7FFFFFFF, v22;
	v27 =	vadd.f32 v59, v27;
	v31 =	vadd.f32 v62, v31  }
0x257: {  	v21 =	vand.u32 $0x7FFFFFFF, v21;
	v26 =	vadd.f32 v40, v34;
	v28 =	vadd.f32 v41, v37  }
0x258: {  	v23 =	vand.u32 $0x7FFFFFFF, v23;
	v27 =	vsub.f32 v27, v61;
	v24 =	vsub.f32 v31, v63  }
0x259: {  	v25 =	vand.u32 $0x7FFFFFFF, v25;
	v26 =	vsub.f32 v26, v42;
	v28 =	vsub.f32 v28, v43  }
0x25a: {  	v21 =	vsub.f32 v22, v21;
	v44 =	vsub.f32 v23, v25;
	v45 =	vand.u32 $0x7FFFFFFF, v27  }
0x25b: {  	v24 =	vand.u32 $0x7FFFFFFF, v24;
	v46 =	vand.u32 $0x7FFFFFFF, v26;
	v47 =	vand.u32 $0x7FFFFFFF, v28  }
0x25c: {  	v49 =	vbroadcast v20, $0x3;
	v23 =	vsub.f32 v45, v24;
	v48 =	vsub.f32 v46, v47;
	_ =	sdelay $0x1  }
0x25d: {  	v50 =	vor.u32 v0, v49;
	v21 =	vadd.f32 v23, v21;
	v22 =	vadd.f32 v48, v44  }
0x25e: {  	v51 =	vbroadcast v19, $0x3  }
0x25f: {  	v21 =	vadd.f32 v22, v21  }
0x260: {  	v52 =	vor.u32 v0, v51  }
0x261: {  	s15 =	spop (v2sf);
	[tilespmem:$0x1E9A0] =	vst v21  }
0x262: {  	s16 =	sor.u32 $0x10, s15;
	v53 =	vld.idx.msk [tilespmem:v50+s5+$0x0], $0xffff  }
0x263: {  	v54 =	vor.u32 s16, v0;
	_ =	sdelay $0x1  }
0x264: {  	v21 =	vld.idx.msk [tilespmem:v52+s5+$0x0], $0xffff  }
0x265: {  	s17 =	spop (v2sf);
	v55 =	vld [tilespmem:s29+$0x680]  }
0x266: {  	s18 =	sor.u32 $0x10, s17;
	v59 =	vld [tilespmem:s29+$0x2680];
	[tilespmem:s29+$0xC680] =	vst v53  }
0x267: {  	s20 =	sor.u32 $0x20, s15;
	v56 =	vor.u32 s18, v0;
	v23 =	vld.idx.msk [tilespmem:v54+s5+$0x0], $0xffff  }
0x268: {  	v58 =	vor.u32 s20, v0;
	v61 =	vld [tilespmem:s29+$0x690]  }
0x269: {  	s19 =	sor.u32 $0x180, s3;
	v42 =	vld [tilespmem:s29+$0x2690]  }
0x26a: {  	v57 =	vld [tilespmem:s19+$0x4500]  }
0x26b: {  	v60 =	vld [tilespmem:s19+$0x8500]  }
0x26c: {  	s28 =	sor.u32 $0x20, s17;
	v25 =	vld.idx.msk [tilespmem:v56+s5+$0x0], $0xffff;
	[tilespmem:s29+$0xC690] =	vst v23  }
0x26d: {  	s0 =	sor.u32 $0x30, s15;
	v62 =	vor.u32 s28, v0;
	v27 =	vld.idx.msk [tilespmem:v58+s5+$0x0], $0xffff  }
0x26e: {  	v43 =	vor.u32 s0, v0;
	v45 =	vld [tilespmem:s29+$0x6A0]  }
0x26f: {  	v48 =	vld [tilespmem:s29+$0x26A0]  }
0x270: {  	v63 =	vld [tilespmem:s19+$0x4510]  }
0x271: {  	v44 =	vld [tilespmem:s19+$0x8510]  }
0x272: {  	s30 =	sor.u32 $0x30, s17;
	v31 =	vld.idx.msk [tilespmem:v62+s5+$0x0], $0xffff;
	[tilespmem:s29+$0xC6A0] =	vst v27  }
0x273: {  	v46 =	vor.u32 s30, v0;
	v34 =	vld.idx.msk [tilespmem:v43+s5+$0x0], $0xffff  }
0x274: {  	v50 =	vld [tilespmem:s29+$0x6B0]  }
0x275: {  	v51 =	vld [tilespmem:s29+$0x26B0]  }
0x276: {  	(v2sf) =	vpush v20, $0x4;
	v47 =	vld [tilespmem:s19+$0x4520]  }
0x277: {  	(v2sf) =	vpush v19, $0x4;
	v49 =	vld [tilespmem:s19+$0x8520]  }
0x278: {  	v22 =	vadd.f32 v55, v53;
	v21 =	vadd.f32 v59, v21;
	v37 =	vld.idx.msk [tilespmem:v46+s5+$0x0], $0xffff;
	[tilespmem:s29+$0xC6B0] =	vst v34  }
0x279: {  	v23 =	vadd.f32 v61, v23;
	v25 =	vadd.f32 v42, v25;
	v52 =	vld [tilespmem:s19+$0x4530]  }
0x27a: {  	v22 =	vsub.f32 v22, v57;
	v21 =	vsub.f32 v21, v60;
	v53 =	vld [tilespmem:s19+$0x8530]  }
0x27b: {  	v23 =	vsub.f32 v23, v63;
	v25 =	vsub.f32 v25, v44  }
0x27c: {  	v22 =	vand.u32 $0x7FFFFFFF, v22;
	v27 =	vadd.f32 v45, v27;
	v31 =	vadd.f32 v48, v31  }
0x27d: {  	v21 =	vand.u32 $0x7FFFFFFF, v21;
	v26 =	vadd.f32 v50, v34;
	v28 =	vadd.f32 v51, v37  }
0x27e: {  	v23 =	vand.u32 $0x7FFFFFFF, v23;
	v27 =	vsub.f32 v27, v47;
	v24 =	vsub.f32 v31, v49  }
0x27f: {  	v25 =	vand.u32 $0x7FFFFFFF, v25;
	v26 =	vsub.f32 v26, v52;
	v28 =	vsub.f32 v28, v53  }
0x280: {  	v21 =	vsub.f32 v22, v21;
	v54 =	vsub.f32 v23, v25;
	v55 =	vand.u32 $0x7FFFFFFF, v27  }
0x281: {  	v24 =	vand.u32 $0x7FFFFFFF, v24;
	v56 =	vand.u32 $0x7FFFFFFF, v26;
	v57 =	vand.u32 $0x7FFFFFFF, v28  }
0x282: {  	v59 =	vbroadcast v20, $0x4;
	v23 =	vsub.f32 v55, v24;
	v58 =	vsub.f32 v56, v57;
	_ =	sdelay $0x1  }
0x283: {  	v60 =	vor.u32 v0, v59;
	v21 =	vadd.f32 v23, v21;
	v22 =	vadd.f32 v58, v54  }
0x284: {  	v61 =	vbroadcast v19, $0x4  }
0x285: {  	v21 =	vadd.f32 v22, v21  }
0x286: {  	v62 =	vor.u32 v0, v61  }
0x287: {  	s31 =	spop (v2sf);
	[tilespmem:$0x1E9B0] =	vst v21  }
0x288: {  	s11 =	sor.u32 $0x10, s31;
	v63 =	vld.idx.msk [tilespmem:v60+s5+$0x0], $0xffff  }
0x289: {  	v42 =	vor.u32 s11, v0;
	_ =	sdelay $0x1  }
0x28a: {  	v21 =	vld.idx.msk [tilespmem:v62+s5+$0x0], $0xffff  }
0x28b: {  	s13 =	spop (v2sf);
	v43 =	vld [tilespmem:s29+$0x700]  }
0x28c: {  	s14 =	sor.u32 $0x10, s13;
	v47 =	vld [tilespmem:s29+$0x2700];
	[tilespmem:s29+$0xC700] =	vst v63  }
0x28d: {  	s16 =	sor.u32 $0x20, s31;
	v44 =	vor.u32 s14, v0;
	v23 =	vld.idx.msk [tilespmem:v42+s5+$0x0], $0xffff  }
0x28e: {  	v46 =	vor.u32 s16, v0;
	v49 =	vld [tilespmem:s29+$0x710]  }
0x28f: {  	s15 =	sor.u32 $0x200, s3;
	v52 =	vld [tilespmem:s29+$0x2710]  }
0x290: {  	v45 =	vld [tilespmem:s15+$0x4500]  }
0x291: {  	v48 =	vld [tilespmem:s15+$0x8500]  }
0x292: {  	s17 =	sor.u32 $0x20, s13;
	v25 =	vld.idx.msk [tilespmem:v44+s5+$0x0], $0xffff;
	[tilespmem:s29+$0xC710] =	vst v23  }
0x293: {  	s0 =	sor.u32 $0x30, s31;
	v50 =	vor.u32 s17, v0;
	v27 =	vld.idx.msk [tilespmem:v46+s5+$0x0], $0xffff  }
0x294: {  	v53 =	vor.u32 s0, v0;
	v55 =	vld [tilespmem:s29+$0x720]  }
0x295: {  	v58 =	vld [tilespmem:s29+$0x2720]  }
0x296: {  	v51 =	vld [tilespmem:s15+$0x4510]  }
0x297: {  	v54 =	vld [tilespmem:s15+$0x8510]  }
0x298: {  	s18 =	sor.u32 $0x30, s13;
	v31 =	vld.idx.msk [tilespmem:v50+s5+$0x0], $0xffff;
	[tilespmem:s29+$0xC720] =	vst v27  }
0x299: {  	v56 =	vor.u32 s18, v0;
	v34 =	vld.idx.msk [tilespmem:v53+s5+$0x0], $0xffff  }
0x29a: {  	v60 =	vld [tilespmem:s29+$0x730]  }
0x29b: {  	v61 =	vld [tilespmem:s29+$0x2730]  }
0x29c: {  	(v2sf) =	vpush v20, $0x5;
	v57 =	vld [tilespmem:s15+$0x4520]  }
0x29d: {  	(v2sf) =	vpush v19, $0x5;
	v59 =	vld [tilespmem:s15+$0x8520]  }
0x29e: {  	v22 =	vadd.f32 v43, v63;
	v21 =	vadd.f32 v47, v21;
	v37 =	vld.idx.msk [tilespmem:v56+s5+$0x0], $0xffff;
	[tilespmem:s29+$0xC730] =	vst v34  }
0x29f: {  	v23 =	vadd.f32 v49, v23;
	v25 =	vadd.f32 v52, v25;
	v62 =	vld [tilespmem:s15+$0x4530]  }
0x2a0: {  	v22 =	vsub.f32 v22, v45;
	v21 =	vsub.f32 v21, v48;
	v63 =	vld [tilespmem:s15+$0x8530]  }
0x2a1: {  	v23 =	vsub.f32 v23, v51;
	v25 =	vsub.f32 v25, v54  }
0x2a2: {  	v22 =	vand.u32 $0x7FFFFFFF, v22;
	v27 =	vadd.f32 v55, v27;
	v31 =	vadd.f32 v58, v31  }
0x2a3: {  	v21 =	vand.u32 $0x7FFFFFFF, v21;
	v26 =	vadd.f32 v60, v34;
	v28 =	vadd.f32 v61, v37  }
0x2a4: {  	v23 =	vand.u32 $0x7FFFFFFF, v23;
	v27 =	vsub.f32 v27, v57;
	v24 =	vsub.f32 v31, v59  }
0x2a5: {  	v25 =	vand.u32 $0x7FFFFFFF, v25;
	v26 =	vsub.f32 v26, v62;
	v28 =	vsub.f32 v28, v63  }
0x2a6: {  	v21 =	vsub.f32 v22, v21;
	v33 =	vsub.f32 v23, v25;
	v34 =	vand.u32 $0x7FFFFFFF, v27  }
0x2a7: {  	v24 =	vand.u32 $0x7FFFFFFF, v24;
	v35 =	vand.u32 $0x7FFFFFFF, v26;
	v36 =	vand.u32 $0x7FFFFFFF, v28  }
0x2a8: {  	v38 =	vbroadcast v20, $0x5;
	v23 =	vsub.f32 v34, v24;
	v37 =	vsub.f32 v35, v36;
	_ =	sdelay $0x1  }
0x2a9: {  	v39 =	vor.u32 v0, v38;
	v21 =	vadd.f32 v23, v21;
	v22 =	vadd.f32 v37, v33  }
0x2aa: {  	v40 =	vbroadcast v19, $0x5  }
0x2ab: {  	v21 =	vadd.f32 v22, v21  }
0x2ac: {  	v41 =	vor.u32 v0, v40  }
0x2ad: {  	s19 =	spop (v2sf);
	[tilespmem:$0x1E9C0] =	vst v21  }
0x2ae: {  	s20 =	sor.u32 $0x10, s19;
	v42 =	vld.idx.msk [tilespmem:v39+s5+$0x0], $0xffff  }
0x2af: {  	v43 =	vor.u32 s20, v0;
	_ =	sdelay $0x1  }
0x2b0: {  	v21 =	vld.idx.msk [tilespmem:v41+s5+$0x0], $0xffff  }
0x2b1: {  	s28 =	spop (v2sf);
	v44 =	vld [tilespmem:s29+$0x780]  }
0x2b2: {  	s30 =	sor.u32 $0x10, s28;
	v48 =	vld [tilespmem:s29+$0x2780];
	[tilespmem:s29+$0xC780] =	vst v42  }
0x2b3: {  	s11 =	sor.u32 $0x20, s19;
	v45 =	vor.u32 s30, v0;
	v23 =	vld.idx.msk [tilespmem:v43+s5+$0x0], $0xffff  }
0x2b4: {  	v47 =	vor.u32 s11, v0;
	v50 =	vld [tilespmem:s29+$0x790]  }
0x2b5: {  	s31 =	sor.u32 $0x280, s3;
	v53 =	vld [tilespmem:s29+$0x2790]  }
0x2b6: {  	v46 =	vld [tilespmem:s31+$0x4500]  }
0x2b7: {  	v49 =	vld [tilespmem:s31+$0x8500]  }
0x2b8: {  	s13 =	sor.u32 $0x20, s28;
	v25 =	vld.idx.msk [tilespmem:v45+s5+$0x0], $0xffff;
	[tilespmem:s29+$0xC790] =	vst v23  }
0x2b9: {  	s0 =	sor.u32 $0x30, s19;
	v51 =	vor.u32 s13, v0;
	v27 =	vld.idx.msk [tilespmem:v47+s5+$0x0], $0xffff  }
0x2ba: {  	v54 =	vor.u32 s0, v0;
	v56 =	vld [tilespmem:s29+$0x7A0]  }
0x2bb: {  	v59 =	vld [tilespmem:s29+$0x27A0]  }
0x2bc: {  	v52 =	vld [tilespmem:s31+$0x4510]  }
0x2bd: {  	v55 =	vld [tilespmem:s31+$0x8510]  }
0x2be: {  	s14 =	sor.u32 $0x30, s28;
	v31 =	vld.idx.msk [tilespmem:v51+s5+$0x0], $0xffff;
	[tilespmem:s29+$0xC7A0] =	vst v27  }
0x2bf: {  	v57 =	vor.u32 s14, v0;
	v34 =	vld.idx.msk [tilespmem:v54+s5+$0x0], $0xffff  }
0x2c0: {  	v61 =	vld [tilespmem:s29+$0x7B0]  }
0x2c1: {  	v62 =	vld [tilespmem:s29+$0x27B0]  }
0x2c2: {  	(v2sf) =	vpush v20, $0x6;
	v58 =	vld [tilespmem:s31+$0x4520]  }
0x2c3: {  	(v2sf) =	vpush v19, $0x6;
	v60 =	vld [tilespmem:s31+$0x8520]  }
0x2c4: {  	v22 =	vadd.f32 v44, v42;
	v21 =	vadd.f32 v48, v21;
	v37 =	vld.idx.msk [tilespmem:v57+s5+$0x0], $0xffff;
	[tilespmem:s29+$0xC7B0] =	vst v34  }
0x2c5: {  	v23 =	vadd.f32 v50, v23;
	v25 =	vadd.f32 v53, v25;
	v63 =	vld [tilespmem:s31+$0x4530]  }
0x2c6: {  	v22 =	vsub.f32 v22, v46;
	v21 =	vsub.f32 v21, v49;
	v33 =	vld [tilespmem:s31+$0x8530]  }
0x2c7: {  	v23 =	vsub.f32 v23, v52;
	v25 =	vsub.f32 v25, v55  }
0x2c8: {  	v22 =	vand.u32 $0x7FFFFFFF, v22;
	v27 =	vadd.f32 v56, v27;
	v31 =	vadd.f32 v59, v31  }
0x2c9: {  	v21 =	vand.u32 $0x7FFFFFFF, v21;
	v26 =	vadd.f32 v61, v34;
	v28 =	vadd.f32 v62, v37  }
0x2ca: {  	v23 =	vand.u32 $0x7FFFFFFF, v23;
	v27 =	vsub.f32 v27, v58;
	v24 =	vsub.f32 v31, v60  }
0x2cb: {  	v25 =	vand.u32 $0x7FFFFFFF, v25;
	v26 =	vsub.f32 v26, v63;
	v28 =	vsub.f32 v28, v33  }
0x2cc: {  	v21 =	vsub.f32 v22, v21;
	v36 =	vsub.f32 v23, v25;
	v37 =	vand.u32 $0x7FFFFFFF, v27  }
0x2cd: {  	v24 =	vand.u32 $0x7FFFFFFF, v24;
	v38 =	vand.u32 $0x7FFFFFFF, v26;
	v39 =	vand.u32 $0x7FFFFFFF, v28  }
0x2ce: {  	v41 =	vbroadcast v20, $0x6;
	v23 =	vsub.f32 v37, v24;
	v40 =	vsub.f32 v38, v39;
	_ =	sdelay $0x1  }
0x2cf: {  	v42 =	vor.u32 v0, v41;
	v21 =	vadd.f32 v23, v21;
	v22 =	vadd.f32 v40, v36  }
0x2d0: {  	v43 =	vbroadcast v19, $0x6  }
0x2d1: {  	v21 =	vadd.f32 v22, v21  }
0x2d2: {  	v44 =	vor.u32 v0, v43  }
0x2d3: {  	s15 =	spop (v2sf);
	[tilespmem:$0x1E9D0] =	vst v21  }
0x2d4: {  	s16 =	sor.u32 $0x10, s15;
	v45 =	vld.idx.msk [tilespmem:v42+s5+$0x0], $0xffff  }
0x2d5: {  	v46 =	vor.u32 s16, v0;
	_ =	sdelay $0x1  }
0x2d6: {  	v21 =	vld.idx.msk [tilespmem:v44+s5+$0x0], $0xffff  }
0x2d7: {  	s17 =	spop (v2sf);
	v47 =	vld [tilespmem:s29+$0x800]  }
0x2d8: {  	s18 =	sor.u32 $0x10, s17;
	v51 =	vld [tilespmem:s29+$0x2800];
	[tilespmem:s29+$0xC800] =	vst v45  }
0x2d9: {  	s20 =	sor.u32 $0x20, s15;
	v48 =	vor.u32 s18, v0;
	v23 =	vld.idx.msk [tilespmem:v46+s5+$0x0], $0xffff  }
0x2da: {  	v50 =	vor.u32 s20, v0;
	v53 =	vld [tilespmem:s29+$0x810]  }
0x2db: {  	s19 =	sor.u32 $0x300, s3;
	v56 =	vld [tilespmem:s29+$0x2810]  }
0x2dc: {  	v49 =	vld [tilespmem:s19+$0x4500]  }
0x2dd: {  	v52 =	vld [tilespmem:s19+$0x8500]  }
0x2de: {  	s28 =	sor.u32 $0x20, s17;
	v25 =	vld.idx.msk [tilespmem:v48+s5+$0x0], $0xffff;
	[tilespmem:s29+$0xC810] =	vst v23  }
0x2df: {  	s0 =	sor.u32 $0x30, s15;
	v54 =	vor.u32 s28, v0;
	v27 =	vld.idx.msk [tilespmem:v50+s5+$0x0], $0xffff  }
0x2e0: {  	v57 =	vor.u32 s0, v0;
	v59 =	vld [tilespmem:s29+$0x820]  }
0x2e1: {  	v62 =	vld [tilespmem:s29+$0x2820]  }
0x2e2: {  	v55 =	vld [tilespmem:s19+$0x4510]  }
0x2e3: {  	v58 =	vld [tilespmem:s19+$0x8510]  }
0x2e4: {  	s30 =	sor.u32 $0x30, s17;
	v31 =	vld.idx.msk [tilespmem:v54+s5+$0x0], $0xffff;
	[tilespmem:s29+$0xC820] =	vst v27  }
0x2e5: {  	v60 =	vor.u32 s30, v0;
	v34 =	vld.idx.msk [tilespmem:v57+s5+$0x0], $0xffff  }
0x2e6: {  	v40 =	vld [tilespmem:s29+$0x830]  }
0x2e7: {  	v41 =	vld [tilespmem:s29+$0x2830]  }
0x2e8: {  	(v2sf) =	vpush v20, $0x7;
	v61 =	vld [tilespmem:s19+$0x4520]  }
0x2e9: {  	(v2sf) =	vpush v19, $0x7;
	v63 =	vld [tilespmem:s19+$0x8520]  }
0x2ea: {  	v22 =	vadd.f32 v47, v45;
	v21 =	vadd.f32 v51, v21;
	v37 =	vld.idx.msk [tilespmem:v60+s5+$0x0], $0xffff;
	[tilespmem:s29+$0xC830] =	vst v34  }
0x2eb: {  	v23 =	vadd.f32 v53, v23;
	v25 =	vadd.f32 v56, v25;
	v42 =	vld [tilespmem:s19+$0x4530]  }
0x2ec: {  	v22 =	vsub.f32 v22, v49;
	v21 =	vsub.f32 v21, v52;
	v43 =	vld [tilespmem:s19+$0x8530]  }
0x2ed: {  	v23 =	vsub.f32 v23, v55;
	v25 =	vsub.f32 v25, v58  }
0x2ee: {  	v22 =	vand.u32 $0x7FFFFFFF, v22;
	v27 =	vadd.f32 v59, v27;
	v31 =	vadd.f32 v62, v31  }
0x2ef: {  	v21 =	vand.u32 $0x7FFFFFFF, v21;
	v26 =	vadd.f32 v40, v34;
	v28 =	vadd.f32 v41, v37  }
0x2f0: {  	v23 =	vand.u32 $0x7FFFFFFF, v23;
	v27 =	vsub.f32 v27, v61;
	v24 =	vsub.f32 v31, v63  }
0x2f1: {  	v25 =	vand.u32 $0x7FFFFFFF, v25;
	v26 =	vsub.f32 v26, v42;
	v28 =	vsub.f32 v28, v43  }
0x2f2: {  	v21 =	vsub.f32 v22, v21;
	v44 =	vsub.f32 v23, v25;
	v45 =	vand.u32 $0x7FFFFFFF, v27  }
0x2f3: {  	v24 =	vand.u32 $0x7FFFFFFF, v24;
	v46 =	vand.u32 $0x7FFFFFFF, v26;
	v47 =	vand.u32 $0x7FFFFFFF, v28  }
0x2f4: {  	v49 =	vbroadcast v20, $0x7;
	v23 =	vsub.f32 v45, v24;
	v48 =	vsub.f32 v46, v47;
	_ =	sdelay $0x1  }
0x2f5: {  	v50 =	vor.u32 v0, v49;
	v21 =	vadd.f32 v23, v21;
	v22 =	vadd.f32 v48, v44  }
0x2f6: {  	v51 =	vbroadcast v19, $0x7  }
0x2f7: {  	v21 =	vadd.f32 v22, v21  }
0x2f8: {  	v52 =	vor.u32 v0, v51  }
0x2f9: {  	s31 =	spop (v2sf);
	[tilespmem:$0x1E9E0] =	vst v21  }
0x2fa: {  	s11 =	sor.u32 $0x10, s31;
	v53 =	vld.idx.msk [tilespmem:v50+s5+$0x0], $0xffff  }
0x2fb: {  	v54 =	vor.u32 s11, v0;
	_ =	sdelay $0x1  }
0x2fc: {  	v21 =	vld.idx.msk [tilespmem:v52+s5+$0x0], $0xffff  }
0x2fd: {  	s13 =	spop (v2sf);
	v55 =	vld [tilespmem:s29+$0x880]  }
0x2fe: {  	s14 =	sor.u32 $0x10, s13;
	v59 =	vld [tilespmem:s29+$0x2880];
	[tilespmem:s29+$0xC880] =	vst v53  }
0x2ff: {  	s16 =	sor.u32 $0x20, s31;
	v56 =	vor.u32 s14, v0;
	v23 =	vld.idx.msk [tilespmem:v54+s5+$0x0], $0xffff  }
0x300: {  	v58 =	vor.u32 s16, v0;
	v61 =	vld [tilespmem:s29+$0x890]  }
0x301: {  	s15 =	sor.u32 $0x380, s3;
	v42 =	vld [tilespmem:s29+$0x2890]  }
0x302: {  	v57 =	vld [tilespmem:s15+$0x4500]  }
0x303: {  	v60 =	vld [tilespmem:s15+$0x8500]  }
0x304: {  	s17 =	sor.u32 $0x20, s13;
	v25 =	vld.idx.msk [tilespmem:v56+s5+$0x0], $0xffff;
	[tilespmem:s29+$0xC890] =	vst v23  }
0x305: {  	s0 =	sor.u32 $0x30, s31;
	v62 =	vor.u32 s17, v0;
	v27 =	vld.idx.msk [tilespmem:v58+s5+$0x0], $0xffff  }
0x306: {  	v43 =	vor.u32 s0, v0;
	v45 =	vld [tilespmem:s29+$0x8A0]  }
0x307: {  	v48 =	vld [tilespmem:s29+$0x28A0]  }
0x308: {  	v63 =	vld [tilespmem:s15+$0x4510]  }
0x309: {  	v44 =	vld [tilespmem:s15+$0x8510]  }
0x30a: {  	s18 =	sor.u32 $0x30, s13;
	v31 =	vld.idx.msk [tilespmem:v62+s5+$0x0], $0xffff;
	[tilespmem:s29+$0xC8A0] =	vst v27  }
0x30b: {  	v46 =	vor.u32 s18, v0;
	v34 =	vld.idx.msk [tilespmem:v43+s5+$0x0], $0xffff  }
0x30c: {  	v50 =	vld [tilespmem:s29+$0x8B0]  }
0x30d: {  	v51 =	vld [tilespmem:s29+$0x28B0]  }
0x30e: {  	(v2sf) =	vpush v20, $0x8;
	v47 =	vld [tilespmem:s15+$0x4520]  }
0x30f: {  	(v2sf) =	vpush v19, $0x8;
	v49 =	vld [tilespmem:s15+$0x8520]  }
0x310: {  	v22 =	vadd.f32 v55, v53;
	v21 =	vadd.f32 v59, v21;
	v37 =	vld.idx.msk [tilespmem:v46+s5+$0x0], $0xffff;
	[tilespmem:s29+$0xC8B0] =	vst v34  }
0x311: {  	v23 =	vadd.f32 v61, v23;
	v25 =	vadd.f32 v42, v25;
	v52 =	vld [tilespmem:s15+$0x4530]  }
0x312: {  	v22 =	vsub.f32 v22, v57;
	v21 =	vsub.f32 v21, v60;
	v53 =	vld [tilespmem:s15+$0x8530]  }
0x313: {  	v23 =	vsub.f32 v23, v63;
	v25 =	vsub.f32 v25, v44  }
0x314: {  	v22 =	vand.u32 $0x7FFFFFFF, v22;
	v27 =	vadd.f32 v45, v27;
	v31 =	vadd.f32 v48, v31  }
0x315: {  	v21 =	vand.u32 $0x7FFFFFFF, v21;
	v26 =	vadd.f32 v50, v34;
	v28 =	vadd.f32 v51, v37  }
0x316: {  	v23 =	vand.u32 $0x7FFFFFFF, v23;
	v27 =	vsub.f32 v27, v47;
	v24 =	vsub.f32 v31, v49  }
0x317: {  	v25 =	vand.u32 $0x7FFFFFFF, v25;
	v26 =	vsub.f32 v26, v52;
	v28 =	vsub.f32 v28, v53  }
0x318: {  	v21 =	vsub.f32 v22, v21;
	v54 =	vsub.f32 v23, v25;
	v55 =	vand.u32 $0x7FFFFFFF, v27  }
0x319: {  	v24 =	vand.u32 $0x7FFFFFFF, v24;
	v56 =	vand.u32 $0x7FFFFFFF, v26;
	v57 =	vand.u32 $0x7FFFFFFF, v28  }
0x31a: {  	v59 =	vbroadcast v20, $0x8;
	v23 =	vsub.f32 v55, v24;
	v58 =	vsub.f32 v56, v57;
	_ =	sdelay $0x1  }
0x31b: {  	v60 =	vor.u32 v0, v59;
	v21 =	vadd.f32 v23, v21;
	v22 =	vadd.f32 v58, v54  }
0x31c: {  	v61 =	vbroadcast v19, $0x8  }
0x31d: {  	v21 =	vadd.f32 v22, v21  }
0x31e: {  	v62 =	vor.u32 v0, v61  }
0x31f: {  	s19 =	spop (v2sf);
	[tilespmem:$0x1E9F0] =	vst v21  }
0x320: {  	s20 =	sor.u32 $0x10, s19;
	v63 =	vld.idx.msk [tilespmem:v60+s5+$0x0], $0xffff  }
0x321: {  	v42 =	vor.u32 s20, v0;
	_ =	sdelay $0x1  }
0x322: {  	v21 =	vld.idx.msk [tilespmem:v62+s5+$0x0], $0xffff  }
0x323: {  	s28 =	spop (v2sf);
	v43 =	vld [tilespmem:s29+$0x900]  }
0x324: {  	s30 =	sor.u32 $0x10, s28;
	v47 =	vld [tilespmem:s29+$0x2900];
	[tilespmem:s29+$0xC900] =	vst v63  }
0x325: {  	s11 =	sor.u32 $0x20, s19;
	v44 =	vor.u32 s30, v0;
	v23 =	vld.idx.msk [tilespmem:v42+s5+$0x0], $0xffff  }
0x326: {  	v46 =	vor.u32 s11, v0;
	v49 =	vld [tilespmem:s29+$0x910]  }
0x327: {  	s31 =	sor.u32 $0x400, s3;
	v52 =	vld [tilespmem:s29+$0x2910]  }
0x328: {  	v45 =	vld [tilespmem:s31+$0x4500]  }
0x329: {  	v48 =	vld [tilespmem:s31+$0x8500]  }
0x32a: {  	s13 =	sor.u32 $0x20, s28;
	v25 =	vld.idx.msk [tilespmem:v44+s5+$0x0], $0xffff;
	[tilespmem:s29+$0xC910] =	vst v23  }
0x32b: {  	s0 =	sor.u32 $0x30, s19;
	v50 =	vor.u32 s13, v0;
	v27 =	vld.idx.msk [tilespmem:v46+s5+$0x0], $0xffff  }
0x32c: {  	v53 =	vor.u32 s0, v0;
	v55 =	vld [tilespmem:s29+$0x920]  }
0x32d: {  	v58 =	vld [tilespmem:s29+$0x2920]  }
0x32e: {  	v51 =	vld [tilespmem:s31+$0x4510]  }
0x32f: {  	v54 =	vld [tilespmem:s31+$0x8510]  }
0x330: {  	s14 =	sor.u32 $0x30, s28;
	v31 =	vld.idx.msk [tilespmem:v50+s5+$0x0], $0xffff;
	[tilespmem:s29+$0xC920] =	vst v27  }
0x331: {  	v56 =	vor.u32 s14, v0;
	v34 =	vld.idx.msk [tilespmem:v53+s5+$0x0], $0xffff  }
0x332: {  	v60 =	vld [tilespmem:s29+$0x930]  }
0x333: {  	v61 =	vld [tilespmem:s29+$0x2930]  }
0x334: {  	(v2sf) =	vpush v20, $0x9;
	v57 =	vld [tilespmem:s31+$0x4520]  }
0x335: {  	(v2sf) =	vpush v19, $0x9;
	v59 =	vld [tilespmem:s31+$0x8520]  }
0x336: {  	v22 =	vadd.f32 v43, v63;
	v21 =	vadd.f32 v47, v21;
	v37 =	vld.idx.msk [tilespmem:v56+s5+$0x0], $0xffff;
	[tilespmem:s29+$0xC930] =	vst v34  }
0x337: {  	v23 =	vadd.f32 v49, v23;
	v25 =	vadd.f32 v52, v25;
	v62 =	vld [tilespmem:s31+$0x4530]  }
0x338: {  	v22 =	vsub.f32 v22, v45;
	v21 =	vsub.f32 v21, v48;
	v63 =	vld [tilespmem:s31+$0x8530]  }
0x339: {  	v23 =	vsub.f32 v23, v51;
	v25 =	vsub.f32 v25, v54  }
0x33a: {  	v22 =	vand.u32 $0x7FFFFFFF, v22;
	v27 =	vadd.f32 v55, v27;
	v31 =	vadd.f32 v58, v31  }
0x33b: {  	v21 =	vand.u32 $0x7FFFFFFF, v21;
	v26 =	vadd.f32 v60, v34;
	v28 =	vadd.f32 v61, v37  }
0x33c: {  	v23 =	vand.u32 $0x7FFFFFFF, v23;
	v27 =	vsub.f32 v27, v57;
	v24 =	vsub.f32 v31, v59  }
0x33d: {  	v25 =	vand.u32 $0x7FFFFFFF, v25;
	v26 =	vsub.f32 v26, v62;
	v28 =	vsub.f32 v28, v63  }
0x33e: {  	v21 =	vsub.f32 v22, v21;
	v33 =	vsub.f32 v23, v25;
	v34 =	vand.u32 $0x7FFFFFFF, v27  }
0x33f: {  	v24 =	vand.u32 $0x7FFFFFFF, v24;
	v35 =	vand.u32 $0x7FFFFFFF, v26;
	v36 =	vand.u32 $0x7FFFFFFF, v28  }
0x340: {  	v38 =	vbroadcast v20, $0x9;
	v23 =	vsub.f32 v34, v24;
	v37 =	vsub.f32 v35, v36;
	_ =	sdelay $0x1  }
0x341: {  	v39 =	vor.u32 v0, v38;
	v21 =	vadd.f32 v23, v21;
	v22 =	vadd.f32 v37, v33  }
0x342: {  	v40 =	vbroadcast v19, $0x9  }
0x343: {  	v21 =	vadd.f32 v22, v21  }
0x344: {  	v41 =	vor.u32 v0, v40  }
0x345: {  	s15 =	spop (v2sf);
	[tilespmem:$0x1EA00] =	vst v21  }
0x346: {  	s16 =	sor.u32 $0x10, s15;
	v42 =	vld.idx.msk [tilespmem:v39+s5+$0x0], $0xffff  }
0x347: {  	v43 =	vor.u32 s16, v0;
	_ =	sdelay $0x1  }
0x348: {  	v21 =	vld.idx.msk [tilespmem:v41+s5+$0x0], $0xffff  }
0x349: {  	s17 =	spop (v2sf);
	v44 =	vld [tilespmem:s29+$0x980]  }
0x34a: {  	s18 =	sor.u32 $0x10, s17;
	v48 =	vld [tilespmem:s29+$0x2980];
	[tilespmem:s29+$0xC980] =	vst v42  }
0x34b: {  	s20 =	sor.u32 $0x20, s15;
	v45 =	vor.u32 s18, v0;
	v23 =	vld.idx.msk [tilespmem:v43+s5+$0x0], $0xffff  }
0x34c: {  	v47 =	vor.u32 s20, v0;
	v50 =	vld [tilespmem:s29+$0x990]  }
0x34d: {  	s19 =	sor.u32 $0x480, s3;
	v53 =	vld [tilespmem:s29+$0x2990]  }
0x34e: {  	v46 =	vld [tilespmem:s19+$0x4500]  }
0x34f: {  	v49 =	vld [tilespmem:s19+$0x8500]  }
0x350: {  	s28 =	sor.u32 $0x20, s17;
	v25 =	vld.idx.msk [tilespmem:v45+s5+$0x0], $0xffff;
	[tilespmem:s29+$0xC990] =	vst v23  }
0x351: {  	s0 =	sor.u32 $0x30, s15;
	v51 =	vor.u32 s28, v0;
	v27 =	vld.idx.msk [tilespmem:v47+s5+$0x0], $0xffff  }
0x352: {  	v54 =	vor.u32 s0, v0;
	v56 =	vld [tilespmem:s29+$0x9A0]  }
0x353: {  	v59 =	vld [tilespmem:s29+$0x29A0]  }
0x354: {  	v52 =	vld [tilespmem:s19+$0x4510]  }
0x355: {  	v55 =	vld [tilespmem:s19+$0x8510]  }
0x356: {  	s30 =	sor.u32 $0x30, s17;
	v31 =	vld.idx.msk [tilespmem:v51+s5+$0x0], $0xffff;
	[tilespmem:s29+$0xC9A0] =	vst v27  }
0x357: {  	v57 =	vor.u32 s30, v0;
	v34 =	vld.idx.msk [tilespmem:v54+s5+$0x0], $0xffff  }
0x358: {  	v61 =	vld [tilespmem:s29+$0x9B0]  }
0x359: {  	v62 =	vld [tilespmem:s29+$0x29B0]  }
0x35a: {  	(v2sf) =	vpush v20, $0xA;
	v58 =	vld [tilespmem:s19+$0x4520]  }
0x35b: {  	(v2sf) =	vpush v19, $0xA;
	v60 =	vld [tilespmem:s19+$0x8520]  }
0x35c: {  	v22 =	vadd.f32 v44, v42;
	v21 =	vadd.f32 v48, v21;
	v37 =	vld.idx.msk [tilespmem:v57+s5+$0x0], $0xffff;
	[tilespmem:s29+$0xC9B0] =	vst v34  }
0x35d: {  	v23 =	vadd.f32 v50, v23;
	v25 =	vadd.f32 v53, v25;
	v63 =	vld [tilespmem:s19+$0x4530]  }
0x35e: {  	v22 =	vsub.f32 v22, v46;
	v21 =	vsub.f32 v21, v49;
	v33 =	vld [tilespmem:s19+$0x8530]  }
0x35f: {  	v23 =	vsub.f32 v23, v52;
	v25 =	vsub.f32 v25, v55  }
0x360: {  	v22 =	vand.u32 $0x7FFFFFFF, v22;
	v27 =	vadd.f32 v56, v27;
	v31 =	vadd.f32 v59, v31  }
0x361: {  	v21 =	vand.u32 $0x7FFFFFFF, v21;
	v26 =	vadd.f32 v61, v34;
	v28 =	vadd.f32 v62, v37  }
0x362: {  	v23 =	vand.u32 $0x7FFFFFFF, v23;
	v27 =	vsub.f32 v27, v58;
	v24 =	vsub.f32 v31, v60  }
0x363: {  	v25 =	vand.u32 $0x7FFFFFFF, v25;
	v26 =	vsub.f32 v26, v63;
	v28 =	vsub.f32 v28, v33  }
0x364: {  	v21 =	vsub.f32 v22, v21;
	v36 =	vsub.f32 v23, v25;
	v37 =	vand.u32 $0x7FFFFFFF, v27  }
0x365: {  	v24 =	vand.u32 $0x7FFFFFFF, v24;
	v38 =	vand.u32 $0x7FFFFFFF, v26;
	v39 =	vand.u32 $0x7FFFFFFF, v28  }
0x366: {  	v41 =	vbroadcast v20, $0xA;
	v23 =	vsub.f32 v37, v24;
	v40 =	vsub.f32 v38, v39;
	_ =	sdelay $0x1  }
0x367: {  	v42 =	vor.u32 v0, v41;
	v21 =	vadd.f32 v23, v21;
	v22 =	vadd.f32 v40, v36  }
0x368: {  	v43 =	vbroadcast v19, $0xA  }
0x369: {  	v21 =	vadd.f32 v22, v21  }
0x36a: {  	v44 =	vor.u32 v0, v43  }
0x36b: {  	s31 =	spop (v2sf);
	[tilespmem:$0x1EA10] =	vst v21  }
0x36c: {  	s3 =	sor.u32 $0x10, s31;
	v45 =	vld.idx.msk [tilespmem:v42+s5+$0x0], $0xffff  }
0x36d: {  	v46 =	vor.u32 s3, v0;
	_ =	sdelay $0x1  }
0x36e: {  	v21 =	vld.idx.msk [tilespmem:v44+s5+$0x0], $0xffff  }
0x36f: {  	s4 =	spop (v2sf);
	v47 =	vld [tilespmem:s29+$0xA00]  }
0x370: {  	s11 =	sor.u32 $0x10, s4;
	v51 =	vld [tilespmem:s29+$0x2A00];
	[tilespmem:s29+$0xCA00] =	vst v45  }
0x371: {  	s15 =	sor.u32 $0x20, s31;
	v48 =	vor.u32 s11, v0;
	v23 =	vld.idx.msk [tilespmem:v46+s5+$0x0], $0xffff  }
0x372: {  	s13 =	sor.u32 $0x500, s29;
	v50 =	vor.u32 s15, v0;
	v53 =	vld [tilespmem:s29+$0xA10]  }
0x373: {  	s14 =	sor.u32 s24, s13;
	v56 =	vld [tilespmem:s29+$0x2A10]  }
0x374: {  	v49 =	vld [tilespmem:s14+$0x4500]  }
0x375: {  	v52 =	vld [tilespmem:s14+$0x8500]  }
0x376: {  	s16 =	sor.u32 $0x20, s4;
	v25 =	vld.idx.msk [tilespmem:v48+s5+$0x0], $0xffff;
	[tilespmem:s29+$0xCA10] =	vst v23  }
0x377: {  	s0 =	sor.u32 $0x30, s31;
	v54 =	vor.u32 s16, v0;
	v27 =	vld.idx.msk [tilespmem:v50+s5+$0x0], $0xffff  }
0x378: {  	v57 =	vor.u32 s0, v0;
	v59 =	vld [tilespmem:s29+$0xA20]  }
0x379: {  	v62 =	vld [tilespmem:s29+$0x2A20]  }
0x37a: {  	v55 =	vld [tilespmem:s14+$0x4510]  }
0x37b: {  	v58 =	vld [tilespmem:s14+$0x8510]  }
0x37c: {  	s17 =	sor.u32 $0x30, s4;
	v31 =	vld.idx.msk [tilespmem:v54+s5+$0x0], $0xffff;
	[tilespmem:s29+$0xCA20] =	vst v27  }
0x37d: {  	v60 =	vor.u32 s17, v0;
	v34 =	vld.idx.msk [tilespmem:v57+s5+$0x0], $0xffff  }
0x37e: {  	v40 =	vld [tilespmem:s29+$0xA30]  }
0x37f: {  	v41 =	vld [tilespmem:s29+$0x2A30]  }
0x380: {  	(v2sf) =	vpush v20, $0xB;
	v61 =	vld [tilespmem:s14+$0x4520]  }
0x381: {  	(v2sf) =	vpush v19, $0xB;
	v63 =	vld [tilespmem:s14+$0x8520]  }
0x382: {  	v22 =	vadd.f32 v47, v45;
	v21 =	vadd.f32 v51, v21;
	v37 =	vld.idx.msk [tilespmem:v60+s5+$0x0], $0xffff;
	[tilespmem:s29+$0xCA30] =	vst v34  }
0x383: {  	v23 =	vadd.f32 v53, v23;
	v25 =	vadd.f32 v56, v25;
	v42 =	vld [tilespmem:s14+$0x4530]  }
0x384: {  	v22 =	vsub.f32 v22, v49;
	v21 =	vsub.f32 v21, v52;
	v43 =	vld [tilespmem:s14+$0x8530]  }
0x385: {  	v23 =	vsub.f32 v23, v55;
	v25 =	vsub.f32 v25, v58  }
0x386: {  	v22 =	vand.u32 $0x7FFFFFFF, v22;
	v27 =	vadd.f32 v59, v27;
	v31 =	vadd.f32 v62, v31  }
0x387: {  	v21 =	vand.u32 $0x7FFFFFFF, v21;
	v26 =	vadd.f32 v40, v34;
	v28 =	vadd.f32 v41, v37  }
0x388: {  	v23 =	vand.u32 $0x7FFFFFFF, v23;
	v27 =	vsub.f32 v27, v61;
	v24 =	vsub.f32 v31, v63  }
0x389: {  	v25 =	vand.u32 $0x7FFFFFFF, v25;
	v26 =	vsub.f32 v26, v42;
	v28 =	vsub.f32 v28, v43  }
0x38a: {  	v21 =	vsub.f32 v22, v21;
	v44 =	vsub.f32 v23, v25;
	v45 =	vand.u32 $0x7FFFFFFF, v27  }
0x38b: {  	v24 =	vand.u32 $0x7FFFFFFF, v24;
	v46 =	vand.u32 $0x7FFFFFFF, v26;
	v47 =	vand.u32 $0x7FFFFFFF, v28  }
0x38c: {  	v49 =	vbroadcast v20, $0xB;
	v23 =	vsub.f32 v45, v24;
	v48 =	vsub.f32 v46, v47;
	_ =	sdelay $0x1  }
0x38d: {  	v50 =	vor.u32 v0, v49;
	v21 =	vadd.f32 v23, v21;
	v22 =	vadd.f32 v48, v44  }
0x38e: {  	v51 =	vbroadcast v19, $0xB  }
0x38f: {  	v21 =	vadd.f32 v22, v21  }
0x390: {  	v52 =	vor.u32 v0, v51  }
0x391: {  	s18 =	spop (v2sf);
	[tilespmem:$0x1EA20] =	vst v21  }
0x392: {  	s19 =	sor.u32 $0x10, s18;
	v53 =	vld.idx.msk [tilespmem:v50+s5+$0x0], $0xffff  }
0x393: {  	v54 =	vor.u32 s19, v0;
	_ =	sdelay $0x1  }
0x394: {  	v21 =	vld.idx.msk [tilespmem:v52+s5+$0x0], $0xffff  }
0x395: {  	s20 =	spop (v2sf);
	v55 =	vld [tilespmem:s29+$0xA80]  }
0x396: {  	s28 =	sor.u32 $0x10, s20;
	v59 =	vld [tilespmem:s29+$0x2A80];
	[tilespmem:s29+$0xCA80] =	vst v53  }
0x397: {  	s4 =	sor.u32 $0x20, s18;
	v56 =	vor.u32 s28, v0;
	v23 =	vld.idx.msk [tilespmem:v54+s5+$0x0], $0xffff  }
0x398: {  	s30 =	sor.u32 $0x580, s29;
	v58 =	vor.u32 s4, v0;
	v61 =	vld [tilespmem:s29+$0xA90]  }
0x399: {  	s31 =	sor.u32 s24, s30;
	v42 =	vld [tilespmem:s29+$0x2A90]  }
0x39a: {  	v57 =	vld [tilespmem:s31+$0x4500]  }
0x39b: {  	v60 =	vld [tilespmem:s31+$0x8500]  }
0x39c: {  	s11 =	sor.u32 $0x20, s20;
	v25 =	vld.idx.msk [tilespmem:v56+s5+$0x0], $0xffff;
	[tilespmem:s29+$0xCA90] =	vst v23  }
0x39d: {  	s0 =	sor.u32 $0x30, s18;
	v62 =	vor.u32 s11, v0;
	v27 =	vld.idx.msk [tilespmem:v58+s5+$0x0], $0xffff  }
0x39e: {  	v43 =	vor.u32 s0, v0;
	v45 =	vld [tilespmem:s29+$0xAA0]  }
0x39f: {  	v48 =	vld [tilespmem:s29+$0x2AA0]  }
0x3a0: {  	v63 =	vld [tilespmem:s31+$0x4510]  }
0x3a1: {  	v44 =	vld [tilespmem:s31+$0x8510]  }
0x3a2: {  	s13 =	sor.u32 $0x30, s20;
	v31 =	vld.idx.msk [tilespmem:v62+s5+$0x0], $0xffff;
	[tilespmem:s29+$0xCAA0] =	vst v27  }
0x3a3: {  	v46 =	vor.u32 s13, v0;
	v34 =	vld.idx.msk [tilespmem:v43+s5+$0x0], $0xffff  }
0x3a4: {  	v50 =	vld [tilespmem:s29+$0xAB0]  }
0x3a5: {  	v51 =	vld [tilespmem:s29+$0x2AB0]  }
0x3a6: {  	(v2sf) =	vpush v20, $0xC;
	v47 =	vld [tilespmem:s31+$0x4520]  }
0x3a7: {  	(v2sf) =	vpush v19, $0xC;
	v49 =	vld [tilespmem:s31+$0x8520]  }
0x3a8: {  	v22 =	vadd.f32 v55, v53;
	v21 =	vadd.f32 v59, v21;
	v37 =	vld.idx.msk [tilespmem:v46+s5+$0x0], $0xffff;
	[tilespmem:s29+$0xCAB0] =	vst v34  }
0x3a9: {  	v23 =	vadd.f32 v61, v23;
	v25 =	vadd.f32 v42, v25;
	v52 =	vld [tilespmem:s31+$0x4530]  }
0x3aa: {  	v22 =	vsub.f32 v22, v57;
	v21 =	vsub.f32 v21, v60;
	v53 =	vld [tilespmem:s31+$0x8530]  }
0x3ab: {  	v23 =	vsub.f32 v23, v63;
	v25 =	vsub.f32 v25, v44  }
0x3ac: {  	v22 =	vand.u32 $0x7FFFFFFF, v22;
	v27 =	vadd.f32 v45, v27;
	v31 =	vadd.f32 v48, v31  }
0x3ad: {  	v21 =	vand.u32 $0x7FFFFFFF, v21;
	v26 =	vadd.f32 v50, v34;
	v28 =	vadd.f32 v51, v37  }
0x3ae: {  	v23 =	vand.u32 $0x7FFFFFFF, v23;
	v27 =	vsub.f32 v27, v47;
	v24 =	vsub.f32 v31, v49  }
0x3af: {  	v25 =	vand.u32 $0x7FFFFFFF, v25;
	v26 =	vsub.f32 v26, v52;
	v28 =	vsub.f32 v28, v53  }
0x3b0: {  	v21 =	vsub.f32 v22, v21;
	v54 =	vsub.f32 v23, v25;
	v55 =	vand.u32 $0x7FFFFFFF, v27  }
0x3b1: {  	v24 =	vand.u32 $0x7FFFFFFF, v24;
	v56 =	vand.u32 $0x7FFFFFFF, v26;
	v57 =	vand.u32 $0x7FFFFFFF, v28  }
0x3b2: {  	v59 =	vbroadcast v20, $0xC;
	v23 =	vsub.f32 v55, v24;
	v58 =	vsub.f32 v56, v57;
	_ =	sdelay $0x1  }
0x3b3: {  	v60 =	vor.u32 v0, v59;
	v21 =	vadd.f32 v23, v21;
	v22 =	vadd.f32 v58, v54  }
0x3b4: {  	v61 =	vbroadcast v19, $0xC  }
0x3b5: {  	v21 =	vadd.f32 v22, v21  }
0x3b6: {  	v62 =	vor.u32 v0, v61  }
0x3b7: {  	s14 =	spop (v2sf);
	[tilespmem:$0x1EA30] =	vst v21  }
0x3b8: {  	s15 =	sor.u32 $0x10, s14;
	v63 =	vld.idx.msk [tilespmem:v60+s5+$0x0], $0xffff  }
0x3b9: {  	v42 =	vor.u32 s15, v0;
	_ =	sdelay $0x1  }
0x3ba: {  	v21 =	vld.idx.msk [tilespmem:v62+s5+$0x0], $0xffff  }
0x3bb: {  	s16 =	spop (v2sf);
	v43 =	vld [tilespmem:s29+$0xB00]  }
0x3bc: {  	s17 =	sor.u32 $0x10, s16;
	v47 =	vld [tilespmem:s29+$0x2B00];
	[tilespmem:s29+$0xCB00] =	vst v63  }
0x3bd: {  	s20 =	sor.u32 $0x20, s14;
	v44 =	vor.u32 s17, v0;
	v23 =	vld.idx.msk [tilespmem:v42+s5+$0x0], $0xffff  }
0x3be: {  	s18 =	sor.u32 $0x600, s29;
	v46 =	vor.u32 s20, v0;
	v49 =	vld [tilespmem:s29+$0xB10]  }
0x3bf: {  	s19 =	sor.u32 s24, s18;
	v52 =	vld [tilespmem:s29+$0x2B10]  }
0x3c0: {  	v45 =	vld [tilespmem:s19+$0x4500]  }
0x3c1: {  	v48 =	vld [tilespmem:s19+$0x8500]  }
0x3c2: {  	s28 =	sor.u32 $0x20, s16;
	v25 =	vld.idx.msk [tilespmem:v44+s5+$0x0], $0xffff;
	[tilespmem:s29+$0xCB10] =	vst v23  }
0x3c3: {  	s0 =	sor.u32 $0x30, s14;
	v50 =	vor.u32 s28, v0;
	v27 =	vld.idx.msk [tilespmem:v46+s5+$0x0], $0xffff  }
0x3c4: {  	v53 =	vor.u32 s0, v0;
	v55 =	vld [tilespmem:s29+$0xB20]  }
0x3c5: {  	v58 =	vld [tilespmem:s29+$0x2B20]  }
0x3c6: {  	v51 =	vld [tilespmem:s19+$0x4510]  }
0x3c7: {  	v54 =	vld [tilespmem:s19+$0x8510]  }
0x3c8: {  	s30 =	sor.u32 $0x30, s16;
	v31 =	vld.idx.msk [tilespmem:v50+s5+$0x0], $0xffff;
	[tilespmem:s29+$0xCB20] =	vst v27  }
0x3c9: {  	v56 =	vor.u32 s30, v0;
	v34 =	vld.idx.msk [tilespmem:v53+s5+$0x0], $0xffff  }
0x3ca: {  	v60 =	vld [tilespmem:s29+$0xB30]  }
0x3cb: {  	v61 =	vld [tilespmem:s29+$0x2B30]  }
0x3cc: {  	(v2sf) =	vpush v20, $0xD;
	v57 =	vld [tilespmem:s19+$0x4520]  }
0x3cd: {  	(v2sf) =	vpush v19, $0xD;
	v59 =	vld [tilespmem:s19+$0x8520]  }
0x3ce: {  	v22 =	vadd.f32 v43, v63;
	v21 =	vadd.f32 v47, v21;
	v37 =	vld.idx.msk [tilespmem:v56+s5+$0x0], $0xffff;
	[tilespmem:s29+$0xCB30] =	vst v34  }
0x3cf: {  	v23 =	vadd.f32 v49, v23;
	v25 =	vadd.f32 v52, v25;
	v62 =	vld [tilespmem:s19+$0x4530]  }
0x3d0: {  	v22 =	vsub.f32 v22, v45;
	v21 =	vsub.f32 v21, v48;
	v63 =	vld [tilespmem:s19+$0x8530]  }
0x3d1: {  	v23 =	vsub.f32 v23, v51;
	v25 =	vsub.f32 v25, v54  }
0x3d2: {  	v22 =	vand.u32 $0x7FFFFFFF, v22;
	v27 =	vadd.f32 v55, v27;
	v31 =	vadd.f32 v58, v31  }
0x3d3: {  	v21 =	vand.u32 $0x7FFFFFFF, v21;
	v26 =	vadd.f32 v60, v34;
	v28 =	vadd.f32 v61, v37  }
0x3d4: {  	v23 =	vand.u32 $0x7FFFFFFF, v23;
	v27 =	vsub.f32 v27, v57;
	v24 =	vsub.f32 v31, v59  }
0x3d5: {  	v25 =	vand.u32 $0x7FFFFFFF, v25;
	v26 =	vsub.f32 v26, v62;
	v28 =	vsub.f32 v28, v63  }
0x3d6: {  	v21 =	vsub.f32 v22, v21;
	v33 =	vsub.f32 v23, v25;
	v34 =	vand.u32 $0x7FFFFFFF, v27  }
0x3d7: {  	v24 =	vand.u32 $0x7FFFFFFF, v24;
	v35 =	vand.u32 $0x7FFFFFFF, v26;
	v36 =	vand.u32 $0x7FFFFFFF, v28  }
0x3d8: {  	v38 =	vbroadcast v20, $0xD;
	v23 =	vsub.f32 v34, v24;
	v37 =	vsub.f32 v35, v36;
	_ =	sdelay $0x1  }
0x3d9: {  	v39 =	vor.u32 v0, v38;
	v21 =	vadd.f32 v23, v21;
	v22 =	vadd.f32 v37, v33  }
0x3da: {  	v40 =	vbroadcast v19, $0xD  }
0x3db: {  	v21 =	vadd.f32 v22, v21  }
0x3dc: {  	v41 =	vor.u32 v0, v40  }
0x3dd: {  	s31 =	spop (v2sf);
	[tilespmem:$0x1EA40] =	vst v21  }
0x3de: {  	s4 =	sor.u32 $0x10, s31;
	v42 =	vld.idx.msk [tilespmem:v39+s5+$0x0], $0xffff  }
0x3df: {  	v43 =	vor.u32 s4, v0;
	_ =	sdelay $0x1  }
0x3e0: {  	v21 =	vld.idx.msk [tilespmem:v41+s5+$0x0], $0xffff  }
0x3e1: {  	s11 =	spop (v2sf);
	v44 =	vld [tilespmem:s29+$0xB80]  }
0x3e2: {  	s13 =	sor.u32 $0x10, s11;
	v48 =	vld [tilespmem:s29+$0x2B80];
	[tilespmem:s29+$0xCB80] =	vst v42  }
0x3e3: {  	s16 =	sor.u32 $0x20, s31;
	v45 =	vor.u32 s13, v0;
	v23 =	vld.idx.msk [tilespmem:v43+s5+$0x0], $0xffff  }
0x3e4: {  	s14 =	sor.u32 $0x680, s29;
	v47 =	vor.u32 s16, v0;
	v50 =	vld [tilespmem:s29+$0xB90]  }
0x3e5: {  	s15 =	sor.u32 s24, s14;
	v53 =	vld [tilespmem:s29+$0x2B90]  }
0x3e6: {  	v46 =	vld [tilespmem:s15+$0x4500]  }
0x3e7: {  	v49 =	vld [tilespmem:s15+$0x8500]  }
0x3e8: {  	s17 =	sor.u32 $0x20, s11;
	v25 =	vld.idx.msk [tilespmem:v45+s5+$0x0], $0xffff;
	[tilespmem:s29+$0xCB90] =	vst v23  }
0x3e9: {  	s0 =	sor.u32 $0x30, s31;
	v51 =	vor.u32 s17, v0;
	v27 =	vld.idx.msk [tilespmem:v47+s5+$0x0], $0xffff  }
0x3ea: {  	v54 =	vor.u32 s0, v0;
	v56 =	vld [tilespmem:s29+$0xBA0]  }
0x3eb: {  	v59 =	vld [tilespmem:s29+$0x2BA0]  }
0x3ec: {  	v52 =	vld [tilespmem:s15+$0x4510]  }
0x3ed: {  	v55 =	vld [tilespmem:s15+$0x8510]  }
0x3ee: {  	s18 =	sor.u32 $0x30, s11;
	v31 =	vld.idx.msk [tilespmem:v51+s5+$0x0], $0xffff;
	[tilespmem:s29+$0xCBA0] =	vst v27  }
0x3ef: {  	v57 =	vor.u32 s18, v0;
	v34 =	vld.idx.msk [tilespmem:v54+s5+$0x0], $0xffff  }
0x3f0: {  	v61 =	vld [tilespmem:s29+$0xBB0]  }
0x3f1: {  	v62 =	vld [tilespmem:s29+$0x2BB0]  }
0x3f2: {  	(v2sf) =	vpush v20, $0xE;
	v58 =	vld [tilespmem:s15+$0x4520]  }
0x3f3: {  	(v2sf) =	vpush v19, $0xE;
	v60 =	vld [tilespmem:s15+$0x8520]  }
0x3f4: {  	v22 =	vadd.f32 v44, v42;
	v21 =	vadd.f32 v48, v21;
	v37 =	vld.idx.msk [tilespmem:v57+s5+$0x0], $0xffff;
	[tilespmem:s29+$0xCBB0] =	vst v34  }
0x3f5: {  	v23 =	vadd.f32 v50, v23;
	v25 =	vadd.f32 v53, v25;
	v63 =	vld [tilespmem:s15+$0x4530]  }
0x3f6: {  	v22 =	vsub.f32 v22, v46;
	v21 =	vsub.f32 v21, v49;
	v33 =	vld [tilespmem:s15+$0x8530]  }
0x3f7: {  	v23 =	vsub.f32 v23, v52;
	v25 =	vsub.f32 v25, v55  }
0x3f8: {  	v22 =	vand.u32 $0x7FFFFFFF, v22;
	v27 =	vadd.f32 v56, v27;
	v31 =	vadd.f32 v59, v31  }
0x3f9: {  	v21 =	vand.u32 $0x7FFFFFFF, v21;
	v26 =	vadd.f32 v61, v34;
	v28 =	vadd.f32 v62, v37  }
0x3fa: {  	v23 =	vand.u32 $0x7FFFFFFF, v23;
	v27 =	vsub.f32 v27, v58;
	v24 =	vsub.f32 v31, v60  }
0x3fb: {  	v25 =	vand.u32 $0x7FFFFFFF, v25;
	v26 =	vsub.f32 v26, v63;
	v28 =	vsub.f32 v28, v33  }
0x3fc: {  	v21 =	vsub.f32 v22, v21;
	v37 =	vsub.f32 v23, v25;
	v38 =	vand.u32 $0x7FFFFFFF, v27  }
0x3fd: {  	v24 =	vand.u32 $0x7FFFFFFF, v24;
	v39 =	vand.u32 $0x7FFFFFFF, v26;
	v40 =	vand.u32 $0x7FFFFFFF, v28  }
0x3fe: {  	v42 =	vbroadcast v20, $0xE;
	v23 =	vsub.f32 v38, v24;
	v41 =	vsub.f32 v39, v40;
	_ =	sdelay $0x1  }
0x3ff: {  	v43 =	vor.u32 v0, v42;
	v21 =	vadd.f32 v23, v21;
	v22 =	vadd.f32 v41, v37  }
0x400: {  	v44 =	vbroadcast v19, $0xE  }
0x401: {  	v21 =	vadd.f32 v22, v21  }
0x402: {  	v45 =	vor.u32 v0, v44  }
0x403: {  	s19 =	spop (v2sf);
	[tilespmem:$0x1EA50] =	vst v21  }
0x404: {  	s20 =	sor.u32 $0x10, s19;
	v46 =	vld.idx.msk [tilespmem:v43+s5+$0x0], $0xffff  }
0x405: {  	v47 =	vor.u32 s20, v0;
	_ =	sdelay $0x1  }
0x406: {  	v21 =	vld.idx.msk [tilespmem:v45+s5+$0x0], $0xffff  }
0x407: {  	s28 =	spop (v2sf);
	v48 =	vld [tilespmem:s29+$0xC00]  }
0x408: {  	s30 =	sor.u32 $0x10, s28;
	v52 =	vld [tilespmem:s29+$0x2C00];
	[tilespmem:s29+$0xCC00] =	vst v46  }
0x409: {  	s11 =	sor.u32 $0x20, s19;
	v49 =	vor.u32 s30, v0;
	v23 =	vld.idx.msk [tilespmem:v47+s5+$0x0], $0xffff  }
0x40a: {  	s31 =	sor.u32 $0x700, s29;
	v51 =	vor.u32 s11, v0;
	v54 =	vld [tilespmem:s29+$0xC10]  }
0x40b: {  	s4 =	sor.u32 s24, s31;
	v57 =	vld [tilespmem:s29+$0x2C10]  }
0x40c: {  	v50 =	vld [tilespmem:s4+$0x4500]  }
0x40d: {  	v53 =	vld [tilespmem:s4+$0x8500]  }
0x40e: {  	s13 =	sor.u32 $0x20, s28;
	v25 =	vld.idx.msk [tilespmem:v49+s5+$0x0], $0xffff;
	[tilespmem:s29+$0xCC10] =	vst v23  }
0x40f: {  	s0 =	sor.u32 $0x30, s19;
	v55 =	vor.u32 s13, v0;
	v27 =	vld.idx.msk [tilespmem:v51+s5+$0x0], $0xffff  }
0x410: {  	v58 =	vor.u32 s0, v0;
	v60 =	vld [tilespmem:s29+$0xC20]  }
0x411: {  	v63 =	vld [tilespmem:s29+$0x2C20]  }
0x412: {  	v56 =	vld [tilespmem:s4+$0x4510]  }
0x413: {  	v59 =	vld [tilespmem:s4+$0x8510]  }
0x414: {  	s14 =	sor.u32 $0x30, s28;
	v31 =	vld.idx.msk [tilespmem:v55+s5+$0x0], $0xffff;
	[tilespmem:s29+$0xCC20] =	vst v27  }
0x415: {  	v61 =	vor.u32 s14, v0;
	v34 =	vld.idx.msk [tilespmem:v58+s5+$0x0], $0xffff  }
0x416: {  	v41 =	vld [tilespmem:s29+$0xC30]  }
0x417: {  	v42 =	vld [tilespmem:s29+$0x2C30]  }
0x418: {  	(v2sf) =	vpush v20, $0xF;
	v62 =	vld [tilespmem:s4+$0x4520]  }
0x419: {  	(v2sf) =	vpush v19, $0xF;
	v40 =	vld [tilespmem:s4+$0x8520]  }
0x41a: {  	v22 =	vadd.f32 v48, v46;
	v21 =	vadd.f32 v52, v21;
	v37 =	vld.idx.msk [tilespmem:v61+s5+$0x0], $0xffff;
	[tilespmem:s29+$0xCC30] =	vst v34  }
0x41b: {  	v23 =	vadd.f32 v54, v23;
	v25 =	vadd.f32 v57, v25;
	v43 =	vld [tilespmem:s4+$0x4530]  }
0x41c: {  	v22 =	vsub.f32 v22, v50;
	v21 =	vsub.f32 v21, v53;
	v44 =	vld [tilespmem:s4+$0x8530]  }
0x41d: {  	v23 =	vsub.f32 v23, v56;
	v25 =	vsub.f32 v25, v59  }
0x41e: {  	v22 =	vand.u32 $0x7FFFFFFF, v22;
	v27 =	vadd.f32 v60, v27;
	v31 =	vadd.f32 v63, v31  }
0x41f: {  	v21 =	vand.u32 $0x7FFFFFFF, v21;
	v26 =	vadd.f32 v41, v34;
	v28 =	vadd.f32 v42, v37  }
0x420: {  	v23 =	vand.u32 $0x7FFFFFFF, v23;
	v27 =	vsub.f32 v27, v62;
	v24 =	vsub.f32 v31, v40  }
0x421: {  	v25 =	vand.u32 $0x7FFFFFFF, v25;
	v26 =	vsub.f32 v26, v43;
	v28 =	vsub.f32 v28, v44  }
0x422: {  	v21 =	vsub.f32 v22, v21;
	v45 =	vsub.f32 v23, v25;
	v46 =	vand.u32 $0x7FFFFFFF, v27  }
0x423: {  	v24 =	vand.u32 $0x7FFFFFFF, v24;
	v47 =	vand.u32 $0x7FFFFFFF, v26;
	v48 =	vand.u32 $0x7FFFFFFF, v28  }
0x424: {  	v20 =	vbroadcast v20, $0xF;
	v23 =	vsub.f32 v46, v24;
	v49 =	vsub.f32 v47, v48;
	_ =	sdelay $0x1  }
0x425: {  	v20 =	vor.u32 v0, v20;
	v21 =	vadd.f32 v23, v21;
	v22 =	vadd.f32 v49, v45  }
0x426: {  	v19 =	vbroadcast v19, $0xF  }
0x427: {  	v21 =	vadd.f32 v22, v21  }
0x428: {  	v19 =	vor.u32 v0, v19  }
0x429: {  	s15 =	spop (v2sf);
	[tilespmem:$0x1EA60] =	vst v21  }
0x42a: {  	s16 =	sor.u32 $0x10, s15;
	v20 =	vld.idx.msk [tilespmem:v20+s5+$0x0], $0xffff  }
0x42b: {  	v50 =	vor.u32 s16, v0;
	_ =	sdelay $0x1  }
0x42c: {  	v19 =	vld.idx.msk [tilespmem:v19+s5+$0x0], $0xffff  }
0x42d: {  	s17 =	spop (v2sf);
	v51 =	vld [tilespmem:s29+$0xC80]  }
0x42e: {  	s18 =	sor.u32 $0x10, s17;
	v55 =	vld [tilespmem:s29+$0x2C80];
	[tilespmem:s29+$0xCC80] =	vst v20  }
0x42f: {  	s28 =	sor.u32 $0x20, s15;
	v52 =	vor.u32 s18, v0;
	v21 =	vld.idx.msk [tilespmem:v50+s5+$0x0], $0xffff  }
0x430: {  	s19 =	sor.u32 $0x780, s29;
	v54 =	vor.u32 s28, v0;
	v57 =	vld [tilespmem:s29+$0xC90]  }
0x431: {  	s20 =	sor.u32 s24, s19;
	v60 =	vld [tilespmem:s29+$0x2C90]  }
0x432: {  	v53 =	vld [tilespmem:s20+$0x4500]  }
0x433: {  	v56 =	vld [tilespmem:s20+$0x8500]  }
0x434: {  	s30 =	sor.u32 $0x20, s17;
	v23 =	vld.idx.msk [tilespmem:v52+s5+$0x0], $0xffff;
	[tilespmem:s29+$0xCC90] =	vst v21  }
0x435: {  	s0 =	sor.u32 $0x30, s15;
	v58 =	vor.u32 s30, v0;
	v25 =	vld.idx.msk [tilespmem:v54+s5+$0x0], $0xffff  }
0x436: {  	v61 =	vor.u32 s0, v0;
	v63 =	vld [tilespmem:s29+$0xCA0]  }
0x437: {  	v43 =	vld [tilespmem:s29+$0x2CA0]  }
0x438: {  	v59 =	vld [tilespmem:s20+$0x4510]  }
0x439: {  	v62 =	vld [tilespmem:s20+$0x8510]  }
0x43a: {  	s31 =	sor.u32 $0x30, s17;
	v29 =	vld.idx.msk [tilespmem:v58+s5+$0x0], $0xffff;
	[tilespmem:s29+$0xCCA0] =	vst v25  }
0x43b: {  	v41 =	vor.u32 s31, v0;
	v32 =	vld.idx.msk [tilespmem:v61+s5+$0x0], $0xffff  }
0x43c: {  	v45 =	vld [tilespmem:s29+$0xCB0]  }
0x43d: {  	v46 =	vld [tilespmem:s29+$0x2CB0]  }
0x43e: {  	v42 =	vld [tilespmem:s20+$0x4520]  }
0x43f: {  	v44 =	vld [tilespmem:s20+$0x8520]  }
0x440: {  	v20 =	vadd.f32 v51, v20;
	v19 =	vadd.f32 v55, v19;
	v35 =	vld.idx.msk [tilespmem:v41+s5+$0x0], $0xffff;
	[tilespmem:s29+$0xCCB0] =	vst v32  }
0x441: {  	v21 =	vadd.f32 v57, v21;
	v23 =	vadd.f32 v60, v23;
	v47 =	vld [tilespmem:s20+$0x4530]  }
0x442: {  	v20 =	vsub.f32 v20, v53;
	v19 =	vsub.f32 v19, v56;
	v48 =	vld [tilespmem:s20+$0x8530]  }
0x443: {  	v21 =	vsub.f32 v21, v59;
	v23 =	vsub.f32 v23, v62  }
0x444: {  	v20 =	vand.u32 $0x7FFFFFFF, v20;
	v25 =	vadd.f32 v63, v25;
	v49 =	vadd.f32 v43, v29  }
0x445: {  	v19 =	vand.u32 $0x7FFFFFFF, v19;
	v50 =	vadd.f32 v45, v32;
	v22 =	vadd.f32 v46, v35  }
0x446: {  	v21 =	vand.u32 $0x7FFFFFFF, v21;
	v25 =	vsub.f32 v25, v42;
	v27 =	vsub.f32 v49, v44  }
0x447: {  	v23 =	vand.u32 $0x7FFFFFFF, v23;
	v26 =	vsub.f32 v50, v47;
	v22 =	vsub.f32 v22, v48  }
0x448: {  	v19 =	vsub.f32 v20, v19;
	v20 =	vsub.f32 v21, v23;
	v51 =	vand.u32 $0x7FFFFFFF, v25  }
0x449: {  	v52 =	vand.u32 $0x7FFFFFFF, v27;
	v53 =	vand.u32 $0x7FFFFFFF, v26;
	v22 =	vand.u32 $0x7FFFFFFF, v22  }
0x44a: {  	v21 =	vsub.f32 v51, v52;
	v22 =	vsub.f32 v53, v22;
	_ =	sdelay $0x1  }
0x44b: {  	v19 =	vadd.f32 v21, v19;
	v20 =	vadd.f32 v22, v20;
	_ =	sdelay $0x1  }
0x44c: {  	v19 =	vadd.f32 v20, v19;
	_ =	sdelay $0x1  }
0x44d: {  	[tilespmem:$0x1EA70] =	vst v19  }
0x44e: {  	v19 =	vld.idx.msk [tilespmem:v1+s7+$0x0], $0xffff;
	_ =	sdelay $0x1  }
0x44f: {  	v20 =	vld.idx.msk [tilespmem:v2+s7+$0x0], $0xffff;
	_ =	sdelay $0x1  }
0x450: {  	v54 =	vld.idx.msk [tilespmem:v3+s7+$0x0], $0xffff  }
0x451: {  	v19 =	vadd.f32 $0.0e+00, v19  }
0x452: {  	v55 =	vld.idx.msk [tilespmem:v4+s7+$0x0], $0xffff  }
0x453: {  	v19 =	vadd.f32 v20, v19  }
0x454: {  	v20 =	vld.idx.msk [tilespmem:v5+s7+$0x0], $0xffff  }
0x455: {  	v19 =	vadd.f32 v54, v19  }
0x456: {  	v56 =	vld.idx.msk [tilespmem:v6+s7+$0x0], $0xffff  }
0x457: {  	v19 =	vadd.f32 v55, v19  }
0x458: {  	v57 =	vld.idx.msk [tilespmem:v7+s7+$0x0], $0xffff  }
0x459: {  	v19 =	vadd.f32 v20, v19  }
0x45a: {  	v20 =	vld.idx.msk [tilespmem:v8+s7+$0x0], $0xffff  }
0x45b: {  	v19 =	vadd.f32 v56, v19  }
0x45c: {  	v58 =	vld.idx.msk [tilespmem:v9+s7+$0x0], $0xffff  }
0x45d: {  	v19 =	vadd.f32 v57, v19  }
0x45e: {  	v59 =	vld.idx.msk [tilespmem:v10+s7+$0x0], $0xffff  }
0x45f: {  	v19 =	vadd.f32 v20, v19  }
0x460: {  	v20 =	vld.idx.msk [tilespmem:v11+s7+$0x0], $0xffff  }
0x461: {  	v19 =	vadd.f32 v58, v19  }
0x462: {  	v60 =	vld.idx.msk [tilespmem:v12+s7+$0x0], $0xffff  }
0x463: {  	v19 =	vadd.f32 v59, v19  }
0x464: {  	v61 =	vld.idx.msk [tilespmem:v13+s7+$0x0], $0xffff  }
0x465: {  	v19 =	vadd.f32 v20, v19  }
0x466: {  	v20 =	vld.idx.msk [tilespmem:v14+s7+$0x0], $0xffff  }
0x467: {  	v19 =	vadd.f32 v60, v19  }
0x468: {  	v62 =	vld.idx.msk [tilespmem:v15+s7+$0x0], $0xffff  }
0x469: {  	v19 =	vadd.f32 v61, v19  }
0x46a: {  	v63 =	vld.idx.msk [tilespmem:v16+s7+$0x0], $0xffff  }
0x46b: {  	v19 =	vadd.f32 v20, v19  }
0x46c: {  	v20 =	vld.idx.msk [tilespmem:v17+s26+$0x400 ss:$0x1], $0xffff  }
0x46d: {  	v19 =	vadd.f32 v62, v19;
	_ =	sdelay $0x1  }
0x46e: {  	v19 =	vadd.f32 v63, v19;
	_ =	sdelay $0x1  }
0x46f: {  	p2 =	sne.s32 s25, $0x3;
	v19 =	vmul.f32 v19, v20  }
.Ltmp4:
0x470: {  	_ = 	snop;
	(pc) =	sbr.rel @p2 .LBB2_11-.Ltmp4, $3  }
0x471: {  	v19 =	vadd.f32 $1.000000000e+00, v19;
	_ =	sdelay $0x1  }
0x472: {  	v19 =	vmax.f32 v19, $0.0e+00  }
0x473: {  	s25 =	sadd.s32 $0x1, s25;
	[tilespmem:v18+s26+$0x0 ss:$0x1] =	vst.idx.msk $0xffff, v19  }
0x474: {  	s0 =	sshll.u32 s10, $0x4;
	s1 =	rddreg [dreg:$0x1c]  }
0x475: {  	s31 =	simm.s32 $0xC500;
	s0 =	sadd.s32 s1, s0;
	s1 =	sld [smem:$0x7FB]  }
0x476: {  	[hbm4b:s0+s21] =	stream.linear.scatter [tilespmem:s31], [sflag:$0x4], $0x2000, $0x38;
	[tilespmem:$0x1EA80] =	vst v63  }
0x477: {  	s0 =	sshll.u32 @!p1 s22, $0xD  }
0x478: {  	s0 =	sadd.s32 @!p1 s1, s0  }
0x479: {  	s1 =	rddreg [dreg:$0x14];
	s0 =	sshrl.u32 @!p1 s0, $0x3  }
0x47a: {  	s2 =	simm.s32 @!p1 $0x0;
	s3 =	simm.s32 @!p1 $0x500;
	s1 =	sadd.s32 @!p1 s1, s0  }
0x47b: {  	[tilespmem:s3], [sflag:$0x2] =	stream.linear.gather @!p1 [hbm4b:s1+s2], $0x2000, $0x38;
	[tilespmem:$0x1EA80] =	vst v63  }
0x47c: {  	s1 =	rddreg [dreg:$0x15]  }
0x47d: {  	s0 =	sadd.s32 @!p1 s1, s0;
	s1 =	simm.s32 @!p1 $0x2500  }
0x47e: {  	[tilespmem:s1], [sflag:$0x2] =	stream.linear.gather @!p1 [hbm4b:s0+s2], $0x2000, $0x38;
	[tilespmem:$0x1EA80] =	vst v63  }
0x47f: {  	s0 =	sld [smem:$0x7FD]  }
0x480: {  	p2 =	sgt.u32 @!p1 s8, $0x25  }
0x481: {  	p2 =	por p2, p1  }
0x482: {  	s0 =	sadd.s32 @!p2 s9, s0  }
0x483: {  	s1 =	rddreg [dreg:$0x1];
	s0 =	sshrl.u32 @!p2 s0, $0x3  }
0x484: {  	s3 =	rddreg [dreg:$0x16];
	s2 =	simm.s32 @!p2 $0x0;
	s1 =	sadd.s32 @!p2 s1, s0  }
0x485: {  	[tilespmem:s23], [sflag:$0x1] =	stream.linear.gather @!p2 [hbm4b:s1+s2], $0x40, $0x38;
	[tilespmem:$0x1EA80] =	vst v63  }
0x486: {  	s3 =	sadd.s32 @!p2 s3, s0;
	s1 =	sor.u32 @!p2 $0x100, s23  }
0x487: {  	[tilespmem:s1], [sflag:$0x1] =	stream.linear.gather @!p2 [hbm4b:s3+s2], $0x40, $0x38;
	[tilespmem:$0x1EA80] =	vst v63  }
0x488: {  	s3 =	rddreg [dreg:$0x17]  }
0x489: {  	s1 =	sor.u32 @!p2 $0x200, s23;
	s3 =	sadd.s32 @!p2 s3, s0  }
0x48a: {  	[tilespmem:s1], [sflag:$0x1] =	stream.linear.gather @!p2 [hbm4b:s3+s2], $0x40, $0x38;
	[tilespmem:$0x1EA80] =	vst v63  }
0x48b: {  	s3 =	rddreg [dreg:$0x18]  }
0x48c: {  	s1 =	sor.u32 @!p2 $0x300, s23;
	s3 =	sadd.s32 @!p2 s3, s0  }
0x48d: {  	[tilespmem:s1], [sflag:$0x1] =	stream.linear.gather @!p2 [hbm4b:s3+s2], $0x40, $0x38;
	[tilespmem:$0x1EA80] =	vst v63  }
0x48e: {  	s3 =	rddreg [dreg:$0x19]  }
0x48f: {  	s1 =	sor.u32 @!p2 $0x400, s23;
	s0 =	sadd.s32 @!p2 s3, s0  }
0x490: {  	[tilespmem:s1], [sflag:$0x1] =	stream.linear.gather @!p2 [hbm4b:s0+s2], $0x40, $0x38;
	[tilespmem:$0x1EA80] =	vst v63  }
0x491: {  	p2 =	sne.s32 @!p1 s22, $0x28  }
0x492: {  	p2 =	por p1, !p2  }
.Ltmp5:
0x493: {  	_ = 	snop;
	(pc) =	sbr.rel @!p2 .LBB2_4-.Ltmp5, $2  }
0x494: {  	_ =	sdelay $0x2  }
0x495: {  	p0 =	por @!p1 !p0, !p0;
	s8 =	smov.u32 s22  }
0x496: {  	s1 =	simm.s32 $0x4  }
0x497: {  	_ =	swait.ge [sflag:s1], $0x2000  }
0x498: {  	s0 =	sld [smem:$0x7F4]  }
0x499: {  	[sflag:s1] =	ssyncset.done $0x0  }
0x49a: {  	s2 =	simm.s32 $0x1DF80;
	[sflag:s1] =	ssyncadd.s32 $0xFFFFE000  }
0x49b: {  	[hbm4b:s0+s21] =	stream.linear.scatter [tilespmem:s2], [sflag:$0x4], $0xA00, $0x38;
	[tilespmem:$0x1EA80] =	vst v63  }
0x49c: {  	_ =	swait.ge [sflag:s1], $0xA00  }
0x49d: {  	s30 =	sld [smem:$0x7F0]  }
0x49e: {  	s31 =	sld [smem:$0x7FC];
	_ =	sdelay $0x1  }
0x49f: {  	s2 =	sadd.s32 $0x1, s30  }
0x4a0: {  	p0 =	sne.s32 s2, s31  }
.Ltmp6:
0x4a1: {  	_ = 	snop;
	(pc) =	sbr.rel @p0 .LBB2_1-.Ltmp6, $3  }
0x4a2: {  	_ =	sdelay $0x1  }
0x4a3: {  	[sflag:s1] =	ssyncset.done $0x0  }
0x4a4: {  	[sflag:s1] =	ssyncadd.s32 $0xFFFFF600  }
0x4a5: {  	_ =	sfence.sel $0x180000  }
0x4a6: {  	[bflag:$0x0] =	sbarrier.arrive $0xFFFF  }
0x4a7: {  	_ =	strace $0x90000047  }
0x4a8: {  	s0 =	stileid.u32;
	[bflag:$0x2] =	sbarrier.arrive $0xFFFF  }
0x4a9: {  	p0 =	sne.s32 s0, $0x0;
	s0 =	rddreg [dreg:$0x3]  }
0x4aa: {  	s0 =	sadd.s32 @!p0 $0x100000, s0  }
0x4ab: {  	[sflag:s0] =	ssyncadd.tile.s32 @!p0 $0x1;
	_ =	shalt  }
.Lfunc_end2:
_tile_overlayer_lowered:
.L_overlay_start_2:
0x4ac: {  	(tag) =	ssettag $0x2  }
0x4ad: {  	s0 =	rddreg [dreg:$0x0];
	s2 =	stileid.u32  }
0x4ae: {  	s1 =	rddreg [dreg:$0x1];
	p0 =	sne.s32 s2, $0x0  }
0x4af: {  	s3 =	rddreg [dreg:$0x2];
	[bflag:$0x3] =	sbarrier.arrive $0xFFFF;
	s2 =	simm.s32 @!p0 $0x1C06  }
0x4b0: {  	[timem:s3], [sflag:s2] =	dma.local @!p0 [hbm:s0], s1  }
0x4b1: {  	s0 =	simm.s32 @!p0 $0x6  }
0x4b2: {  	_ =	swait.ge @!p0 [sflag:s0], s1  }
0x4b3: {  	s1 =	ssub.s32 @!p0 $0x0, s1;
	[sflag:s0] =	ssyncset.done @!p0 $0x0  }
0x4b4: {  	[sflag:s0] =	ssyncadd.s32 @!p0 s1  }
0x4b5: {  	[bflag:$0x3] =	sbarrier.arrive $0xFFFF  }
0x4b6: {  	_ =	shalt  }

</sc_bundles>
